<compile_context>
chip_gen: v7x
topology: tpu7x:2x2x1
jax: 0.10.2.dev20260603
libtpu: 0.0.44.dev20260713+nightly
codegen_flags: <defaults>
</compile_context>

<pallas_src>
import jax
import jax.numpy as jnp
from jax import lax
from jax.experimental import pallas as pl
from jax.experimental.pallas import tpu as pltpu
from jax.experimental.pallas import tpu_sc as plsc

CAP = 1_000_000
DIM = 32
N_ADD = 16384
N_SAMPLE = 4096
L = 16
NW = 32
RANGE = CAP // NW
TBL = RANGE + (-RANGE) % L
DUMMY = N_SAMPLE
WIN = 128
GRP = 8
SCH = 512
LIST = N_SAMPLE + L
TAILBASE = (CAP // WIN) * WIN
TAILSTART = CAP - WIN


def _bcast(x, r):
    return x.at[jnp.full((L,), r, jnp.int32)].get(mode="promise_in_bounds")


def _body(mem_t, idx_h, val_t, smp_h, tail_t, out_h,
          idx_v, smp_v, tbl_v, bad_v, mj_v, mo_v, us_v, uo_v,
          tb_v, rows_v, sem, sem2):
    cid = lax.axis_index("c")
    sid = lax.axis_index("s")
    wid = sid * 2 + cid
    lo = wid * RANGE
    iota = lax.iota(jnp.int32, L)
    zero_v = jnp.zeros((L,), jnp.int32)

    pltpu.sync_copy(idx_h, idx_v)
    pltpu.sync_copy(smp_h, smp_v)

    neg1 = jnp.full((L,), -1, jnp.int32)

    def init_body(i, c):
        for u in range(8):
            tbl_v[pl.ds(i * (8 * L) + u * L, L)] = neg1
        return c

    lax.fori_loop(0, TBL // (8 * L), init_body, 0)
    for u in range((TBL % (8 * L)) // L):
        tbl_v[pl.ds(TBL - (TBL % (8 * L)) + u * L, L)] = neg1

    dummy = jnp.full((L,), DUMMY, jnp.int32) + iota

    def pre_body(i, c):
        s = pl.ds(i * L, L)
        mj_v[s] = zero_v
        mo_v[s] = dummy
        us_v[s] = zero_v
        uo_v[s] = dummy
        return c

    lax.fori_loop(0, LIST // L, pre_body, 0)

    def scat_body(i, nbad):
        v = idx_v[pl.ds(i * L, L)]
        m = (v >= lo) & (v < lo + RANGE)
        t = jnp.where(m, v - lo, 0)
        j = i * L + iota
        plsc.store_scatter(tbl_v, [t], j, mask=m)
        g = plsc.load_gather(tbl_v, [t])
        flag = m & (g < j)
        packed = t * N_ADD + j
        plsc.store_compressed(bad_v.at[pl.ds(nbad, L)], packed, mask=flag)
        return nbad + plsc.all_reduce_population_count(flag)[0]

    nbad = lax.fori_loop(0, N_ADD // L, scat_body, jnp.int32(0), unroll=4)

    def fix_body(i, c):
        chunk = lax.shift_right_logical(i, 4)
        lane = lax.bitwise_and(i, L - 1)
        pk = bad_v[pl.ds(chunk * L, L)]
        vp = lax.shift_right_logical(pk, 14)
        vj = lax.bitwise_and(pk, N_ADD - 1)
        onemask = iota == lane
        g = plsc.load_gather(tbl_v, [vp])
        plsc.store_scatter(tbl_v, [vp], jnp.maximum(g, vj), mask=onemask)
        return c

    lax.fori_loop(0, nbad, fix_body, 0)

    def smp_body(i, offs):
        om, ou, ot = offs
        sv = smp_v[pl.ds(i * L, L)]
        m = (sv >= lo) & (sv < lo + RANGE)
        t = jnp.where(m, sv - lo, 0)
        g = plsc.load_gather(tbl_v, [t])
        mm = m & (g >= 0)
        mru = m & (g < 0)
        mt = mru & (sv >= TAILBASE)
        mu = mru & (sv < TAILBASE)
        spos = i * L + iota
        plsc.store_compressed(mj_v.at[pl.ds(om, L)], g, mask=mm)
        plsc.store_compressed(mo_v.at[pl.ds(om, L)], spos, mask=mm)
        plsc.store_compressed(us_v.at[pl.ds(ou, L)], sv, mask=mu)
        plsc.store_compressed(uo_v.at[pl.ds(ou, L)], spos, mask=mu)
        nt16 = plsc.all_reduce_population_count(mt)

        @pl.when(nt16[0] > 0)
        def _tail_divert():
            it = jnp.where(mt, 1, 0).astype(jnp.int32)
            pt = (N_SAMPLE - 1) - (ot + plsc.cumsum(it) - 1)
            ptc = jnp.where(mt, pt, 0)
            plsc.store_scatter(us_v, [ptc], sv, mask=mt)
            plsc.store_scatter(uo_v, [ptc], spos, mask=mt)

        return (om + plsc.all_reduce_population_count(mm)[0],
                ou + plsc.all_reduce_population_count(mu)[0],
                ot + nt16[0])

    nm, nu, nt = lax.fori_loop(
        0, N_SAMPLE // L, smp_body,
        (jnp.int32(0), jnp.int32(0), jnp.int32(0)), unroll=2)

    dummy16 = jnp.full((L,), DUMMY, jnp.int32)

    def assemble(rb, b, lane_splat):
        bsel = jnp.full((L,), b, jnp.int32)
        g0 = plsc.load_gather(tb_v, [bsel, iota, lane_splat])
        g1 = plsc.load_gather(tb_v, [bsel, iota + L, lane_splat])
        rows_v[rb, b, pl.ds(0, L)] = g0
        rows_v[rb, b, pl.ds(L, L)] = g1

    def move_rows(src_list, dst_list, src_t, n):
        def group_body(g, carry):
            sv16 = src_list[pl.ds(g * GRP, L)]
            svals, ofss = [], []
            for b in range(GRP):
                s = jnp.max(jnp.where(iota == b, sv16, 0))
                svals.append(s)
                ofss.append(pl.multiple_of(
                    lax.shift_left(lax.shift_right_logical(s, 7), 7), WIN))
            descs = [pltpu.async_copy(
                src_t.at[:, pl.ds(ofss[b], WIN)], tb_v.at[b], sem)
                for b in range(GRP)]
            dv = dst_list[pl.ds(g * GRP, L)]
            dvx = jnp.where(iota < GRP, dv, DUMMY + iota)
            for d in descs:
                d.wait()
            rb = lax.bitwise_and(g, 3)

            @pl.when(g >= 4)
            def _drain():
                pltpu.make_async_copy(out_h.at[dummy16], rows_v.at[rb],
                                      sem2).wait()

            for b in range(GRP):
                lane = jnp.zeros((L,), jnp.int32) + lax.bitwise_and(
                    svals[b], WIN - 1)
                assemble(rb, b, lane)
            pltpu.async_copy(rows_v.at[rb], out_h.at[dvx], sem2)
            return carry

        ngrp = (n + GRP - 1) // GRP
        lax.fori_loop(0, ngrp, group_body, 0)

        def drain_body(i, carry):
            pltpu.make_async_copy(out_h.at[dummy16], rows_v.at[0],
                                  sem2).wait()
            return carry

        lax.fori_loop(0, jnp.minimum(ngrp, 4), drain_body, 0)

    move_rows(mj_v, mo_v, val_t, nm)
    move_rows(us_v, uo_v, mem_t, nu)

    pltpu.async_copy(tail_t, tb_v.at[0], sem).wait()

    def tail_body(i, carry):
        e = (N_SAMPLE - 1) - i
        ch = lax.shift_right_logical(e, 4)
        ln = lax.bitwise_and(e, L - 1)
        sv = us_v[pl.ds(ch * L, L)]
        dvv = uo_v[pl.ds(ch * L, L)]
        s_spl = _bcast(sv, ln)
        d_spl = _bcast(dvv, ln)
        lane = s_spl - TAILSTART
        bsel = jnp.zeros((L,), jnp.int32)
        g0 = plsc.load_gather(tb_v, [bsel, iota, lane])
        g1 = plsc.load_gather(tb_v, [bsel, iota + L, lane])
        rows_v[0, 0, pl.ds(0, L)] = g0
        rows_v[0, 0, pl.ds(L, L)] = g1
        dvx = jnp.where(iota == 0, d_spl, DUMMY + iota)
        pltpu.async_copy(rows_v.at[0], out_h.at[dvx], sem2).wait()
        return carry

    lax.fori_loop(0, nt, tail_body, 0)


_sc_call_cache = []


def _get_sc_call():
    if not _sc_call_cache:
        _sc_call_cache.append(_build_sc_call())
    return _sc_call_cache[0]


def _build_sc_call():
    return pl.kernel(
        _body,
        out_type=jax.ShapeDtypeStruct((N_SAMPLE + 2 * L, 128), jnp.float32),
        mesh=plsc.VectorSubcoreMesh(core_axis_name="c", subcore_axis_name="s"),
        compiler_params=pltpu.CompilerParams(needs_layout_passes=False),
        scratch_types=[
            pltpu.VMEM((N_ADD,), jnp.int32),
            pltpu.VMEM((N_SAMPLE,), jnp.int32),
            pltpu.VMEM((TBL,), jnp.int32),
            pltpu.VMEM((N_ADD + L,), jnp.int32),
            pltpu.VMEM((LIST,), jnp.int32),
            pltpu.VMEM((LIST,), jnp.int32),
            pltpu.VMEM((LIST,), jnp.int32),
            pltpu.VMEM((LIST,), jnp.int32),
            pltpu.VMEM((GRP, DIM, WIN), jnp.float32),
            pltpu.VMEM((4, L, 128), jnp.float32),
            pltpu.SemaphoreType.DMA,
            pltpu.SemaphoreType.DMA,
        ],
    )


def kernel(mem, idx, val, sample_idx):
    mem_t = mem.T
    tail_t = mem_t[:, TAILSTART:]
    out = _get_sc_call()(mem_t, idx, val.T, sample_idx, tail_t)
    return out[:N_SAMPLE, :DIM]

# --- scband reference (transcript-rebuilt; emitter-appended) ---
"""Pipeline reference for scband-replay-buffer-21208548508380 (READ-ONLY COPY).

The authoritative reference and input builder live on the scoring server;
editing this copy changes nothing except your own understanding.
"""

import jax, jax.numpy as jnp
import numpy as np

CAPACITY = 1000000
DIM = 32
N_ADD = 16384
N_SAMPLE = 4096


def setup_inputs(seed: int = 0) -> dict:
    key = jax.random.key(seed)
    k1, k2, k3, k4 = jax.random.split(key, 4)
    mem = jax.random.normal(k1, (CAPACITY, DIM), dtype=jnp.float32)
    val = jax.random.normal(k2, (N_ADD, DIM), dtype=jnp.float32)
    idx = jax.random.randint(k3, (N_ADD,), 0, CAPACITY, dtype=jnp.int32)
    sample_idx = jax.random.randint(k4, (N_SAMPLE,), 0, CAPACITY, dtype=jnp.int32)
    return {"mem": mem, "idx": idx, "val": val, "sample_idx": sample_idx}


def reference(mem, idx, val, sample_idx):
    # add_reservoir core: buffer[idx_buffer] = data[idx_new_data]  (scatter-overwrite)
    updated = mem.at[idx].set(val)
    # sample_random core: gather a random subset of buffer rows
    sampled = jnp.take(updated, sample_idx, axis=0)
    return sampled

if __name__ == "__main__":
    import jax
    _d = setup_inputs()
    print(jax.jit(kernel)(*tuple(_d.values())))

</pallas_src>

<mosaic_0001>
#map = affine_map<(d0, d1) -> (0, 0)>
#map1 = affine_map<(d0, d1) -> (0)>
module attributes {stable_mosaic.version = 14 : i64} {
  func.func @_body(%arg0: i32, %arg1: i32, %arg2: memref<32x1000000xf32, #tpu.memory_space<hbm>>, %arg3: memref<16384xi32, #tpu.memory_space<hbm>>, %arg4: memref<32x16384xf32, #tpu.memory_space<hbm>>, %arg5: memref<4096xi32, #tpu.memory_space<hbm>>, %arg6: memref<32x128xf32, #tpu.memory_space<hbm>>, %arg7: memref<4128x128xf32, #tpu.memory_space<hbm>>, %arg8: memref<16384xi32, #tpu.memory_space<vmem>>, %arg9: memref<4096xi32, #tpu.memory_space<vmem>>, %arg10: memref<31264xi32, #tpu.memory_space<vmem>>, %arg11: memref<16400xi32, #tpu.memory_space<vmem>>, %arg12: memref<4112xi32, #tpu.memory_space<vmem>>, %arg13: memref<4112xi32, #tpu.memory_space<vmem>>, %arg14: memref<4112xi32, #tpu.memory_space<vmem>>, %arg15: memref<4112xi32, #tpu.memory_space<vmem>>, %arg16: memref<8x32x128xf32, #tpu.memory_space<vmem>>, %arg17: memref<4x16x128xf32, #tpu.memory_space<vmem>>, %arg18: memref<!tpu.dma_semaphore, #tpu.memory_space<semaphore_mem>>, %arg19: memref<!tpu.dma_semaphore, #tpu.memory_space<semaphore_mem>>) attributes {dimension_semantics = [#tpu.dimension_semantics<core_parallel>, #tpu.dimension_semantics<subcore_parallel>], iteration_bounds = array<i64: 2, 16>, scalar_prefetch = 0 : i64, scratch_operands = 12 : i64, tpu.core_type = #tpu.core_type<sc_vector_subcore>, window_params = [{transform_indices = #map}, {transform_indices = #map1}, {transform_indices = #map}, {transform_indices = #map1}, {transform_indices = #map}, {transform_indices = #map}]} {
    %mul3A = arith.constant 2 : i32
    %mul3A_0 = arith.muli %arg1, %mul3A : i32
    %add3A = arith.addi %mul3A_0, %arg0 : i32
    %mul3A_1 = arith.constant 31250 : i32
    %mul3A_2 = arith.muli %add3A, %mul3A_1 : i32
    %iota3A = tpu.iota {dimensions = array<i32: 0>} : vector<16xi32>
    %broadcast_in_dim3A = arith.constant 0 : i32
    %broadcast_in_dim3A_3 = vector.broadcast %broadcast_in_dim3A : i32 to vector<16xi32>
    "tpu.region"() ({
      %run_scoped3A = tpu.sem_alloc : memref<!tpu.dma_semaphore, #tpu.memory_space<semaphore_mem>>
      tpu.enqueue_dma source(%arg3 : memref<16384xi32, #tpu.memory_space<hbm>>) target(%arg8 : memref<16384xi32, #tpu.memory_space<vmem>>) target_semaphore(%run_scoped3A : memref<!tpu.dma_semaphore, #tpu.memory_space<semaphore_mem>>)
      tpu.wait_dma2 semaphore(%run_scoped3A : memref<!tpu.dma_semaphore, #tpu.memory_space<semaphore_mem>>) src(%arg3 : memref<16384xi32, #tpu.memory_space<hbm>>) dst(%arg8 : memref<16384xi32, #tpu.memory_space<vmem>>)
      tpu.yield
    }) : () -> ()
    "tpu.region"() ({
      %run_scoped3A = tpu.sem_alloc : memref<!tpu.dma_semaphore, #tpu.memory_space<semaphore_mem>>
      tpu.enqueue_dma source(%arg5 : memref<4096xi32, #tpu.memory_space<hbm>>) target(%arg9 : memref<4096xi32, #tpu.memory_space<vmem>>) target_semaphore(%run_scoped3A : memref<!tpu.dma_semaphore, #tpu.memory_space<semaphore_mem>>)
      tpu.wait_dma2 semaphore(%run_scoped3A : memref<!tpu.dma_semaphore, #tpu.memory_space<semaphore_mem>>) src(%arg5 : memref<4096xi32, #tpu.memory_space<hbm>>) dst(%arg9 : memref<4096xi32, #tpu.memory_space<vmem>>)
      tpu.yield
    }) : () -> ()
    %broadcast_in_dim3A_4 = arith.constant -1 : i32
    %broadcast_in_dim3A_5 = vector.broadcast %broadcast_in_dim3A_4 : i32 to vector<16xi32>
    %scan3A = arith.constant 0 : i32
    %scan3A_6 = arith.constant 0 : i32
    %scan3A_7 = arith.constant 244 : i32
    %scan3A_8 = arith.addi %scan3A_6, %scan3A_7 : i32
    %scan3A_9 = arith.constant 1 : i32
    scf.for %scan3A_167 = %scan3A_6 to %scan3A_8 step %scan3A_9  : i32 {
      %mul3A_168 = arith.constant 128 : i32
      %mul3A_169 = arith.muli %scan3A_167, %mul3A_168 : i32
      %add3A_170 = arith.constant 0 : i32
      %add3A_171 = arith.addi %mul3A_169, %add3A_170 : i32
      %swap3A_172 = arith.index_cast %add3A_171 : i32 to index
      %swap3A_173 = tpu.vector_load %arg10[%swap3A_172] {strides = array<i32>} : memref<31264xi32, #tpu.memory_space<vmem>>, vector<16xi32>,
      tpu.vector_store %arg10[%swap3A_172], %broadcast_in_dim3A_5 {strides = array<i32>} : memref<31264xi32, #tpu.memory_space<vmem>>, vector<16xi32>,
      %mul3A_174 = arith.constant 128 : i32
      %mul3A_175 = arith.muli %scan3A_167, %mul3A_174 : i32
      %add3A_176 = arith.constant 16 : i32
      %add3A_177 = arith.addi %mul3A_175, %add3A_176 : i32
      %swap3A_178 = arith.index_cast %add3A_177 : i32 to index
      %swap3A_179 = tpu.vector_load %arg10[%swap3A_178] {strides = array<i32>} : memref<31264xi32, #tpu.memory_space<vmem>>, vector<16xi32>,
      tpu.vector_store %arg10[%swap3A_178], %broadcast_in_dim3A_5 {strides = array<i32>} : memref<31264xi32, #tpu.memory_space<vmem>>, vector<16xi32>,
      %mul3A_180 = arith.constant 128 : i32
      %mul3A_181 = arith.muli %scan3A_167, %mul3A_180 : i32
      %add3A_182 = arith.constant 32 : i32
      %add3A_183 = arith.addi %mul3A_181, %add3A_182 : i32
      %swap3A_184 = arith.index_cast %add3A_183 : i32 to index
      %swap3A_185 = tpu.vector_load %arg10[%swap3A_184] {strides = array<i32>} : memref<31264xi32, #tpu.memory_space<vmem>>, vector<16xi32>,
      tpu.vector_store %arg10[%swap3A_184], %broadcast_in_dim3A_5 {strides = array<i32>} : memref<31264xi32, #tpu.memory_space<vmem>>, vector<16xi32>,
      %mul3A_186 = arith.constant 128 : i32
      %mul3A_187 = arith.muli %scan3A_167, %mul3A_186 : i32
      %add3A_188 = arith.constant 48 : i32
      %add3A_189 = arith.addi %mul3A_187, %add3A_188 : i32
      %swap3A_190 = arith.index_cast %add3A_189 : i32 to index
      %swap3A_191 = tpu.vector_load %arg10[%swap3A_190] {strides = array<i32>} : memref<31264xi32, #tpu.memory_space<vmem>>, vector<16xi32>,
      tpu.vector_store %arg10[%swap3A_190], %broadcast_in_dim3A_5 {strides = array<i32>} : memref<31264xi32, #tpu.memory_space<vmem>>, vector<16xi32>,
      %mul3A_192 = arith.constant 128 : i32
      %mul3A_193 = arith.muli %scan3A_167, %mul3A_192 : i32
      %add3A_194 = arith.constant 64 : i32
      %add3A_195 = arith.addi %mul3A_193, %add3A_194 : i32
      %swap3A_196 = arith.index_cast %add3A_195 : i32 to index
      %swap3A_197 = tpu.vector_load %arg10[%swap3A_196] {strides = array<i32>} : memref<31264xi32, #tpu.memory_space<vmem>>, vector<16xi32>,
      tpu.vector_store %arg10[%swap3A_196], %broadcast_in_dim3A_5 {strides = array<i32>} : memref<31264xi32, #tpu.memory_space<vmem>>, vector<16xi32>,
      %mul3A_198 = arith.constant 128 : i32
      %mul3A_199 = arith.muli %scan3A_167, %mul3A_198 : i32
      %add3A_200 = arith.constant 80 : i32
      %add3A_201 = arith.addi %mul3A_199, %add3A_200 : i32
      %swap3A_202 = arith.index_cast %add3A_201 : i32 to index
      %swap3A_203 = tpu.vector_load %arg10[%swap3A_202] {strides = array<i32>} : memref<31264xi32, #tpu.memory_space<vmem>>, vector<16xi32>,
      tpu.vector_store %arg10[%swap3A_202], %broadcast_in_dim3A_5 {strides = array<i32>} : memref<31264xi32, #tpu.memory_space<vmem>>, vector<16xi32>,
      %mul3A_204 = arith.constant 128 : i32
      %mul3A_205 = arith.muli %scan3A_167, %mul3A_204 : i32
      %add3A_206 = arith.constant 96 : i32
      %add3A_207 = arith.addi %mul3A_205, %add3A_206 : i32
      %swap3A_208 = arith.index_cast %add3A_207 : i32 to index
      %swap3A_209 = tpu.vector_load %arg10[%swap3A_208] {strides = array<i32>} : memref<31264xi32, #tpu.memory_space<vmem>>, vector<16xi32>,
      tpu.vector_store %arg10[%swap3A_208], %broadcast_in_dim3A_5 {strides = array<i32>} : memref<31264xi32, #tpu.memory_space<vmem>>, vector<16xi32>,
      %mul3A_210 = arith.constant 128 : i32
      %mul3A_211 = arith.muli %scan3A_167, %mul3A_210 : i32
      %add3A_212 = arith.constant 112 : i32
      %add3A_213 = arith.addi %mul3A_211, %add3A_212 : i32
      %swap3A_214 = arith.index_cast %add3A_213 : i32 to index
      %swap3A_215 = tpu.vector_load %arg10[%swap3A_214] {strides = array<i32>} : memref<31264xi32, #tpu.memory_space<vmem>>, vector<16xi32>,
      tpu.vector_store %arg10[%swap3A_214], %broadcast_in_dim3A_5 {strides = array<i32>} : memref<31264xi32, #tpu.memory_space<vmem>>, vector<16xi32>,
    }
    %scan3A_10 = arith.constant 244 : i32
    %swap3A = arith.constant 31232 : index
    %swap3A_11 = tpu.vector_load %arg10[%swap3A] {strides = array<i32>} : memref<31264xi32, #tpu.memory_space<vmem>>, vector<16xi32>,
    tpu.vector_store %arg10[%swap3A], %broadcast_in_dim3A_5 {strides = array<i32>} : memref<31264xi32, #tpu.memory_space<vmem>>, vector<16xi32>,
    %swap3A_12 = arith.constant 31248 : index
    %swap3A_13 = tpu.vector_load %arg10[%swap3A_12] {strides = array<i32>} : memref<31264xi32, #tpu.memory_space<vmem>>, vector<16xi32>,
    tpu.vector_store %arg10[%swap3A_12], %broadcast_in_dim3A_5 {strides = array<i32>} : memref<31264xi32, #tpu.memory_space<vmem>>, vector<16xi32>,
    %broadcast_in_dim3A_14 = arith.constant 4096 : i32
    %broadcast_in_dim3A_15 = vector.broadcast %broadcast_in_dim3A_14 : i32 to vector<16xi32>
    %add3A_16 = arith.addi %broadcast_in_dim3A_15, %iota3A : vector<16xi32>
    %scan3A_17 = arith.constant 0 : i32
    %scan3A_18 = arith.constant 0 : i32
    %scan3A_19 = arith.constant 257 : i32
    %scan3A_20 = arith.addi %scan3A_18, %scan3A_19 : i32
    %scan3A_21 = arith.constant 1 : i32
    scf.for %scan3A_167 = %scan3A_18 to %scan3A_20 step %scan3A_21  : i32 {
      %mul3A_168 = arith.constant 16 : i32
      %mul3A_169 = arith.muli %scan3A_167, %mul3A_168 : i32
      %swap3A_170 = arith.index_cast %mul3A_169 : i32 to index
      %swap3A_171 = tpu.vector_load %arg12[%swap3A_170] {strides = array<i32>} : memref<4112xi32, #tpu.memory_space<vmem>>, vector<16xi32>,
      tpu.vector_store %arg12[%swap3A_170], %broadcast_in_dim3A_3 {strides = array<i32>} : memref<4112xi32, #tpu.memory_space<vmem>>, vector<16xi32>,
      %swap3A_172 = arith.index_cast %mul3A_169 : i32 to index
      %swap3A_173 = tpu.vector_load %arg13[%swap3A_172] {strides = array<i32>} : memref<4112xi32, #tpu.memory_space<vmem>>, vector<16xi32>,
      tpu.vector_store %arg13[%swap3A_172], %add3A_16 {strides = array<i32>} : memref<4112xi32, #tpu.memory_space<vmem>>, vector<16xi32>,
      %swap3A_174 = arith.index_cast %mul3A_169 : i32 to index
      %swap3A_175 = tpu.vector_load %arg14[%swap3A_174] {strides = array<i32>} : memref<4112xi32, #tpu.memory_space<vmem>>, vector<16xi32>,
      tpu.vector_store %arg14[%swap3A_174], %broadcast_in_dim3A_3 {strides = array<i32>} : memref<4112xi32, #tpu.memory_space<vmem>>, vector<16xi32>,
      %swap3A_176 = arith.index_cast %mul3A_169 : i32 to index
      %swap3A_177 = tpu.vector_load %arg15[%swap3A_176] {strides = array<i32>} : memref<4112xi32, #tpu.memory_space<vmem>>, vector<16xi32>,
      tpu.vector_store %arg15[%swap3A_176], %add3A_16 {strides = array<i32>} : memref<4112xi32, #tpu.memory_space<vmem>>, vector<16xi32>,
    }
    %scan3A_22 = arith.constant 257 : i32
    %scan3A_23 = arith.constant 0 : i32
    %scan3A_24 = arith.constant 0 : i32
    %scan3A_25 = arith.constant 1024 : i32
    %scan3A_26 = arith.addi %scan3A_24, %scan3A_25 : i32
    %scan3A_27 = arith.constant 4 : i32
    %scan3A_28 = scf.for %scan3A_167 = %scan3A_24 to %scan3A_26 step %scan3A_27 iter_args(%scan3A_168 = %scan3A_23) -> (i32)  : i32 {
      %mul3A_169 = arith.constant 16 : i32
      %mul3A_170 = arith.muli %scan3A_167, %mul3A_169 : i32
      %get3A = arith.index_cast %mul3A_170 : i32 to index
      %get3A_171 = tpu.vector_load %arg8[%get3A] {strides = array<i32>} : memref<16384xi32, #tpu.memory_space<vmem>>, vector<16xi32>,
      %ge3A = vector.broadcast %mul3A_2 : i32 to vector<16xi32>
      %ge3A_172 = arith.cmpi sge, %get3A_171, %ge3A : vector<16xi32>
      %add3A_173 = arith.constant 31250 : i32
      %add3A_174 = arith.addi %mul3A_2, %add3A_173 : i32
      %lt3A = vector.broadcast %add3A_174 : i32 to vector<16xi32>
      %lt3A_175 = arith.cmpi slt, %get3A_171, %lt3A : vector<16xi32>
      %and3A_176 = arith.andi %ge3A_172, %lt3A_175 : vector<16xi1>
      %sub3A_177 = vector.broadcast %mul3A_2 : i32 to vector<16xi32>
      %sub3A_178 = arith.subi %get3A_171, %sub3A_177 : vector<16xi32>
      %jit3A_179 = arith.constant 0 : i32
      %broadcast_in_dim3A_180 = vector.broadcast %jit3A_179 : i32 to vector<16xi32>
      %select_n3A_181 = arith.select %and3A_176, %sub3A_178, %broadcast_in_dim3A_180 : vector<16xi1>, vector<16xi32>
      %mul3A_182 = arith.constant 16 : i32
      %mul3A_183 = arith.muli %scan3A_167, %mul3A_182 : i32
      %add3A_184 = vector.broadcast %mul3A_183 : i32 to vector<16xi32>
      %add3A_185 = arith.addi %add3A_184, %iota3A : vector<16xi32>
      tpu.vector_store_idx %arg10[%select_n3A_181], %add3A_185 masked %and3A_176 : memref<31264xi32, #tpu.memory_space<vmem>>[vector<16xi32>], vector<16xi32>, vector<16xi1>
      %gather3A = tpu.vector_load_idx %arg10[%select_n3A_181] : memref<31264xi32, #tpu.memory_space<vmem>>[vector<16xi32>], vector<16xi32>,
      %lt3A_186 = arith.cmpi slt, %gather3A, %add3A_185 : vector<16xi32>
      %and3A_187 = arith.andi %and3A_176, %lt3A_186 : vector<16xi1>
      %mul3A_188 = arith.constant 16384 : i32
      %mul3A_189 = vector.broadcast %mul3A_188 : i32 to vector<16xi32>
      %mul3A_190 = arith.muli %select_n3A_181, %mul3A_189 : vector<16xi32>
      %add3A_191 = arith.addi %mul3A_190, %add3A_185 : vector<16xi32>
      %swap3A_192 = arith.index_cast %scan3A_168 : i32 to index
      %swap3A_193 = tpu.vector_load %arg11[%swap3A_192] masked %and3A_187 {strides = array<i32>} : memref<16400xi32, #tpu.memory_space<vmem>>, vector<16xi32>, vector<16xi1>
      tpu.vector_store %arg11[%swap3A_192], %add3A_191 masked %and3A_187 {strides = array<i32>} : memref<16400xi32, #tpu.memory_space<vmem>>, vector<16xi32>, vector<16xi1>
      %all_reduce_population_count3A = tpu.all_reduce %and3A_187 {dim = 0 : i64, kind = #tpu.reduction_kind<sum>} : vector<16xi1> -> vector<16xi32>
      %slice3A = vector.extract_strided_slice %all_reduce_population_count3A {offsets = [0], sizes = [1], strides = [1]} : vector<16xi32> to vector<1xi32>
      %squeeze3A = vector.extract %slice3A[0] : i32 from vector<1xi32>
      %add3A_194 = arith.addi %scan3A_168, %squeeze3A : i32
      %scan3A_195 = arith.constant 1 : i32
      %scan3A_196 = arith.addi %scan3A_167, %scan3A_195 : i32
      %mul3A_197 = arith.constant 16 : i32
      %mul3A_198 = arith.muli %scan3A_196, %mul3A_197 : i32
      %get3A_199 = arith.index_cast %mul3A_198 : i32 to index
      %get3A_200 = tpu.vector_load %arg8[%get3A_199] {strides = array<i32>} : memref<16384xi32, #tpu.memory_space<vmem>>, vector<16xi32>,
      %ge3A_201 = vector.broadcast %mul3A_2 : i32 to vector<16xi32>
      %ge3A_202 = arith.cmpi sge, %get3A_200, %ge3A_201 : vector<16xi32>
      %add3A_203 = arith.constant 31250 : i32
      %add3A_204 = arith.addi %mul3A_2, %add3A_203 : i32
      %lt3A_205 = vector.broadcast %add3A_204 : i32 to vector<16xi32>
      %lt3A_206 = arith.cmpi slt, %get3A_200, %lt3A_205 : vector<16xi32>
      %and3A_207 = arith.andi %ge3A_202, %lt3A_206 : vector<16xi1>
      %sub3A_208 = vector.broadcast %mul3A_2 : i32 to vector<16xi32>
      %sub3A_209 = arith.subi %get3A_200, %sub3A_208 : vector<16xi32>
      %jit3A_210 = arith.constant 0 : i32
      %broadcast_in_dim3A_211 = vector.broadcast %jit3A_210 : i32 to vector<16xi32>
      %select_n3A_212 = arith.select %and3A_207, %sub3A_209, %broadcast_in_dim3A_211 : vector<16xi1>, vector<16xi32>
      %mul3A_213 = arith.constant 16 : i32
      %mul3A_214 = arith.muli %scan3A_196, %mul3A_213 : i32
      %add3A_215 = vector.broadcast %mul3A_214 : i32 to vector<16xi32>
      %add3A_216 = arith.addi %add3A_215, %iota3A : vector<16xi32>
      tpu.vector_store_idx %arg10[%select_n3A_212], %add3A_216 masked %and3A_207 : memref<31264xi32, #tpu.memory_space<vmem>>[vector<16xi32>], vector<16xi32>, vector<16xi1>
      %gather3A_217 = tpu.vector_load_idx %arg10[%select_n3A_212] : memref<31264xi32, #tpu.memory_space<vmem>>[vector<16xi32>], vector<16xi32>,
      %lt3A_218 = arith.cmpi slt, %gather3A_217, %add3A_216 : vector<16xi32>
      %and3A_219 = arith.andi %and3A_207, %lt3A_218 : vector<16xi1>
      %mul3A_220 = arith.constant 16384 : i32
      %mul3A_221 = vector.broadcast %mul3A_220 : i32 to vector<16xi32>
      %mul3A_222 = arith.muli %select_n3A_212, %mul3A_221 : vector<16xi32>
      %add3A_223 = arith.addi %mul3A_222, %add3A_216 : vector<16xi32>
      %swap3A_224 = arith.index_cast %add3A_194 : i32 to index
      %swap3A_225 = tpu.vector_load %arg11[%swap3A_224] masked %and3A_219 {strides = array<i32>} : memref<16400xi32, #tpu.memory_space<vmem>>, vector<16xi32>, vector<16xi1>
      tpu.vector_store %arg11[%swap3A_224], %add3A_223 masked %and3A_219 {strides = array<i32>} : memref<16400xi32, #tpu.memory_space<vmem>>, vector<16xi32>, vector<16xi1>
      %all_reduce_population_count3A_226 = tpu.all_reduce %and3A_219 {dim = 0 : i64, kind = #tpu.reduction_kind<sum>} : vector<16xi1> -> vector<16xi32>
      %slice3A_227 = vector.extract_strided_slice %all_reduce_population_count3A_226 {offsets = [0], sizes = [1], strides = [1]} : vector<16xi32> to vector<1xi32>
      %squeeze3A_228 = vector.extract %slice3A_227[0] : i32 from vector<1xi32>
      %add3A_229 = arith.addi %add3A_194, %squeeze3A_228 : i32
      %scan3A_230 = arith.constant 2 : i32
      %scan3A_231 = arith.addi %scan3A_167, %scan3A_230 : i32
      %mul3A_232 = arith.constant 16 : i32
      %mul3A_233 = arith.muli %scan3A_231, %mul3A_232 : i32
      %get3A_234 = arith.index_cast %mul3A_233 : i32 to index
      %get3A_235 = tpu.vector_load %arg8[%get3A_234] {strides = array<i32>} : memref<16384xi32, #tpu.memory_space<vmem>>, vector<16xi32>,
      %ge3A_236 = vector.broadcast %mul3A_2 : i32 to vector<16xi32>
      %ge3A_237 = arith.cmpi sge, %get3A_235, %ge3A_236 : vector<16xi32>
      %add3A_238 = arith.constant 31250 : i32
      %add3A_239 = arith.addi %mul3A_2, %add3A_238 : i32
      %lt3A_240 = vector.broadcast %add3A_239 : i32 to vector<16xi32>
      %lt3A_241 = arith.cmpi slt, %get3A_235, %lt3A_240 : vector<16xi32>
      %and3A_242 = arith.andi %ge3A_237, %lt3A_241 : vector<16xi1>
      %sub3A_243 = vector.broadcast %mul3A_2 : i32 to vector<16xi32>
      %sub3A_244 = arith.subi %get3A_235, %sub3A_243 : vector<16xi32>
      %jit3A_245 = arith.constant 0 : i32
      %broadcast_in_dim3A_246 = vector.broadcast %jit3A_245 : i32 to vector<16xi32>
      %select_n3A_247 = arith.select %and3A_242, %sub3A_244, %broadcast_in_dim3A_246 : vector<16xi1>, vector<16xi32>
      %mul3A_248 = arith.constant 16 : i32
      %mul3A_249 = arith.muli %scan3A_231, %mul3A_248 : i32
      %add3A_250 = vector.broadcast %mul3A_249 : i32 to vector<16xi32>
      %add3A_251 = arith.addi %add3A_250, %iota3A : vector<16xi32>
      tpu.vector_store_idx %arg10[%select_n3A_247], %add3A_251 masked %and3A_242 : memref<31264xi32, #tpu.memory_space<vmem>>[vector<16xi32>], vector<16xi32>, vector<16xi1>
      %gather3A_252 = tpu.vector_load_idx %arg10[%select_n3A_247] : memref<31264xi32, #tpu.memory_space<vmem>>[vector<16xi32>], vector<16xi32>,
      %lt3A_253 = arith.cmpi slt, %gather3A_252, %add3A_251 : vector<16xi32>
      %and3A_254 = arith.andi %and3A_242, %lt3A_253 : vector<16xi1>
      %mul3A_255 = arith.constant 16384 : i32
      %mul3A_256 = vector.broadcast %mul3A_255 : i32 to vector<16xi32>
      %mul3A_257 = arith.muli %select_n3A_247, %mul3A_256 : vector<16xi32>
      %add3A_258 = arith.addi %mul3A_257, %add3A_251 : vector<16xi32>
      %swap3A_259 = arith.index_cast %add3A_229 : i32 to index
      %swap3A_260 = tpu.vector_load %arg11[%swap3A_259] masked %and3A_254 {strides = array<i32>} : memref<16400xi32, #tpu.memory_space<vmem>>, vector<16xi32>, vector<16xi1>
      tpu.vector_store %arg11[%swap3A_259], %add3A_258 masked %and3A_254 {strides = array<i32>} : memref<16400xi32, #tpu.memory_space<vmem>>, vector<16xi32>, vector<16xi1>
      %all_reduce_population_count3A_261 = tpu.all_reduce %and3A_254 {dim = 0 : i64, kind = #tpu.reduction_kind<sum>} : vector<16xi1> -> vector<16xi32>
      %slice3A_262 = vector.extract_strided_slice %all_reduce_population_count3A_261 {offsets = [0], sizes = [1], strides = [1]} : vector<16xi32> to vector<1xi32>
      %squeeze3A_263 = vector.extract %slice3A_262[0] : i32 from vector<1xi32>
      %add3A_264 = arith.addi %add3A_229, %squeeze3A_263 : i32
      %scan3A_265 = arith.constant 3 : i32
      %scan3A_266 = arith.addi %scan3A_167, %scan3A_265 : i32
      %mul3A_267 = arith.constant 16 : i32
      %mul3A_268 = arith.muli %scan3A_266, %mul3A_267 : i32
      %get3A_269 = arith.index_cast %mul3A_268 : i32 to index
      %get3A_270 = tpu.vector_load %arg8[%get3A_269] {strides = array<i32>} : memref<16384xi32, #tpu.memory_space<vmem>>, vector<16xi32>,
      %ge3A_271 = vector.broadcast %mul3A_2 : i32 to vector<16xi32>
      %ge3A_272 = arith.cmpi sge, %get3A_270, %ge3A_271 : vector<16xi32>
      %add3A_273 = arith.constant 31250 : i32
      %add3A_274 = arith.addi %mul3A_2, %add3A_273 : i32
      %lt3A_275 = vector.broadcast %add3A_274 : i32 to vector<16xi32>
      %lt3A_276 = arith.cmpi slt, %get3A_270, %lt3A_275 : vector<16xi32>
      %and3A_277 = arith.andi %ge3A_272, %lt3A_276 : vector<16xi1>
      %sub3A_278 = vector.broadcast %mul3A_2 : i32 to vector<16xi32>
      %sub3A_279 = arith.subi %get3A_270, %sub3A_278 : vector<16xi32>
      %jit3A_280 = arith.constant 0 : i32
      %broadcast_in_dim3A_281 = vector.broadcast %jit3A_280 : i32 to vector<16xi32>
      %select_n3A_282 = arith.select %and3A_277, %sub3A_279, %broadcast_in_dim3A_281 : vector<16xi1>, vector<16xi32>
      %mul3A_283 = arith.constant 16 : i32
      %mul3A_284 = arith.muli %scan3A_266, %mul3A_283 : i32
      %add3A_285 = vector.broadcast %mul3A_284 : i32 to vector<16xi32>
      %add3A_286 = arith.addi %add3A_285, %iota3A : vector<16xi32>
      tpu.vector_store_idx %arg10[%select_n3A_282], %add3A_286 masked %and3A_277 : memref<31264xi32, #tpu.memory_space<vmem>>[vector<16xi32>], vector<16xi32>, vector<16xi1>
      %gather3A_287 = tpu.vector_load_idx %arg10[%select_n3A_282] : memref<31264xi32, #tpu.memory_space<vmem>>[vector<16xi32>], vector<16xi32>,
      %lt3A_288 = arith.cmpi slt, %gather3A_287, %add3A_286 : vector<16xi32>
      %and3A_289 = arith.andi %and3A_277, %lt3A_288 : vector<16xi1>
      %mul3A_290 = arith.constant 16384 : i32
      %mul3A_291 = vector.broadcast %mul3A_290 : i32 to vector<16xi32>
      %mul3A_292 = arith.muli %select_n3A_282, %mul3A_291 : vector<16xi32>
      %add3A_293 = arith.addi %mul3A_292, %add3A_286 : vector<16xi32>
      %swap3A_294 = arith.index_cast %add3A_264 : i32 to index
      %swap3A_295 = tpu.vector_load %arg11[%swap3A_294] masked %and3A_289 {strides = array<i32>} : memref<16400xi32, #tpu.memory_space<vmem>>, vector<16xi32>, vector<16xi1>
      tpu.vector_store %arg11[%swap3A_294], %add3A_293 masked %and3A_289 {strides = array<i32>} : memref<16400xi32, #tpu.memory_space<vmem>>, vector<16xi32>, vector<16xi1>
      %all_reduce_population_count3A_296 = tpu.all_reduce %and3A_289 {dim = 0 : i64, kind = #tpu.reduction_kind<sum>} : vector<16xi1> -> vector<16xi32>
      %slice3A_297 = vector.extract_strided_slice %all_reduce_population_count3A_296 {offsets = [0], sizes = [1], strides = [1]} : vector<16xi32> to vector<1xi32>
      %squeeze3A_298 = vector.extract %slice3A_297[0] : i32 from vector<1xi32>
      %add3A_299 = arith.addi %add3A_264, %squeeze3A_298 : i32
      scf.yield %add3A_299 : i32
    }
    %scan3A_29 = arith.constant 1024 : i32
    %while3A = arith.constant 0 : i32
    %while3A_30 = arith.constant 0 : i32
    %while3A_31 = arith.subi %scan3A_28, %while3A_30 : i32
    %while3A_32 = arith.addi %while3A_30, %while3A_31 : i32
    %while3A_33 = arith.constant 1 : i32
    %while3A_34 = arith.divsi %while3A_31, %while3A_33 : i32
    %while3A_35 = arith.muli %while3A_34, %while3A_33 : i32
    %while3A_36 = arith.addi %while3A_30, %while3A_35 : i32
    %while3A_37 = arith.constant 1 : i32
    scf.for %while3A_167 = %while3A_30 to %while3A_36 step %while3A_37  : i32 {
      %shift_right_logical3A = arith.constant 4 : i32
      %shift_right_logical3A_168 = arith.shrui %while3A_167, %shift_right_logical3A : i32
      %and3A_169 = arith.constant 15 : i32
      %and3A_170 = arith.andi %while3A_167, %and3A_169 : i32
      %mul3A_171 = arith.constant 16 : i32
      %mul3A_172 = arith.muli %shift_right_logical3A_168, %mul3A_171 : i32
      %get3A = arith.index_cast %mul3A_172 : i32 to index
      %get3A_173 = tpu.vector_load %arg11[%get3A] {strides = array<i32>} : memref<16400xi32, #tpu.memory_space<vmem>>, vector<16xi32>,
      %shift_right_logical3A_174 = arith.constant 14 : i32
      %shift_right_logical3A_175 = vector.broadcast %shift_right_logical3A_174 : i32 to vector<16xi32>
      %shift_right_logical3A_176 = arith.shrui %get3A_173, %shift_right_logical3A_175 : vector<16xi32>
      %and3A_177 = arith.constant 16383 : i32
      %and3A_178 = vector.broadcast %and3A_177 : i32 to vector<16xi32>
      %and3A_179 = arith.andi %get3A_173, %and3A_178 : vector<16xi32>
      %eq3A = vector.broadcast %and3A_170 : i32 to vector<16xi32>
      %eq3A_180 = arith.cmpi eq, %iota3A, %eq3A : vector<16xi32>
      %gather3A = tpu.vector_load_idx %arg10[%shift_right_logical3A_176] : memref<31264xi32, #tpu.memory_space<vmem>>[vector<16xi32>], vector<16xi32>,
      %max3A = arith.maxsi %gather3A, %and3A_179 : vector<16xi32>
      tpu.vector_store_idx %arg10[%shift_right_logical3A_176], %max3A masked %eq3A_180 : memref<31264xi32, #tpu.memory_space<vmem>>[vector<16xi32>], vector<16xi32>, vector<16xi1>
    }
    %while3A_38 = arith.constant 1 : i32
    scf.for %while3A_167 = %while3A_36 to %while3A_32 step %while3A_38  : i32 {
      %shift_right_logical3A = arith.constant 4 : i32
      %shift_right_logical3A_168 = arith.shrui %while3A_167, %shift_right_logical3A : i32
      %and3A_169 = arith.constant 15 : i32
      %and3A_170 = arith.andi %while3A_167, %and3A_169 : i32
      %mul3A_171 = arith.constant 16 : i32
      %mul3A_172 = arith.muli %shift_right_logical3A_168, %mul3A_171 : i32
      %get3A = arith.index_cast %mul3A_172 : i32 to index
      %get3A_173 = tpu.vector_load %arg11[%get3A] {strides = array<i32>} : memref<16400xi32, #tpu.memory_space<vmem>>, vector<16xi32>,
      %shift_right_logical3A_174 = arith.constant 14 : i32
      %shift_right_logical3A_175 = vector.broadcast %shift_right_logical3A_174 : i32 to vector<16xi32>
      %shift_right_logical3A_176 = arith.shrui %get3A_173, %shift_right_logical3A_175 : vector<16xi32>
      %and3A_177 = arith.constant 16383 : i32
      %and3A_178 = vector.broadcast %and3A_177 : i32 to vector<16xi32>
      %and3A_179 = arith.andi %get3A_173, %and3A_178 : vector<16xi32>
      %eq3A = vector.broadcast %and3A_170 : i32 to vector<16xi32>
      %eq3A_180 = arith.cmpi eq, %iota3A, %eq3A : vector<16xi32>
      %gather3A = tpu.vector_load_idx %arg10[%shift_right_logical3A_176] : memref<31264xi32, #tpu.memory_space<vmem>>[vector<16xi32>], vector<16xi32>,
      %max3A = arith.maxsi %gather3A, %and3A_179 : vector<16xi32>
      tpu.vector_store_idx %arg10[%shift_right_logical3A_176], %max3A masked %eq3A_180 : memref<31264xi32, #tpu.memory_space<vmem>>[vector<16xi32>], vector<16xi32>, vector<16xi1>
    }
    %scan3A_39 = arith.constant 0 : i32
    %scan3A_40 = arith.constant 0 : i32
    %scan3A_41 = arith.constant 0 : i32
    %scan3A_42 = arith.constant 0 : i32
    %scan3A_43 = arith.constant 256 : i32
    %scan3A_44 = arith.addi %scan3A_42, %scan3A_43 : i32
    %scan3A_45 = arith.constant 2 : i32
    %scan3A_46:3 = scf.for %scan3A_167 = %scan3A_42 to %scan3A_44 step %scan3A_45 iter_args(%scan3A_168 = %scan3A_39, %scan3A_169 = %scan3A_40, %scan3A_170 = %scan3A_41) -> (i32, i32, i32)  : i32 {
      %mul3A_171 = arith.constant 16 : i32
      %mul3A_172 = arith.muli %scan3A_167, %mul3A_171 : i32
      %get3A = arith.index_cast %mul3A_172 : i32 to index
      %get3A_173 = tpu.vector_load %arg9[%get3A] {strides = array<i32>} : memref<4096xi32, #tpu.memory_space<vmem>>, vector<16xi32>,
      %ge3A = vector.broadcast %mul3A_2 : i32 to vector<16xi32>
      %ge3A_174 = arith.cmpi sge, %get3A_173, %ge3A : vector<16xi32>
      %add3A_175 = arith.constant 31250 : i32
      %add3A_176 = arith.addi %mul3A_2, %add3A_175 : i32
      %lt3A = vector.broadcast %add3A_176 : i32 to vector<16xi32>
      %lt3A_177 = arith.cmpi slt, %get3A_173, %lt3A : vector<16xi32>
      %and3A_178 = arith.andi %ge3A_174, %lt3A_177 : vector<16xi1>
      %sub3A_179 = vector.broadcast %mul3A_2 : i32 to vector<16xi32>
      %sub3A_180 = arith.subi %get3A_173, %sub3A_179 : vector<16xi32>
      %jit3A_181 = arith.constant 0 : i32
      %broadcast_in_dim3A_182 = vector.broadcast %jit3A_181 : i32 to vector<16xi32>
      %select_n3A_183 = arith.select %and3A_178, %sub3A_180, %broadcast_in_dim3A_182 : vector<16xi1>, vector<16xi32>
      %gather3A = tpu.vector_load_idx %arg10[%select_n3A_183] : memref<31264xi32, #tpu.memory_space<vmem>>[vector<16xi32>], vector<16xi32>,
      %ge3A_184 = arith.constant 0 : i32
      %ge3A_185 = vector.broadcast %ge3A_184 : i32 to vector<16xi32>
      %ge3A_186 = arith.cmpi sge, %gather3A, %ge3A_185 : vector<16xi32>
      %and3A_187 = arith.andi %and3A_178, %ge3A_186 : vector<16xi1>
      %lt3A_188 = arith.constant 0 : i32
      %lt3A_189 = vector.broadcast %lt3A_188 : i32 to vector<16xi32>
      %lt3A_190 = arith.cmpi slt, %gather3A, %lt3A_189 : vector<16xi32>
      %and3A_191 = arith.andi %and3A_178, %lt3A_190 : vector<16xi1>
      %ge3A_192 = arith.constant 999936 : i32
      %ge3A_193 = vector.broadcast %ge3A_192 : i32 to vector<16xi32>
      %ge3A_194 = arith.cmpi sge, %get3A_173, %ge3A_193 : vector<16xi32>
      %and3A_195 = arith.andi %and3A_191, %ge3A_194 : vector<16xi1>
      %lt3A_196 = arith.constant 999936 : i32
      %lt3A_197 = vector.broadcast %lt3A_196 : i32 to vector<16xi32>
      %lt3A_198 = arith.cmpi slt, %get3A_173, %lt3A_197 : vector<16xi32>
      %and3A_199 = arith.andi %and3A_191, %lt3A_198 : vector<16xi1>
      %mul3A_200 = arith.constant 16 : i32
      %mul3A_201 = arith.muli %scan3A_167, %mul3A_200 : i32
      %add3A_202 = vector.broadcast %mul3A_201 : i32 to vector<16xi32>
      %add3A_203 = arith.addi %add3A_202, %iota3A : vector<16xi32>
      %swap3A_204 = arith.index_cast %scan3A_168 : i32 to index
      %swap3A_205 = tpu.vector_load %arg12[%swap3A_204] masked %and3A_187 {strides = array<i32>} : memref<4112xi32, #tpu.memory_space<vmem>>, vector<16xi32>, vector<16xi1>
      tpu.vector_store %arg12[%swap3A_204], %gather3A masked %and3A_187 {strides = array<i32>} : memref<4112xi32, #tpu.memory_space<vmem>>, vector<16xi32>, vector<16xi1>
      %swap3A_206 = arith.index_cast %scan3A_168 : i32 to index
      %swap3A_207 = tpu.vector_load %arg13[%swap3A_206] masked %and3A_187 {strides = array<i32>} : memref<4112xi32, #tpu.memory_space<vmem>>, vector<16xi32>, vector<16xi1>
      tpu.vector_store %arg13[%swap3A_206], %add3A_203 masked %and3A_187 {strides = array<i32>} : memref<4112xi32, #tpu.memory_space<vmem>>, vector<16xi32>, vector<16xi1>
      %swap3A_208 = arith.index_cast %scan3A_169 : i32 to index
      %swap3A_209 = tpu.vector_load %arg14[%swap3A_208] masked %and3A_199 {strides = array<i32>} : memref<4112xi32, #tpu.memory_space<vmem>>, vector<16xi32>, vector<16xi1>
      tpu.vector_store %arg14[%swap3A_208], %get3A_173 masked %and3A_199 {strides = array<i32>} : memref<4112xi32, #tpu.memory_space<vmem>>, vector<16xi32>, vector<16xi1>
      %swap3A_210 = arith.index_cast %scan3A_169 : i32 to index
      %swap3A_211 = tpu.vector_load %arg15[%swap3A_210] masked %and3A_199 {strides = array<i32>} : memref<4112xi32, #tpu.memory_space<vmem>>, vector<16xi32>, vector<16xi1>
      tpu.vector_store %arg15[%swap3A_210], %add3A_203 masked %and3A_199 {strides = array<i32>} : memref<4112xi32, #tpu.memory_space<vmem>>, vector<16xi32>, vector<16xi1>
      %all_reduce_population_count3A = tpu.all_reduce %and3A_195 {dim = 0 : i64, kind = #tpu.reduction_kind<sum>} : vector<16xi1> -> vector<16xi32>
      %slice3A = vector.extract_strided_slice %all_reduce_population_count3A {offsets = [0], sizes = [1], strides = [1]} : vector<16xi32> to vector<1xi32>
      %squeeze3A = vector.extract %slice3A[0] : i32 from vector<1xi32>
      %gt3A = arith.constant 0 : i32
      %gt3A_212 = arith.cmpi sgt, %squeeze3A, %gt3A : i32
      %convert_element_type3A = arith.extui %gt3A_212 : i1 to i32
      %cond3A = arith.constant 0 : i32
      %cond3A_213 = arith.cmpi ne, %convert_element_type3A, %cond3A : i32
      scf.if %cond3A_213 {
        %jit3A_291 = arith.constant 1 : i32
        %jit3A_292 = arith.constant 0 : i32
        %broadcast_in_dim3A_293 = vector.broadcast %jit3A_291 : i32 to vector<16xi32>
        %broadcast_in_dim3A_294 = vector.broadcast %jit3A_292 : i32 to vector<16xi32>
        %select_n3A_295 = arith.select %and3A_195, %broadcast_in_dim3A_293, %broadcast_in_dim3A_294 : vector<16xi1>, vector<16xi32>
        %broadcast_in_dim3A_296 = arith.constant true
        %broadcast_in_dim3A_297 = vector.broadcast %broadcast_in_dim3A_296 : i1 to vector<16xi1>
        %masked_cumsum3A = tpu.scan <sum>, %select_n3A_295 masked %broadcast_in_dim3A_297 : vector<16xi32>, vector<16xi1> -> vector<16xi32>
        %add3A_298 = vector.broadcast %scan3A_170 : i32 to vector<16xi32>
        %add3A_299 = arith.addi %add3A_298, %masked_cumsum3A : vector<16xi32>
        %sub3A_300 = arith.constant 1 : i32
        %sub3A_301 = vector.broadcast %sub3A_300 : i32 to vector<16xi32>
        %sub3A_302 = arith.subi %add3A_299, %sub3A_301 : vector<16xi32>
        %sub3A_303 = arith.constant 4095 : i32
        %sub3A_304 = vector.broadcast %sub3A_303 : i32 to vector<16xi32>
        %sub3A_305 = arith.subi %sub3A_304, %sub3A_302 : vector<16xi32>
        %jit3A_306 = arith.constant 0 : i32
        %broadcast_in_dim3A_307 = vector.broadcast %jit3A_306 : i32 to vector<16xi32>
        %select_n3A_308 = arith.select %and3A_195, %sub3A_305, %broadcast_in_dim3A_307 : vector<16xi1>, vector<16xi32>
        tpu.vector_store_idx %arg14[%select_n3A_308], %get3A_173 masked %and3A_195 : memref<4112xi32, #tpu.memory_space<vmem>>[vector<16xi32>], vector<16xi32>, vector<16xi1>
        tpu.vector_store_idx %arg15[%select_n3A_308], %add3A_203 masked %and3A_195 : memref<4112xi32, #tpu.memory_space<vmem>>[vector<16xi32>], vector<16xi32>, vector<16xi1>
      } else {
      }
      %all_reduce_population_count3A_214 = tpu.all_reduce %and3A_187 {dim = 0 : i64, kind = #tpu.reduction_kind<sum>} : vector<16xi1> -> vector<16xi32>
      %slice3A_215 = vector.extract_strided_slice %all_reduce_population_count3A_214 {offsets = [0], sizes = [1], strides = [1]} : vector<16xi32> to vector<1xi32>
      %squeeze3A_216 = vector.extract %slice3A_215[0] : i32 from vector<1xi32>
      %add3A_217 = arith.addi %scan3A_168, %squeeze3A_216 : i32
      %all_reduce_population_count3A_218 = tpu.all_reduce %and3A_199 {dim = 0 : i64, kind = #tpu.reduction_kind<sum>} : vector<16xi1> -> vector<16xi32>
      %slice3A_219 = vector.extract_strided_slice %all_reduce_population_count3A_218 {offsets = [0], sizes = [1], strides = [1]} : vector<16xi32> to vector<1xi32>
      %squeeze3A_220 = vector.extract %slice3A_219[0] : i32 from vector<1xi32>
      %add3A_221 = arith.addi %scan3A_169, %squeeze3A_220 : i32
      %slice3A_222 = vector.extract_strided_slice %all_reduce_population_count3A {offsets = [0], sizes = [1], strides = [1]} : vector<16xi32> to vector<1xi32>
      %squeeze3A_223 = vector.extract %slice3A_222[0] : i32 from vector<1xi32>
      %add3A_224 = arith.addi %scan3A_170, %squeeze3A_223 : i32
      %scan3A_225 = arith.constant 1 : i32
      %scan3A_226 = arith.addi %scan3A_167, %scan3A_225 : i32
      %mul3A_227 = arith.constant 16 : i32
      %mul3A_228 = arith.muli %scan3A_226, %mul3A_227 : i32
      %get3A_229 = arith.index_cast %mul3A_228 : i32 to index
      %get3A_230 = tpu.vector_load %arg9[%get3A_229] {strides = array<i32>} : memref<4096xi32, #tpu.memory_space<vmem>>, vector<16xi32>,
      %ge3A_231 = vector.broadcast %mul3A_2 : i32 to vector<16xi32>
      %ge3A_232 = arith.cmpi sge, %get3A_230, %ge3A_231 : vector<16xi32>
      %add3A_233 = arith.constant 31250 : i32
      %add3A_234 = arith.addi %mul3A_2, %add3A_233 : i32
      %lt3A_235 = vector.broadcast %add3A_234 : i32 to vector<16xi32>
      %lt3A_236 = arith.cmpi slt, %get3A_230, %lt3A_235 : vector<16xi32>
      %and3A_237 = arith.andi %ge3A_232, %lt3A_236 : vector<16xi1>
      %sub3A_238 = vector.broadcast %mul3A_2 : i32 to vector<16xi32>
      %sub3A_239 = arith.subi %get3A_230, %sub3A_238 : vector<16xi32>
      %jit3A_240 = arith.constant 0 : i32
      %broadcast_in_dim3A_241 = vector.broadcast %jit3A_240 : i32 to vector<16xi32>
      %select_n3A_242 = arith.select %and3A_237, %sub3A_239, %broadcast_in_dim3A_241 : vector<16xi1>, vector<16xi32>
      %gather3A_243 = tpu.vector_load_idx %arg10[%select_n3A_242] : memref<31264xi32, #tpu.memory_space<vmem>>[vector<16xi32>], vector<16xi32>,
      %ge3A_244 = arith.constant 0 : i32
      %ge3A_245 = vector.broadcast %ge3A_244 : i32 to vector<16xi32>
      %ge3A_246 = arith.cmpi sge, %gather3A_243, %ge3A_245 : vector<16xi32>
      %and3A_247 = arith.andi %and3A_237, %ge3A_246 : vector<16xi1>
      %lt3A_248 = arith.constant 0 : i32
      %lt3A_249 = vector.broadcast %lt3A_248 : i32 to vector<16xi32>
      %lt3A_250 = arith.cmpi slt, %gather3A_243, %lt3A_249 : vector<16xi32>
      %and3A_251 = arith.andi %and3A_237, %lt3A_250 : vector<16xi1>
      %ge3A_252 = arith.constant 999936 : i32
      %ge3A_253 = vector.broadcast %ge3A_252 : i32 to vector<16xi32>
      %ge3A_254 = arith.cmpi sge, %get3A_230, %ge3A_253 : vector<16xi32>
      %and3A_255 = arith.andi %and3A_251, %ge3A_254 : vector<16xi1>
      %lt3A_256 = arith.constant 999936 : i32
      %lt3A_257 = vector.broadcast %lt3A_256 : i32 to vector<16xi32>
      %lt3A_258 = arith.cmpi slt, %get3A_230, %lt3A_257 : vector<16xi32>
      %and3A_259 = arith.andi %and3A_251, %lt3A_258 : vector<16xi1>
      %mul3A_260 = arith.constant 16 : i32
      %mul3A_261 = arith.muli %scan3A_226, %mul3A_260 : i32
      %add3A_262 = vector.broadcast %mul3A_261 : i32 to vector<16xi32>
      %add3A_263 = arith.addi %add3A_262, %iota3A : vector<16xi32>
      %swap3A_264 = arith.index_cast %add3A_217 : i32 to index
      %swap3A_265 = tpu.vector_load %arg12[%swap3A_264] masked %and3A_247 {strides = array<i32>} : memref<4112xi32, #tpu.memory_space<vmem>>, vector<16xi32>, vector<16xi1>
      tpu.vector_store %arg12[%swap3A_264], %gather3A_243 masked %and3A_247 {strides = array<i32>} : memref<4112xi32, #tpu.memory_space<vmem>>, vector<16xi32>, vector<16xi1>
      %swap3A_266 = arith.index_cast %add3A_217 : i32 to index
      %swap3A_267 = tpu.vector_load %arg13[%swap3A_266] masked %and3A_247 {strides = array<i32>} : memref<4112xi32, #tpu.memory_space<vmem>>, vector<16xi32>, vector<16xi1>
      tpu.vector_store %arg13[%swap3A_266], %add3A_263 masked %and3A_247 {strides = array<i32>} : memref<4112xi32, #tpu.memory_space<vmem>>, vector<16xi32>, vector<16xi1>
      %swap3A_268 = arith.index_cast %add3A_221 : i32 to index
      %swap3A_269 = tpu.vector_load %arg14[%swap3A_268] masked %and3A_259 {strides = array<i32>} : memref<4112xi32, #tpu.memory_space<vmem>>, vector<16xi32>, vector<16xi1>
      tpu.vector_store %arg14[%swap3A_268], %get3A_230 masked %and3A_259 {strides = array<i32>} : memref<4112xi32, #tpu.memory_space<vmem>>, vector<16xi32>, vector<16xi1>
      %swap3A_270 = arith.index_cast %add3A_221 : i32 to index
      %swap3A_271 = tpu.vector_load %arg15[%swap3A_270] masked %and3A_259 {strides = array<i32>} : memref<4112xi32, #tpu.memory_space<vmem>>, vector<16xi32>, vector<16xi1>
      tpu.vector_store %arg15[%swap3A_270], %add3A_263 masked %and3A_259 {strides = array<i32>} : memref<4112xi32, #tpu.memory_space<vmem>>, vector<16xi32>, vector<16xi1>
      %all_reduce_population_count3A_272 = tpu.all_reduce %and3A_255 {dim = 0 : i64, kind = #tpu.reduction_kind<sum>} : vector<16xi1> -> vector<16xi32>
      %slice3A_273 = vector.extract_strided_slice %all_reduce_population_count3A_272 {offsets = [0], sizes = [1], strides = [1]} : vector<16xi32> to vector<1xi32>
      %squeeze3A_274 = vector.extract %slice3A_273[0] : i32 from vector<1xi32>
      %gt3A_275 = arith.constant 0 : i32
      %gt3A_276 = arith.cmpi sgt, %squeeze3A_274, %gt3A_275 : i32
      %convert_element_type3A_277 = arith.extui %gt3A_276 : i1 to i32
      %cond3A_278 = arith.constant 0 : i32
      %cond3A_279 = arith.cmpi ne, %convert_element_type3A_277, %cond3A_278 : i32
      scf.if %cond3A_279 {
        %jit3A_291 = arith.constant 1 : i32
        %jit3A_292 = arith.constant 0 : i32
        %broadcast_in_dim3A_293 = vector.broadcast %jit3A_291 : i32 to vector<16xi32>
        %broadcast_in_dim3A_294 = vector.broadcast %jit3A_292 : i32 to vector<16xi32>
        %select_n3A_295 = arith.select %and3A_255, %broadcast_in_dim3A_293, %broadcast_in_dim3A_294 : vector<16xi1>, vector<16xi32>
        %broadcast_in_dim3A_296 = arith.constant true
        %broadcast_in_dim3A_297 = vector.broadcast %broadcast_in_dim3A_296 : i1 to vector<16xi1>
        %masked_cumsum3A = tpu.scan <sum>, %select_n3A_295 masked %broadcast_in_dim3A_297 : vector<16xi32>, vector<16xi1> -> vector<16xi32>
        %add3A_298 = vector.broadcast %add3A_224 : i32 to vector<16xi32>
        %add3A_299 = arith.addi %add3A_298, %masked_cumsum3A : vector<16xi32>
        %sub3A_300 = arith.constant 1 : i32
        %sub3A_301 = vector.broadcast %sub3A_300 : i32 to vector<16xi32>
        %sub3A_302 = arith.subi %add3A_299, %sub3A_301 : vector<16xi32>
        %sub3A_303 = arith.constant 4095 : i32
        %sub3A_304 = vector.broadcast %sub3A_303 : i32 to vector<16xi32>
        %sub3A_305 = arith.subi %sub3A_304, %sub3A_302 : vector<16xi32>
        %jit3A_306 = arith.constant 0 : i32
        %broadcast_in_dim3A_307 = vector.broadcast %jit3A_306 : i32 to vector<16xi32>
        %select_n3A_308 = arith.select %and3A_255, %sub3A_305, %broadcast_in_dim3A_307 : vector<16xi1>, vector<16xi32>
        tpu.vector_store_idx %arg14[%select_n3A_308], %get3A_230 masked %and3A_255 : memref<4112xi32, #tpu.memory_space<vmem>>[vector<16xi32>], vector<16xi32>, vector<16xi1>
        tpu.vector_store_idx %arg15[%select_n3A_308], %add3A_263 masked %and3A_255 : memref<4112xi32, #tpu.memory_space<vmem>>[vector<16xi32>], vector<16xi32>, vector<16xi1>
      } else {
      }
      %all_reduce_population_count3A_280 = tpu.all_reduce %and3A_247 {dim = 0 : i64, kind = #tpu.reduction_kind<sum>} : vector<16xi1> -> vector<16xi32>
      %slice3A_281 = vector.extract_strided_slice %all_reduce_population_count3A_280 {offsets = [0], sizes = [1], strides = [1]} : vector<16xi32> to vector<1xi32>
      %squeeze3A_282 = vector.extract %slice3A_281[0] : i32 from vector<1xi32>
      %add3A_283 = arith.addi %add3A_217, %squeeze3A_282 : i32
      %all_reduce_population_count3A_284 = tpu.all_reduce %and3A_259 {dim = 0 : i64, kind = #tpu.reduction_kind<sum>} : vector<16xi1> -> vector<16xi32>
      %slice3A_285 = vector.extract_strided_slice %all_reduce_population_count3A_284 {offsets = [0], sizes = [1], strides = [1]} : vector<16xi32> to vector<1xi32>
      %squeeze3A_286 = vector.extract %slice3A_285[0] : i32 from vector<1xi32>
      %add3A_287 = arith.addi %add3A_221, %squeeze3A_286 : i32
      %slice3A_288 = vector.extract_strided_slice %all_reduce_population_count3A_272 {offsets = [0], sizes = [1], strides = [1]} : vector<16xi32> to vector<1xi32>
      %squeeze3A_289 = vector.extract %slice3A_288[0] : i32 from vector<1xi32>
      %add3A_290 = arith.addi %add3A_224, %squeeze3A_289 : i32
      scf.yield %add3A_283, %add3A_287, %add3A_290 : i32, i32, i32
    }
    %scan3A_47 = arith.constant 256 : i32
    %broadcast_in_dim3A_48 = arith.constant 4096 : i32
    %broadcast_in_dim3A_49 = vector.broadcast %broadcast_in_dim3A_48 : i32 to vector<16xi32>
    %add3A_50 = arith.constant 8 : i32
    %add3A_51 = arith.addi %scan3A_46#0, %add3A_50 : i32
    %sub3A = arith.constant 1 : i32
    %sub3A_52 = arith.subi %add3A_51, %sub3A : i32
    %jit3A = arith.constant 8 : i32
    %div3A = arith.divsi %sub3A_52, %jit3A : i32
    %sign3A = arith.constant 0 : i32
    %sign3A_53 = arith.cmpi sgt, %sub3A_52, %sign3A : i32
    %sign3A_54 = arith.extui %sign3A_53 : i1 to i32
    %sign3A_55 = arith.constant 0 : i32
    %sign3A_56 = arith.cmpi slt, %sub3A_52, %sign3A_55 : i32
    %sign3A_57 = arith.extui %sign3A_56 : i1 to i32
    %sign3A_58 = arith.subi %sign3A_54, %sign3A_57 : i32
    %sign3A_59 = arith.constant 0 : i32
    %sign3A_60 = arith.cmpi sgt, %jit3A, %sign3A_59 : i32
    %sign3A_61 = arith.extui %sign3A_60 : i1 to i32
    %sign3A_62 = arith.constant 0 : i32
    %sign3A_63 = arith.cmpi slt, %jit3A, %sign3A_62 : i32
    %sign3A_64 = arith.extui %sign3A_63 : i1 to i32
    %sign3A_65 = arith.subi %sign3A_61, %sign3A_64 : i32
    %ne3A = arith.cmpi ne, %sign3A_58, %sign3A_65 : i32
    %rem3A = arith.remsi %sub3A_52, %jit3A : i32
    %ne3A_66 = arith.constant 0 : i32
    %ne3A_67 = arith.cmpi ne, %rem3A, %ne3A_66 : i32
    %and3A = arith.andi %ne3A, %ne3A_67 : i1
    %sub3A_68 = arith.constant 1 : i32
    %sub3A_69 = arith.subi %div3A, %sub3A_68 : i32
    %select_n3A = arith.select %and3A, %sub3A_69, %div3A : i32
    %while3A_70 = arith.constant 0 : i32
    %while3A_71 = arith.constant 0 : i32
    %while3A_72 = arith.subi %select_n3A, %while3A_71 : i32
    %while3A_73 = arith.addi %while3A_71, %while3A_72 : i32
    %while3A_74 = arith.constant 1 : i32
    %while3A_75 = arith.divsi %while3A_72, %while3A_74 : i32
    %while3A_76 = arith.muli %while3A_75, %while3A_74 : i32
    %while3A_77 = arith.addi %while3A_71, %while3A_76 : i32
    %while3A_78 = arith.constant 1 : i32
    scf.for %while3A_167 = %while3A_71 to %while3A_77 step %while3A_78  : i32 {
      %mul3A_168 = arith.constant 8 : i32
      %mul3A_169 = arith.muli %while3A_167, %mul3A_168 : i32
      %get3A = arith.index_cast %mul3A_169 : i32 to index
      %get3A_170 = tpu.vector_load %arg12[%get3A] {strides = array<i32>} : memref<4112xi32, #tpu.memory_space<vmem>>, vector<16xi32>,
      %eq3A = arith.constant 0 : i32
      %eq3A_171 = vector.broadcast %eq3A : i32 to vector<16xi32>
      %eq3A_172 = arith.cmpi eq, %iota3A, %eq3A_171 : vector<16xi32>
      %jit3A_173 = arith.constant 0 : i32
      %broadcast_in_dim3A_174 = vector.broadcast %jit3A_173 : i32 to vector<16xi32>
      %select_n3A_175 = arith.select %eq3A_172, %get3A_170, %broadcast_in_dim3A_174 : vector<16xi1>, vector<16xi32>
      %reduce_max3A = arith.constant true
      %reduce_max3A_176 = vector.broadcast %reduce_max3A : i1 to vector<16xi1>
      %reduce_max3A_177 = arith.constant -2147483648 : i32
      %reduce_max3A_178 = vector.broadcast %reduce_max3A_177 : i32 to vector<16xi32>
      %reduce_max3A_179 = arith.xori %select_n3A_175, %reduce_max3A_178 : vector<16xi32>
      %reduce_max3A_180 = tpu.scan <max>, %reduce_max3A_179 masked %reduce_max3A_176 : vector<16xi32>, vector<16xi1> -> vector<16xi32>
      %reduce_max3A_181 = arith.xori %reduce_max3A_180, %reduce_max3A_178 : vector<16xi32>
      %reduce_max3A_182 = vector.extract %reduce_max3A_181[15] : i32 from vector<16xi32>
      %shift_right_logical3A = arith.constant 7 : i32
      %shift_right_logical3A_183 = arith.shrui %reduce_max3A_182, %shift_right_logical3A : i32
      %shift_left3A = arith.constant 7 : i32
      %shift_left3A_184 = arith.shli %shift_right_logical3A_183, %shift_left3A : i32
      %multiple_of3A = tpu.assume_multiple %shift_left3A_184, 128 : i32
      %eq3A_185 = arith.constant 1 : i32
      %eq3A_186 = vector.broadcast %eq3A_185 : i32 to vector<16xi32>
      %eq3A_187 = arith.cmpi eq, %iota3A, %eq3A_186 : vector<16xi32>
      %jit3A_188 = arith.constant 0 : i32
      %broadcast_in_dim3A_189 = vector.broadcast %jit3A_188 : i32 to vector<16xi32>
      %select_n3A_190 = arith.select %eq3A_187, %get3A_170, %broadcast_in_dim3A_189 : vector<16xi1>, vector<16xi32>
      %reduce_max3A_191 = arith.constant true
      %reduce_max3A_192 = vector.broadcast %reduce_max3A_191 : i1 to vector<16xi1>
      %reduce_max3A_193 = arith.constant -2147483648 : i32
      %reduce_max3A_194 = vector.broadcast %reduce_max3A_193 : i32 to vector<16xi32>
      %reduce_max3A_195 = arith.xori %select_n3A_190, %reduce_max3A_194 : vector<16xi32>
      %reduce_max3A_196 = tpu.scan <max>, %reduce_max3A_195 masked %reduce_max3A_192 : vector<16xi32>, vector<16xi1> -> vector<16xi32>
      %reduce_max3A_197 = arith.xori %reduce_max3A_196, %reduce_max3A_194 : vector<16xi32>
      %reduce_max3A_198 = vector.extract %reduce_max3A_197[15] : i32 from vector<16xi32>
      %shift_right_logical3A_199 = arith.constant 7 : i32
      %shift_right_logical3A_200 = arith.shrui %reduce_max3A_198, %shift_right_logical3A_199 : i32
      %shift_left3A_201 = arith.constant 7 : i32
      %shift_left3A_202 = arith.shli %shift_right_logical3A_200, %shift_left3A_201 : i32
      %multiple_of3A_203 = tpu.assume_multiple %shift_left3A_202, 128 : i32
      %eq3A_204 = arith.constant 2 : i32
      %eq3A_205 = vector.broadcast %eq3A_204 : i32 to vector<16xi32>
      %eq3A_206 = arith.cmpi eq, %iota3A, %eq3A_205 : vector<16xi32>
      %jit3A_207 = arith.constant 0 : i32
      %broadcast_in_dim3A_208 = vector.broadcast %jit3A_207 : i32 to vector<16xi32>
      %select_n3A_209 = arith.select %eq3A_206, %get3A_170, %broadcast_in_dim3A_208 : vector<16xi1>, vector<16xi32>
      %reduce_max3A_210 = arith.constant true
      %reduce_max3A_211 = vector.broadcast %reduce_max3A_210 : i1 to vector<16xi1>
      %reduce_max3A_212 = arith.constant -2147483648 : i32
      %reduce_max3A_213 = vector.broadcast %reduce_max3A_212 : i32 to vector<16xi32>
      %reduce_max3A_214 = arith.xori %select_n3A_209, %reduce_max3A_213 : vector<16xi32>
      %reduce_max3A_215 = tpu.scan <max>, %reduce_max3A_214 masked %reduce_max3A_211 : vector<16xi32>, vector<16xi1> -> vector<16xi32>
      %reduce_max3A_216 = arith.xori %reduce_max3A_215, %reduce_max3A_213 : vector<16xi32>
      %reduce_max3A_217 = vector.extract %reduce_max3A_216[15] : i32 from vector<16xi32>
      %shift_right_logical3A_218 = arith.constant 7 : i32
      %shift_right_logical3A_219 = arith.shrui %reduce_max3A_217, %shift_right_logical3A_218 : i32
      %shift_left3A_220 = arith.constant 7 : i32
      %shift_left3A_221 = arith.shli %shift_right_logical3A_219, %shift_left3A_220 : i32
      %multiple_of3A_222 = tpu.assume_multiple %shift_left3A_221, 128 : i32
      %eq3A_223 = arith.constant 3 : i32
      %eq3A_224 = vector.broadcast %eq3A_223 : i32 to vector<16xi32>
      %eq3A_225 = arith.cmpi eq, %iota3A, %eq3A_224 : vector<16xi32>
      %jit3A_226 = arith.constant 0 : i32
      %broadcast_in_dim3A_227 = vector.broadcast %jit3A_226 : i32 to vector<16xi32>
      %select_n3A_228 = arith.select %eq3A_225, %get3A_170, %broadcast_in_dim3A_227 : vector<16xi1>, vector<16xi32>
      %reduce_max3A_229 = arith.constant true
      %reduce_max3A_230 = vector.broadcast %reduce_max3A_229 : i1 to vector<16xi1>
      %reduce_max3A_231 = arith.constant -2147483648 : i32
      %reduce_max3A_232 = vector.broadcast %reduce_max3A_231 : i32 to vector<16xi32>
      %reduce_max3A_233 = arith.xori %select_n3A_228, %reduce_max3A_232 : vector<16xi32>
      %reduce_max3A_234 = tpu.scan <max>, %reduce_max3A_233 masked %reduce_max3A_230 : vector<16xi32>, vector<16xi1> -> vector<16xi32>
      %reduce_max3A_235 = arith.xori %reduce_max3A_234, %reduce_max3A_232 : vector<16xi32>
      %reduce_max3A_236 = vector.extract %reduce_max3A_235[15] : i32 from vector<16xi32>
      %shift_right_logical3A_237 = arith.constant 7 : i32
      %shift_right_logical3A_238 = arith.shrui %reduce_max3A_236, %shift_right_logical3A_237 : i32
      %shift_left3A_239 = arith.constant 7 : i32
      %shift_left3A_240 = arith.shli %shift_right_logical3A_238, %shift_left3A_239 : i32
      %multiple_of3A_241 = tpu.assume_multiple %shift_left3A_240, 128 : i32
      %eq3A_242 = arith.constant 4 : i32
      %eq3A_243 = vector.broadcast %eq3A_242 : i32 to vector<16xi32>
      %eq3A_244 = arith.cmpi eq, %iota3A, %eq3A_243 : vector<16xi32>
      %jit3A_245 = arith.constant 0 : i32
      %broadcast_in_dim3A_246 = vector.broadcast %jit3A_245 : i32 to vector<16xi32>
      %select_n3A_247 = arith.select %eq3A_244, %get3A_170, %broadcast_in_dim3A_246 : vector<16xi1>, vector<16xi32>
      %reduce_max3A_248 = arith.constant true
      %reduce_max3A_249 = vector.broadcast %reduce_max3A_248 : i1 to vector<16xi1>
      %reduce_max3A_250 = arith.constant -2147483648 : i32
      %reduce_max3A_251 = vector.broadcast %reduce_max3A_250 : i32 to vector<16xi32>
      %reduce_max3A_252 = arith.xori %select_n3A_247, %reduce_max3A_251 : vector<16xi32>
      %reduce_max3A_253 = tpu.scan <max>, %reduce_max3A_252 masked %reduce_max3A_249 : vector<16xi32>, vector<16xi1> -> vector<16xi32>
      %reduce_max3A_254 = arith.xori %reduce_max3A_253, %reduce_max3A_251 : vector<16xi32>
      %reduce_max3A_255 = vector.extract %reduce_max3A_254[15] : i32 from vector<16xi32>
      %shift_right_logical3A_256 = arith.constant 7 : i32
      %shift_right_logical3A_257 = arith.shrui %reduce_max3A_255, %shift_right_logical3A_256 : i32
      %shift_left3A_258 = arith.constant 7 : i32
      %shift_left3A_259 = arith.shli %shift_right_logical3A_257, %shift_left3A_258 : i32
      %multiple_of3A_260 = tpu.assume_multiple %shift_left3A_259, 128 : i32
      %eq3A_261 = arith.constant 5 : i32
      %eq3A_262 = vector.broadcast %eq3A_261 : i32 to vector<16xi32>
      %eq3A_263 = arith.cmpi eq, %iota3A, %eq3A_262 : vector<16xi32>
      %jit3A_264 = arith.constant 0 : i32
      %broadcast_in_dim3A_265 = vector.broadcast %jit3A_264 : i32 to vector<16xi32>
      %select_n3A_266 = arith.select %eq3A_263, %get3A_170, %broadcast_in_dim3A_265 : vector<16xi1>, vector<16xi32>
      %reduce_max3A_267 = arith.constant true
      %reduce_max3A_268 = vector.broadcast %reduce_max3A_267 : i1 to vector<16xi1>
      %reduce_max3A_269 = arith.constant -2147483648 : i32
      %reduce_max3A_270 = vector.broadcast %reduce_max3A_269 : i32 to vector<16xi32>
      %reduce_max3A_271 = arith.xori %select_n3A_266, %reduce_max3A_270 : vector<16xi32>
      %reduce_max3A_272 = tpu.scan <max>, %reduce_max3A_271 masked %reduce_max3A_268 : vector<16xi32>, vector<16xi1> -> vector<16xi32>
      %reduce_max3A_273 = arith.xori %reduce_max3A_272, %reduce_max3A_270 : vector<16xi32>
      %reduce_max3A_274 = vector.extract %reduce_max3A_273[15] : i32 from vector<16xi32>
      %shift_right_logical3A_275 = arith.constant 7 : i32
      %shift_right_logical3A_276 = arith.shrui %reduce_max3A_274, %shift_right_logical3A_275 : i32
      %shift_left3A_277 = arith.constant 7 : i32
      %shift_left3A_278 = arith.shli %shift_right_logical3A_276, %shift_left3A_277 : i32
      %multiple_of3A_279 = tpu.assume_multiple %shift_left3A_278, 128 : i32
      %eq3A_280 = arith.constant 6 : i32
      %eq3A_281 = vector.broadcast %eq3A_280 : i32 to vector<16xi32>
      %eq3A_282 = arith.cmpi eq, %iota3A, %eq3A_281 : vector<16xi32>
      %jit3A_283 = arith.constant 0 : i32
      %broadcast_in_dim3A_284 = vector.broadcast %jit3A_283 : i32 to vector<16xi32>
      %select_n3A_285 = arith.select %eq3A_282, %get3A_170, %broadcast_in_dim3A_284 : vector<16xi1>, vector<16xi32>
      %reduce_max3A_286 = arith.constant true
      %reduce_max3A_287 = vector.broadcast %reduce_max3A_286 : i1 to vector<16xi1>
      %reduce_max3A_288 = arith.constant -2147483648 : i32
      %reduce_max3A_289 = vector.broadcast %reduce_max3A_288 : i32 to vector<16xi32>
      %reduce_max3A_290 = arith.xori %select_n3A_285, %reduce_max3A_289 : vector<16xi32>
      %reduce_max3A_291 = tpu.scan <max>, %reduce_max3A_290 masked %reduce_max3A_287 : vector<16xi32>, vector<16xi1> -> vector<16xi32>
      %reduce_max3A_292 = arith.xori %reduce_max3A_291, %reduce_max3A_289 : vector<16xi32>
      %reduce_max3A_293 = vector.extract %reduce_max3A_292[15] : i32 from vector<16xi32>
      %shift_right_logical3A_294 = arith.constant 7 : i32
      %shift_right_logical3A_295 = arith.shrui %reduce_max3A_293, %shift_right_logical3A_294 : i32
      %shift_left3A_296 = arith.constant 7 : i32
      %shift_left3A_297 = arith.shli %shift_right_logical3A_295, %shift_left3A_296 : i32
      %multiple_of3A_298 = tpu.assume_multiple %shift_left3A_297, 128 : i32
      %eq3A_299 = arith.constant 7 : i32
      %eq3A_300 = vector.broadcast %eq3A_299 : i32 to vector<16xi32>
      %eq3A_301 = arith.cmpi eq, %iota3A, %eq3A_300 : vector<16xi32>
      %jit3A_302 = arith.constant 0 : i32
      %broadcast_in_dim3A_303 = vector.broadcast %jit3A_302 : i32 to vector<16xi32>
      %select_n3A_304 = arith.select %eq3A_301, %get3A_170, %broadcast_in_dim3A_303 : vector<16xi1>, vector<16xi32>
      %reduce_max3A_305 = arith.constant true
      %reduce_max3A_306 = vector.broadcast %reduce_max3A_305 : i1 to vector<16xi1>
      %reduce_max3A_307 = arith.constant -2147483648 : i32
      %reduce_max3A_308 = vector.broadcast %reduce_max3A_307 : i32 to vector<16xi32>
      %reduce_max3A_309 = arith.xori %select_n3A_304, %reduce_max3A_308 : vector<16xi32>
      %reduce_max3A_310 = tpu.scan <max>, %reduce_max3A_309 masked %reduce_max3A_306 : vector<16xi32>, vector<16xi1> -> vector<16xi32>
      %reduce_max3A_311 = arith.xori %reduce_max3A_310, %reduce_max3A_308 : vector<16xi32>
      %reduce_max3A_312 = vector.extract %reduce_max3A_311[15] : i32 from vector<16xi32>
      %shift_right_logical3A_313 = arith.constant 7 : i32
      %shift_right_logical3A_314 = arith.shrui %reduce_max3A_312, %shift_right_logical3A_313 : i32
      %shift_left3A_315 = arith.constant 7 : i32
      %shift_left3A_316 = arith.shli %shift_right_logical3A_314, %shift_left3A_315 : i32
      %multiple_of3A_317 = tpu.assume_multiple %shift_left3A_316, 128 : i32
      %dma_start3A_318 = arith.constant 0 : i32
      %dma_start3A_319 = arith.constant 0 : i32
      %dma_start3A_320 = arith.constant 0 : i32
      %dma_start3A_321 = tpu.memref_slice %arg16[%dma_start3A_318, %dma_start3A_319, %dma_start3A_320] : memref<8x32x128xf32, #tpu.memory_space<vmem>> -> memref<1x32x128xf32, #tpu.memory_space<vmem>>
      %dma_start3A_322 = tpu.memref_squeeze %dma_start3A_321 : memref<1x32x128xf32, #tpu.memory_space<vmem>> -> memref<32x128xf32, #tpu.memory_space<vmem>>
      %dma_start3A_323 = arith.constant 0 : i32
      %dma_start3A_324 = tpu.memref_slice %arg4[%dma_start3A_323, %multiple_of3A] : memref<32x16384xf32, #tpu.memory_space<hbm>> -> memref<32x128xf32, #tpu.memory_space<hbm>>
      %dma_start3A_325 = arith.constant 0 : i32
      %dma_start3A_326 = arith.constant 0 : i32
      %dma_start3A_327 = tpu.memref_slice %arg16[%dma_start3A_318, %dma_start3A_325, %dma_start3A_326] : memref<8x32x128xf32, #tpu.memory_space<vmem>> -> memref<1x32x128xf32, #tpu.memory_space<vmem>>
      %dma_start3A_328 = tpu.memref_squeeze %dma_start3A_327 : memref<1x32x128xf32, #tpu.memory_space<vmem>> -> memref<32x128xf32, #tpu.memory_space<vmem>>
      %dma_start3A_329 = arith.constant 0 : i32
      %dma_start3A_330 = tpu.memref_slice %arg4[%dma_start3A_329, %multiple_of3A] : memref<32x16384xf32, #tpu.memory_space<hbm>> -> memref<32x128xf32, #tpu.memory_space<hbm>>
      tpu.enqueue_dma source(%dma_start3A_330 : memref<32x128xf32, #tpu.memory_space<hbm>>) target(%dma_start3A_328 : memref<32x128xf32, #tpu.memory_space<vmem>>) target_semaphore(%arg18 : memref<!tpu.dma_semaphore, #tpu.memory_space<semaphore_mem>>)
      %dma_start3A_331 = arith.constant 1 : i32
      %dma_start3A_332 = arith.constant 0 : i32
      %dma_start3A_333 = arith.constant 0 : i32
      %dma_start3A_334 = tpu.memref_slice %arg16[%dma_start3A_331, %dma_start3A_332, %dma_start3A_333] : memref<8x32x128xf32, #tpu.memory_space<vmem>> -> memref<1x32x128xf32, #tpu.memory_space<vmem>>
      %dma_start3A_335 = tpu.memref_squeeze %dma_start3A_334 : memref<1x32x128xf32, #tpu.memory_space<vmem>> -> memref<32x128xf32, #tpu.memory_space<vmem>>
      %dma_start3A_336 = arith.constant 0 : i32
      %dma_start3A_337 = tpu.memref_slice %arg4[%dma_start3A_336, %multiple_of3A_203] : memref<32x16384xf32, #tpu.memory_space<hbm>> -> memref<32x128xf32, #tpu.memory_space<hbm>>
      %dma_start3A_338 = arith.constant 0 : i32
      %dma_start3A_339 = arith.constant 0 : i32
      %dma_start3A_340 = tpu.memref_slice %arg16[%dma_start3A_331, %dma_start3A_338, %dma_start3A_339] : memref<8x32x128xf32, #tpu.memory_space<vmem>> -> memref<1x32x128xf32, #tpu.memory_space<vmem>>
      %dma_start3A_341 = tpu.memref_squeeze %dma_start3A_340 : memref<1x32x128xf32, #tpu.memory_space<vmem>> -> memref<32x128xf32, #tpu.memory_space<vmem>>
      %dma_start3A_342 = arith.constant 0 : i32
      %dma_start3A_343 = tpu.memref_slice %arg4[%dma_start3A_342, %multiple_of3A_203] : memref<32x16384xf32, #tpu.memory_space<hbm>> -> memref<32x128xf32, #tpu.memory_space<hbm>>
      tpu.enqueue_dma source(%dma_start3A_343 : memref<32x128xf32, #tpu.memory_space<hbm>>) target(%dma_start3A_341 : memref<32x128xf32, #tpu.memory_space<vmem>>) target_semaphore(%arg18 : memref<!tpu.dma_semaphore, #tpu.memory_space<semaphore_mem>>)
      %dma_start3A_344 = arith.constant 2 : i32
      %dma_start3A_345 = arith.constant 0 : i32
      %dma_start3A_346 = arith.constant 0 : i32
      %dma_start3A_347 = tpu.memref_slice %arg16[%dma_start3A_344, %dma_start3A_345, %dma_start3A_346] : memref<8x32x128xf32, #tpu.memory_space<vmem>> -> memref<1x32x128xf32, #tpu.memory_space<vmem>>
      %dma_start3A_348 = tpu.memref_squeeze %dma_start3A_347 : memref<1x32x128xf32, #tpu.memory_space<vmem>> -> memref<32x128xf32, #tpu.memory_space<vmem>>
      %dma_start3A_349 = arith.constant 0 : i32
      %dma_start3A_350 = tpu.memref_slice %arg4[%dma_start3A_349, %multiple_of3A_222] : memref<32x16384xf32, #tpu.memory_space<hbm>> -> memref<32x128xf32, #tpu.memory_space<hbm>>
      %dma_start3A_351 = arith.constant 0 : i32
      %dma_start3A_352 = arith.constant 0 : i32
      %dma_start3A_353 = tpu.memref_slice %arg16[%dma_start3A_344, %dma_start3A_351, %dma_start3A_352] : memref<8x32x128xf32, #tpu.memory_space<vmem>> -> memref<1x32x128xf32, #tpu.memory_space<vmem>>
      %dma_start3A_354 = tpu.memref_squeeze %dma_start3A_353 : memref<1x32x128xf32, #tpu.memory_space<vmem>> -> memref<32x128xf32, #tpu.memory_space<vmem>>
      %dma_start3A_355 = arith.constant 0 : i32
      %dma_start3A_356 = tpu.memref_slice %arg4[%dma_start3A_355, %multiple_of3A_222] : memref<32x16384xf32, #tpu.memory_space<hbm>> -> memref<32x128xf32, #tpu.memory_space<hbm>>
      tpu.enqueue_dma source(%dma_start3A_356 : memref<32x128xf32, #tpu.memory_space<hbm>>) target(%dma_start3A_354 : memref<32x128xf32, #tpu.memory_space<vmem>>) target_semaphore(%arg18 : memref<!tpu.dma_semaphore, #tpu.memory_space<semaphore_mem>>)
      %dma_start3A_357 = arith.constant 3 : i32
      %dma_start3A_358 = arith.constant 0 : i32
      %dma_start3A_359 = arith.constant 0 : i32
      %dma_start3A_360 = tpu.memref_slice %arg16[%dma_start3A_357, %dma_start3A_358, %dma_start3A_359] : memref<8x32x128xf32, #tpu.memory_space<vmem>> -> memref<1x32x128xf32, #tpu.memory_space<vmem>>
      %dma_start3A_361 = tpu.memref_squeeze %dma_start3A_360 : memref<1x32x128xf32, #tpu.memory_space<vmem>> -> memref<32x128xf32, #tpu.memory_space<vmem>>
      %dma_start3A_362 = arith.constant 0 : i32
      %dma_start3A_363 = tpu.memref_slice %arg4[%dma_start3A_362, %multiple_of3A_241] : memref<32x16384xf32, #tpu.memory_space<hbm>> -> memref<32x128xf32, #tpu.memory_space<hbm>>
      %dma_start3A_364 = arith.constant 0 : i32
      %dma_start3A_365 = arith.constant 0 : i32
      %dma_start3A_366 = tpu.memref_slice %arg16[%dma_start3A_357, %dma_start3A_364, %dma_start3A_365] : memref<8x32x128xf32, #tpu.memory_space<vmem>> -> memref<1x32x128xf32, #tpu.memory_space<vmem>>
      %dma_start3A_367 = tpu.memref_squeeze %dma_start3A_366 : memref<1x32x128xf32, #tpu.memory_space<vmem>> -> memref<32x128xf32, #tpu.memory_space<vmem>>
      %dma_start3A_368 = arith.constant 0 : i32
      %dma_start3A_369 = tpu.memref_slice %arg4[%dma_start3A_368, %multiple_of3A_241] : memref<32x16384xf32, #tpu.memory_space<hbm>> -> memref<32x128xf32, #tpu.memory_space<hbm>>
      tpu.enqueue_dma source(%dma_start3A_369 : memref<32x128xf32, #tpu.memory_space<hbm>>) target(%dma_start3A_367 : memref<32x128xf32, #tpu.memory_space<vmem>>) target_semaphore(%arg18 : memref<!tpu.dma_semaphore, #tpu.memory_space<semaphore_mem>>)
      %dma_start3A_370 = arith.constant 4 : i32
      %dma_start3A_371 = arith.constant 0 : i32
      %dma_start3A_372 = arith.constant 0 : i32
      %dma_start3A_373 = tpu.memref_slice %arg16[%dma_start3A_370, %dma_start3A_371, %dma_start3A_372] : memref<8x32x128xf32, #tpu.memory_space<vmem>> -> memref<1x32x128xf32, #tpu.memory_space<vmem>>
      %dma_start3A_374 = tpu.memref_squeeze %dma_start3A_373 : memref<1x32x128xf32, #tpu.memory_space<vmem>> -> memref<32x128xf32, #tpu.memory_space<vmem>>
      %dma_start3A_375 = arith.constant 0 : i32
      %dma_start3A_376 = tpu.memref_slice %arg4[%dma_start3A_375, %multiple_of3A_260] : memref<32x16384xf32, #tpu.memory_space<hbm>> -> memref<32x128xf32, #tpu.memory_space<hbm>>
      %dma_start3A_377 = arith.constant 0 : i32
      %dma_start3A_378 = arith.constant 0 : i32
      %dma_start3A_379 = tpu.memref_slice %arg16[%dma_start3A_370, %dma_start3A_377, %dma_start3A_378] : memref<8x32x128xf32, #tpu.memory_space<vmem>> -> memref<1x32x128xf32, #tpu.memory_space<vmem>>
      %dma_start3A_380 = tpu.memref_squeeze %dma_start3A_379 : memref<1x32x128xf32, #tpu.memory_space<vmem>> -> memref<32x128xf32, #tpu.memory_space<vmem>>
      %dma_start3A_381 = arith.constant 0 : i32
      %dma_start3A_382 = tpu.memref_slice %arg4[%dma_start3A_381, %multiple_of3A_260] : memref<32x16384xf32, #tpu.memory_space<hbm>> -> memref<32x128xf32, #tpu.memory_space<hbm>>
      tpu.enqueue_dma source(%dma_start3A_382 : memref<32x128xf32, #tpu.memory_space<hbm>>) target(%dma_start3A_380 : memref<32x128xf32, #tpu.memory_space<vmem>>) target_semaphore(%arg18 : memref<!tpu.dma_semaphore, #tpu.memory_space<semaphore_mem>>)
      %dma_start3A_383 = arith.constant 5 : i32
      %dma_start3A_384 = arith.constant 0 : i32
      %dma_start3A_385 = arith.constant 0 : i32
      %dma_start3A_386 = tpu.memref_slice %arg16[%dma_start3A_383, %dma_start3A_384, %dma_start3A_385] : memref<8x32x128xf32, #tpu.memory_space<vmem>> -> memref<1x32x128xf32, #tpu.memory_space<vmem>>
      %dma_start3A_387 = tpu.memref_squeeze %dma_start3A_386 : memref<1x32x128xf32, #tpu.memory_space<vmem>> -> memref<32x128xf32, #tpu.memory_space<vmem>>
      %dma_start3A_388 = arith.constant 0 : i32
      %dma_start3A_389 = tpu.memref_slice %arg4[%dma_start3A_388, %multiple_of3A_279] : memref<32x16384xf32, #tpu.memory_space<hbm>> -> memref<32x128xf32, #tpu.memory_space<hbm>>
      %dma_start3A_390 = arith.constant 0 : i32
      %dma_start3A_391 = arith.constant 0 : i32
      %dma_start3A_392 = tpu.memref_slice %arg16[%dma_start3A_383, %dma_start3A_390, %dma_start3A_391] : memref<8x32x128xf32, #tpu.memory_space<vmem>> -> memref<1x32x128xf32, #tpu.memory_space<vmem>>
      %dma_start3A_393 = tpu.memref_squeeze %dma_start3A_392 : memref<1x32x128xf32, #tpu.memory_space<vmem>> -> memref<32x128xf32, #tpu.memory_space<vmem>>
      %dma_start3A_394 = arith.constant 0 : i32
      %dma_start3A_395 = tpu.memref_slice %arg4[%dma_start3A_394, %multiple_of3A_279] : memref<32x16384xf32, #tpu.memory_space<hbm>> -> memref<32x128xf32, #tpu.memory_space<hbm>>
      tpu.enqueue_dma source(%dma_start3A_395 : memref<32x128xf32, #tpu.memory_space<hbm>>) target(%dma_start3A_393 : memref<32x128xf32, #tpu.memory_space<vmem>>) target_semaphore(%arg18 : memref<!tpu.dma_semaphore, #tpu.memory_space<semaphore_mem>>)
      %dma_start3A_396 = arith.constant 6 : i32
      %dma_start3A_397 = arith.constant 0 : i32
      %dma_start3A_398 = arith.constant 0 : i32
      %dma_start3A_399 = tpu.memref_slice %arg16[%dma_start3A_396, %dma_start3A_397, %dma_start3A_398] : memref<8x32x128xf32, #tpu.memory_space<vmem>> -> memref<1x32x128xf32, #tpu.memory_space<vmem>>
      %dma_start3A_400 = tpu.memref_squeeze %dma_start3A_399 : memref<1x32x128xf32, #tpu.memory_space<vmem>> -> memref<32x128xf32, #tpu.memory_space<vmem>>
      %dma_start3A_401 = arith.constant 0 : i32
      %dma_start3A_402 = tpu.memref_slice %arg4[%dma_start3A_401, %multiple_of3A_298] : memref<32x16384xf32, #tpu.memory_space<hbm>> -> memref<32x128xf32, #tpu.memory_space<hbm>>
      %dma_start3A_403 = arith.constant 0 : i32
      %dma_start3A_404 = arith.constant 0 : i32
      %dma_start3A_405 = tpu.memref_slice %arg16[%dma_start3A_396, %dma_start3A_403, %dma_start3A_404] : memref<8x32x128xf32, #tpu.memory_space<vmem>> -> memref<1x32x128xf32, #tpu.memory_space<vmem>>
      %dma_start3A_406 = tpu.memref_squeeze %dma_start3A_405 : memref<1x32x128xf32, #tpu.memory_space<vmem>> -> memref<32x128xf32, #tpu.memory_space<vmem>>
      %dma_start3A_407 = arith.constant 0 : i32
      %dma_start3A_408 = tpu.memref_slice %arg4[%dma_start3A_407, %multiple_of3A_298] : memref<32x16384xf32, #tpu.memory_space<hbm>> -> memref<32x128xf32, #tpu.memory_space<hbm>>
      tpu.enqueue_dma source(%dma_start3A_408 : memref<32x128xf32, #tpu.memory_space<hbm>>) target(%dma_start3A_406 : memref<32x128xf32, #tpu.memory_space<vmem>>) target_semaphore(%arg18 : memref<!tpu.dma_semaphore, #tpu.memory_space<semaphore_mem>>)
      %dma_start3A_409 = arith.constant 7 : i32
      %dma_start3A_410 = arith.constant 0 : i32
      %dma_start3A_411 = arith.constant 0 : i32
      %dma_start3A_412 = tpu.memref_slice %arg16[%dma_start3A_409, %dma_start3A_410, %dma_start3A_411] : memref<8x32x128xf32, #tpu.memory_space<vmem>> -> memref<1x32x128xf32, #tpu.memory_space<vmem>>
      %dma_start3A_413 = tpu.memref_squeeze %dma_start3A_412 : memref<1x32x128xf32, #tpu.memory_space<vmem>> -> memref<32x128xf32, #tpu.memory_space<vmem>>
      %dma_start3A_414 = arith.constant 0 : i32
      %dma_start3A_415 = tpu.memref_slice %arg4[%dma_start3A_414, %multiple_of3A_317] : memref<32x16384xf32, #tpu.memory_space<hbm>> -> memref<32x128xf32, #tpu.memory_space<hbm>>
      %dma_start3A_416 = arith.constant 0 : i32
      %dma_start3A_417 = arith.constant 0 : i32
      %dma_start3A_418 = tpu.memref_slice %arg16[%dma_start3A_409, %dma_start3A_416, %dma_start3A_417] : memref<8x32x128xf32, #tpu.memory_space<vmem>> -> memref<1x32x128xf32, #tpu.memory_space<vmem>>
      %dma_start3A_419 = tpu.memref_squeeze %dma_start3A_418 : memref<1x32x128xf32, #tpu.memory_space<vmem>> -> memref<32x128xf32, #tpu.memory_space<vmem>>
      %dma_start3A_420 = arith.constant 0 : i32
      %dma_start3A_421 = tpu.memref_slice %arg4[%dma_start3A_420, %multiple_of3A_317] : memref<32x16384xf32, #tpu.memory_space<hbm>> -> memref<32x128xf32, #tpu.memory_space<hbm>>
      tpu.enqueue_dma source(%dma_start3A_421 : memref<32x128xf32, #tpu.memory_space<hbm>>) target(%dma_start3A_419 : memref<32x128xf32, #tpu.memory_space<vmem>>) target_semaphore(%arg18 : memref<!tpu.dma_semaphore, #tpu.memory_space<semaphore_mem>>)
      %mul3A_422 = arith.constant 8 : i32
      %mul3A_423 = arith.muli %while3A_167, %mul3A_422 : i32
      %get3A_424 = arith.index_cast %mul3A_423 : i32 to index
      %get3A_425 = tpu.vector_load %arg13[%get3A_424] {strides = array<i32>} : memref<4112xi32, #tpu.memory_space<vmem>>, vector<16xi32>,
      %lt3A = arith.constant 8 : i32
      %lt3A_426 = vector.broadcast %lt3A : i32 to vector<16xi32>
      %lt3A_427 = arith.cmpi slt, %iota3A, %lt3A_426 : vector<16xi32>
      %add3A_428 = arith.constant 4096 : i32
      %add3A_429 = vector.broadcast %add3A_428 : i32 to vector<16xi32>
      %add3A_430 = arith.addi %add3A_429, %iota3A : vector<16xi32>
      %select_n3A_431 = arith.select %lt3A_427, %get3A_425, %add3A_430 : vector<16xi1>, vector<16xi32>
      %dma_wait3A_432 = arith.constant 0 : i32
      %dma_wait3A_433 = arith.constant 0 : i32
      %dma_wait3A_434 = arith.constant 0 : i32
      %dma_wait3A_435 = tpu.memref_slice %arg16[%dma_wait3A_432, %dma_wait3A_433, %dma_wait3A_434] : memref<8x32x128xf32, #tpu.memory_space<vmem>> -> memref<1x32x128xf32, #tpu.memory_space<vmem>>
      %dma_wait3A_436 = tpu.memref_squeeze %dma_wait3A_435 : memref<1x32x128xf32, #tpu.memory_space<vmem>> -> memref<32x128xf32, #tpu.memory_space<vmem>>
      %dma_wait3A_437 = arith.constant 0 : i32
      %dma_wait3A_438 = tpu.memref_slice %arg4[%dma_wait3A_437, %multiple_of3A] : memref<32x16384xf32, #tpu.memory_space<hbm>> -> memref<32x128xf32, #tpu.memory_space<hbm>>
      %dma_wait3A_439 = arith.constant 0 : i32
      %dma_wait3A_440 = arith.constant 0 : i32
      %dma_wait3A_441 = tpu.memref_slice %arg16[%dma_wait3A_432, %dma_wait3A_439, %dma_wait3A_440] : memref<8x32x128xf32, #tpu.memory_space<vmem>> -> memref<1x32x128xf32, #tpu.memory_space<vmem>>
      %dma_wait3A_442 = tpu.memref_squeeze %dma_wait3A_441 : memref<1x32x128xf32, #tpu.memory_space<vmem>> -> memref<32x128xf32, #tpu.memory_space<vmem>>
      %dma_wait3A_443 = arith.constant 0 : i32
      %dma_wait3A_444 = tpu.memref_slice %arg4[%dma_wait3A_443, %multiple_of3A] : memref<32x16384xf32, #tpu.memory_space<hbm>> -> memref<32x128xf32, #tpu.memory_space<hbm>>
      tpu.wait_dma2 semaphore(%arg18 : memref<!tpu.dma_semaphore, #tpu.memory_space<semaphore_mem>>) src(%dma_wait3A_444 : memref<32x128xf32, #tpu.memory_space<hbm>>) dst(%dma_wait3A_442 : memref<32x128xf32, #tpu.memory_space<vmem>>)
      %dma_wait3A_445 = arith.constant 1 : i32
      %dma_wait3A_446 = arith.constant 0 : i32
      %dma_wait3A_447 = arith.constant 0 : i32
      %dma_wait3A_448 = tpu.memref_slice %arg16[%dma_wait3A_445, %dma_wait3A_446, %dma_wait3A_447] : memref<8x32x128xf32, #tpu.memory_space<vmem>> -> memref<1x32x128xf32, #tpu.memory_space<vmem>>
      %dma_wait3A_449 = tpu.memref_squeeze %dma_wait3A_448 : memref<1x32x128xf32, #tpu.memory_space<vmem>> -> memref<32x128xf32, #tpu.memory_space<vmem>>
      %dma_wait3A_450 = arith.constant 0 : i32
      %dma_wait3A_451 = tpu.memref_slice %arg4[%dma_wait3A_450, %multiple_of3A_203] : memref<32x16384xf32, #tpu.memory_space<hbm>> -> memref<32x128xf32, #tpu.memory_space<hbm>>
      %dma_wait3A_452 = arith.constant 0 : i32
      %dma_wait3A_453 = arith.constant 0 : i32
      %dma_wait3A_454 = tpu.memref_slice %arg16[%dma_wait3A_445, %dma_wait3A_452, %dma_wait3A_453] : memref<8x32x128xf32, #tpu.memory_space<vmem>> -> memref<1x32x128xf32, #tpu.memory_space<vmem>>
      %dma_wait3A_455 = tpu.memref_squeeze %dma_wait3A_454 : memref<1x32x128xf32, #tpu.memory_space<vmem>> -> memref<32x128xf32, #tpu.memory_space<vmem>>
      %dma_wait3A_456 = arith.constant 0 : i32
      %dma_wait3A_457 = tpu.memref_slice %arg4[%dma_wait3A_456, %multiple_of3A_203] : memref<32x16384xf32, #tpu.memory_space<hbm>> -> memref<32x128xf32, #tpu.memory_space<hbm>>
      tpu.wait_dma2 semaphore(%arg18 : memref<!tpu.dma_semaphore, #tpu.memory_space<semaphore_mem>>) src(%dma_wait3A_457 : memref<32x128xf32, #tpu.memory_space<hbm>>) dst(%dma_wait3A_455 : memref<32x128xf32, #tpu.memory_space<vmem>>)
      %dma_wait3A_458 = arith.constant 2 : i32
      %dma_wait3A_459 = arith.constant 0 : i32
      %dma_wait3A_460 = arith.constant 0 : i32
      %dma_wait3A_461 = tpu.memref_slice %arg16[%dma_wait3A_458, %dma_wait3A_459, %dma_wait3A_460] : memref<8x32x128xf32, #tpu.memory_space<vmem>> -> memref<1x32x128xf32, #tpu.memory_space<vmem>>
      %dma_wait3A_462 = tpu.memref_squeeze %dma_wait3A_461 : memref<1x32x128xf32, #tpu.memory_space<vmem>> -> memref<32x128xf32, #tpu.memory_space<vmem>>
      %dma_wait3A_463 = arith.constant 0 : i32
      %dma_wait3A_464 = tpu.memref_slice %arg4[%dma_wait3A_463, %multiple_of3A_222] : memref<32x16384xf32, #tpu.memory_space<hbm>> -> memref<32x128xf32, #tpu.memory_space<hbm>>
      %dma_wait3A_465 = arith.constant 0 : i32
      %dma_wait3A_466 = arith.constant 0 : i32
      %dma_wait3A_467 = tpu.memref_slice %arg16[%dma_wait3A_458, %dma_wait3A_465, %dma_wait3A_466] : memref<8x32x128xf32, #tpu.memory_space<vmem>> -> memref<1x32x128xf32, #tpu.memory_space<vmem>>
      %dma_wait3A_468 = tpu.memref_squeeze %dma_wait3A_467 : memref<1x32x128xf32, #tpu.memory_space<vmem>> -> memref<32x128xf32, #tpu.memory_space<vmem>>
      %dma_wait3A_469 = arith.constant 0 : i32
      %dma_wait3A_470 = tpu.memref_slice %arg4[%dma_wait3A_469, %multiple_of3A_222] : memref<32x16384xf32, #tpu.memory_space<hbm>> -> memref<32x128xf32, #tpu.memory_space<hbm>>
      tpu.wait_dma2 semaphore(%arg18 : memref<!tpu.dma_semaphore, #tpu.memory_space<semaphore_mem>>) src(%dma_wait3A_470 : memref<32x128xf32, #tpu.memory_space<hbm>>) dst(%dma_wait3A_468 : memref<32x128xf32, #tpu.memory_space<vmem>>)
      %dma_wait3A_471 = arith.constant 3 : i32
      %dma_wait3A_472 = arith.constant 0 : i32
      %dma_wait3A_473 = arith.constant 0 : i32
      %dma_wait3A_474 = tpu.memref_slice %arg16[%dma_wait3A_471, %dma_wait3A_472, %dma_wait3A_473] : memref<8x32x128xf32, #tpu.memory_space<vmem>> -> memref<1x32x128xf32, #tpu.memory_space<vmem>>
      %dma_wait3A_475 = tpu.memref_squeeze %dma_wait3A_474 : memref<1x32x128xf32, #tpu.memory_space<vmem>> -> memref<32x128xf32, #tpu.memory_space<vmem>>
      %dma_wait3A_476 = arith.constant 0 : i32
      %dma_wait3A_477 = tpu.memref_slice %arg4[%dma_wait3A_476, %multiple_of3A_241] : memref<32x16384xf32, #tpu.memory_space<hbm>> -> memref<32x128xf32, #tpu.memory_space<hbm>>
      %dma_wait3A_478 = arith.constant 0 : i32
      %dma_wait3A_479 = arith.constant 0 : i32
      %dma_wait3A_480 = tpu.memref_slice %arg16[%dma_wait3A_471, %dma_wait3A_478, %dma_wait3A_479] : memref<8x32x128xf32, #tpu.memory_space<vmem>> -> memref<1x32x128xf32, #tpu.memory_space<vmem>>
      %dma_wait3A_481 = tpu.memref_squeeze %dma_wait3A_480 : memref<1x32x128xf32, #tpu.memory_space<vmem>> -> memref<32x128xf32, #tpu.memory_space<vmem>>
      %dma_wait3A_482 = arith.constant 0 : i32
      %dma_wait3A_483 = tpu.memref_slice %arg4[%dma_wait3A_482, %multiple_of3A_241] : memref<32x16384xf32, #tpu.memory_space<hbm>> -> memref<32x128xf32, #tpu.memory_space<hbm>>
      tpu.wait_dma2 semaphore(%arg18 : memref<!tpu.dma_semaphore, #tpu.memory_space<semaphore_mem>>) src(%dma_wait3A_483 : memref<32x128xf32, #tpu.memory_space<hbm>>) dst(%dma_wait3A_481 : memref<32x128xf32, #tpu.memory_space<vmem>>)
      %dma_wait3A_484 = arith.constant 4 : i32
      %dma_wait3A_485 = arith.constant 0 : i32
      %dma_wait3A_486 = arith.constant 0 : i32
      %dma_wait3A_487 = tpu.memref_slice %arg16[%dma_wait3A_484, %dma_wait3A_485, %dma_wait3A_486] : memref<8x32x128xf32, #tpu.memory_space<vmem>> -> memref<1x32x128xf32, #tpu.memory_space<vmem>>
      %dma_wait3A_488 = tpu.memref_squeeze %dma_wait3A_487 : memref<1x32x128xf32, #tpu.memory_space<vmem>> -> memref<32x128xf32, #tpu.memory_space<vmem>>
      %dma_wait3A_489 = arith.constant 0 : i32
      %dma_wait3A_490 = tpu.memref_slice %arg4[%dma_wait3A_489, %multiple_of3A_260] : memref<32x16384xf32, #tpu.memory_space<hbm>> -> memref<32x128xf32, #tpu.memory_space<hbm>>
      %dma_wait3A_491 = arith.constant 0 : i32
      %dma_wait3A_492 = arith.constant 0 : i32
      %dma_wait3A_493 = tpu.memref_slice %arg16[%dma_wait3A_484, %dma_wait3A_491, %dma_wait3A_492] : memref<8x32x128xf32, #tpu.memory_space<vmem>> -> memref<1x32x128xf32, #tpu.memory_space<vmem>>
      %dma_wait3A_494 = tpu.memref_squeeze %dma_wait3A_493 : memref<1x32x128xf32, #tpu.memory_space<vmem>> -> memref<32x128xf32, #tpu.memory_space<vmem>>
      %dma_wait3A_495 = arith.constant 0 : i32
      %dma_wait3A_496 = tpu.memref_slice %arg4[%dma_wait3A_495, %multiple_of3A_260] : memref<32x16384xf32, #tpu.memory_space<hbm>> -> memref<32x128xf32, #tpu.memory_space<hbm>>
      tpu.wait_dma2 semaphore(%arg18 : memref<!tpu.dma_semaphore, #tpu.memory_space<semaphore_mem>>) src(%dma_wait3A_496 : memref<32x128xf32, #tpu.memory_space<hbm>>) dst(%dma_wait3A_494 : memref<32x128xf32, #tpu.memory_space<vmem>>)
      %dma_wait3A_497 = arith.constant 5 : i32
      %dma_wait3A_498 = arith.constant 0 : i32
      %dma_wait3A_499 = arith.constant 0 : i32
      %dma_wait3A_500 = tpu.memref_slice %arg16[%dma_wait3A_497, %dma_wait3A_498, %dma_wait3A_499] : memref<8x32x128xf32, #tpu.memory_space<vmem>> -> memref<1x32x128xf32, #tpu.memory_space<vmem>>
      %dma_wait3A_501 = tpu.memref_squeeze %dma_wait3A_500 : memref<1x32x128xf32, #tpu.memory_space<vmem>> -> memref<32x128xf32, #tpu.memory_space<vmem>>
      %dma_wait3A_502 = arith.constant 0 : i32
      %dma_wait3A_503 = tpu.memref_slice %arg4[%dma_wait3A_502, %multiple_of3A_279] : memref<32x16384xf32, #tpu.memory_space<hbm>> -> memref<32x128xf32, #tpu.memory_space<hbm>>
      %dma_wait3A_504 = arith.constant 0 : i32
      %dma_wait3A_505 = arith.constant 0 : i32
      %dma_wait3A_506 = tpu.memref_slice %arg16[%dma_wait3A_497, %dma_wait3A_504, %dma_wait3A_505] : memref<8x32x128xf32, #tpu.memory_space<vmem>> -> memref<1x32x128xf32, #tpu.memory_space<vmem>>
      %dma_wait3A_507 = tpu.memref_squeeze %dma_wait3A_506 : memref<1x32x128xf32, #tpu.memory_space<vmem>> -> memref<32x128xf32, #tpu.memory_space<vmem>>
      %dma_wait3A_508 = arith.constant 0 : i32
      %dma_wait3A_509 = tpu.memref_slice %arg4[%dma_wait3A_508, %multiple_of3A_279] : memref<32x16384xf32, #tpu.memory_space<hbm>> -> memref<32x128xf32, #tpu.memory_space<hbm>>
      tpu.wait_dma2 semaphore(%arg18 : memref<!tpu.dma_semaphore, #tpu.memory_space<semaphore_mem>>) src(%dma_wait3A_509 : memref<32x128xf32, #tpu.memory_space<hbm>>) dst(%dma_wait3A_507 : memref<32x128xf32, #tpu.memory_space<vmem>>)
      %dma_wait3A_510 = arith.constant 6 : i32
      %dma_wait3A_511 = arith.constant 0 : i32
      %dma_wait3A_512 = arith.constant 0 : i32
      %dma_wait3A_513 = tpu.memref_slice %arg16[%dma_wait3A_510, %dma_wait3A_511, %dma_wait3A_512] : memref<8x32x128xf32, #tpu.memory_space<vmem>> -> memref<1x32x128xf32, #tpu.memory_space<vmem>>
      %dma_wait3A_514 = tpu.memref_squeeze %dma_wait3A_513 : memref<1x32x128xf32, #tpu.memory_space<vmem>> -> memref<32x128xf32, #tpu.memory_space<vmem>>
      %dma_wait3A_515 = arith.constant 0 : i32
      %dma_wait3A_516 = tpu.memref_slice %arg4[%dma_wait3A_515, %multiple_of3A_298] : memref<32x16384xf32, #tpu.memory_space<hbm>> -> memref<32x128xf32, #tpu.memory_space<hbm>>
      %dma_wait3A_517 = arith.constant 0 : i32
      %dma_wait3A_518 = arith.constant 0 : i32
      %dma_wait3A_519 = tpu.memref_slice %arg16[%dma_wait3A_510, %dma_wait3A_517, %dma_wait3A_518] : memref<8x32x128xf32, #tpu.memory_space<vmem>> -> memref<1x32x128xf32, #tpu.memory_space<vmem>>
      %dma_wait3A_520 = tpu.memref_squeeze %dma_wait3A_519 : memref<1x32x128xf32, #tpu.memory_space<vmem>> -> memref<32x128xf32, #tpu.memory_space<vmem>>
      %dma_wait3A_521 = arith.constant 0 : i32
      %dma_wait3A_522 = tpu.memref_slice %arg4[%dma_wait3A_521, %multiple_of3A_298] : memref<32x16384xf32, #tpu.memory_space<hbm>> -> memref<32x128xf32, #tpu.memory_space<hbm>>
      tpu.wait_dma2 semaphore(%arg18 : memref<!tpu.dma_semaphore, #tpu.memory_space<semaphore_mem>>) src(%dma_wait3A_522 : memref<32x128xf32, #tpu.memory_space<hbm>>) dst(%dma_wait3A_520 : memref<32x128xf32, #tpu.memory_space<vmem>>)
      %dma_wait3A_523 = arith.constant 7 : i32
      %dma_wait3A_524 = arith.constant 0 : i32
      %dma_wait3A_525 = arith.constant 0 : i32
      %dma_wait3A_526 = tpu.memref_slice %arg16[%dma_wait3A_523, %dma_wait3A_524, %dma_wait3A_525] : memref<8x32x128xf32, #tpu.memory_space<vmem>> -> memref<1x32x128xf32, #tpu.memory_space<vmem>>
      %dma_wait3A_527 = tpu.memref_squeeze %dma_wait3A_526 : memref<1x32x128xf32, #tpu.memory_space<vmem>> -> memref<32x128xf32, #tpu.memory_space<vmem>>
      %dma_wait3A_528 = arith.constant 0 : i32
      %dma_wait3A_529 = tpu.memref_slice %arg4[%dma_wait3A_528, %multiple_of3A_317] : memref<32x16384xf32, #tpu.memory_space<hbm>> -> memref<32x128xf32, #tpu.memory_space<hbm>>
      %dma_wait3A_530 = arith.constant 0 : i32
      %dma_wait3A_531 = arith.constant 0 : i32
      %dma_wait3A_532 = tpu.memref_slice %arg16[%dma_wait3A_523, %dma_wait3A_530, %dma_wait3A_531] : memref<8x32x128xf32, #tpu.memory_space<vmem>> -> memref<1x32x128xf32, #tpu.memory_space<vmem>>
      %dma_wait3A_533 = tpu.memref_squeeze %dma_wait3A_532 : memref<1x32x128xf32, #tpu.memory_space<vmem>> -> memref<32x128xf32, #tpu.memory_space<vmem>>
      %dma_wait3A_534 = arith.constant 0 : i32
      %dma_wait3A_535 = tpu.memref_slice %arg4[%dma_wait3A_534, %multiple_of3A_317] : memref<32x16384xf32, #tpu.memory_space<hbm>> -> memref<32x128xf32, #tpu.memory_space<hbm>>
      tpu.wait_dma2 semaphore(%arg18 : memref<!tpu.dma_semaphore, #tpu.memory_space<semaphore_mem>>) src(%dma_wait3A_535 : memref<32x128xf32, #tpu.memory_space<hbm>>) dst(%dma_wait3A_533 : memref<32x128xf32, #tpu.memory_space<vmem>>)
      %and3A_536 = arith.constant 3 : i32
      %and3A_537 = arith.andi %while3A_167, %and3A_536 : i32
      %ge3A = arith.constant 4 : i32
      %ge3A_538 = arith.cmpi sge, %while3A_167, %ge3A : i32
      %convert_element_type3A = arith.extui %ge3A_538 : i1 to i32
      %cond3A = arith.constant 0 : i32
      %cond3A_539 = arith.cmpi ne, %convert_element_type3A, %cond3A : i32
      scf.if %cond3A_539 {
        %dma_wait3A_730 = arith.constant 0 : i32
        %dma_wait3A_731 = arith.constant 0 : i32
        %dma_wait3A_732 = tpu.memref_slice %arg17[%and3A_537, %dma_wait3A_730, %dma_wait3A_731] : memref<4x16x128xf32, #tpu.memory_space<vmem>> -> memref<1x16x128xf32, #tpu.memory_space<vmem>>
        %dma_wait3A_733 = tpu.memref_squeeze %dma_wait3A_732 : memref<1x16x128xf32, #tpu.memory_space<vmem>> -> memref<16x128xf32, #tpu.memory_space<vmem>>
        %dma_wait3A_734 = arith.constant 0 : i32
        %dma_wait3A_735 = arith.constant 0 : i32
        %dma_wait3A_736 = tpu.memref_slice %arg7[%dma_wait3A_734, %dma_wait3A_735] : memref<4128x128xf32, #tpu.memory_space<hbm>> -> memref<4128x128xf32, #tpu.memory_space<hbm>>
        tpu.wait_indirect_dma semaphore(%arg19 : memref<!tpu.dma_semaphore, #tpu.memory_space<semaphore_mem>>) src(%dma_wait3A_736 : memref<4128x128xf32, #tpu.memory_space<hbm>>) dst(%dma_wait3A_733 : memref<16x128xf32, #tpu.memory_space<vmem>>)
      } else {
      }
      %broadcast_in_dim3A_540 = arith.constant 0 : i32
      %broadcast_in_dim3A_541 = vector.broadcast %broadcast_in_dim3A_540 : i32 to vector<16xi32>
      %and3A_542 = arith.constant 127 : i32
      %and3A_543 = arith.andi %reduce_max3A_182, %and3A_542 : i32
      %add3A_544 = vector.broadcast %and3A_543 : i32 to vector<16xi32>
      %add3A_545 = arith.addi %broadcast_in_dim3A_541, %add3A_544 : vector<16xi32>
      %broadcast_in_dim3A_546 = arith.constant 0 : i32
      %broadcast_in_dim3A_547 = vector.broadcast %broadcast_in_dim3A_546 : i32 to vector<16xi32>
      %gather3A = tpu.vector_load_idx %arg16[%broadcast_in_dim3A_547, %iota3A, %add3A_545] : memref<8x32x128xf32, #tpu.memory_space<vmem>>[vector<16xi32>, vector<16xi32>, vector<16xi32>], vector<16xf32>,
      %add3A_548 = arith.constant 16 : i32
      %add3A_549 = vector.broadcast %add3A_548 : i32 to vector<16xi32>
      %add3A_550 = arith.addi %iota3A, %add3A_549 : vector<16xi32>
      %gather3A_551 = tpu.vector_load_idx %arg16[%broadcast_in_dim3A_547, %add3A_550, %add3A_545] : memref<8x32x128xf32, #tpu.memory_space<vmem>>[vector<16xi32>, vector<16xi32>, vector<16xi32>], vector<16xf32>,
      %swap3A_552 = arith.constant 0 : i32
      %swap3A_553 = arith.index_cast %and3A_537 : i32 to index
      %swap3A_554 = arith.index_cast %swap3A_552 : i32 to index
      %swap3A_555 = arith.constant 0 : index
      %swap3A_556 = tpu.vector_load %arg17[%swap3A_553, %swap3A_554, %swap3A_555] {strides = array<i32>} : memref<4x16x128xf32, #tpu.memory_space<vmem>>, vector<16xf32>,
      tpu.vector_store %arg17[%swap3A_553, %swap3A_554, %swap3A_555], %gather3A {strides = array<i32>} : memref<4x16x128xf32, #tpu.memory_space<vmem>>, vector<16xf32>,
      %swap3A_557 = arith.constant 0 : i32
      %swap3A_558 = arith.index_cast %and3A_537 : i32 to index
      %swap3A_559 = arith.index_cast %swap3A_557 : i32 to index
      %swap3A_560 = arith.constant 16 : index
      %swap3A_561 = tpu.vector_load %arg17[%swap3A_558, %swap3A_559, %swap3A_560] {strides = array<i32>} : memref<4x16x128xf32, #tpu.memory_space<vmem>>, vector<16xf32>,
      tpu.vector_store %arg17[%swap3A_558, %swap3A_559, %swap3A_560], %gather3A_551 {strides = array<i32>} : memref<4x16x128xf32, #tpu.memory_space<vmem>>, vector<16xf32>,
      %broadcast_in_dim3A_562 = arith.constant 0 : i32
      %broadcast_in_dim3A_563 = vector.broadcast %broadcast_in_dim3A_562 : i32 to vector<16xi32>
      %and3A_564 = arith.constant 127 : i32
      %and3A_565 = arith.andi %reduce_max3A_198, %and3A_564 : i32
      %add3A_566 = vector.broadcast %and3A_565 : i32 to vector<16xi32>
      %add3A_567 = arith.addi %broadcast_in_dim3A_563, %add3A_566 : vector<16xi32>
      %broadcast_in_dim3A_568 = arith.constant 1 : i32
      %broadcast_in_dim3A_569 = vector.broadcast %broadcast_in_dim3A_568 : i32 to vector<16xi32>
      %gather3A_570 = tpu.vector_load_idx %arg16[%broadcast_in_dim3A_569, %iota3A, %add3A_567] : memref<8x32x128xf32, #tpu.memory_space<vmem>>[vector<16xi32>, vector<16xi32>, vector<16xi32>], vector<16xf32>,
      %add3A_571 = arith.constant 16 : i32
      %add3A_572 = vector.broadcast %add3A_571 : i32 to vector<16xi32>
      %add3A_573 = arith.addi %iota3A, %add3A_572 : vector<16xi32>
      %gather3A_574 = tpu.vector_load_idx %arg16[%broadcast_in_dim3A_569, %add3A_573, %add3A_567] : memref<8x32x128xf32, #tpu.memory_space<vmem>>[vector<16xi32>, vector<16xi32>, vector<16xi32>], vector<16xf32>,
      %swap3A_575 = arith.constant 1 : i32
      %swap3A_576 = arith.index_cast %and3A_537 : i32 to index
      %swap3A_577 = arith.index_cast %swap3A_575 : i32 to index
      %swap3A_578 = arith.constant 0 : index
      %swap3A_579 = tpu.vector_load %arg17[%swap3A_576, %swap3A_577, %swap3A_578] {strides = array<i32>} : memref<4x16x128xf32, #tpu.memory_space<vmem>>, vector<16xf32>,
      tpu.vector_store %arg17[%swap3A_576, %swap3A_577, %swap3A_578], %gather3A_570 {strides = array<i32>} : memref<4x16x128xf32, #tpu.memory_space<vmem>>, vector<16xf32>,
      %swap3A_580 = arith.constant 1 : i32
      %swap3A_581 = arith.index_cast %and3A_537 : i32 to index
      %swap3A_582 = arith.index_cast %swap3A_580 : i32 to index
      %swap3A_583 = arith.constant 16 : index
      %swap3A_584 = tpu.vector_load %arg17[%swap3A_581, %swap3A_582, %swap3A_583] {strides = array<i32>} : memref<4x16x128xf32, #tpu.memory_space<vmem>>, vector<16xf32>,
      tpu.vector_store %arg17[%swap3A_581, %swap3A_582, %swap3A_583], %gather3A_574 {strides = array<i32>} : memref<4x16x128xf32, #tpu.memory_space<vmem>>, vector<16xf32>,
      %broadcast_in_dim3A_585 = arith.constant 0 : i32
      %broadcast_in_dim3A_586 = vector.broadcast %broadcast_in_dim3A_585 : i32 to vector<16xi32>
      %and3A_587 = arith.constant 127 : i32
      %and3A_588 = arith.andi %reduce_max3A_217, %and3A_587 : i32
      %add3A_589 = vector.broadcast %and3A_588 : i32 to vector<16xi32>
      %add3A_590 = arith.addi %broadcast_in_dim3A_586, %add3A_589 : vector<16xi32>
      %broadcast_in_dim3A_591 = arith.constant 2 : i32
      %broadcast_in_dim3A_592 = vector.broadcast %broadcast_in_dim3A_591 : i32 to vector<16xi32>
      %gather3A_593 = tpu.vector_load_idx %arg16[%broadcast_in_dim3A_592, %iota3A, %add3A_590] : memref<8x32x128xf32, #tpu.memory_space<vmem>>[vector<16xi32>, vector<16xi32>, vector<16xi32>], vector<16xf32>,
      %add3A_594 = arith.constant 16 : i32
      %add3A_595 = vector.broadcast %add3A_594 : i32 to vector<16xi32>
      %add3A_596 = arith.addi %iota3A, %add3A_595 : vector<16xi32>
      %gather3A_597 = tpu.vector_load_idx %arg16[%broadcast_in_dim3A_592, %add3A_596, %add3A_590] : memref<8x32x128xf32, #tpu.memory_space<vmem>>[vector<16xi32>, vector<16xi32>, vector<16xi32>], vector<16xf32>,
      %swap3A_598 = arith.constant 2 : i32
      %swap3A_599 = arith.index_cast %and3A_537 : i32 to index
      %swap3A_600 = arith.index_cast %swap3A_598 : i32 to index
      %swap3A_601 = arith.constant 0 : index
      %swap3A_602 = tpu.vector_load %arg17[%swap3A_599, %swap3A_600, %swap3A_601] {strides = array<i32>} : memref<4x16x128xf32, #tpu.memory_space<vmem>>, vector<16xf32>,
      tpu.vector_store %arg17[%swap3A_599, %swap3A_600, %swap3A_601], %gather3A_593 {strides = array<i32>} : memref<4x16x128xf32, #tpu.memory_space<vmem>>, vector<16xf32>,
      %swap3A_603 = arith.constant 2 : i32
      %swap3A_604 = arith.index_cast %and3A_537 : i32 to index
      %swap3A_605 = arith.index_cast %swap3A_603 : i32 to index
      %swap3A_606 = arith.constant 16 : index
      %swap3A_607 = tpu.vector_load %arg17[%swap3A_604, %swap3A_605, %swap3A_606] {strides = array<i32>} : memref<4x16x128xf32, #tpu.memory_space<vmem>>, vector<16xf32>,
      tpu.vector_store %arg17[%swap3A_604, %swap3A_605, %swap3A_606], %gather3A_597 {strides = array<i32>} : memref<4x16x128xf32, #tpu.memory_space<vmem>>, vector<16xf32>,
      %broadcast_in_dim3A_608 = arith.constant 0 : i32
      %broadcast_in_dim3A_609 = vector.broadcast %broadcast_in_dim3A_608 : i32 to vector<16xi32>
      %and3A_610 = arith.constant 127 : i32
      %and3A_611 = arith.andi %reduce_max3A_236, %and3A_610 : i32
      %add3A_612 = vector.broadcast %and3A_611 : i32 to vector<16xi32>
      %add3A_613 = arith.addi %broadcast_in_dim3A_609, %add3A_612 : vector<16xi32>
      %broadcast_in_dim3A_614 = arith.constant 3 : i32
      %broadcast_in_dim3A_615 = vector.broadcast %broadcast_in_dim3A_614 : i32 to vector<16xi32>
      %gather3A_616 = tpu.vector_load_idx %arg16[%broadcast_in_dim3A_615, %iota3A, %add3A_613] : memref<8x32x128xf32, #tpu.memory_space<vmem>>[vector<16xi32>, vector<16xi32>, vector<16xi32>], vector<16xf32>,
      %add3A_617 = arith.constant 16 : i32
      %add3A_618 = vector.broadcast %add3A_617 : i32 to vector<16xi32>
      %add3A_619 = arith.addi %iota3A, %add3A_618 : vector<16xi32>
      %gather3A_620 = tpu.vector_load_idx %arg16[%broadcast_in_dim3A_615, %add3A_619, %add3A_613] : memref<8x32x128xf32, #tpu.memory_space<vmem>>[vector<16xi32>, vector<16xi32>, vector<16xi32>], vector<16xf32>,
      %swap3A_621 = arith.constant 3 : i32
      %swap3A_622 = arith.index_cast %and3A_537 : i32 to index
      %swap3A_623 = arith.index_cast %swap3A_621 : i32 to index
      %swap3A_624 = arith.constant 0 : index
      %swap3A_625 = tpu.vector_load %arg17[%swap3A_622, %swap3A_623, %swap3A_624] {strides = array<i32>} : memref<4x16x128xf32, #tpu.memory_space<vmem>>, vector<16xf32>,
      tpu.vector_store %arg17[%swap3A_622, %swap3A_623, %swap3A_624], %gather3A_616 {strides = array<i32>} : memref<4x16x128xf32, #tpu.memory_space<vmem>>, vector<16xf32>,
      %swap3A_626 = arith.constant 3 : i32
      %swap3A_627 = arith.index_cast %and3A_537 : i32 to index
      %swap3A_628 = arith.index_cast %swap3A_626 : i32 to index
      %swap3A_629 = arith.constant 16 : index
      %swap3A_630 = tpu.vector_load %arg17[%swap3A_627, %swap3A_628, %swap3A_629] {strides = array<i32>} : memref<4x16x128xf32, #tpu.memory_space<vmem>>, vector<16xf32>,
      tpu.vector_store %arg17[%swap3A_627, %swap3A_628, %swap3A_629], %gather3A_620 {strides = array<i32>} : memref<4x16x128xf32, #tpu.memory_space<vmem>>, vector<16xf32>,
      %broadcast_in_dim3A_631 = arith.constant 0 : i32
      %broadcast_in_dim3A_632 = vector.broadcast %broadcast_in_dim3A_631 : i32 to vector<16xi32>
      %and3A_633 = arith.constant 127 : i32
      %and3A_634 = arith.andi %reduce_max3A_255, %and3A_633 : i32
      %add3A_635 = vector.broadcast %and3A_634 : i32 to vector<16xi32>
      %add3A_636 = arith.addi %broadcast_in_dim3A_632, %add3A_635 : vector<16xi32>
      %broadcast_in_dim3A_637 = arith.constant 4 : i32
      %broadcast_in_dim3A_638 = vector.broadcast %broadcast_in_dim3A_637 : i32 to vector<16xi32>
      %gather3A_639 = tpu.vector_load_idx %arg16[%broadcast_in_dim3A_638, %iota3A, %add3A_636] : memref<8x32x128xf32, #tpu.memory_space<vmem>>[vector<16xi32>, vector<16xi32>, vector<16xi32>], vector<16xf32>,
      %add3A_640 = arith.constant 16 : i32
      %add3A_641 = vector.broadcast %add3A_640 : i32 to vector<16xi32>
      %add3A_642 = arith.addi %iota3A, %add3A_641 : vector<16xi32>
      %gather3A_643 = tpu.vector_load_idx %arg16[%broadcast_in_dim3A_638, %add3A_642, %add3A_636] : memref<8x32x128xf32, #tpu.memory_space<vmem>>[vector<16xi32>, vector<16xi32>, vector<16xi32>], vector<16xf32>,
      %swap3A_644 = arith.constant 4 : i32
      %swap3A_645 = arith.index_cast %and3A_537 : i32 to index
      %swap3A_646 = arith.index_cast %swap3A_644 : i32 to index
      %swap3A_647 = arith.constant 0 : index
      %swap3A_648 = tpu.vector_load %arg17[%swap3A_645, %swap3A_646, %swap3A_647] {strides = array<i32>} : memref<4x16x128xf32, #tpu.memory_space<vmem>>, vector<16xf32>,
      tpu.vector_store %arg17[%swap3A_645, %swap3A_646, %swap3A_647], %gather3A_639 {strides = array<i32>} : memref<4x16x128xf32, #tpu.memory_space<vmem>>, vector<16xf32>,
      %swap3A_649 = arith.constant 4 : i32
      %swap3A_650 = arith.index_cast %and3A_537 : i32 to index
      %swap3A_651 = arith.index_cast %swap3A_649 : i32 to index
      %swap3A_652 = arith.constant 16 : index
      %swap3A_653 = tpu.vector_load %arg17[%swap3A_650, %swap3A_651, %swap3A_652] {strides = array<i32>} : memref<4x16x128xf32, #tpu.memory_space<vmem>>, vector<16xf32>,
      tpu.vector_store %arg17[%swap3A_650, %swap3A_651, %swap3A_652], %gather3A_643 {strides = array<i32>} : memref<4x16x128xf32, #tpu.memory_space<vmem>>, vector<16xf32>,
      %broadcast_in_dim3A_654 = arith.constant 0 : i32
      %broadcast_in_dim3A_655 = vector.broadcast %broadcast_in_dim3A_654 : i32 to vector<16xi32>
      %and3A_656 = arith.constant 127 : i32
      %and3A_657 = arith.andi %reduce_max3A_274, %and3A_656 : i32
      %add3A_658 = vector.broadcast %and3A_657 : i32 to vector<16xi32>
      %add3A_659 = arith.addi %broadcast_in_dim3A_655, %add3A_658 : vector<16xi32>
      %broadcast_in_dim3A_660 = arith.constant 5 : i32
      %broadcast_in_dim3A_661 = vector.broadcast %broadcast_in_dim3A_660 : i32 to vector<16xi32>
      %gather3A_662 = tpu.vector_load_idx %arg16[%broadcast_in_dim3A_661, %iota3A, %add3A_659] : memref<8x32x128xf32, #tpu.memory_space<vmem>>[vector<16xi32>, vector<16xi32>, vector<16xi32>], vector<16xf32>,
      %add3A_663 = arith.constant 16 : i32
      %add3A_664 = vector.broadcast %add3A_663 : i32 to vector<16xi32>
      %add3A_665 = arith.addi %iota3A, %add3A_664 : vector<16xi32>
      %gather3A_666 = tpu.vector_load_idx %arg16[%broadcast_in_dim3A_661, %add3A_665, %add3A_659] : memref<8x32x128xf32, #tpu.memory_space<vmem>>[vector<16xi32>, vector<16xi32>, vector<16xi32>], vector<16xf32>,
      %swap3A_667 = arith.constant 5 : i32
      %swap3A_668 = arith.index_cast %and3A_537 : i32 to index
      %swap3A_669 = arith.index_cast %swap3A_667 : i32 to index
      %swap3A_670 = arith.constant 0 : index
      %swap3A_671 = tpu.vector_load %arg17[%swap3A_668, %swap3A_669, %swap3A_670] {strides = array<i32>} : memref<4x16x128xf32, #tpu.memory_space<vmem>>, vector<16xf32>,
      tpu.vector_store %arg17[%swap3A_668, %swap3A_669, %swap3A_670], %gather3A_662 {strides = array<i32>} : memref<4x16x128xf32, #tpu.memory_space<vmem>>, vector<16xf32>,
      %swap3A_672 = arith.constant 5 : i32
      %swap3A_673 = arith.index_cast %and3A_537 : i32 to index
      %swap3A_674 = arith.index_cast %swap3A_672 : i32 to index
      %swap3A_675 = arith.constant 16 : index
      %swap3A_676 = tpu.vector_load %arg17[%swap3A_673, %swap3A_674, %swap3A_675] {strides = array<i32>} : memref<4x16x128xf32, #tpu.memory_space<vmem>>, vector<16xf32>,
      tpu.vector_store %arg17[%swap3A_673, %swap3A_674, %swap3A_675], %gather3A_666 {strides = array<i32>} : memref<4x16x128xf32, #tpu.memory_space<vmem>>, vector<16xf32>,
      %broadcast_in_dim3A_677 = arith.constant 0 : i32
      %broadcast_in_dim3A_678 = vector.broadcast %broadcast_in_dim3A_677 : i32 to vector<16xi32>
      %and3A_679 = arith.constant 127 : i32
      %and3A_680 = arith.andi %reduce_max3A_293, %and3A_679 : i32
      %add3A_681 = vector.broadcast %and3A_680 : i32 to vector<16xi32>
      %add3A_682 = arith.addi %broadcast_in_dim3A_678, %add3A_681 : vector<16xi32>
      %broadcast_in_dim3A_683 = arith.constant 6 : i32
      %broadcast_in_dim3A_684 = vector.broadcast %broadcast_in_dim3A_683 : i32 to vector<16xi32>
      %gather3A_685 = tpu.vector_load_idx %arg16[%broadcast_in_dim3A_684, %iota3A, %add3A_682] : memref<8x32x128xf32, #tpu.memory_space<vmem>>[vector<16xi32>, vector<16xi32>, vector<16xi32>], vector<16xf32>,
      %add3A_686 = arith.constant 16 : i32
      %add3A_687 = vector.broadcast %add3A_686 : i32 to vector<16xi32>
      %add3A_688 = arith.addi %iota3A, %add3A_687 : vector<16xi32>
      %gather3A_689 = tpu.vector_load_idx %arg16[%broadcast_in_dim3A_684, %add3A_688, %add3A_682] : memref<8x32x128xf32, #tpu.memory_space<vmem>>[vector<16xi32>, vector<16xi32>, vector<16xi32>], vector<16xf32>,
      %swap3A_690 = arith.constant 6 : i32
      %swap3A_691 = arith.index_cast %and3A_537 : i32 to index
      %swap3A_692 = arith.index_cast %swap3A_690 : i32 to index
      %swap3A_693 = arith.constant 0 : index
      %swap3A_694 = tpu.vector_load %arg17[%swap3A_691, %swap3A_692, %swap3A_693] {strides = array<i32>} : memref<4x16x128xf32, #tpu.memory_space<vmem>>, vector<16xf32>,
      tpu.vector_store %arg17[%swap3A_691, %swap3A_692, %swap3A_693], %gather3A_685 {strides = array<i32>} : memref<4x16x128xf32, #tpu.memory_space<vmem>>, vector<16xf32>,
      %swap3A_695 = arith.constant 6 : i32
      %swap3A_696 = arith.index_cast %and3A_537 : i32 to index
      %swap3A_697 = arith.index_cast %swap3A_695 : i32 to index
      %swap3A_698 = arith.constant 16 : index
      %swap3A_699 = tpu.vector_load %arg17[%swap3A_696, %swap3A_697, %swap3A_698] {strides = array<i32>} : memref<4x16x128xf32, #tpu.memory_space<vmem>>, vector<16xf32>,
      tpu.vector_store %arg17[%swap3A_696, %swap3A_697, %swap3A_698], %gather3A_689 {strides = array<i32>} : memref<4x16x128xf32, #tpu.memory_space<vmem>>, vector<16xf32>,
      %broadcast_in_dim3A_700 = arith.constant 0 : i32
      %broadcast_in_dim3A_701 = vector.broadcast %broadcast_in_dim3A_700 : i32 to vector<16xi32>
      %and3A_702 = arith.constant 127 : i32
      %and3A_703 = arith.andi %reduce_max3A_312, %and3A_702 : i32
      %add3A_704 = vector.broadcast %and3A_703 : i32 to vector<16xi32>
      %add3A_705 = arith.addi %broadcast_in_dim3A_701, %add3A_704 : vector<16xi32>
      %broadcast_in_dim3A_706 = arith.constant 7 : i32
      %broadcast_in_dim3A_707 = vector.broadcast %broadcast_in_dim3A_706 : i32 to vector<16xi32>
      %gather3A_708 = tpu.vector_load_idx %arg16[%broadcast_in_dim3A_707, %iota3A, %add3A_705] : memref<8x32x128xf32, #tpu.memory_space<vmem>>[vector<16xi32>, vector<16xi32>, vector<16xi32>], vector<16xf32>,
      %add3A_709 = arith.constant 16 : i32
      %add3A_710 = vector.broadcast %add3A_709 : i32 to vector<16xi32>
      %add3A_711 = arith.addi %iota3A, %add3A_710 : vector<16xi32>
      %gather3A_712 = tpu.vector_load_idx %arg16[%broadcast_in_dim3A_707, %add3A_711, %add3A_705] : memref<8x32x128xf32, #tpu.memory_space<vmem>>[vector<16xi32>, vector<16xi32>, vector<16xi32>], vector<16xf32>,
      %swap3A_713 = arith.constant 7 : i32
      %swap3A_714 = arith.index_cast %and3A_537 : i32 to index
      %swap3A_715 = arith.index_cast %swap3A_713 : i32 to index
      %swap3A_716 = arith.constant 0 : index
      %swap3A_717 = tpu.vector_load %arg17[%swap3A_714, %swap3A_715, %swap3A_716] {strides = array<i32>} : memref<4x16x128xf32, #tpu.memory_space<vmem>>, vector<16xf32>,
      tpu.vector_store %arg17[%swap3A_714, %swap3A_715, %swap3A_716], %gather3A_708 {strides = array<i32>} : memref<4x16x128xf32, #tpu.memory_space<vmem>>, vector<16xf32>,
      %swap3A_718 = arith.constant 7 : i32
      %swap3A_719 = arith.index_cast %and3A_537 : i32 to index
      %swap3A_720 = arith.index_cast %swap3A_718 : i32 to index
      %swap3A_721 = arith.constant 16 : index
      %swap3A_722 = tpu.vector_load %arg17[%swap3A_719, %swap3A_720, %swap3A_721] {strides = array<i32>} : memref<4x16x128xf32, #tpu.memory_space<vmem>>, vector<16xf32>,
      tpu.vector_store %arg17[%swap3A_719, %swap3A_720, %swap3A_721], %gather3A_712 {strides = array<i32>} : memref<4x16x128xf32, #tpu.memory_space<vmem>>, vector<16xf32>,
      %dma_start3A_723 = arith.constant 0 : i32
      %dma_start3A_724 = arith.constant 0 : i32
      %dma_start3A_725 = tpu.memref_slice %arg17[%and3A_537, %dma_start3A_723, %dma_start3A_724] : memref<4x16x128xf32, #tpu.memory_space<vmem>> -> memref<1x16x128xf32, #tpu.memory_space<vmem>>
      %dma_start3A_726 = tpu.memref_squeeze %dma_start3A_725 : memref<1x16x128xf32, #tpu.memory_space<vmem>> -> memref<16x128xf32, #tpu.memory_space<vmem>>
      %dma_start3A_727 = arith.constant 0 : i32
      %dma_start3A_728 = arith.constant 0 : i32
      %dma_start3A_729 = tpu.memref_slice %arg7[%dma_start3A_727, %dma_start3A_728] : memref<4128x128xf32, #tpu.memory_space<hbm>> -> memref<4128x128xf32, #tpu.memory_space<hbm>>
      tpu.enqueue_indirect_dma source(%dma_start3A_726 : memref<16x128xf32, #tpu.memory_space<vmem>>) target(%dma_start3A_729 : memref<4128x128xf32, #tpu.memory_space<hbm>>) offsets(%select_n3A_431 : vector<16xi32>) semaphore(%arg19 : memref<!tpu.dma_semaphore, #tpu.memory_space<semaphore_mem>>)
    }
    %while3A_79 = arith.constant 1 : i32
    scf.for %while3A_167 = %while3A_77 to %while3A_73 step %while3A_79  : i32 {
      %mul3A_168 = arith.constant 8 : i32
      %mul3A_169 = arith.muli %while3A_167, %mul3A_168 : i32
      %get3A = arith.index_cast %mul3A_169 : i32 to index
      %get3A_170 = tpu.vector_load %arg12[%get3A] {strides = array<i32>} : memref<4112xi32, #tpu.memory_space<vmem>>, vector<16xi32>,
      %eq3A = arith.constant 0 : i32
      %eq3A_171 = vector.broadcast %eq3A : i32 to vector<16xi32>
      %eq3A_172 = arith.cmpi eq, %iota3A, %eq3A_171 : vector<16xi32>
      %jit3A_173 = arith.constant 0 : i32
      %broadcast_in_dim3A_174 = vector.broadcast %jit3A_173 : i32 to vector<16xi32>
      %select_n3A_175 = arith.select %eq3A_172, %get3A_170, %broadcast_in_dim3A_174 : vector<16xi1>, vector<16xi32>
      %reduce_max3A = arith.constant true
      %reduce_max3A_176 = vector.broadcast %reduce_max3A : i1 to vector<16xi1>
      %reduce_max3A_177 = arith.constant -2147483648 : i32
      %reduce_max3A_178 = vector.broadcast %reduce_max3A_177 : i32 to vector<16xi32>
      %reduce_max3A_179 = arith.xori %select_n3A_175, %reduce_max3A_178 : vector<16xi32>
      %reduce_max3A_180 = tpu.scan <max>, %reduce_max3A_179 masked %reduce_max3A_176 : vector<16xi32>, vector<16xi1> -> vector<16xi32>
      %reduce_max3A_181 = arith.xori %reduce_max3A_180, %reduce_max3A_178 : vector<16xi32>
      %reduce_max3A_182 = vector.extract %reduce_max3A_181[15] : i32 from vector<16xi32>
      %shift_right_logical3A = arith.constant 7 : i32
      %shift_right_logical3A_183 = arith.shrui %reduce_max3A_182, %shift_right_logical3A : i32
      %shift_left3A = arith.constant 7 : i32
      %shift_left3A_184 = arith.shli %shift_right_logical3A_183, %shift_left3A : i32
      %multiple_of3A = tpu.assume_multiple %shift_left3A_184, 128 : i32
      %eq3A_185 = arith.constant 1 : i32
      %eq3A_186 = vector.broadcast %eq3A_185 : i32 to vector<16xi32>
      %eq3A_187 = arith.cmpi eq, %iota3A, %eq3A_186 : vector<16xi32>
      %jit3A_188 = arith.constant 0 : i32
      %broadcast_in_dim3A_189 = vector.broadcast %jit3A_188 : i32 to vector<16xi32>
      %select_n3A_190 = arith.select %eq3A_187, %get3A_170, %broadcast_in_dim3A_189 : vector<16xi1>, vector<16xi32>
      %reduce_max3A_191 = arith.constant true
      %reduce_max3A_192 = vector.broadcast %reduce_max3A_191 : i1 to vector<16xi1>
      %reduce_max3A_193 = arith.constant -2147483648 : i32
      %reduce_max3A_194 = vector.broadcast %reduce_max3A_193 : i32 to vector<16xi32>
      %reduce_max3A_195 = arith.xori %select_n3A_190, %reduce_max3A_194 : vector<16xi32>
      %reduce_max3A_196 = tpu.scan <max>, %reduce_max3A_195 masked %reduce_max3A_192 : vector<16xi32>, vector<16xi1> -> vector<16xi32>
      %reduce_max3A_197 = arith.xori %reduce_max3A_196, %reduce_max3A_194 : vector<16xi32>
      %reduce_max3A_198 = vector.extract %reduce_max3A_197[15] : i32 from vector<16xi32>
      %shift_right_logical3A_199 = arith.constant 7 : i32
      %shift_right_logical3A_200 = arith.shrui %reduce_max3A_198, %shift_right_logical3A_199 : i32
      %shift_left3A_201 = arith.constant 7 : i32
      %shift_left3A_202 = arith.shli %shift_right_logical3A_200, %shift_left3A_201 : i32
      %multiple_of3A_203 = tpu.assume_multiple %shift_left3A_202, 128 : i32
      %eq3A_204 = arith.constant 2 : i32
      %eq3A_205 = vector.broadcast %eq3A_204 : i32 to vector<16xi32>
      %eq3A_206 = arith.cmpi eq, %iota3A, %eq3A_205 : vector<16xi32>
      %jit3A_207 = arith.constant 0 : i32
      %broadcast_in_dim3A_208 = vector.broadcast %jit3A_207 : i32 to vector<16xi32>
      %select_n3A_209 = arith.select %eq3A_206, %get3A_170, %broadcast_in_dim3A_208 : vector<16xi1>, vector<16xi32>
      %reduce_max3A_210 = arith.constant true
      %reduce_max3A_211 = vector.broadcast %reduce_max3A_210 : i1 to vector<16xi1>
      %reduce_max3A_212 = arith.constant -2147483648 : i32
      %reduce_max3A_213 = vector.broadcast %reduce_max3A_212 : i32 to vector<16xi32>
      %reduce_max3A_214 = arith.xori %select_n3A_209, %reduce_max3A_213 : vector<16xi32>
      %reduce_max3A_215 = tpu.scan <max>, %reduce_max3A_214 masked %reduce_max3A_211 : vector<16xi32>, vector<16xi1> -> vector<16xi32>
      %reduce_max3A_216 = arith.xori %reduce_max3A_215, %reduce_max3A_213 : vector<16xi32>
      %reduce_max3A_217 = vector.extract %reduce_max3A_216[15] : i32 from vector<16xi32>
      %shift_right_logical3A_218 = arith.constant 7 : i32
      %shift_right_logical3A_219 = arith.shrui %reduce_max3A_217, %shift_right_logical3A_218 : i32
      %shift_left3A_220 = arith.constant 7 : i32
      %shift_left3A_221 = arith.shli %shift_right_logical3A_219, %shift_left3A_220 : i32
      %multiple_of3A_222 = tpu.assume_multiple %shift_left3A_221, 128 : i32
      %eq3A_223 = arith.constant 3 : i32
      %eq3A_224 = vector.broadcast %eq3A_223 : i32 to vector<16xi32>
      %eq3A_225 = arith.cmpi eq, %iota3A, %eq3A_224 : vector<16xi32>
      %jit3A_226 = arith.constant 0 : i32
      %broadcast_in_dim3A_227 = vector.broadcast %jit3A_226 : i32 to vector<16xi32>
      %select_n3A_228 = arith.select %eq3A_225, %get3A_170, %broadcast_in_dim3A_227 : vector<16xi1>, vector<16xi32>
      %reduce_max3A_229 = arith.constant true
      %reduce_max3A_230 = vector.broadcast %reduce_max3A_229 : i1 to vector<16xi1>
      %reduce_max3A_231 = arith.constant -2147483648 : i32
      %reduce_max3A_232 = vector.broadcast %reduce_max3A_231 : i32 to vector<16xi32>
      %reduce_max3A_233 = arith.xori %select_n3A_228, %reduce_max3A_232 : vector<16xi32>
      %reduce_max3A_234 = tpu.scan <max>, %reduce_max3A_233 masked %reduce_max3A_230 : vector<16xi32>, vector<16xi1> -> vector<16xi32>
      %reduce_max3A_235 = arith.xori %reduce_max3A_234, %reduce_max3A_232 : vector<16xi32>
      %reduce_max3A_236 = vector.extract %reduce_max3A_235[15] : i32 from vector<16xi32>
      %shift_right_logical3A_237 = arith.constant 7 : i32
      %shift_right_logical3A_238 = arith.shrui %reduce_max3A_236, %shift_right_logical3A_237 : i32
      %shift_left3A_239 = arith.constant 7 : i32
      %shift_left3A_240 = arith.shli %shift_right_logical3A_238, %shift_left3A_239 : i32
      %multiple_of3A_241 = tpu.assume_multiple %shift_left3A_240, 128 : i32
      %eq3A_242 = arith.constant 4 : i32
      %eq3A_243 = vector.broadcast %eq3A_242 : i32 to vector<16xi32>
      %eq3A_244 = arith.cmpi eq, %iota3A, %eq3A_243 : vector<16xi32>
      %jit3A_245 = arith.constant 0 : i32
      %broadcast_in_dim3A_246 = vector.broadcast %jit3A_245 : i32 to vector<16xi32>
      %select_n3A_247 = arith.select %eq3A_244, %get3A_170, %broadcast_in_dim3A_246 : vector<16xi1>, vector<16xi32>
      %reduce_max3A_248 = arith.constant true
      %reduce_max3A_249 = vector.broadcast %reduce_max3A_248 : i1 to vector<16xi1>
      %reduce_max3A_250 = arith.constant -2147483648 : i32
      %reduce_max3A_251 = vector.broadcast %reduce_max3A_250 : i32 to vector<16xi32>
      %reduce_max3A_252 = arith.xori %select_n3A_247, %reduce_max3A_251 : vector<16xi32>
      %reduce_max3A_253 = tpu.scan <max>, %reduce_max3A_252 masked %reduce_max3A_249 : vector<16xi32>, vector<16xi1> -> vector<16xi32>
      %reduce_max3A_254 = arith.xori %reduce_max3A_253, %reduce_max3A_251 : vector<16xi32>
      %reduce_max3A_255 = vector.extract %reduce_max3A_254[15] : i32 from vector<16xi32>
      %shift_right_logical3A_256 = arith.constant 7 : i32
      %shift_right_logical3A_257 = arith.shrui %reduce_max3A_255, %shift_right_logical3A_256 : i32
      %shift_left3A_258 = arith.constant 7 : i32
      %shift_left3A_259 = arith.shli %shift_right_logical3A_257, %shift_left3A_258 : i32
      %multiple_of3A_260 = tpu.assume_multiple %shift_left3A_259, 128 : i32
      %eq3A_261 = arith.constant 5 : i32
      %eq3A_262 = vector.broadcast %eq3A_261 : i32 to vector<16xi32>
      %eq3A_263 = arith.cmpi eq, %iota3A, %eq3A_262 : vector<16xi32>
      %jit3A_264 = arith.constant 0 : i32
      %broadcast_in_dim3A_265 = vector.broadcast %jit3A_264 : i32 to vector<16xi32>
      %select_n3A_266 = arith.select %eq3A_263, %get3A_170, %broadcast_in_dim3A_265 : vector<16xi1>, vector<16xi32>
      %reduce_max3A_267 = arith.constant true
      %reduce_max3A_268 = vector.broadcast %reduce_max3A_267 : i1 to vector<16xi1>
      %reduce_max3A_269 = arith.constant -2147483648 : i32
      %reduce_max3A_270 = vector.broadcast %reduce_max3A_269 : i32 to vector<16xi32>
      %reduce_max3A_271 = arith.xori %select_n3A_266, %reduce_max3A_270 : vector<16xi32>
      %reduce_max3A_272 = tpu.scan <max>, %reduce_max3A_271 masked %reduce_max3A_268 : vector<16xi32>, vector<16xi1> -> vector<16xi32>
      %reduce_max3A_273 = arith.xori %reduce_max3A_272, %reduce_max3A_270 : vector<16xi32>
      %reduce_max3A_274 = vector.extract %reduce_max3A_273[15] : i32 from vector<16xi32>
      %shift_right_logical3A_275 = arith.constant 7 : i32
      %shift_right_logical3A_276 = arith.shrui %reduce_max3A_274, %shift_right_logical3A_275 : i32
      %shift_left3A_277 = arith.constant 7 : i32
      %shift_left3A_278 = arith.shli %shift_right_logical3A_276, %shift_left3A_277 : i32
      %multiple_of3A_279 = tpu.assume_multiple %shift_left3A_278, 128 : i32
      %eq3A_280 = arith.constant 6 : i32
      %eq3A_281 = vector.broadcast %eq3A_280 : i32 to vector<16xi32>
      %eq3A_282 = arith.cmpi eq, %iota3A, %eq3A_281 : vector<16xi32>
      %jit3A_283 = arith.constant 0 : i32
      %broadcast_in_dim3A_284 = vector.broadcast %jit3A_283 : i32 to vector<16xi32>
      %select_n3A_285 = arith.select %eq3A_282, %get3A_170, %broadcast_in_dim3A_284 : vector<16xi1>, vector<16xi32>
      %reduce_max3A_286 = arith.constant true
      %reduce_max3A_287 = vector.broadcast %reduce_max3A_286 : i1 to vector<16xi1>
      %reduce_max3A_288 = arith.constant -2147483648 : i32
      %reduce_max3A_289 = vector.broadcast %reduce_max3A_288 : i32 to vector<16xi32>
      %reduce_max3A_290 = arith.xori %select_n3A_285, %reduce_max3A_289 : vector<16xi32>
      %reduce_max3A_291 = tpu.scan <max>, %reduce_max3A_290 masked %reduce_max3A_287 : vector<16xi32>, vector<16xi1> -> vector<16xi32>
      %reduce_max3A_292 = arith.xori %reduce_max3A_291, %reduce_max3A_289 : vector<16xi32>
      %reduce_max3A_293 = vector.extract %reduce_max3A_292[15] : i32 from vector<16xi32>
      %shift_right_logical3A_294 = arith.constant 7 : i32
      %shift_right_logical3A_295 = arith.shrui %reduce_max3A_293, %shift_right_logical3A_294 : i32
      %shift_left3A_296 = arith.constant 7 : i32
      %shift_left3A_297 = arith.shli %shift_right_logical3A_295, %shift_left3A_296 : i32
      %multiple_of3A_298 = tpu.assume_multiple %shift_left3A_297, 128 : i32
      %eq3A_299 = arith.constant 7 : i32
      %eq3A_300 = vector.broadcast %eq3A_299 : i32 to vector<16xi32>
      %eq3A_301 = arith.cmpi eq, %iota3A, %eq3A_300 : vector<16xi32>
      %jit3A_302 = arith.constant 0 : i32
      %broadcast_in_dim3A_303 = vector.broadcast %jit3A_302 : i32 to vector<16xi32>
      %select_n3A_304 = arith.select %eq3A_301, %get3A_170, %broadcast_in_dim3A_303 : vector<16xi1>, vector<16xi32>
      %reduce_max3A_305 = arith.constant true
      %reduce_max3A_306 = vector.broadcast %reduce_max3A_305 : i1 to vector<16xi1>
      %reduce_max3A_307 = arith.constant -2147483648 : i32
      %reduce_max3A_308 = vector.broadcast %reduce_max3A_307 : i32 to vector<16xi32>
      %reduce_max3A_309 = arith.xori %select_n3A_304, %reduce_max3A_308 : vector<16xi32>
      %reduce_max3A_310 = tpu.scan <max>, %reduce_max3A_309 masked %reduce_max3A_306 : vector<16xi32>, vector<16xi1> -> vector<16xi32>
      %reduce_max3A_311 = arith.xori %reduce_max3A_310, %reduce_max3A_308 : vector<16xi32>
      %reduce_max3A_312 = vector.extract %reduce_max3A_311[15] : i32 from vector<16xi32>
      %shift_right_logical3A_313 = arith.constant 7 : i32
      %shift_right_logical3A_314 = arith.shrui %reduce_max3A_312, %shift_right_logical3A_313 : i32
      %shift_left3A_315 = arith.constant 7 : i32
      %shift_left3A_316 = arith.shli %shift_right_logical3A_314, %shift_left3A_315 : i32
      %multiple_of3A_317 = tpu.assume_multiple %shift_left3A_316, 128 : i32
      %dma_start3A_318 = arith.constant 0 : i32
      %dma_start3A_319 = arith.constant 0 : i32
      %dma_start3A_320 = arith.constant 0 : i32
      %dma_start3A_321 = tpu.memref_slice %arg16[%dma_start3A_318, %dma_start3A_319, %dma_start3A_320] : memref<8x32x128xf32, #tpu.memory_space<vmem>> -> memref<1x32x128xf32, #tpu.memory_space<vmem>>
      %dma_start3A_322 = tpu.memref_squeeze %dma_start3A_321 : memref<1x32x128xf32, #tpu.memory_space<vmem>> -> memref<32x128xf32, #tpu.memory_space<vmem>>
      %dma_start3A_323 = arith.constant 0 : i32
      %dma_start3A_324 = tpu.memref_slice %arg4[%dma_start3A_323, %multiple_of3A] : memref<32x16384xf32, #tpu.memory_space<hbm>> -> memref<32x128xf32, #tpu.memory_space<hbm>>
      %dma_start3A_325 = arith.constant 0 : i32
      %dma_start3A_326 = arith.constant 0 : i32
      %dma_start3A_327 = tpu.memref_slice %arg16[%dma_start3A_318, %dma_start3A_325, %dma_start3A_326] : memref<8x32x128xf32, #tpu.memory_space<vmem>> -> memref<1x32x128xf32, #tpu.memory_space<vmem>>
      %dma_start3A_328 = tpu.memref_squeeze %dma_start3A_327 : memref<1x32x128xf32, #tpu.memory_space<vmem>> -> memref<32x128xf32, #tpu.memory_space<vmem>>
      %dma_start3A_329 = arith.constant 0 : i32
      %dma_start3A_330 = tpu.memref_slice %arg4[%dma_start3A_329, %multiple_of3A] : memref<32x16384xf32, #tpu.memory_space<hbm>> -> memref<32x128xf32, #tpu.memory_space<hbm>>
      tpu.enqueue_dma source(%dma_start3A_330 : memref<32x128xf32, #tpu.memory_space<hbm>>) target(%dma_start3A_328 : memref<32x128xf32, #tpu.memory_space<vmem>>) target_semaphore(%arg18 : memref<!tpu.dma_semaphore, #tpu.memory_space<semaphore_mem>>)
      %dma_start3A_331 = arith.constant 1 : i32
      %dma_start3A_332 = arith.constant 0 : i32
      %dma_start3A_333 = arith.constant 0 : i32
      %dma_start3A_334 = tpu.memref_slice %arg16[%dma_start3A_331, %dma_start3A_332, %dma_start3A_333] : memref<8x32x128xf32, #tpu.memory_space<vmem>> -> memref<1x32x128xf32, #tpu.memory_space<vmem>>
      %dma_start3A_335 = tpu.memref_squeeze %dma_start3A_334 : memref<1x32x128xf32, #tpu.memory_space<vmem>> -> memref<32x128xf32, #tpu.memory_space<vmem>>
      %dma_start3A_336 = arith.constant 0 : i32
      %dma_start3A_337 = tpu.memref_slice %arg4[%dma_start3A_336, %multiple_of3A_203] : memref<32x16384xf32, #tpu.memory_space<hbm>> -> memref<32x128xf32, #tpu.memory_space<hbm>>
      %dma_start3A_338 = arith.constant 0 : i32
      %dma_start3A_339 = arith.constant 0 : i32
      %dma_start3A_340 = tpu.memref_slice %arg16[%dma_start3A_331, %dma_start3A_338, %dma_start3A_339] : memref<8x32x128xf32, #tpu.memory_space<vmem>> -> memref<1x32x128xf32, #tpu.memory_space<vmem>>
      %dma_start3A_341 = tpu.memref_squeeze %dma_start3A_340 : memref<1x32x128xf32, #tpu.memory_space<vmem>> -> memref<32x128xf32, #tpu.memory_space<vmem>>
      %dma_start3A_342 = arith.constant 0 : i32
      %dma_start3A_343 = tpu.memref_slice %arg4[%dma_start3A_342, %multiple_of3A_203] : memref<32x16384xf32, #tpu.memory_space<hbm>> -> memref<32x128xf32, #tpu.memory_space<hbm>>
      tpu.enqueue_dma source(%dma_start3A_343 : memref<32x128xf32, #tpu.memory_space<hbm>>) target(%dma_start3A_341 : memref<32x128xf32, #tpu.memory_space<vmem>>) target_semaphore(%arg18 : memref<!tpu.dma_semaphore, #tpu.memory_space<semaphore_mem>>)
      %dma_start3A_344 = arith.constant 2 : i32
      %dma_start3A_345 = arith.constant 0 : i32
      %dma_start3A_346 = arith.constant 0 : i32
      %dma_start3A_347 = tpu.memref_slice %arg16[%dma_start3A_344, %dma_start3A_345, %dma_start3A_346] : memref<8x32x128xf32, #tpu.memory_space<vmem>> -> memref<1x32x128xf32, #tpu.memory_space<vmem>>
      %dma_start3A_348 = tpu.memref_squeeze %dma_start3A_347 : memref<1x32x128xf32, #tpu.memory_space<vmem>> -> memref<32x128xf32, #tpu.memory_space<vmem>>
      %dma_start3A_349 = arith.constant 0 : i32
      %dma_start3A_350 = tpu.memref_slice %arg4[%dma_start3A_349, %multiple_of3A_222] : memref<32x16384xf32, #tpu.memory_space<hbm>> -> memref<32x128xf32, #tpu.memory_space<hbm>>
      %dma_start3A_351 = arith.constant 0 : i32
      %dma_start3A_352 = arith.constant 0 : i32
      %dma_start3A_353 = tpu.memref_slice %arg16[%dma_start3A_344, %dma_start3A_351, %dma_start3A_352] : memref<8x32x128xf32, #tpu.memory_space<vmem>> -> memref<1x32x128xf32, #tpu.memory_space<vmem>>
      %dma_start3A_354 = tpu.memref_squeeze %dma_start3A_353 : memref<1x32x128xf32, #tpu.memory_space<vmem>> -> memref<32x128xf32, #tpu.memory_space<vmem>>
      %dma_start3A_355 = arith.constant 0 : i32
      %dma_start3A_356 = tpu.memref_slice %arg4[%dma_start3A_355, %multiple_of3A_222] : memref<32x16384xf32, #tpu.memory_space<hbm>> -> memref<32x128xf32, #tpu.memory_space<hbm>>
      tpu.enqueue_dma source(%dma_start3A_356 : memref<32x128xf32, #tpu.memory_space<hbm>>) target(%dma_start3A_354 : memref<32x128xf32, #tpu.memory_space<vmem>>) target_semaphore(%arg18 : memref<!tpu.dma_semaphore, #tpu.memory_space<semaphore_mem>>)
      %dma_start3A_357 = arith.constant 3 : i32
      %dma_start3A_358 = arith.constant 0 : i32
      %dma_start3A_359 = arith.constant 0 : i32
      %dma_start3A_360 = tpu.memref_slice %arg16[%dma_start3A_357, %dma_start3A_358, %dma_start3A_359] : memref<8x32x128xf32, #tpu.memory_space<vmem>> -> memref<1x32x128xf32, #tpu.memory_space<vmem>>
      %dma_start3A_361 = tpu.memref_squeeze %dma_start3A_360 : memref<1x32x128xf32, #tpu.memory_space<vmem>> -> memref<32x128xf32, #tpu.memory_space<vmem>>
      %dma_start3A_362 = arith.constant 0 : i32
      %dma_start3A_363 = tpu.memref_slice %arg4[%dma_start3A_362, %multiple_of3A_241] : memref<32x16384xf32, #tpu.memory_space<hbm>> -> memref<32x128xf32, #tpu.memory_space<hbm>>
      %dma_start3A_364 = arith.constant 0 : i32
      %dma_start3A_365 = arith.constant 0 : i32
      %dma_start3A_366 = tpu.memref_slice %arg16[%dma_start3A_357, %dma_start3A_364, %dma_start3A_365] : memref<8x32x128xf32, #tpu.memory_space<vmem>> -> memref<1x32x128xf32, #tpu.memory_space<vmem>>
      %dma_start3A_367 = tpu.memref_squeeze %dma_start3A_366 : memref<1x32x128xf32, #tpu.memory_space<vmem>> -> memref<32x128xf32, #tpu.memory_space<vmem>>
      %dma_start3A_368 = arith.constant 0 : i32
      %dma_start3A_369 = tpu.memref_slice %arg4[%dma_start3A_368, %multiple_of3A_241] : memref<32x16384xf32, #tpu.memory_space<hbm>> -> memref<32x128xf32, #tpu.memory_space<hbm>>
      tpu.enqueue_dma source(%dma_start3A_369 : memref<32x128xf32, #tpu.memory_space<hbm>>) target(%dma_start3A_367 : memref<32x128xf32, #tpu.memory_space<vmem>>) target_semaphore(%arg18 : memref<!tpu.dma_semaphore, #tpu.memory_space<semaphore_mem>>)
      %dma_start3A_370 = arith.constant 4 : i32
      %dma_start3A_371 = arith.constant 0 : i32
      %dma_start3A_372 = arith.constant 0 : i32
      %dma_start3A_373 = tpu.memref_slice %arg16[%dma_start3A_370, %dma_start3A_371, %dma_start3A_372] : memref<8x32x128xf32, #tpu.memory_space<vmem>> -> memref<1x32x128xf32, #tpu.memory_space<vmem>>
      %dma_start3A_374 = tpu.memref_squeeze %dma_start3A_373 : memref<1x32x128xf32, #tpu.memory_space<vmem>> -> memref<32x128xf32, #tpu.memory_space<vmem>>
      %dma_start3A_375 = arith.constant 0 : i32
      %dma_start3A_376 = tpu.memref_slice %arg4[%dma_start3A_375, %multiple_of3A_260] : memref<32x16384xf32, #tpu.memory_space<hbm>> -> memref<32x128xf32, #tpu.memory_space<hbm>>
      %dma_start3A_377 = arith.constant 0 : i32
      %dma_start3A_378 = arith.constant 0 : i32
      %dma_start3A_379 = tpu.memref_slice %arg16[%dma_start3A_370, %dma_start3A_377, %dma_start3A_378] : memref<8x32x128xf32, #tpu.memory_space<vmem>> -> memref<1x32x128xf32, #tpu.memory_space<vmem>>
      %dma_start3A_380 = tpu.memref_squeeze %dma_start3A_379 : memref<1x32x128xf32, #tpu.memory_space<vmem>> -> memref<32x128xf32, #tpu.memory_space<vmem>>
      %dma_start3A_381 = arith.constant 0 : i32
      %dma_start3A_382 = tpu.memref_slice %arg4[%dma_start3A_381, %multiple_of3A_260] : memref<32x16384xf32, #tpu.memory_space<hbm>> -> memref<32x128xf32, #tpu.memory_space<hbm>>
      tpu.enqueue_dma source(%dma_start3A_382 : memref<32x128xf32, #tpu.memory_space<hbm>>) target(%dma_start3A_380 : memref<32x128xf32, #tpu.memory_space<vmem>>) target_semaphore(%arg18 : memref<!tpu.dma_semaphore, #tpu.memory_space<semaphore_mem>>)
      %dma_start3A_383 = arith.constant 5 : i32
      %dma_start3A_384 = arith.constant 0 : i32
      %dma_start3A_385 = arith.constant 0 : i32
      %dma_start3A_386 = tpu.memref_slice %arg16[%dma_start3A_383, %dma_start3A_384, %dma_start3A_385] : memref<8x32x128xf32, #tpu.memory_space<vmem>> -> memref<1x32x128xf32, #tpu.memory_space<vmem>>
      %dma_start3A_387 = tpu.memref_squeeze %dma_start3A_386 : memref<1x32x128xf32, #tpu.memory_space<vmem>> -> memref<32x128xf32, #tpu.memory_space<vmem>>
      %dma_start3A_388 = arith.constant 0 : i32
      %dma_start3A_389 = tpu.memref_slice %arg4[%dma_start3A_388, %multiple_of3A_279] : memref<32x16384xf32, #tpu.memory_space<hbm>> -> memref<32x128xf32, #tpu.memory_space<hbm>>
      %dma_start3A_390 = arith.constant 0 : i32
      %dma_start3A_391 = arith.constant 0 : i32
      %dma_start3A_392 = tpu.memref_slice %arg16[%dma_start3A_383, %dma_start3A_390, %dma_start3A_391] : memref<8x32x128xf32, #tpu.memory_space<vmem>> -> memref<1x32x128xf32, #tpu.memory_space<vmem>>
      %dma_start3A_393 = tpu.memref_squeeze %dma_start3A_392 : memref<1x32x128xf32, #tpu.memory_space<vmem>> -> memref<32x128xf32, #tpu.memory_space<vmem>>
      %dma_start3A_394 = arith.constant 0 : i32
      %dma_start3A_395 = tpu.memref_slice %arg4[%dma_start3A_394, %multiple_of3A_279] : memref<32x16384xf32, #tpu.memory_space<hbm>> -> memref<32x128xf32, #tpu.memory_space<hbm>>
      tpu.enqueue_dma source(%dma_start3A_395 : memref<32x128xf32, #tpu.memory_space<hbm>>) target(%dma_start3A_393 : memref<32x128xf32, #tpu.memory_space<vmem>>) target_semaphore(%arg18 : memref<!tpu.dma_semaphore, #tpu.memory_space<semaphore_mem>>)
      %dma_start3A_396 = arith.constant 6 : i32
      %dma_start3A_397 = arith.constant 0 : i32
      %dma_start3A_398 = arith.constant 0 : i32
      %dma_start3A_399 = tpu.memref_slice %arg16[%dma_start3A_396, %dma_start3A_397, %dma_start3A_398] : memref<8x32x128xf32, #tpu.memory_space<vmem>> -> memref<1x32x128xf32, #tpu.memory_space<vmem>>
      %dma_start3A_400 = tpu.memref_squeeze %dma_start3A_399 : memref<1x32x128xf32, #tpu.memory_space<vmem>> -> memref<32x128xf32, #tpu.memory_space<vmem>>
      %dma_start3A_401 = arith.constant 0 : i32
      %dma_start3A_402 = tpu.memref_slice %arg4[%dma_start3A_401, %multiple_of3A_298] : memref<32x16384xf32, #tpu.memory_space<hbm>> -> memref<32x128xf32, #tpu.memory_space<hbm>>
      %dma_start3A_403 = arith.constant 0 : i32
      %dma_start3A_404 = arith.constant 0 : i32
      %dma_start3A_405 = tpu.memref_slice %arg16[%dma_start3A_396, %dma_start3A_403, %dma_start3A_404] : memref<8x32x128xf32, #tpu.memory_space<vmem>> -> memref<1x32x128xf32, #tpu.memory_space<vmem>>
      %dma_start3A_406 = tpu.memref_squeeze %dma_start3A_405 : memref<1x32x128xf32, #tpu.memory_space<vmem>> -> memref<32x128xf32, #tpu.memory_space<vmem>>
      %dma_start3A_407 = arith.constant 0 : i32
      %dma_start3A_408 = tpu.memref_slice %arg4[%dma_start3A_407, %multiple_of3A_298] : memref<32x16384xf32, #tpu.memory_space<hbm>> -> memref<32x128xf32, #tpu.memory_space<hbm>>
      tpu.enqueue_dma source(%dma_start3A_408 : memref<32x128xf32, #tpu.memory_space<hbm>>) target(%dma_start3A_406 : memref<32x128xf32, #tpu.memory_space<vmem>>) target_semaphore(%arg18 : memref<!tpu.dma_semaphore, #tpu.memory_space<semaphore_mem>>)
      %dma_start3A_409 = arith.constant 7 : i32
      %dma_start3A_410 = arith.constant 0 : i32
      %dma_start3A_411 = arith.constant 0 : i32
      %dma_start3A_412 = tpu.memref_slice %arg16[%dma_start3A_409, %dma_start3A_410, %dma_start3A_411] : memref<8x32x128xf32, #tpu.memory_space<vmem>> -> memref<1x32x128xf32, #tpu.memory_space<vmem>>
      %dma_start3A_413 = tpu.memref_squeeze %dma_start3A_412 : memref<1x32x128xf32, #tpu.memory_space<vmem>> -> memref<32x128xf32, #tpu.memory_space<vmem>>
      %dma_start3A_414 = arith.constant 0 : i32
      %dma_start3A_415 = tpu.memref_slice %arg4[%dma_start3A_414, %multiple_of3A_317] : memref<32x16384xf32, #tpu.memory_space<hbm>> -> memref<32x128xf32, #tpu.memory_space<hbm>>
      %dma_start3A_416 = arith.constant 0 : i32
      %dma_start3A_417 = arith.constant 0 : i32
      %dma_start3A_418 = tpu.memref_slice %arg16[%dma_start3A_409, %dma_start3A_416, %dma_start3A_417] : memref<8x32x128xf32, #tpu.memory_space<vmem>> -> memref<1x32x128xf32, #tpu.memory_space<vmem>>
      %dma_start3A_419 = tpu.memref_squeeze %dma_start3A_418 : memref<1x32x128xf32, #tpu.memory_space<vmem>> -> memref<32x128xf32, #tpu.memory_space<vmem>>
      %dma_start3A_420 = arith.constant 0 : i32
      %dma_start3A_421 = tpu.memref_slice %arg4[%dma_start3A_420, %multiple_of3A_317] : memref<32x16384xf32, #tpu.memory_space<hbm>> -> memref<32x128xf32, #tpu.memory_space<hbm>>
      tpu.enqueue_dma source(%dma_start3A_421 : memref<32x128xf32, #tpu.memory_space<hbm>>) target(%dma_start3A_419 : memref<32x128xf32, #tpu.memory_space<vmem>>) target_semaphore(%arg18 : memref<!tpu.dma_semaphore, #tpu.memory_space<semaphore_mem>>)
      %mul3A_422 = arith.constant 8 : i32
      %mul3A_423 = arith.muli %while3A_167, %mul3A_422 : i32
      %get3A_424 = arith.index_cast %mul3A_423 : i32 to index
      %get3A_425 = tpu.vector_load %arg13[%get3A_424] {strides = array<i32>} : memref<4112xi32, #tpu.memory_space<vmem>>, vector<16xi32>,
      %lt3A = arith.constant 8 : i32
      %lt3A_426 = vector.broadcast %lt3A : i32 to vector<16xi32>
      %lt3A_427 = arith.cmpi slt, %iota3A, %lt3A_426 : vector<16xi32>
      %add3A_428 = arith.constant 4096 : i32
      %add3A_429 = vector.broadcast %add3A_428 : i32 to vector<16xi32>
      %add3A_430 = arith.addi %add3A_429, %iota3A : vector<16xi32>
      %select_n3A_431 = arith.select %lt3A_427, %get3A_425, %add3A_430 : vector<16xi1>, vector<16xi32>
      %dma_wait3A_432 = arith.constant 0 : i32
      %dma_wait3A_433 = arith.constant 0 : i32
      %dma_wait3A_434 = arith.constant 0 : i32
      %dma_wait3A_435 = tpu.memref_slice %arg16[%dma_wait3A_432, %dma_wait3A_433, %dma_wait3A_434] : memref<8x32x128xf32, #tpu.memory_space<vmem>> -> memref<1x32x128xf32, #tpu.memory_space<vmem>>
      %dma_wait3A_436 = tpu.memref_squeeze %dma_wait3A_435 : memref<1x32x128xf32, #tpu.memory_space<vmem>> -> memref<32x128xf32, #tpu.memory_space<vmem>>
      %dma_wait3A_437 = arith.constant 0 : i32
      %dma_wait3A_438 = tpu.memref_slice %arg4[%dma_wait3A_437, %multiple_of3A] : memref<32x16384xf32, #tpu.memory_space<hbm>> -> memref<32x128xf32, #tpu.memory_space<hbm>>
      %dma_wait3A_439 = arith.constant 0 : i32
      %dma_wait3A_440 = arith.constant 0 : i32
      %dma_wait3A_441 = tpu.memref_slice %arg16[%dma_wait3A_432, %dma_wait3A_439, %dma_wait3A_440] : memref<8x32x128xf32, #tpu.memory_space<vmem>> -> memref<1x32x128xf32, #tpu.memory_space<vmem>>
      %dma_wait3A_442 = tpu.memref_squeeze %dma_wait3A_441 : memref<1x32x128xf32, #tpu.memory_space<vmem>> -> memref<32x128xf32, #tpu.memory_space<vmem>>
      %dma_wait3A_443 = arith.constant 0 : i32
      %dma_wait3A_444 = tpu.memref_slice %arg4[%dma_wait3A_443, %multiple_of3A] : memref<32x16384xf32, #tpu.memory_space<hbm>> -> memref<32x128xf32, #tpu.memory_space<hbm>>
      tpu.wait_dma2 semaphore(%arg18 : memref<!tpu.dma_semaphore, #tpu.memory_space<semaphore_mem>>) src(%dma_wait3A_444 : memref<32x128xf32, #tpu.memory_space<hbm>>) dst(%dma_wait3A_442 : memref<32x128xf32, #tpu.memory_space<vmem>>)
      %dma_wait3A_445 = arith.constant 1 : i32
      %dma_wait3A_446 = arith.constant 0 : i32
      %dma_wait3A_447 = arith.constant 0 : i32
      %dma_wait3A_448 = tpu.memref_slice %arg16[%dma_wait3A_445, %dma_wait3A_446, %dma_wait3A_447] : memref<8x32x128xf32, #tpu.memory_space<vmem>> -> memref<1x32x128xf32, #tpu.memory_space<vmem>>
      %dma_wait3A_449 = tpu.memref_squeeze %dma_wait3A_448 : memref<1x32x128xf32, #tpu.memory_space<vmem>> -> memref<32x128xf32, #tpu.memory_space<vmem>>
      %dma_wait3A_450 = arith.constant 0 : i32
      %dma_wait3A_451 = tpu.memref_slice %arg4[%dma_wait3A_450, %multiple_of3A_203] : memref<32x16384xf32, #tpu.memory_space<hbm>> -> memref<32x128xf32, #tpu.memory_space<hbm>>
      %dma_wait3A_452 = arith.constant 0 : i32
      %dma_wait3A_453 = arith.constant 0 : i32
      %dma_wait3A_454 = tpu.memref_slice %arg16[%dma_wait3A_445, %dma_wait3A_452, %dma_wait3A_453] : memref<8x32x128xf32, #tpu.memory_space<vmem>> -> memref<1x32x128xf32, #tpu.memory_space<vmem>>
      %dma_wait3A_455 = tpu.memref_squeeze %dma_wait3A_454 : memref<1x32x128xf32, #tpu.memory_space<vmem>> -> memref<32x128xf32, #tpu.memory_space<vmem>>
      %dma_wait3A_456 = arith.constant 0 : i32
      %dma_wait3A_457 = tpu.memref_slice %arg4[%dma_wait3A_456, %multiple_of3A_203] : memref<32x16384xf32, #tpu.memory_space<hbm>> -> memref<32x128xf32, #tpu.memory_space<hbm>>
      tpu.wait_dma2 semaphore(%arg18 : memref<!tpu.dma_semaphore, #tpu.memory_space<semaphore_mem>>) src(%dma_wait3A_457 : memref<32x128xf32, #tpu.memory_space<hbm>>) dst(%dma_wait3A_455 : memref<32x128xf32, #tpu.memory_space<vmem>>)
      %dma_wait3A_458 = arith.constant 2 : i32
      %dma_wait3A_459 = arith.constant 0 : i32
      %dma_wait3A_460 = arith.constant 0 : i32
      %dma_wait3A_461 = tpu.memref_slice %arg16[%dma_wait3A_458, %dma_wait3A_459, %dma_wait3A_460] : memref<8x32x128xf32, #tpu.memory_space<vmem>> -> memref<1x32x128xf32, #tpu.memory_space<vmem>>
      %dma_wait3A_462 = tpu.memref_squeeze %dma_wait3A_461 : memref<1x32x128xf32, #tpu.memory_space<vmem>> -> memref<32x128xf32, #tpu.memory_space<vmem>>
      %dma_wait3A_463 = arith.constant 0 : i32
      %dma_wait3A_464 = tpu.memref_slice %arg4[%dma_wait3A_463, %multiple_of3A_222] : memref<32x16384xf32, #tpu.memory_space<hbm>> -> memref<32x128xf32, #tpu.memory_space<hbm>>
      %dma_wait3A_465 = arith.constant 0 : i32
      %dma_wait3A_466 = arith.constant 0 : i32
      %dma_wait3A_467 = tpu.memref_slice %arg16[%dma_wait3A_458, %dma_wait3A_465, %dma_wait3A_466] : memref<8x32x128xf32, #tpu.memory_space<vmem>> -> memref<1x32x128xf32, #tpu.memory_space<vmem>>
      %dma_wait3A_468 = tpu.memref_squeeze %dma_wait3A_467 : memref<1x32x128xf32, #tpu.memory_space<vmem>> -> memref<32x128xf32, #tpu.memory_space<vmem>>
      %dma_wait3A_469 = arith.constant 0 : i32
      %dma_wait3A_470 = tpu.memref_slice %arg4[%dma_wait3A_469, %multiple_of3A_222] : memref<32x16384xf32, #tpu.memory_space<hbm>> -> memref<32x128xf32, #tpu.memory_space<hbm>>
      tpu.wait_dma2 semaphore(%arg18 : memref<!tpu.dma_semaphore, #tpu.memory_space<semaphore_mem>>) src(%dma_wait3A_470 : memref<32x128xf32, #tpu.memory_space<hbm>>) dst(%dma_wait3A_468 : memref<32x128xf32, #tpu.memory_space<vmem>>)
      %dma_wait3A_471 = arith.constant 3 : i32
      %dma_wait3A_472 = arith.constant 0 : i32
      %dma_wait3A_473 = arith.constant 0 : i32
      %dma_wait3A_474 = tpu.memref_slice %arg16[%dma_wait3A_471, %dma_wait3A_472, %dma_wait3A_473] : memref<8x32x128xf32, #tpu.memory_space<vmem>> -> memref<1x32x128xf32, #tpu.memory_space<vmem>>
      %dma_wait3A_475 = tpu.memref_squeeze %dma_wait3A_474 : memref<1x32x128xf32, #tpu.memory_space<vmem>> -> memref<32x128xf32, #tpu.memory_space<vmem>>
      %dma_wait3A_476 = arith.constant 0 : i32
      %dma_wait3A_477 = tpu.memref_slice %arg4[%dma_wait3A_476, %multiple_of3A_241] : memref<32x16384xf32, #tpu.memory_space<hbm>> -> memref<32x128xf32, #tpu.memory_space<hbm>>
      %dma_wait3A_478 = arith.constant 0 : i32
      %dma_wait3A_479 = arith.constant 0 : i32
      %dma_wait3A_480 = tpu.memref_slice %arg16[%dma_wait3A_471, %dma_wait3A_478, %dma_wait3A_479] : memref<8x32x128xf32, #tpu.memory_space<vmem>> -> memref<1x32x128xf32, #tpu.memory_space<vmem>>
      %dma_wait3A_481 = tpu.memref_squeeze %dma_wait3A_480 : memref<1x32x128xf32, #tpu.memory_space<vmem>> -> memref<32x128xf32, #tpu.memory_space<vmem>>
      %dma_wait3A_482 = arith.constant 0 : i32
      %dma_wait3A_483 = tpu.memref_slice %arg4[%dma_wait3A_482, %multiple_of3A_241] : memref<32x16384xf32, #tpu.memory_space<hbm>> -> memref<32x128xf32, #tpu.memory_space<hbm>>
      tpu.wait_dma2 semaphore(%arg18 : memref<!tpu.dma_semaphore, #tpu.memory_space<semaphore_mem>>) src(%dma_wait3A_483 : memref<32x128xf32, #tpu.memory_space<hbm>>) dst(%dma_wait3A_481 : memref<32x128xf32, #tpu.memory_space<vmem>>)
      %dma_wait3A_484 = arith.constant 4 : i32
      %dma_wait3A_485 = arith.constant 0 : i32
      %dma_wait3A_486 = arith.constant 0 : i32
      %dma_wait3A_487 = tpu.memref_slice %arg16[%dma_wait3A_484, %dma_wait3A_485, %dma_wait3A_486] : memref<8x32x128xf32, #tpu.memory_space<vmem>> -> memref<1x32x128xf32, #tpu.memory_space<vmem>>
      %dma_wait3A_488 = tpu.memref_squeeze %dma_wait3A_487 : memref<1x32x128xf32, #tpu.memory_space<vmem>> -> memref<32x128xf32, #tpu.memory_space<vmem>>
      %dma_wait3A_489 = arith.constant 0 : i32
      %dma_wait3A_490 = tpu.memref_slice %arg4[%dma_wait3A_489, %multiple_of3A_260] : memref<32x16384xf32, #tpu.memory_space<hbm>> -> memref<32x128xf32, #tpu.memory_space<hbm>>
      %dma_wait3A_491 = arith.constant 0 : i32
      %dma_wait3A_492 = arith.constant 0 : i32
      %dma_wait3A_493 = tpu.memref_slice %arg16[%dma_wait3A_484, %dma_wait3A_491, %dma_wait3A_492] : memref<8x32x128xf32, #tpu.memory_space<vmem>> -> memref<1x32x128xf32, #tpu.memory_space<vmem>>
      %dma_wait3A_494 = tpu.memref_squeeze %dma_wait3A_493 : memref<1x32x128xf32, #tpu.memory_space<vmem>> -> memref<32x128xf32, #tpu.memory_space<vmem>>
      %dma_wait3A_495 = arith.constant 0 : i32
      %dma_wait3A_496 = tpu.memref_slice %arg4[%dma_wait3A_495, %multiple_of3A_260] : memref<32x16384xf32, #tpu.memory_space<hbm>> -> memref<32x128xf32, #tpu.memory_space<hbm>>
      tpu.wait_dma2 semaphore(%arg18 : memref<!tpu.dma_semaphore, #tpu.memory_space<semaphore_mem>>) src(%dma_wait3A_496 : memref<32x128xf32, #tpu.memory_space<hbm>>) dst(%dma_wait3A_494 : memref<32x128xf32, #tpu.memory_space<vmem>>)
      %dma_wait3A_497 = arith.constant 5 : i32
      %dma_wait3A_498 = arith.constant 0 : i32
      %dma_wait3A_499 = arith.constant 0 : i32
      %dma_wait3A_500 = tpu.memref_slice %arg16[%dma_wait3A_497, %dma_wait3A_498, %dma_wait3A_499] : memref<8x32x128xf32, #tpu.memory_space<vmem>> -> memref<1x32x128xf32, #tpu.memory_space<vmem>>
      %dma_wait3A_501 = tpu.memref_squeeze %dma_wait3A_500 : memref<1x32x128xf32, #tpu.memory_space<vmem>> -> memref<32x128xf32, #tpu.memory_space<vmem>>
      %dma_wait3A_502 = arith.constant 0 : i32
      %dma_wait3A_503 = tpu.memref_slice %arg4[%dma_wait3A_502, %multiple_of3A_279] : memref<32x16384xf32, #tpu.memory_space<hbm>> -> memref<32x128xf32, #tpu.memory_space<hbm>>
      %dma_wait3A_504 = arith.constant 0 : i32
      %dma_wait3A_505 = arith.constant 0 : i32
      %dma_wait3A_506 = tpu.memref_slice %arg16[%dma_wait3A_497, %dma_wait3A_504, %dma_wait3A_505] : memref<8x32x128xf32, #tpu.memory_space<vmem>> -> memref<1x32x128xf32, #tpu.memory_space<vmem>>
      %dma_wait3A_507 = tpu.memref_squeeze %dma_wait3A_506 : memref<1x32x128xf32, #tpu.memory_space<vmem>> -> memref<32x128xf32, #tpu.memory_space<vmem>>
      %dma_wait3A_508 = arith.constant 0 : i32
      %dma_wait3A_509 = tpu.memref_slice %arg4[%dma_wait3A_508, %multiple_of3A_279] : memref<32x16384xf32, #tpu.memory_space<hbm>> -> memref<32x128xf32, #tpu.memory_space<hbm>>
      tpu.wait_dma2 semaphore(%arg18 : memref<!tpu.dma_semaphore, #tpu.memory_space<semaphore_mem>>) src(%dma_wait3A_509 : memref<32x128xf32, #tpu.memory_space<hbm>>) dst(%dma_wait3A_507 : memref<32x128xf32, #tpu.memory_space<vmem>>)
      %dma_wait3A_510 = arith.constant 6 : i32
      %dma_wait3A_511 = arith.constant 0 : i32
      %dma_wait3A_512 = arith.constant 0 : i32
      %dma_wait3A_513 = tpu.memref_slice %arg16[%dma_wait3A_510, %dma_wait3A_511, %dma_wait3A_512] : memref<8x32x128xf32, #tpu.memory_space<vmem>> -> memref<1x32x128xf32, #tpu.memory_space<vmem>>
      %dma_wait3A_514 = tpu.memref_squeeze %dma_wait3A_513 : memref<1x32x128xf32, #tpu.memory_space<vmem>> -> memref<32x128xf32, #tpu.memory_space<vmem>>
      %dma_wait3A_515 = arith.constant 0 : i32
      %dma_wait3A_516 = tpu.memref_slice %arg4[%dma_wait3A_515, %multiple_of3A_298] : memref<32x16384xf32, #tpu.memory_space<hbm>> -> memref<32x128xf32, #tpu.memory_space<hbm>>
      %dma_wait3A_517 = arith.constant 0 : i32
      %dma_wait3A_518 = arith.constant 0 : i32
      %dma_wait3A_519 = tpu.memref_slice %arg16[%dma_wait3A_510, %dma_wait3A_517, %dma_wait3A_518] : memref<8x32x128xf32, #tpu.memory_space<vmem>> -> memref<1x32x128xf32, #tpu.memory_space<vmem>>
      %dma_wait3A_520 = tpu.memref_squeeze %dma_wait3A_519 : memref<1x32x128xf32, #tpu.memory_space<vmem>> -> memref<32x128xf32, #tpu.memory_space<vmem>>
      %dma_wait3A_521 = arith.constant 0 : i32
      %dma_wait3A_522 = tpu.memref_slice %arg4[%dma_wait3A_521, %multiple_of3A_298] : memref<32x16384xf32, #tpu.memory_space<hbm>> -> memref<32x128xf32, #tpu.memory_space<hbm>>
      tpu.wait_dma2 semaphore(%arg18 : memref<!tpu.dma_semaphore, #tpu.memory_space<semaphore_mem>>) src(%dma_wait3A_522 : memref<32x128xf32, #tpu.memory_space<hbm>>) dst(%dma_wait3A_520 : memref<32x128xf32, #tpu.memory_space<vmem>>)
      %dma_wait3A_523 = arith.constant 7 : i32
      %dma_wait3A_524 = arith.constant 0 : i32
      %dma_wait3A_525 = arith.constant 0 : i32
      %dma_wait3A_526 = tpu.memref_slice %arg16[%dma_wait3A_523, %dma_wait3A_524, %dma_wait3A_525] : memref<8x32x128xf32, #tpu.memory_space<vmem>> -> memref<1x32x128xf32, #tpu.memory_space<vmem>>
      %dma_wait3A_527 = tpu.memref_squeeze %dma_wait3A_526 : memref<1x32x128xf32, #tpu.memory_space<vmem>> -> memref<32x128xf32, #tpu.memory_space<vmem>>
      %dma_wait3A_528 = arith.constant 0 : i32
      %dma_wait3A_529 = tpu.memref_slice %arg4[%dma_wait3A_528, %multiple_of3A_317] : memref<32x16384xf32, #tpu.memory_space<hbm>> -> memref<32x128xf32, #tpu.memory_space<hbm>>
      %dma_wait3A_530 = arith.constant 0 : i32
      %dma_wait3A_531 = arith.constant 0 : i32
      %dma_wait3A_532 = tpu.memref_slice %arg16[%dma_wait3A_523, %dma_wait3A_530, %dma_wait3A_531] : memref<8x32x128xf32, #tpu.memory_space<vmem>> -> memref<1x32x128xf32, #tpu.memory_space<vmem>>
      %dma_wait3A_533 = tpu.memref_squeeze %dma_wait3A_532 : memref<1x32x128xf32, #tpu.memory_space<vmem>> -> memref<32x128xf32, #tpu.memory_space<vmem>>
      %dma_wait3A_534 = arith.constant 0 : i32
      %dma_wait3A_535 = tpu.memref_slice %arg4[%dma_wait3A_534, %multiple_of3A_317] : memref<32x16384xf32, #tpu.memory_space<hbm>> -> memref<32x128xf32, #tpu.memory_space<hbm>>
      tpu.wait_dma2 semaphore(%arg18 : memref<!tpu.dma_semaphore, #tpu.memory_space<semaphore_mem>>) src(%dma_wait3A_535 : memref<32x128xf32, #tpu.memory_space<hbm>>) dst(%dma_wait3A_533 : memref<32x128xf32, #tpu.memory_space<vmem>>)
      %and3A_536 = arith.constant 3 : i32
      %and3A_537 = arith.andi %while3A_167, %and3A_536 : i32
      %ge3A = arith.constant 4 : i32
      %ge3A_538 = arith.cmpi sge, %while3A_167, %ge3A : i32
      %convert_element_type3A = arith.extui %ge3A_538 : i1 to i32
      %cond3A = arith.constant 0 : i32
      %cond3A_539 = arith.cmpi ne, %convert_element_type3A, %cond3A : i32
      scf.if %cond3A_539 {
        %dma_wait3A_730 = arith.constant 0 : i32
        %dma_wait3A_731 = arith.constant 0 : i32
        %dma_wait3A_732 = tpu.memref_slice %arg17[%and3A_537, %dma_wait3A_730, %dma_wait3A_731] : memref<4x16x128xf32, #tpu.memory_space<vmem>> -> memref<1x16x128xf32, #tpu.memory_space<vmem>>
        %dma_wait3A_733 = tpu.memref_squeeze %dma_wait3A_732 : memref<1x16x128xf32, #tpu.memory_space<vmem>> -> memref<16x128xf32, #tpu.memory_space<vmem>>
        %dma_wait3A_734 = arith.constant 0 : i32
        %dma_wait3A_735 = arith.constant 0 : i32
        %dma_wait3A_736 = tpu.memref_slice %arg7[%dma_wait3A_734, %dma_wait3A_735] : memref<4128x128xf32, #tpu.memory_space<hbm>> -> memref<4128x128xf32, #tpu.memory_space<hbm>>
        tpu.wait_indirect_dma semaphore(%arg19 : memref<!tpu.dma_semaphore, #tpu.memory_space<semaphore_mem>>) src(%dma_wait3A_736 : memref<4128x128xf32, #tpu.memory_space<hbm>>) dst(%dma_wait3A_733 : memref<16x128xf32, #tpu.memory_space<vmem>>)
      } else {
      }
      %broadcast_in_dim3A_540 = arith.constant 0 : i32
      %broadcast_in_dim3A_541 = vector.broadcast %broadcast_in_dim3A_540 : i32 to vector<16xi32>
      %and3A_542 = arith.constant 127 : i32
      %and3A_543 = arith.andi %reduce_max3A_182, %and3A_542 : i32
      %add3A_544 = vector.broadcast %and3A_543 : i32 to vector<16xi32>
      %add3A_545 = arith.addi %broadcast_in_dim3A_541, %add3A_544 : vector<16xi32>
      %broadcast_in_dim3A_546 = arith.constant 0 : i32
      %broadcast_in_dim3A_547 = vector.broadcast %broadcast_in_dim3A_546 : i32 to vector<16xi32>
      %gather3A = tpu.vector_load_idx %arg16[%broadcast_in_dim3A_547, %iota3A, %add3A_545] : memref<8x32x128xf32, #tpu.memory_space<vmem>>[vector<16xi32>, vector<16xi32>, vector<16xi32>], vector<16xf32>,
      %add3A_548 = arith.constant 16 : i32
      %add3A_549 = vector.broadcast %add3A_548 : i32 to vector<16xi32>
      %add3A_550 = arith.addi %iota3A, %add3A_549 : vector<16xi32>
      %gather3A_551 = tpu.vector_load_idx %arg16[%broadcast_in_dim3A_547, %add3A_550, %add3A_545] : memref<8x32x128xf32, #tpu.memory_space<vmem>>[vector<16xi32>, vector<16xi32>, vector<16xi32>], vector<16xf32>,
      %swap3A_552 = arith.constant 0 : i32
      %swap3A_553 = arith.index_cast %and3A_537 : i32 to index
      %swap3A_554 = arith.index_cast %swap3A_552 : i32 to index
      %swap3A_555 = arith.constant 0 : index
      %swap3A_556 = tpu.vector_load %arg17[%swap3A_553, %swap3A_554, %swap3A_555] {strides = array<i32>} : memref<4x16x128xf32, #tpu.memory_space<vmem>>, vector<16xf32>,
      tpu.vector_store %arg17[%swap3A_553, %swap3A_554, %swap3A_555], %gather3A {strides = array<i32>} : memref<4x16x128xf32, #tpu.memory_space<vmem>>, vector<16xf32>,
      %swap3A_557 = arith.constant 0 : i32
      %swap3A_558 = arith.index_cast %and3A_537 : i32 to index
      %swap3A_559 = arith.index_cast %swap3A_557 : i32 to index
      %swap3A_560 = arith.constant 16 : index
      %swap3A_561 = tpu.vector_load %arg17[%swap3A_558, %swap3A_559, %swap3A_560] {strides = array<i32>} : memref<4x16x128xf32, #tpu.memory_space<vmem>>, vector<16xf32>,
      tpu.vector_store %arg17[%swap3A_558, %swap3A_559, %swap3A_560], %gather3A_551 {strides = array<i32>} : memref<4x16x128xf32, #tpu.memory_space<vmem>>, vector<16xf32>,
      %broadcast_in_dim3A_562 = arith.constant 0 : i32
      %broadcast_in_dim3A_563 = vector.broadcast %broadcast_in_dim3A_562 : i32 to vector<16xi32>
      %and3A_564 = arith.constant 127 : i32
      %and3A_565 = arith.andi %reduce_max3A_198, %and3A_564 : i32
      %add3A_566 = vector.broadcast %and3A_565 : i32 to vector<16xi32>
      %add3A_567 = arith.addi %broadcast_in_dim3A_563, %add3A_566 : vector<16xi32>
      %broadcast_in_dim3A_568 = arith.constant 1 : i32
      %broadcast_in_dim3A_569 = vector.broadcast %broadcast_in_dim3A_568 : i32 to vector<16xi32>
      %gather3A_570 = tpu.vector_load_idx %arg16[%broadcast_in_dim3A_569, %iota3A, %add3A_567] : memref<8x32x128xf32, #tpu.memory_space<vmem>>[vector<16xi32>, vector<16xi32>, vector<16xi32>], vector<16xf32>,
      %add3A_571 = arith.constant 16 : i32
      %add3A_572 = vector.broadcast %add3A_571 : i32 to vector<16xi32>
      %add3A_573 = arith.addi %iota3A, %add3A_572 : vector<16xi32>
      %gather3A_574 = tpu.vector_load_idx %arg16[%broadcast_in_dim3A_569, %add3A_573, %add3A_567] : memref<8x32x128xf32, #tpu.memory_space<vmem>>[vector<16xi32>, vector<16xi32>, vector<16xi32>], vector<16xf32>,
      %swap3A_575 = arith.constant 1 : i32
      %swap3A_576 = arith.index_cast %and3A_537 : i32 to index
      %swap3A_577 = arith.index_cast %swap3A_575 : i32 to index
      %swap3A_578 = arith.constant 0 : index
      %swap3A_579 = tpu.vector_load %arg17[%swap3A_576, %swap3A_577, %swap3A_578] {strides = array<i32>} : memref<4x16x128xf32, #tpu.memory_space<vmem>>, vector<16xf32>,
      tpu.vector_store %arg17[%swap3A_576, %swap3A_577, %swap3A_578], %gather3A_570 {strides = array<i32>} : memref<4x16x128xf32, #tpu.memory_space<vmem>>, vector<16xf32>,
      %swap3A_580 = arith.constant 1 : i32
      %swap3A_581 = arith.index_cast %and3A_537 : i32 to index
      %swap3A_582 = arith.index_cast %swap3A_580 : i32 to index
      %swap3A_583 = arith.constant 16 : index
      %swap3A_584 = tpu.vector_load %arg17[%swap3A_581, %swap3A_582, %swap3A_583] {strides = array<i32>} : memref<4x16x128xf32, #tpu.memory_space<vmem>>, vector<16xf32>,
      tpu.vector_store %arg17[%swap3A_581, %swap3A_582, %swap3A_583], %gather3A_574 {strides = array<i32>} : memref<4x16x128xf32, #tpu.memory_space<vmem>>, vector<16xf32>,
      %broadcast_in_dim3A_585 = arith.constant 0 : i32
      %broadcast_in_dim3A_586 = vector.broadcast %broadcast_in_dim3A_585 : i32 to vector<16xi32>
      %and3A_587 = arith.constant 127 : i32
      %and3A_588 = arith.andi %reduce_max3A_217, %and3A_587 : i32
      %add3A_589 = vector.broadcast %and3A_588 : i32 to vector<16xi32>
      %add3A_590 = arith.addi %broadcast_in_dim3A_586, %add3A_589 : vector<16xi32>
      %broadcast_in_dim3A_591 = arith.constant 2 : i32
      %broadcast_in_dim3A_592 = vector.broadcast %broadcast_in_dim3A_591 : i32 to vector<16xi32>
      %gather3A_593 = tpu.vector_load_idx %arg16[%broadcast_in_dim3A_592, %iota3A, %add3A_590] : memref<8x32x128xf32, #tpu.memory_space<vmem>>[vector<16xi32>, vector<16xi32>, vector<16xi32>], vector<16xf32>,
      %add3A_594 = arith.constant 16 : i32
      %add3A_595 = vector.broadcast %add3A_594 : i32 to vector<16xi32>
      %add3A_596 = arith.addi %iota3A, %add3A_595 : vector<16xi32>
      %gather3A_597 = tpu.vector_load_idx %arg16[%broadcast_in_dim3A_592, %add3A_596, %add3A_590] : memref<8x32x128xf32, #tpu.memory_space<vmem>>[vector<16xi32>, vector<16xi32>, vector<16xi32>], vector<16xf32>,
      %swap3A_598 = arith.constant 2 : i32
      %swap3A_599 = arith.index_cast %and3A_537 : i32 to index
      %swap3A_600 = arith.index_cast %swap3A_598 : i32 to index
      %swap3A_601 = arith.constant 0 : index
      %swap3A_602 = tpu.vector_load %arg17[%swap3A_599, %swap3A_600, %swap3A_601] {strides = array<i32>} : memref<4x16x128xf32, #tpu.memory_space<vmem>>, vector<16xf32>,
      tpu.vector_store %arg17[%swap3A_599, %swap3A_600, %swap3A_601], %gather3A_593 {strides = array<i32>} : memref<4x16x128xf32, #tpu.memory_space<vmem>>, vector<16xf32>,
      %swap3A_603 = arith.constant 2 : i32
      %swap3A_604 = arith.index_cast %and3A_537 : i32 to index
      %swap3A_605 = arith.index_cast %swap3A_603 : i32 to index
      %swap3A_606 = arith.constant 16 : index
      %swap3A_607 = tpu.vector_load %arg17[%swap3A_604, %swap3A_605, %swap3A_606] {strides = array<i32>} : memref<4x16x128xf32, #tpu.memory_space<vmem>>, vector<16xf32>,
      tpu.vector_store %arg17[%swap3A_604, %swap3A_605, %swap3A_606], %gather3A_597 {strides = array<i32>} : memref<4x16x128xf32, #tpu.memory_space<vmem>>, vector<16xf32>,
      %broadcast_in_dim3A_608 = arith.constant 0 : i32
      %broadcast_in_dim3A_609 = vector.broadcast %broadcast_in_dim3A_608 : i32 to vector<16xi32>
      %and3A_610 = arith.constant 127 : i32
      %and3A_611 = arith.andi %reduce_max3A_236, %and3A_610 : i32
      %add3A_612 = vector.broadcast %and3A_611 : i32 to vector<16xi32>
      %add3A_613 = arith.addi %broadcast_in_dim3A_609, %add3A_612 : vector<16xi32>
      %broadcast_in_dim3A_614 = arith.constant 3 : i32
      %broadcast_in_dim3A_615 = vector.broadcast %broadcast_in_dim3A_614 : i32 to vector<16xi32>
      %gather3A_616 = tpu.vector_load_idx %arg16[%broadcast_in_dim3A_615, %iota3A, %add3A_613] : memref<8x32x128xf32, #tpu.memory_space<vmem>>[vector<16xi32>, vector<16xi32>, vector<16xi32>], vector<16xf32>,
      %add3A_617 = arith.constant 16 : i32
      %add3A_618 = vector.broadcast %add3A_617 : i32 to vector<16xi32>
      %add3A_619 = arith.addi %iota3A, %add3A_618 : vector<16xi32>
      %gather3A_620 = tpu.vector_load_idx %arg16[%broadcast_in_dim3A_615, %add3A_619, %add3A_613] : memref<8x32x128xf32, #tpu.memory_space<vmem>>[vector<16xi32>, vector<16xi32>, vector<16xi32>], vector<16xf32>,
      %swap3A_621 = arith.constant 3 : i32
      %swap3A_622 = arith.index_cast %and3A_537 : i32 to index
      %swap3A_623 = arith.index_cast %swap3A_621 : i32 to index
      %swap3A_624 = arith.constant 0 : index
      %swap3A_625 = tpu.vector_load %arg17[%swap3A_622, %swap3A_623, %swap3A_624] {strides = array<i32>} : memref<4x16x128xf32, #tpu.memory_space<vmem>>, vector<16xf32>,
      tpu.vector_store %arg17[%swap3A_622, %swap3A_623, %swap3A_624], %gather3A_616 {strides = array<i32>} : memref<4x16x128xf32, #tpu.memory_space<vmem>>, vector<16xf32>,
      %swap3A_626 = arith.constant 3 : i32
      %swap3A_627 = arith.index_cast %and3A_537 : i32 to index
      %swap3A_628 = arith.index_cast %swap3A_626 : i32 to index
      %swap3A_629 = arith.constant 16 : index
      %swap3A_630 = tpu.vector_load %arg17[%swap3A_627, %swap3A_628, %swap3A_629] {strides = array<i32>} : memref<4x16x128xf32, #tpu.memory_space<vmem>>, vector<16xf32>,
      tpu.vector_store %arg17[%swap3A_627, %swap3A_628, %swap3A_629], %gather3A_620 {strides = array<i32>} : memref<4x16x128xf32, #tpu.memory_space<vmem>>, vector<16xf32>,
      %broadcast_in_dim3A_631 = arith.constant 0 : i32
      %broadcast_in_dim3A_632 = vector.broadcast %broadcast_in_dim3A_631 : i32 to vector<16xi32>
      %and3A_633 = arith.constant 127 : i32
      %and3A_634 = arith.andi %reduce_max3A_255, %and3A_633 : i32
      %add3A_635 = vector.broadcast %and3A_634 : i32 to vector<16xi32>
      %add3A_636 = arith.addi %broadcast_in_dim3A_632, %add3A_635 : vector<16xi32>
      %broadcast_in_dim3A_637 = arith.constant 4 : i32
      %broadcast_in_dim3A_638 = vector.broadcast %broadcast_in_dim3A_637 : i32 to vector<16xi32>
      %gather3A_639 = tpu.vector_load_idx %arg16[%broadcast_in_dim3A_638, %iota3A, %add3A_636] : memref<8x32x128xf32, #tpu.memory_space<vmem>>[vector<16xi32>, vector<16xi32>, vector<16xi32>], vector<16xf32>,
      %add3A_640 = arith.constant 16 : i32
      %add3A_641 = vector.broadcast %add3A_640 : i32 to vector<16xi32>
      %add3A_642 = arith.addi %iota3A, %add3A_641 : vector<16xi32>
      %gather3A_643 = tpu.vector_load_idx %arg16[%broadcast_in_dim3A_638, %add3A_642, %add3A_636] : memref<8x32x128xf32, #tpu.memory_space<vmem>>[vector<16xi32>, vector<16xi32>, vector<16xi32>], vector<16xf32>,
      %swap3A_644 = arith.constant 4 : i32
      %swap3A_645 = arith.index_cast %and3A_537 : i32 to index
      %swap3A_646 = arith.index_cast %swap3A_644 : i32 to index
      %swap3A_647 = arith.constant 0 : index
      %swap3A_648 = tpu.vector_load %arg17[%swap3A_645, %swap3A_646, %swap3A_647] {strides = array<i32>} : memref<4x16x128xf32, #tpu.memory_space<vmem>>, vector<16xf32>,
      tpu.vector_store %arg17[%swap3A_645, %swap3A_646, %swap3A_647], %gather3A_639 {strides = array<i32>} : memref<4x16x128xf32, #tpu.memory_space<vmem>>, vector<16xf32>,
      %swap3A_649 = arith.constant 4 : i32
      %swap3A_650 = arith.index_cast %and3A_537 : i32 to index
      %swap3A_651 = arith.index_cast %swap3A_649 : i32 to index
      %swap3A_652 = arith.constant 16 : index
      %swap3A_653 = tpu.vector_load %arg17[%swap3A_650, %swap3A_651, %swap3A_652] {strides = array<i32>} : memref<4x16x128xf32, #tpu.memory_space<vmem>>, vector<16xf32>,
      tpu.vector_store %arg17[%swap3A_650, %swap3A_651, %swap3A_652], %gather3A_643 {strides = array<i32>} : memref<4x16x128xf32, #tpu.memory_space<vmem>>, vector<16xf32>,
      %broadcast_in_dim3A_654 = arith.constant 0 : i32
      %broadcast_in_dim3A_655 = vector.broadcast %broadcast_in_dim3A_654 : i32 to vector<16xi32>
      %and3A_656 = arith.constant 127 : i32
      %and3A_657 = arith.andi %reduce_max3A_274, %and3A_656 : i32
      %add3A_658 = vector.broadcast %and3A_657 : i32 to vector<16xi32>
      %add3A_659 = arith.addi %broadcast_in_dim3A_655, %add3A_658 : vector<16xi32>
      %broadcast_in_dim3A_660 = arith.constant 5 : i32
      %broadcast_in_dim3A_661 = vector.broadcast %broadcast_in_dim3A_660 : i32 to vector<16xi32>
      %gather3A_662 = tpu.vector_load_idx %arg16[%broadcast_in_dim3A_661, %iota3A, %add3A_659] : memref<8x32x128xf32, #tpu.memory_space<vmem>>[vector<16xi32>, vector<16xi32>, vector<16xi32>], vector<16xf32>,
      %add3A_663 = arith.constant 16 : i32
      %add3A_664 = vector.broadcast %add3A_663 : i32 to vector<16xi32>
      %add3A_665 = arith.addi %iota3A, %add3A_664 : vector<16xi32>
      %gather3A_666 = tpu.vector_load_idx %arg16[%broadcast_in_dim3A_661, %add3A_665, %add3A_659] : memref<8x32x128xf32, #tpu.memory_space<vmem>>[vector<16xi32>, vector<16xi32>, vector<16xi32>], vector<16xf32>,
      %swap3A_667 = arith.constant 5 : i32
      %swap3A_668 = arith.index_cast %and3A_537 : i32 to index
      %swap3A_669 = arith.index_cast %swap3A_667 : i32 to index
      %swap3A_670 = arith.constant 0 : index
      %swap3A_671 = tpu.vector_load %arg17[%swap3A_668, %swap3A_669, %swap3A_670] {strides = array<i32>} : memref<4x16x128xf32, #tpu.memory_space<vmem>>, vector<16xf32>,
      tpu.vector_store %arg17[%swap3A_668, %swap3A_669, %swap3A_670], %gather3A_662 {strides = array<i32>} : memref<4x16x128xf32, #tpu.memory_space<vmem>>, vector<16xf32>,
      %swap3A_672 = arith.constant 5 : i32
      %swap3A_673 = arith.index_cast %and3A_537 : i32 to index
      %swap3A_674 = arith.index_cast %swap3A_672 : i32 to index
      %swap3A_675 = arith.constant 16 : index
      %swap3A_676 = tpu.vector_load %arg17[%swap3A_673, %swap3A_674, %swap3A_675] {strides = array<i32>} : memref<4x16x128xf32, #tpu.memory_space<vmem>>, vector<16xf32>,
      tpu.vector_store %arg17[%swap3A_673, %swap3A_674, %swap3A_675], %gather3A_666 {strides = array<i32>} : memref<4x16x128xf32, #tpu.memory_space<vmem>>, vector<16xf32>,
      %broadcast_in_dim3A_677 = arith.constant 0 : i32
      %broadcast_in_dim3A_678 = vector.broadcast %broadcast_in_dim3A_677 : i32 to vector<16xi32>
      %and3A_679 = arith.constant 127 : i32
      %and3A_680 = arith.andi %reduce_max3A_293, %and3A_679 : i32
      %add3A_681 = vector.broadcast %and3A_680 : i32 to vector<16xi32>
      %add3A_682 = arith.addi %broadcast_in_dim3A_678, %add3A_681 : vector<16xi32>
      %broadcast_in_dim3A_683 = arith.constant 6 : i32
      %broadcast_in_dim3A_684 = vector.broadcast %broadcast_in_dim3A_683 : i32 to vector<16xi32>
      %gather3A_685 = tpu.vector_load_idx %arg16[%broadcast_in_dim3A_684, %iota3A, %add3A_682] : memref<8x32x128xf32, #tpu.memory_space<vmem>>[vector<16xi32>, vector<16xi32>, vector<16xi32>], vector<16xf32>,
      %add3A_686 = arith.constant 16 : i32
      %add3A_687 = vector.broadcast %add3A_686 : i32 to vector<16xi32>
      %add3A_688 = arith.addi %iota3A, %add3A_687 : vector<16xi32>
      %gather3A_689 = tpu.vector_load_idx %arg16[%broadcast_in_dim3A_684, %add3A_688, %add3A_682] : memref<8x32x128xf32, #tpu.memory_space<vmem>>[vector<16xi32>, vector<16xi32>, vector<16xi32>], vector<16xf32>,
      %swap3A_690 = arith.constant 6 : i32
      %swap3A_691 = arith.index_cast %and3A_537 : i32 to index
      %swap3A_692 = arith.index_cast %swap3A_690 : i32 to index
      %swap3A_693 = arith.constant 0 : index
      %swap3A_694 = tpu.vector_load %arg17[%swap3A_691, %swap3A_692, %swap3A_693] {strides = array<i32>} : memref<4x16x128xf32, #tpu.memory_space<vmem>>, vector<16xf32>,
      tpu.vector_store %arg17[%swap3A_691, %swap3A_692, %swap3A_693], %gather3A_685 {strides = array<i32>} : memref<4x16x128xf32, #tpu.memory_space<vmem>>, vector<16xf32>,
      %swap3A_695 = arith.constant 6 : i32
      %swap3A_696 = arith.index_cast %and3A_537 : i32 to index
      %swap3A_697 = arith.index_cast %swap3A_695 : i32 to index
      %swap3A_698 = arith.constant 16 : index
      %swap3A_699 = tpu.vector_load %arg17[%swap3A_696, %swap3A_697, %swap3A_698] {strides = array<i32>} : memref<4x16x128xf32, #tpu.memory_space<vmem>>, vector<16xf32>,
      tpu.vector_store %arg17[%swap3A_696, %swap3A_697, %swap3A_698], %gather3A_689 {strides = array<i32>} : memref<4x16x128xf32, #tpu.memory_space<vmem>>, vector<16xf32>,
      %broadcast_in_dim3A_700 = arith.constant 0 : i32
      %broadcast_in_dim3A_701 = vector.broadcast %broadcast_in_dim3A_700 : i32 to vector<16xi32>
      %and3A_702 = arith.constant 127 : i32
      %and3A_703 = arith.andi %reduce_max3A_312, %and3A_702 : i32
      %add3A_704 = vector.broadcast %and3A_703 : i32 to vector<16xi32>
      %add3A_705 = arith.addi %broadcast_in_dim3A_701, %add3A_704 : vector<16xi32>
      %broadcast_in_dim3A_706 = arith.constant 7 : i32
      %broadcast_in_dim3A_707 = vector.broadcast %broadcast_in_dim3A_706 : i32 to vector<16xi32>
      %gather3A_708 = tpu.vector_load_idx %arg16[%broadcast_in_dim3A_707, %iota3A, %add3A_705] : memref<8x32x128xf32, #tpu.memory_space<vmem>>[vector<16xi32>, vector<16xi32>, vector<16xi32>], vector<16xf32>,
      %add3A_709 = arith.constant 16 : i32
      %add3A_710 = vector.broadcast %add3A_709 : i32 to vector<16xi32>
      %add3A_711 = arith.addi %iota3A, %add3A_710 : vector<16xi32>
      %gather3A_712 = tpu.vector_load_idx %arg16[%broadcast_in_dim3A_707, %add3A_711, %add3A_705] : memref<8x32x128xf32, #tpu.memory_space<vmem>>[vector<16xi32>, vector<16xi32>, vector<16xi32>], vector<16xf32>,
      %swap3A_713 = arith.constant 7 : i32
      %swap3A_714 = arith.index_cast %and3A_537 : i32 to index
      %swap3A_715 = arith.index_cast %swap3A_713 : i32 to index
      %swap3A_716 = arith.constant 0 : index
      %swap3A_717 = tpu.vector_load %arg17[%swap3A_714, %swap3A_715, %swap3A_716] {strides = array<i32>} : memref<4x16x128xf32, #tpu.memory_space<vmem>>, vector<16xf32>,
      tpu.vector_store %arg17[%swap3A_714, %swap3A_715, %swap3A_716], %gather3A_708 {strides = array<i32>} : memref<4x16x128xf32, #tpu.memory_space<vmem>>, vector<16xf32>,
      %swap3A_718 = arith.constant 7 : i32
      %swap3A_719 = arith.index_cast %and3A_537 : i32 to index
      %swap3A_720 = arith.index_cast %swap3A_718 : i32 to index
      %swap3A_721 = arith.constant 16 : index
      %swap3A_722 = tpu.vector_load %arg17[%swap3A_719, %swap3A_720, %swap3A_721] {strides = array<i32>} : memref<4x16x128xf32, #tpu.memory_space<vmem>>, vector<16xf32>,
      tpu.vector_store %arg17[%swap3A_719, %swap3A_720, %swap3A_721], %gather3A_712 {strides = array<i32>} : memref<4x16x128xf32, #tpu.memory_space<vmem>>, vector<16xf32>,
      %dma_start3A_723 = arith.constant 0 : i32
      %dma_start3A_724 = arith.constant 0 : i32
      %dma_start3A_725 = tpu.memref_slice %arg17[%and3A_537, %dma_start3A_723, %dma_start3A_724] : memref<4x16x128xf32, #tpu.memory_space<vmem>> -> memref<1x16x128xf32, #tpu.memory_space<vmem>>
      %dma_start3A_726 = tpu.memref_squeeze %dma_start3A_725 : memref<1x16x128xf32, #tpu.memory_space<vmem>> -> memref<16x128xf32, #tpu.memory_space<vmem>>
      %dma_start3A_727 = arith.constant 0 : i32
      %dma_start3A_728 = arith.constant 0 : i32
      %dma_start3A_729 = tpu.memref_slice %arg7[%dma_start3A_727, %dma_start3A_728] : memref<4128x128xf32, #tpu.memory_space<hbm>> -> memref<4128x128xf32, #tpu.memory_space<hbm>>
      tpu.enqueue_indirect_dma source(%dma_start3A_726 : memref<16x128xf32, #tpu.memory_space<vmem>>) target(%dma_start3A_729 : memref<4128x128xf32, #tpu.memory_space<hbm>>) offsets(%select_n3A_431 : vector<16xi32>) semaphore(%arg19 : memref<!tpu.dma_semaphore, #tpu.memory_space<semaphore_mem>>)
    }
    %min3A = arith.constant 4 : i32
    %min3A_80 = arith.minsi %select_n3A, %min3A : i32
    %while3A_81 = arith.constant 0 : i32
    %while3A_82 = arith.constant 0 : i32
    %while3A_83 = arith.subi %min3A_80, %while3A_82 : i32
    %while3A_84 = arith.addi %while3A_82, %while3A_83 : i32
    %while3A_85 = arith.constant 1 : i32
    %while3A_86 = arith.divsi %while3A_83, %while3A_85 : i32
    %while3A_87 = arith.muli %while3A_86, %while3A_85 : i32
    %while3A_88 = arith.addi %while3A_82, %while3A_87 : i32
    %while3A_89 = arith.constant 1 : i32
    scf.for %while3A_167 = %while3A_82 to %while3A_88 step %while3A_89  : i32 {
      %dma_wait3A_168 = arith.constant 0 : i32
      %dma_wait3A_169 = arith.constant 0 : i32
      %dma_wait3A_170 = arith.constant 0 : i32
      %dma_wait3A_171 = tpu.memref_slice %arg17[%dma_wait3A_168, %dma_wait3A_169, %dma_wait3A_170] : memref<4x16x128xf32, #tpu.memory_space<vmem>> -> memref<1x16x128xf32, #tpu.memory_space<vmem>>
      %dma_wait3A_172 = tpu.memref_squeeze %dma_wait3A_171 : memref<1x16x128xf32, #tpu.memory_space<vmem>> -> memref<16x128xf32, #tpu.memory_space<vmem>>
      %dma_wait3A_173 = arith.constant 0 : i32
      %dma_wait3A_174 = arith.constant 0 : i32
      %dma_wait3A_175 = tpu.memref_slice %arg7[%dma_wait3A_173, %dma_wait3A_174] : memref<4128x128xf32, #tpu.memory_space<hbm>> -> memref<4128x128xf32, #tpu.memory_space<hbm>>
      tpu.wait_indirect_dma semaphore(%arg19 : memref<!tpu.dma_semaphore, #tpu.memory_space<semaphore_mem>>) src(%dma_wait3A_175 : memref<4128x128xf32, #tpu.memory_space<hbm>>) dst(%dma_wait3A_172 : memref<16x128xf32, #tpu.memory_space<vmem>>)
    }
    %while3A_90 = arith.constant 1 : i32
    scf.for %while3A_167 = %while3A_88 to %while3A_84 step %while3A_90  : i32 {
      %dma_wait3A_168 = arith.constant 0 : i32
      %dma_wait3A_169 = arith.constant 0 : i32
      %dma_wait3A_170 = arith.constant 0 : i32
      %dma_wait3A_171 = tpu.memref_slice %arg17[%dma_wait3A_168, %dma_wait3A_169, %dma_wait3A_170] : memref<4x16x128xf32, #tpu.memory_space<vmem>> -> memref<1x16x128xf32, #tpu.memory_space<vmem>>
      %dma_wait3A_172 = tpu.memref_squeeze %dma_wait3A_171 : memref<1x16x128xf32, #tpu.memory_space<vmem>> -> memref<16x128xf32, #tpu.memory_space<vmem>>
      %dma_wait3A_173 = arith.constant 0 : i32
      %dma_wait3A_174 = arith.constant 0 : i32
      %dma_wait3A_175 = tpu.memref_slice %arg7[%dma_wait3A_173, %dma_wait3A_174] : memref<4128x128xf32, #tpu.memory_space<hbm>> -> memref<4128x128xf32, #tpu.memory_space<hbm>>
      tpu.wait_indirect_dma semaphore(%arg19 : memref<!tpu.dma_semaphore, #tpu.memory_space<semaphore_mem>>) src(%dma_wait3A_175 : memref<4128x128xf32, #tpu.memory_space<hbm>>) dst(%dma_wait3A_172 : memref<16x128xf32, #tpu.memory_space<vmem>>)
    }
    %add3A_91 = arith.constant 8 : i32
    %add3A_92 = arith.addi %scan3A_46#1, %add3A_91 : i32
    %sub3A_93 = arith.constant 1 : i32
    %sub3A_94 = arith.subi %add3A_92, %sub3A_93 : i32
    %jit3A_95 = arith.constant 8 : i32
    %div3A_96 = arith.divsi %sub3A_94, %jit3A_95 : i32
    %sign3A_97 = arith.constant 0 : i32
    %sign3A_98 = arith.cmpi sgt, %sub3A_94, %sign3A_97 : i32
    %sign3A_99 = arith.extui %sign3A_98 : i1 to i32
    %sign3A_100 = arith.constant 0 : i32
    %sign3A_101 = arith.cmpi slt, %sub3A_94, %sign3A_100 : i32
    %sign3A_102 = arith.extui %sign3A_101 : i1 to i32
    %sign3A_103 = arith.subi %sign3A_99, %sign3A_102 : i32
    %sign3A_104 = arith.constant 0 : i32
    %sign3A_105 = arith.cmpi sgt, %jit3A_95, %sign3A_104 : i32
    %sign3A_106 = arith.extui %sign3A_105 : i1 to i32
    %sign3A_107 = arith.constant 0 : i32
    %sign3A_108 = arith.cmpi slt, %jit3A_95, %sign3A_107 : i32
    %sign3A_109 = arith.extui %sign3A_108 : i1 to i32
    %sign3A_110 = arith.subi %sign3A_106, %sign3A_109 : i32
    %ne3A_111 = arith.cmpi ne, %sign3A_103, %sign3A_110 : i32
    %rem3A_112 = arith.remsi %sub3A_94, %jit3A_95 : i32
    %ne3A_113 = arith.constant 0 : i32
    %ne3A_114 = arith.cmpi ne, %rem3A_112, %ne3A_113 : i32
    %and3A_115 = arith.andi %ne3A_111, %ne3A_114 : i1
    %sub3A_116 = arith.constant 1 : i32
    %sub3A_117 = arith.subi %div3A_96, %sub3A_116 : i32
    %select_n3A_118 = arith.select %and3A_115, %sub3A_117, %div3A_96 : i32
    %while3A_119 = arith.constant 0 : i32
    %while3A_120 = arith.constant 0 : i32
    %while3A_121 = arith.subi %select_n3A_118, %while3A_120 : i32
    %while3A_122 = arith.addi %while3A_120, %while3A_121 : i32
    %while3A_123 = arith.constant 1 : i32
    %while3A_124 = arith.divsi %while3A_121, %while3A_123 : i32
    %while3A_125 = arith.muli %while3A_124, %while3A_123 : i32
    %while3A_126 = arith.addi %while3A_120, %while3A_125 : i32
    %while3A_127 = arith.constant 1 : i32
    scf.for %while3A_167 = %while3A_120 to %while3A_126 step %while3A_127  : i32 {
      %mul3A_168 = arith.constant 8 : i32
      %mul3A_169 = arith.muli %while3A_167, %mul3A_168 : i32
      %get3A = arith.index_cast %mul3A_169 : i32 to index
      %get3A_170 = tpu.vector_load %arg14[%get3A] {strides = array<i32>} : memref<4112xi32, #tpu.memory_space<vmem>>, vector<16xi32>,
      %eq3A = arith.constant 0 : i32
      %eq3A_171 = vector.broadcast %eq3A : i32 to vector<16xi32>
      %eq3A_172 = arith.cmpi eq, %iota3A, %eq3A_171 : vector<16xi32>
      %jit3A_173 = arith.constant 0 : i32
      %broadcast_in_dim3A_174 = vector.broadcast %jit3A_173 : i32 to vector<16xi32>
      %select_n3A_175 = arith.select %eq3A_172, %get3A_170, %broadcast_in_dim3A_174 : vector<16xi1>, vector<16xi32>
      %reduce_max3A = arith.constant true
      %reduce_max3A_176 = vector.broadcast %reduce_max3A : i1 to vector<16xi1>
      %reduce_max3A_177 = arith.constant -2147483648 : i32
      %reduce_max3A_178 = vector.broadcast %reduce_max3A_177 : i32 to vector<16xi32>
      %reduce_max3A_179 = arith.xori %select_n3A_175, %reduce_max3A_178 : vector<16xi32>
      %reduce_max3A_180 = tpu.scan <max>, %reduce_max3A_179 masked %reduce_max3A_176 : vector<16xi32>, vector<16xi1> -> vector<16xi32>
      %reduce_max3A_181 = arith.xori %reduce_max3A_180, %reduce_max3A_178 : vector<16xi32>
      %reduce_max3A_182 = vector.extract %reduce_max3A_181[15] : i32 from vector<16xi32>
      %shift_right_logical3A = arith.constant 7 : i32
      %shift_right_logical3A_183 = arith.shrui %reduce_max3A_182, %shift_right_logical3A : i32
      %shift_left3A = arith.constant 7 : i32
      %shift_left3A_184 = arith.shli %shift_right_logical3A_183, %shift_left3A : i32
      %multiple_of3A = tpu.assume_multiple %shift_left3A_184, 128 : i32
      %eq3A_185 = arith.constant 1 : i32
      %eq3A_186 = vector.broadcast %eq3A_185 : i32 to vector<16xi32>
      %eq3A_187 = arith.cmpi eq, %iota3A, %eq3A_186 : vector<16xi32>
      %jit3A_188 = arith.constant 0 : i32
      %broadcast_in_dim3A_189 = vector.broadcast %jit3A_188 : i32 to vector<16xi32>
      %select_n3A_190 = arith.select %eq3A_187, %get3A_170, %broadcast_in_dim3A_189 : vector<16xi1>, vector<16xi32>
      %reduce_max3A_191 = arith.constant true
      %reduce_max3A_192 = vector.broadcast %reduce_max3A_191 : i1 to vector<16xi1>
      %reduce_max3A_193 = arith.constant -2147483648 : i32
      %reduce_max3A_194 = vector.broadcast %reduce_max3A_193 : i32 to vector<16xi32>
      %reduce_max3A_195 = arith.xori %select_n3A_190, %reduce_max3A_194 : vector<16xi32>
      %reduce_max3A_196 = tpu.scan <max>, %reduce_max3A_195 masked %reduce_max3A_192 : vector<16xi32>, vector<16xi1> -> vector<16xi32>
      %reduce_max3A_197 = arith.xori %reduce_max3A_196, %reduce_max3A_194 : vector<16xi32>
      %reduce_max3A_198 = vector.extract %reduce_max3A_197[15] : i32 from vector<16xi32>
      %shift_right_logical3A_199 = arith.constant 7 : i32
      %shift_right_logical3A_200 = arith.shrui %reduce_max3A_198, %shift_right_logical3A_199 : i32
      %shift_left3A_201 = arith.constant 7 : i32
      %shift_left3A_202 = arith.shli %shift_right_logical3A_200, %shift_left3A_201 : i32
      %multiple_of3A_203 = tpu.assume_multiple %shift_left3A_202, 128 : i32
      %eq3A_204 = arith.constant 2 : i32
      %eq3A_205 = vector.broadcast %eq3A_204 : i32 to vector<16xi32>
      %eq3A_206 = arith.cmpi eq, %iota3A, %eq3A_205 : vector<16xi32>
      %jit3A_207 = arith.constant 0 : i32
      %broadcast_in_dim3A_208 = vector.broadcast %jit3A_207 : i32 to vector<16xi32>
      %select_n3A_209 = arith.select %eq3A_206, %get3A_170, %broadcast_in_dim3A_208 : vector<16xi1>, vector<16xi32>
      %reduce_max3A_210 = arith.constant true
      %reduce_max3A_211 = vector.broadcast %reduce_max3A_210 : i1 to vector<16xi1>
      %reduce_max3A_212 = arith.constant -2147483648 : i32
      %reduce_max3A_213 = vector.broadcast %reduce_max3A_212 : i32 to vector<16xi32>
      %reduce_max3A_214 = arith.xori %select_n3A_209, %reduce_max3A_213 : vector<16xi32>
      %reduce_max3A_215 = tpu.scan <max>, %reduce_max3A_214 masked %reduce_max3A_211 : vector<16xi32>, vector<16xi1> -> vector<16xi32>
      %reduce_max3A_216 = arith.xori %reduce_max3A_215, %reduce_max3A_213 : vector<16xi32>
      %reduce_max3A_217 = vector.extract %reduce_max3A_216[15] : i32 from vector<16xi32>
      %shift_right_logical3A_218 = arith.constant 7 : i32
      %shift_right_logical3A_219 = arith.shrui %reduce_max3A_217, %shift_right_logical3A_218 : i32
      %shift_left3A_220 = arith.constant 7 : i32
      %shift_left3A_221 = arith.shli %shift_right_logical3A_219, %shift_left3A_220 : i32
      %multiple_of3A_222 = tpu.assume_multiple %shift_left3A_221, 128 : i32
      %eq3A_223 = arith.constant 3 : i32
      %eq3A_224 = vector.broadcast %eq3A_223 : i32 to vector<16xi32>
      %eq3A_225 = arith.cmpi eq, %iota3A, %eq3A_224 : vector<16xi32>
      %jit3A_226 = arith.constant 0 : i32
      %broadcast_in_dim3A_227 = vector.broadcast %jit3A_226 : i32 to vector<16xi32>
      %select_n3A_228 = arith.select %eq3A_225, %get3A_170, %broadcast_in_dim3A_227 : vector<16xi1>, vector<16xi32>
      %reduce_max3A_229 = arith.constant true
      %reduce_max3A_230 = vector.broadcast %reduce_max3A_229 : i1 to vector<16xi1>
      %reduce_max3A_231 = arith.constant -2147483648 : i32
      %reduce_max3A_232 = vector.broadcast %reduce_max3A_231 : i32 to vector<16xi32>
      %reduce_max3A_233 = arith.xori %select_n3A_228, %reduce_max3A_232 : vector<16xi32>
      %reduce_max3A_234 = tpu.scan <max>, %reduce_max3A_233 masked %reduce_max3A_230 : vector<16xi32>, vector<16xi1> -> vector<16xi32>
      %reduce_max3A_235 = arith.xori %reduce_max3A_234, %reduce_max3A_232 : vector<16xi32>
      %reduce_max3A_236 = vector.extract %reduce_max3A_235[15] : i32 from vector<16xi32>
      %shift_right_logical3A_237 = arith.constant 7 : i32
      %shift_right_logical3A_238 = arith.shrui %reduce_max3A_236, %shift_right_logical3A_237 : i32
      %shift_left3A_239 = arith.constant 7 : i32
      %shift_left3A_240 = arith.shli %shift_right_logical3A_238, %shift_left3A_239 : i32
      %multiple_of3A_241 = tpu.assume_multiple %shift_left3A_240, 128 : i32
      %eq3A_242 = arith.constant 4 : i32
      %eq3A_243 = vector.broadcast %eq3A_242 : i32 to vector<16xi32>
      %eq3A_244 = arith.cmpi eq, %iota3A, %eq3A_243 : vector<16xi32>
      %jit3A_245 = arith.constant 0 : i32
      %broadcast_in_dim3A_246 = vector.broadcast %jit3A_245 : i32 to vector<16xi32>
      %select_n3A_247 = arith.select %eq3A_244, %get3A_170, %broadcast_in_dim3A_246 : vector<16xi1>, vector<16xi32>
      %reduce_max3A_248 = arith.constant true
      %reduce_max3A_249 = vector.broadcast %reduce_max3A_248 : i1 to vector<16xi1>
      %reduce_max3A_250 = arith.constant -2147483648 : i32
      %reduce_max3A_251 = vector.broadcast %reduce_max3A_250 : i32 to vector<16xi32>
      %reduce_max3A_252 = arith.xori %select_n3A_247, %reduce_max3A_251 : vector<16xi32>
      %reduce_max3A_253 = tpu.scan <max>, %reduce_max3A_252 masked %reduce_max3A_249 : vector<16xi32>, vector<16xi1> -> vector<16xi32>
      %reduce_max3A_254 = arith.xori %reduce_max3A_253, %reduce_max3A_251 : vector<16xi32>
      %reduce_max3A_255 = vector.extract %reduce_max3A_254[15] : i32 from vector<16xi32>
      %shift_right_logical3A_256 = arith.constant 7 : i32
      %shift_right_logical3A_257 = arith.shrui %reduce_max3A_255, %shift_right_logical3A_256 : i32
      %shift_left3A_258 = arith.constant 7 : i32
      %shift_left3A_259 = arith.shli %shift_right_logical3A_257, %shift_left3A_258 : i32
      %multiple_of3A_260 = tpu.assume_multiple %shift_left3A_259, 128 : i32
      %eq3A_261 = arith.constant 5 : i32
      %eq3A_262 = vector.broadcast %eq3A_261 : i32 to vector<16xi32>
      %eq3A_263 = arith.cmpi eq, %iota3A, %eq3A_262 : vector<16xi32>
      %jit3A_264 = arith.constant 0 : i32
      %broadcast_in_dim3A_265 = vector.broadcast %jit3A_264 : i32 to vector<16xi32>
      %select_n3A_266 = arith.select %eq3A_263, %get3A_170, %broadcast_in_dim3A_265 : vector<16xi1>, vector<16xi32>
      %reduce_max3A_267 = arith.constant true
      %reduce_max3A_268 = vector.broadcast %reduce_max3A_267 : i1 to vector<16xi1>
      %reduce_max3A_269 = arith.constant -2147483648 : i32
      %reduce_max3A_270 = vector.broadcast %reduce_max3A_269 : i32 to vector<16xi32>
      %reduce_max3A_271 = arith.xori %select_n3A_266, %reduce_max3A_270 : vector<16xi32>
      %reduce_max3A_272 = tpu.scan <max>, %reduce_max3A_271 masked %reduce_max3A_268 : vector<16xi32>, vector<16xi1> -> vector<16xi32>
      %reduce_max3A_273 = arith.xori %reduce_max3A_272, %reduce_max3A_270 : vector<16xi32>
      %reduce_max3A_274 = vector.extract %reduce_max3A_273[15] : i32 from vector<16xi32>
      %shift_right_logical3A_275 = arith.constant 7 : i32
      %shift_right_logical3A_276 = arith.shrui %reduce_max3A_274, %shift_right_logical3A_275 : i32
      %shift_left3A_277 = arith.constant 7 : i32
      %shift_left3A_278 = arith.shli %shift_right_logical3A_276, %shift_left3A_277 : i32
      %multiple_of3A_279 = tpu.assume_multiple %shift_left3A_278, 128 : i32
      %eq3A_280 = arith.constant 6 : i32
      %eq3A_281 = vector.broadcast %eq3A_280 : i32 to vector<16xi32>
      %eq3A_282 = arith.cmpi eq, %iota3A, %eq3A_281 : vector<16xi32>
      %jit3A_283 = arith.constant 0 : i32
      %broadcast_in_dim3A_284 = vector.broadcast %jit3A_283 : i32 to vector<16xi32>
      %select_n3A_285 = arith.select %eq3A_282, %get3A_170, %broadcast_in_dim3A_284 : vector<16xi1>, vector<16xi32>
      %reduce_max3A_286 = arith.constant true
      %reduce_max3A_287 = vector.broadcast %reduce_max3A_286 : i1 to vector<16xi1>
      %reduce_max3A_288 = arith.constant -2147483648 : i32
      %reduce_max3A_289 = vector.broadcast %reduce_max3A_288 : i32 to vector<16xi32>
      %reduce_max3A_290 = arith.xori %select_n3A_285, %reduce_max3A_289 : vector<16xi32>
      %reduce_max3A_291 = tpu.scan <max>, %reduce_max3A_290 masked %reduce_max3A_287 : vector<16xi32>, vector<16xi1> -> vector<16xi32>
      %reduce_max3A_292 = arith.xori %reduce_max3A_291, %reduce_max3A_289 : vector<16xi32>
      %reduce_max3A_293 = vector.extract %reduce_max3A_292[15] : i32 from vector<16xi32>
      %shift_right_logical3A_294 = arith.constant 7 : i32
      %shift_right_logical3A_295 = arith.shrui %reduce_max3A_293, %shift_right_logical3A_294 : i32
      %shift_left3A_296 = arith.constant 7 : i32
      %shift_left3A_297 = arith.shli %shift_right_logical3A_295, %shift_left3A_296 : i32
      %multiple_of3A_298 = tpu.assume_multiple %shift_left3A_297, 128 : i32
      %eq3A_299 = arith.constant 7 : i32
      %eq3A_300 = vector.broadcast %eq3A_299 : i32 to vector<16xi32>
      %eq3A_301 = arith.cmpi eq, %iota3A, %eq3A_300 : vector<16xi32>
      %jit3A_302 = arith.constant 0 : i32
      %broadcast_in_dim3A_303 = vector.broadcast %jit3A_302 : i32 to vector<16xi32>
      %select_n3A_304 = arith.select %eq3A_301, %get3A_170, %broadcast_in_dim3A_303 : vector<16xi1>, vector<16xi32>
      %reduce_max3A_305 = arith.constant true
      %reduce_max3A_306 = vector.broadcast %reduce_max3A_305 : i1 to vector<16xi1>
      %reduce_max3A_307 = arith.constant -2147483648 : i32
      %reduce_max3A_308 = vector.broadcast %reduce_max3A_307 : i32 to vector<16xi32>
      %reduce_max3A_309 = arith.xori %select_n3A_304, %reduce_max3A_308 : vector<16xi32>
      %reduce_max3A_310 = tpu.scan <max>, %reduce_max3A_309 masked %reduce_max3A_306 : vector<16xi32>, vector<16xi1> -> vector<16xi32>
      %reduce_max3A_311 = arith.xori %reduce_max3A_310, %reduce_max3A_308 : vector<16xi32>
      %reduce_max3A_312 = vector.extract %reduce_max3A_311[15] : i32 from vector<16xi32>
      %shift_right_logical3A_313 = arith.constant 7 : i32
      %shift_right_logical3A_314 = arith.shrui %reduce_max3A_312, %shift_right_logical3A_313 : i32
      %shift_left3A_315 = arith.constant 7 : i32
      %shift_left3A_316 = arith.shli %shift_right_logical3A_314, %shift_left3A_315 : i32
      %multiple_of3A_317 = tpu.assume_multiple %shift_left3A_316, 128 : i32
      %dma_start3A_318 = arith.constant 0 : i32
      %dma_start3A_319 = arith.constant 0 : i32
      %dma_start3A_320 = arith.constant 0 : i32
      %dma_start3A_321 = tpu.memref_slice %arg16[%dma_start3A_318, %dma_start3A_319, %dma_start3A_320] : memref<8x32x128xf32, #tpu.memory_space<vmem>> -> memref<1x32x128xf32, #tpu.memory_space<vmem>>
      %dma_start3A_322 = tpu.memref_squeeze %dma_start3A_321 : memref<1x32x128xf32, #tpu.memory_space<vmem>> -> memref<32x128xf32, #tpu.memory_space<vmem>>
      %dma_start3A_323 = arith.constant 0 : i32
      %dma_start3A_324 = tpu.memref_slice %arg2[%dma_start3A_323, %multiple_of3A] : memref<32x1000000xf32, #tpu.memory_space<hbm>> -> memref<32x128xf32, #tpu.memory_space<hbm>>
      %dma_start3A_325 = arith.constant 0 : i32
      %dma_start3A_326 = arith.constant 0 : i32
      %dma_start3A_327 = tpu.memref_slice %arg16[%dma_start3A_318, %dma_start3A_325, %dma_start3A_326] : memref<8x32x128xf32, #tpu.memory_space<vmem>> -> memref<1x32x128xf32, #tpu.memory_space<vmem>>
      %dma_start3A_328 = tpu.memref_squeeze %dma_start3A_327 : memref<1x32x128xf32, #tpu.memory_space<vmem>> -> memref<32x128xf32, #tpu.memory_space<vmem>>
      %dma_start3A_329 = arith.constant 0 : i32
      %dma_start3A_330 = tpu.memref_slice %arg2[%dma_start3A_329, %multiple_of3A] : memref<32x1000000xf32, #tpu.memory_space<hbm>> -> memref<32x128xf32, #tpu.memory_space<hbm>>
      tpu.enqueue_dma source(%dma_start3A_330 : memref<32x128xf32, #tpu.memory_space<hbm>>) target(%dma_start3A_328 : memref<32x128xf32, #tpu.memory_space<vmem>>) target_semaphore(%arg18 : memref<!tpu.dma_semaphore, #tpu.memory_space<semaphore_mem>>)
      %dma_start3A_331 = arith.constant 1 : i32
      %dma_start3A_332 = arith.constant 0 : i32
      %dma_start3A_333 = arith.constant 0 : i32
      %dma_start3A_334 = tpu.memref_slice %arg16[%dma_start3A_331, %dma_start3A_332, %dma_start3A_333] : memref<8x32x128xf32, #tpu.memory_space<vmem>> -> memref<1x32x128xf32, #tpu.memory_space<vmem>>
      %dma_start3A_335 = tpu.memref_squeeze %dma_start3A_334 : memref<1x32x128xf32, #tpu.memory_space<vmem>> -> memref<32x128xf32, #tpu.memory_space<vmem>>
      %dma_start3A_336 = arith.constant 0 : i32
      %dma_start3A_337 = tpu.memref_slice %arg2[%dma_start3A_336, %multiple_of3A_203] : memref<32x1000000xf32, #tpu.memory_space<hbm>> -> memref<32x128xf32, #tpu.memory_space<hbm>>
      %dma_start3A_338 = arith.constant 0 : i32
      %dma_start3A_339 = arith.constant 0 : i32
      %dma_start3A_340 = tpu.memref_slice %arg16[%dma_start3A_331, %dma_start3A_338, %dma_start3A_339] : memref<8x32x128xf32, #tpu.memory_space<vmem>> -> memref<1x32x128xf32, #tpu.memory_space<vmem>>
      %dma_start3A_341 = tpu.memref_squeeze %dma_start3A_340 : memref<1x32x128xf32, #tpu.memory_space<vmem>> -> memref<32x128xf32, #tpu.memory_space<vmem>>
      %dma_start3A_342 = arith.constant 0 : i32
      %dma_start3A_343 = tpu.memref_slice %arg2[%dma_start3A_342, %multiple_of3A_203] : memref<32x1000000xf32, #tpu.memory_space<hbm>> -> memref<32x128xf32, #tpu.memory_space<hbm>>
      tpu.enqueue_dma source(%dma_start3A_343 : memref<32x128xf32, #tpu.memory_space<hbm>>) target(%dma_start3A_341 : memref<32x128xf32, #tpu.memory_space<vmem>>) target_semaphore(%arg18 : memref<!tpu.dma_semaphore, #tpu.memory_space<semaphore_mem>>)
      %dma_start3A_344 = arith.constant 2 : i32
      %dma_start3A_345 = arith.constant 0 : i32
      %dma_start3A_346 = arith.constant 0 : i32
      %dma_start3A_347 = tpu.memref_slice %arg16[%dma_start3A_344, %dma_start3A_345, %dma_start3A_346] : memref<8x32x128xf32, #tpu.memory_space<vmem>> -> memref<1x32x128xf32, #tpu.memory_space<vmem>>
      %dma_start3A_348 = tpu.memref_squeeze %dma_start3A_347 : memref<1x32x128xf32, #tpu.memory_space<vmem>> -> memref<32x128xf32, #tpu.memory_space<vmem>>
      %dma_start3A_349 = arith.constant 0 : i32
      %dma_start3A_350 = tpu.memref_slice %arg2[%dma_start3A_349, %multiple_of3A_222] : memref<32x1000000xf32, #tpu.memory_space<hbm>> -> memref<32x128xf32, #tpu.memory_space<hbm>>
      %dma_start3A_351 = arith.constant 0 : i32
      %dma_start3A_352 = arith.constant 0 : i32
      %dma_start3A_353 = tpu.memref_slice %arg16[%dma_start3A_344, %dma_start3A_351, %dma_start3A_352] : memref<8x32x128xf32, #tpu.memory_space<vmem>> -> memref<1x32x128xf32, #tpu.memory_space<vmem>>
      %dma_start3A_354 = tpu.memref_squeeze %dma_start3A_353 : memref<1x32x128xf32, #tpu.memory_space<vmem>> -> memref<32x128xf32, #tpu.memory_space<vmem>>
      %dma_start3A_355 = arith.constant 0 : i32
      %dma_start3A_356 = tpu.memref_slice %arg2[%dma_start3A_355, %multiple_of3A_222] : memref<32x1000000xf32, #tpu.memory_space<hbm>> -> memref<32x128xf32, #tpu.memory_space<hbm>>
      tpu.enqueue_dma source(%dma_start3A_356 : memref<32x128xf32, #tpu.memory_space<hbm>>) target(%dma_start3A_354 : memref<32x128xf32, #tpu.memory_space<vmem>>) target_semaphore(%arg18 : memref<!tpu.dma_semaphore, #tpu.memory_space<semaphore_mem>>)
      %dma_start3A_357 = arith.constant 3 : i32
      %dma_start3A_358 = arith.constant 0 : i32
      %dma_start3A_359 = arith.constant 0 : i32
      %dma_start3A_360 = tpu.memref_slice %arg16[%dma_start3A_357, %dma_start3A_358, %dma_start3A_359] : memref<8x32x128xf32, #tpu.memory_space<vmem>> -> memref<1x32x128xf32, #tpu.memory_space<vmem>>
      %dma_start3A_361 = tpu.memref_squeeze %dma_start3A_360 : memref<1x32x128xf32, #tpu.memory_space<vmem>> -> memref<32x128xf32, #tpu.memory_space<vmem>>
      %dma_start3A_362 = arith.constant 0 : i32
      %dma_start3A_363 = tpu.memref_slice %arg2[%dma_start3A_362, %multiple_of3A_241] : memref<32x1000000xf32, #tpu.memory_space<hbm>> -> memref<32x128xf32, #tpu.memory_space<hbm>>
      %dma_start3A_364 = arith.constant 0 : i32
      %dma_start3A_365 = arith.constant 0 : i32
      %dma_start3A_366 = tpu.memref_slice %arg16[%dma_start3A_357, %dma_start3A_364, %dma_start3A_365] : memref<8x32x128xf32, #tpu.memory_space<vmem>> -> memref<1x32x128xf32, #tpu.memory_space<vmem>>
      %dma_start3A_367 = tpu.memref_squeeze %dma_start3A_366 : memref<1x32x128xf32, #tpu.memory_space<vmem>> -> memref<32x128xf32, #tpu.memory_space<vmem>>
      %dma_start3A_368 = arith.constant 0 : i32
      %dma_start3A_369 = tpu.memref_slice %arg2[%dma_start3A_368, %multiple_of3A_241] : memref<32x1000000xf32, #tpu.memory_space<hbm>> -> memref<32x128xf32, #tpu.memory_space<hbm>>
      tpu.enqueue_dma source(%dma_start3A_369 : memref<32x128xf32, #tpu.memory_space<hbm>>) target(%dma_start3A_367 : memref<32x128xf32, #tpu.memory_space<vmem>>) target_semaphore(%arg18 : memref<!tpu.dma_semaphore, #tpu.memory_space<semaphore_mem>>)
      %dma_start3A_370 = arith.constant 4 : i32
      %dma_start3A_371 = arith.constant 0 : i32
      %dma_start3A_372 = arith.constant 0 : i32
      %dma_start3A_373 = tpu.memref_slice %arg16[%dma_start3A_370, %dma_start3A_371, %dma_start3A_372] : memref<8x32x128xf32, #tpu.memory_space<vmem>> -> memref<1x32x128xf32, #tpu.memory_space<vmem>>
      %dma_start3A_374 = tpu.memref_squeeze %dma_start3A_373 : memref<1x32x128xf32, #tpu.memory_space<vmem>> -> memref<32x128xf32, #tpu.memory_space<vmem>>
      %dma_start3A_375 = arith.constant 0 : i32
      %dma_start3A_376 = tpu.memref_slice %arg2[%dma_start3A_375, %multiple_of3A_260] : memref<32x1000000xf32, #tpu.memory_space<hbm>> -> memref<32x128xf32, #tpu.memory_space<hbm>>
      %dma_start3A_377 = arith.constant 0 : i32
      %dma_start3A_378 = arith.constant 0 : i32
      %dma_start3A_379 = tpu.memref_slice %arg16[%dma_start3A_370, %dma_start3A_377, %dma_start3A_378] : memref<8x32x128xf32, #tpu.memory_space<vmem>> -> memref<1x32x128xf32, #tpu.memory_space<vmem>>
      %dma_start3A_380 = tpu.memref_squeeze %dma_start3A_379 : memref<1x32x128xf32, #tpu.memory_space<vmem>> -> memref<32x128xf32, #tpu.memory_space<vmem>>
      %dma_start3A_381 = arith.constant 0 : i32
      %dma_start3A_382 = tpu.memref_slice %arg2[%dma_start3A_381, %multiple_of3A_260] : memref<32x1000000xf32, #tpu.memory_space<hbm>> -> memref<32x128xf32, #tpu.memory_space<hbm>>
      tpu.enqueue_dma source(%dma_start3A_382 : memref<32x128xf32, #tpu.memory_space<hbm>>) target(%dma_start3A_380 : memref<32x128xf32, #tpu.memory_space<vmem>>) target_semaphore(%arg18 : memref<!tpu.dma_semaphore, #tpu.memory_space<semaphore_mem>>)
      %dma_start3A_383 = arith.constant 5 : i32
      %dma_start3A_384 = arith.constant 0 : i32
      %dma_start3A_385 = arith.constant 0 : i32
      %dma_start3A_386 = tpu.memref_slice %arg16[%dma_start3A_383, %dma_start3A_384, %dma_start3A_385] : memref<8x32x128xf32, #tpu.memory_space<vmem>> -> memref<1x32x128xf32, #tpu.memory_space<vmem>>
      %dma_start3A_387 = tpu.memref_squeeze %dma_start3A_386 : memref<1x32x128xf32, #tpu.memory_space<vmem>> -> memref<32x128xf32, #tpu.memory_space<vmem>>
      %dma_start3A_388 = arith.constant 0 : i32
      %dma_start3A_389 = tpu.memref_slice %arg2[%dma_start3A_388, %multiple_of3A_279] : memref<32x1000000xf32, #tpu.memory_space<hbm>> -> memref<32x128xf32, #tpu.memory_space<hbm>>
      %dma_start3A_390 = arith.constant 0 : i32
      %dma_start3A_391 = arith.constant 0 : i32
      %dma_start3A_392 = tpu.memref_slice %arg16[%dma_start3A_383, %dma_start3A_390, %dma_start3A_391] : memref<8x32x128xf32, #tpu.memory_space<vmem>> -> memref<1x32x128xf32, #tpu.memory_space<vmem>>
      %dma_start3A_393 = tpu.memref_squeeze %dma_start3A_392 : memref<1x32x128xf32, #tpu.memory_space<vmem>> -> memref<32x128xf32, #tpu.memory_space<vmem>>
      %dma_start3A_394 = arith.constant 0 : i32
      %dma_start3A_395 = tpu.memref_slice %arg2[%dma_start3A_394, %multiple_of3A_279] : memref<32x1000000xf32, #tpu.memory_space<hbm>> -> memref<32x128xf32, #tpu.memory_space<hbm>>
      tpu.enqueue_dma source(%dma_start3A_395 : memref<32x128xf32, #tpu.memory_space<hbm>>) target(%dma_start3A_393 : memref<32x128xf32, #tpu.memory_space<vmem>>) target_semaphore(%arg18 : memref<!tpu.dma_semaphore, #tpu.memory_space<semaphore_mem>>)
      %dma_start3A_396 = arith.constant 6 : i32
      %dma_start3A_397 = arith.constant 0 : i32
      %dma_start3A_398 = arith.constant 0 : i32
      %dma_start3A_399 = tpu.memref_slice %arg16[%dma_start3A_396, %dma_start3A_397, %dma_start3A_398] : memref<8x32x128xf32, #tpu.memory_space<vmem>> -> memref<1x32x128xf32, #tpu.memory_space<vmem>>
      %dma_start3A_400 = tpu.memref_squeeze %dma_start3A_399 : memref<1x32x128xf32, #tpu.memory_space<vmem>> -> memref<32x128xf32, #tpu.memory_space<vmem>>
      %dma_start3A_401 = arith.constant 0 : i32
      %dma_start3A_402 = tpu.memref_slice %arg2[%dma_start3A_401, %multiple_of3A_298] : memref<32x1000000xf32, #tpu.memory_space<hbm>> -> memref<32x128xf32, #tpu.memory_space<hbm>>
      %dma_start3A_403 = arith.constant 0 : i32
      %dma_start3A_404 = arith.constant 0 : i32
      %dma_start3A_405 = tpu.memref_slice %arg16[%dma_start3A_396, %dma_start3A_403, %dma_start3A_404] : memref<8x32x128xf32, #tpu.memory_space<vmem>> -> memref<1x32x128xf32, #tpu.memory_space<vmem>>
      %dma_start3A_406 = tpu.memref_squeeze %dma_start3A_405 : memref<1x32x128xf32, #tpu.memory_space<vmem>> -> memref<32x128xf32, #tpu.memory_space<vmem>>
      %dma_start3A_407 = arith.constant 0 : i32
      %dma_start3A_408 = tpu.memref_slice %arg2[%dma_start3A_407, %multiple_of3A_298] : memref<32x1000000xf32, #tpu.memory_space<hbm>> -> memref<32x128xf32, #tpu.memory_space<hbm>>
      tpu.enqueue_dma source(%dma_start3A_408 : memref<32x128xf32, #tpu.memory_space<hbm>>) target(%dma_start3A_406 : memref<32x128xf32, #tpu.memory_space<vmem>>) target_semaphore(%arg18 : memref<!tpu.dma_semaphore, #tpu.memory_space<semaphore_mem>>)
      %dma_start3A_409 = arith.constant 7 : i32
      %dma_start3A_410 = arith.constant 0 : i32
      %dma_start3A_411 = arith.constant 0 : i32
      %dma_start3A_412 = tpu.memref_slice %arg16[%dma_start3A_409, %dma_start3A_410, %dma_start3A_411] : memref<8x32x128xf32, #tpu.memory_space<vmem>> -> memref<1x32x128xf32, #tpu.memory_space<vmem>>
      %dma_start3A_413 = tpu.memref_squeeze %dma_start3A_412 : memref<1x32x128xf32, #tpu.memory_space<vmem>> -> memref<32x128xf32, #tpu.memory_space<vmem>>
      %dma_start3A_414 = arith.constant 0 : i32
      %dma_start3A_415 = tpu.memref_slice %arg2[%dma_start3A_414, %multiple_of3A_317] : memref<32x1000000xf32, #tpu.memory_space<hbm>> -> memref<32x128xf32, #tpu.memory_space<hbm>>
      %dma_start3A_416 = arith.constant 0 : i32
      %dma_start3A_417 = arith.constant 0 : i32
      %dma_start3A_418 = tpu.memref_slice %arg16[%dma_start3A_409, %dma_start3A_416, %dma_start3A_417] : memref<8x32x128xf32, #tpu.memory_space<vmem>> -> memref<1x32x128xf32, #tpu.memory_space<vmem>>
      %dma_start3A_419 = tpu.memref_squeeze %dma_start3A_418 : memref<1x32x128xf32, #tpu.memory_space<vmem>> -> memref<32x128xf32, #tpu.memory_space<vmem>>
      %dma_start3A_420 = arith.constant 0 : i32
      %dma_start3A_421 = tpu.memref_slice %arg2[%dma_start3A_420, %multiple_of3A_317] : memref<32x1000000xf32, #tpu.memory_space<hbm>> -> memref<32x128xf32, #tpu.memory_space<hbm>>
      tpu.enqueue_dma source(%dma_start3A_421 : memref<32x128xf32, #tpu.memory_space<hbm>>) target(%dma_start3A_419 : memref<32x128xf32, #tpu.memory_space<vmem>>) target_semaphore(%arg18 : memref<!tpu.dma_semaphore, #tpu.memory_space<semaphore_mem>>)
      %mul3A_422 = arith.constant 8 : i32
      %mul3A_423 = arith.muli %while3A_167, %mul3A_422 : i32
      %get3A_424 = arith.index_cast %mul3A_423 : i32 to index
      %get3A_425 = tpu.vector_load %arg15[%get3A_424] {strides = array<i32>} : memref<4112xi32, #tpu.memory_space<vmem>>, vector<16xi32>,
      %lt3A = arith.constant 8 : i32
      %lt3A_426 = vector.broadcast %lt3A : i32 to vector<16xi32>
      %lt3A_427 = arith.cmpi slt, %iota3A, %lt3A_426 : vector<16xi32>
      %add3A_428 = arith.constant 4096 : i32
      %add3A_429 = vector.broadcast %add3A_428 : i32 to vector<16xi32>
      %add3A_430 = arith.addi %add3A_429, %iota3A : vector<16xi32>
      %select_n3A_431 = arith.select %lt3A_427, %get3A_425, %add3A_430 : vector<16xi1>, vector<16xi32>
      %dma_wait3A_432 = arith.constant 0 : i32
      %dma_wait3A_433 = arith.constant 0 : i32
      %dma_wait3A_434 = arith.constant 0 : i32
      %dma_wait3A_435 = tpu.memref_slice %arg16[%dma_wait3A_432, %dma_wait3A_433, %dma_wait3A_434] : memref<8x32x128xf32, #tpu.memory_space<vmem>> -> memref<1x32x128xf32, #tpu.memory_space<vmem>>
      %dma_wait3A_436 = tpu.memref_squeeze %dma_wait3A_435 : memref<1x32x128xf32, #tpu.memory_space<vmem>> -> memref<32x128xf32, #tpu.memory_space<vmem>>
      %dma_wait3A_437 = arith.constant 0 : i32
      %dma_wait3A_438 = tpu.memref_slice %arg2[%dma_wait3A_437, %multiple_of3A] : memref<32x1000000xf32, #tpu.memory_space<hbm>> -> memref<32x128xf32, #tpu.memory_space<hbm>>
      %dma_wait3A_439 = arith.constant 0 : i32
      %dma_wait3A_440 = arith.constant 0 : i32
      %dma_wait3A_441 = tpu.memref_slice %arg16[%dma_wait3A_432, %dma_wait3A_439, %dma_wait3A_440] : memref<8x32x128xf32, #tpu.memory_space<vmem>> -> memref<1x32x128xf32, #tpu.memory_space<vmem>>
      %dma_wait3A_442 = tpu.memref_squeeze %dma_wait3A_441 : memref<1x32x128xf32, #tpu.memory_space<vmem>> -> memref<32x128xf32, #tpu.memory_space<vmem>>
      %dma_wait3A_443 = arith.constant 0 : i32
      %dma_wait3A_444 = tpu.memref_slice %arg2[%dma_wait3A_443, %multiple_of3A] : memref<32x1000000xf32, #tpu.memory_space<hbm>> -> memref<32x128xf32, #tpu.memory_space<hbm>>
      tpu.wait_dma2 semaphore(%arg18 : memref<!tpu.dma_semaphore, #tpu.memory_space<semaphore_mem>>) src(%dma_wait3A_444 : memref<32x128xf32, #tpu.memory_space<hbm>>) dst(%dma_wait3A_442 : memref<32x128xf32, #tpu.memory_space<vmem>>)
      %dma_wait3A_445 = arith.constant 1 : i32
      %dma_wait3A_446 = arith.constant 0 : i32
      %dma_wait3A_447 = arith.constant 0 : i32
      %dma_wait3A_448 = tpu.memref_slice %arg16[%dma_wait3A_445, %dma_wait3A_446, %dma_wait3A_447] : memref<8x32x128xf32, #tpu.memory_space<vmem>> -> memref<1x32x128xf32, #tpu.memory_space<vmem>>
      %dma_wait3A_449 = tpu.memref_squeeze %dma_wait3A_448 : memref<1x32x128xf32, #tpu.memory_space<vmem>> -> memref<32x128xf32, #tpu.memory_space<vmem>>
      %dma_wait3A_450 = arith.constant 0 : i32
      %dma_wait3A_451 = tpu.memref_slice %arg2[%dma_wait3A_450, %multiple_of3A_203] : memref<32x1000000xf32, #tpu.memory_space<hbm>> -> memref<32x128xf32, #tpu.memory_space<hbm>>
      %dma_wait3A_452 = arith.constant 0 : i32
      %dma_wait3A_453 = arith.constant 0 : i32
      %dma_wait3A_454 = tpu.memref_slice %arg16[%dma_wait3A_445, %dma_wait3A_452, %dma_wait3A_453] : memref<8x32x128xf32, #tpu.memory_space<vmem>> -> memref<1x32x128xf32, #tpu.memory_space<vmem>>
      %dma_wait3A_455 = tpu.memref_squeeze %dma_wait3A_454 : memref<1x32x128xf32, #tpu.memory_space<vmem>> -> memref<32x128xf32, #tpu.memory_space<vmem>>
      %dma_wait3A_456 = arith.constant 0 : i32
      %dma_wait3A_457 = tpu.memref_slice %arg2[%dma_wait3A_456, %multiple_of3A_203] : memref<32x1000000xf32, #tpu.memory_space<hbm>> -> memref<32x128xf32, #tpu.memory_space<hbm>>
      tpu.wait_dma2 semaphore(%arg18 : memref<!tpu.dma_semaphore, #tpu.memory_space<semaphore_mem>>) src(%dma_wait3A_457 : memref<32x128xf32, #tpu.memory_space<hbm>>) dst(%dma_wait3A_455 : memref<32x128xf32, #tpu.memory_space<vmem>>)
      %dma_wait3A_458 = arith.constant 2 : i32
      %dma_wait3A_459 = arith.constant 0 : i32
      %dma_wait3A_460 = arith.constant 0 : i32
      %dma_wait3A_461 = tpu.memref_slice %arg16[%dma_wait3A_458, %dma_wait3A_459, %dma_wait3A_460] : memref<8x32x128xf32, #tpu.memory_space<vmem>> -> memref<1x32x128xf32, #tpu.memory_space<vmem>>
      %dma_wait3A_462 = tpu.memref_squeeze %dma_wait3A_461 : memref<1x32x128xf32, #tpu.memory_space<vmem>> -> memref<32x128xf32, #tpu.memory_space<vmem>>
      %dma_wait3A_463 = arith.constant 0 : i32
      %dma_wait3A_464 = tpu.memref_slice %arg2[%dma_wait3A_463, %multiple_of3A_222] : memref<32x1000000xf32, #tpu.memory_space<hbm>> -> memref<32x128xf32, #tpu.memory_space<hbm>>
      %dma_wait3A_465 = arith.constant 0 : i32
      %dma_wait3A_466 = arith.constant 0 : i32
      %dma_wait3A_467 = tpu.memref_slice %arg16[%dma_wait3A_458, %dma_wait3A_465, %dma_wait3A_466] : memref<8x32x128xf32, #tpu.memory_space<vmem>> -> memref<1x32x128xf32, #tpu.memory_space<vmem>>
      %dma_wait3A_468 = tpu.memref_squeeze %dma_wait3A_467 : memref<1x32x128xf32, #tpu.memory_space<vmem>> -> memref<32x128xf32, #tpu.memory_space<vmem>>
      %dma_wait3A_469 = arith.constant 0 : i32
      %dma_wait3A_470 = tpu.memref_slice %arg2[%dma_wait3A_469, %multiple_of3A_222] : memref<32x1000000xf32, #tpu.memory_space<hbm>> -> memref<32x128xf32, #tpu.memory_space<hbm>>
      tpu.wait_dma2 semaphore(%arg18 : memref<!tpu.dma_semaphore, #tpu.memory_space<semaphore_mem>>) src(%dma_wait3A_470 : memref<32x128xf32, #tpu.memory_space<hbm>>) dst(%dma_wait3A_468 : memref<32x128xf32, #tpu.memory_space<vmem>>)
      %dma_wait3A_471 = arith.constant 3 : i32
      %dma_wait3A_472 = arith.constant 0 : i32
      %dma_wait3A_473 = arith.constant 0 : i32
      %dma_wait3A_474 = tpu.memref_slice %arg16[%dma_wait3A_471, %dma_wait3A_472, %dma_wait3A_473] : memref<8x32x128xf32, #tpu.memory_space<vmem>> -> memref<1x32x128xf32, #tpu.memory_space<vmem>>
      %dma_wait3A_475 = tpu.memref_squeeze %dma_wait3A_474 : memref<1x32x128xf32, #tpu.memory_space<vmem>> -> memref<32x128xf32, #tpu.memory_space<vmem>>
      %dma_wait3A_476 = arith.constant 0 : i32
      %dma_wait3A_477 = tpu.memref_slice %arg2[%dma_wait3A_476, %multiple_of3A_241] : memref<32x1000000xf32, #tpu.memory_space<hbm>> -> memref<32x128xf32, #tpu.memory_space<hbm>>
      %dma_wait3A_478 = arith.constant 0 : i32
      %dma_wait3A_479 = arith.constant 0 : i32
      %dma_wait3A_480 = tpu.memref_slice %arg16[%dma_wait3A_471, %dma_wait3A_478, %dma_wait3A_479] : memref<8x32x128xf32, #tpu.memory_space<vmem>> -> memref<1x32x128xf32, #tpu.memory_space<vmem>>
      %dma_wait3A_481 = tpu.memref_squeeze %dma_wait3A_480 : memref<1x32x128xf32, #tpu.memory_space<vmem>> -> memref<32x128xf32, #tpu.memory_space<vmem>>
      %dma_wait3A_482 = arith.constant 0 : i32
      %dma_wait3A_483 = tpu.memref_slice %arg2[%dma_wait3A_482, %multiple_of3A_241] : memref<32x1000000xf32, #tpu.memory_space<hbm>> -> memref<32x128xf32, #tpu.memory_space<hbm>>
      tpu.wait_dma2 semaphore(%arg18 : memref<!tpu.dma_semaphore, #tpu.memory_space<semaphore_mem>>) src(%dma_wait3A_483 : memref<32x128xf32, #tpu.memory_space<hbm>>) dst(%dma_wait3A_481 : memref<32x128xf32, #tpu.memory_space<vmem>>)
      %dma_wait3A_484 = arith.constant 4 : i32
      %dma_wait3A_485 = arith.constant 0 : i32
      %dma_wait3A_486 = arith.constant 0 : i32
      %dma_wait3A_487 = tpu.memref_slice %arg16[%dma_wait3A_484, %dma_wait3A_485, %dma_wait3A_486] : memref<8x32x128xf32, #tpu.memory_space<vmem>> -> memref<1x32x128xf32, #tpu.memory_space<vmem>>
      %dma_wait3A_488 = tpu.memref_squeeze %dma_wait3A_487 : memref<1x32x128xf32, #tpu.memory_space<vmem>> -> memref<32x128xf32, #tpu.memory_space<vmem>>
      %dma_wait3A_489 = arith.constant 0 : i32
      %dma_wait3A_490 = tpu.memref_slice %arg2[%dma_wait3A_489, %multiple_of3A_260] : memref<32x1000000xf32, #tpu.memory_space<hbm>> -> memref<32x128xf32, #tpu.memory_space<hbm>>
      %dma_wait3A_491 = arith.constant 0 : i32
      %dma_wait3A_492 = arith.constant 0 : i32
      %dma_wait3A_493 = tpu.memref_slice %arg16[%dma_wait3A_484, %dma_wait3A_491, %dma_wait3A_492] : memref<8x32x128xf32, #tpu.memory_space<vmem>> -> memref<1x32x128xf32, #tpu.memory_space<vmem>>
      %dma_wait3A_494 = tpu.memref_squeeze %dma_wait3A_493 : memref<1x32x128xf32, #tpu.memory_space<vmem>> -> memref<32x128xf32, #tpu.memory_space<vmem>>
      %dma_wait3A_495 = arith.constant 0 : i32
      %dma_wait3A_496 = tpu.memref_slice %arg2[%dma_wait3A_495, %multiple_of3A_260] : memref<32x1000000xf32, #tpu.memory_space<hbm>> -> memref<32x128xf32, #tpu.memory_space<hbm>>
      tpu.wait_dma2 semaphore(%arg18 : memref<!tpu.dma_semaphore, #tpu.memory_space<semaphore_mem>>) src(%dma_wait3A_496 : memref<32x128xf32, #tpu.memory_space<hbm>>) dst(%dma_wait3A_494 : memref<32x128xf32, #tpu.memory_space<vmem>>)
      %dma_wait3A_497 = arith.constant 5 : i32
      %dma_wait3A_498 = arith.constant 0 : i32
      %dma_wait3A_499 = arith.constant 0 : i32
      %dma_wait3A_500 = tpu.memref_slice %arg16[%dma_wait3A_497, %dma_wait3A_498, %dma_wait3A_499] : memref<8x32x128xf32, #tpu.memory_space<vmem>> -> memref<1x32x128xf32, #tpu.memory_space<vmem>>
      %dma_wait3A_501 = tpu.memref_squeeze %dma_wait3A_500 : memref<1x32x128xf32, #tpu.memory_space<vmem>> -> memref<32x128xf32, #tpu.memory_space<vmem>>
      %dma_wait3A_502 = arith.constant 0 : i32
      %dma_wait3A_503 = tpu.memref_slice %arg2[%dma_wait3A_502, %multiple_of3A_279] : memref<32x1000000xf32, #tpu.memory_space<hbm>> -> memref<32x128xf32, #tpu.memory_space<hbm>>
      %dma_wait3A_504 = arith.constant 0 : i32
      %dma_wait3A_505 = arith.constant 0 : i32
      %dma_wait3A_506 = tpu.memref_slice %arg16[%dma_wait3A_497, %dma_wait3A_504, %dma_wait3A_505] : memref<8x32x128xf32, #tpu.memory_space<vmem>> -> memref<1x32x128xf32, #tpu.memory_space<vmem>>
      %dma_wait3A_507 = tpu.memref_squeeze %dma_wait3A_506 : memref<1x32x128xf32, #tpu.memory_space<vmem>> -> memref<32x128xf32, #tpu.memory_space<vmem>>
      %dma_wait3A_508 = arith.constant 0 : i32
      %dma_wait3A_509 = tpu.memref_slice %arg2[%dma_wait3A_508, %multiple_of3A_279] : memref<32x1000000xf32, #tpu.memory_space<hbm>> -> memref<32x128xf32, #tpu.memory_space<hbm>>
      tpu.wait_dma2 semaphore(%arg18 : memref<!tpu.dma_semaphore, #tpu.memory_space<semaphore_mem>>) src(%dma_wait3A_509 : memref<32x128xf32, #tpu.memory_space<hbm>>) dst(%dma_wait3A_507 : memref<32x128xf32, #tpu.memory_space<vmem>>)
      %dma_wait3A_510 = arith.constant 6 : i32
      %dma_wait3A_511 = arith.constant 0 : i32
      %dma_wait3A_512 = arith.constant 0 : i32
      %dma_wait3A_513 = tpu.memref_slice %arg16[%dma_wait3A_510, %dma_wait3A_511, %dma_wait3A_512] : memref<8x32x128xf32, #tpu.memory_space<vmem>> -> memref<1x32x128xf32, #tpu.memory_space<vmem>>
      %dma_wait3A_514 = tpu.memref_squeeze %dma_wait3A_513 : memref<1x32x128xf32, #tpu.memory_space<vmem>> -> memref<32x128xf32, #tpu.memory_space<vmem>>
      %dma_wait3A_515 = arith.constant 0 : i32
      %dma_wait3A_516 = tpu.memref_slice %arg2[%dma_wait3A_515, %multiple_of3A_298] : memref<32x1000000xf32, #tpu.memory_space<hbm>> -> memref<32x128xf32, #tpu.memory_space<hbm>>
      %dma_wait3A_517 = arith.constant 0 : i32
      %dma_wait3A_518 = arith.constant 0 : i32
      %dma_wait3A_519 = tpu.memref_slice %arg16[%dma_wait3A_510, %dma_wait3A_517, %dma_wait3A_518] : memref<8x32x128xf32, #tpu.memory_space<vmem>> -> memref<1x32x128xf32, #tpu.memory_space<vmem>>
      %dma_wait3A_520 = tpu.memref_squeeze %dma_wait3A_519 : memref<1x32x128xf32, #tpu.memory_space<vmem>> -> memref<32x128xf32, #tpu.memory_space<vmem>>
      %dma_wait3A_521 = arith.constant 0 : i32
      %dma_wait3A_522 = tpu.memref_slice %arg2[%dma_wait3A_521, %multiple_of3A_298] : memref<32x1000000xf32, #tpu.memory_space<hbm>> -> memref<32x128xf32, #tpu.memory_space<hbm>>
      tpu.wait_dma2 semaphore(%arg18 : memref<!tpu.dma_semaphore, #tpu.memory_space<semaphore_mem>>) src(%dma_wait3A_522 : memref<32x128xf32, #tpu.memory_space<hbm>>) dst(%dma_wait3A_520 : memref<32x128xf32, #tpu.memory_space<vmem>>)
      %dma_wait3A_523 = arith.constant 7 : i32
      %dma_wait3A_524 = arith.constant 0 : i32
      %dma_wait3A_525 = arith.constant 0 : i32
      %dma_wait3A_526 = tpu.memref_slice %arg16[%dma_wait3A_523, %dma_wait3A_524, %dma_wait3A_525] : memref<8x32x128xf32, #tpu.memory_space<vmem>> -> memref<1x32x128xf32, #tpu.memory_space<vmem>>
      %dma_wait3A_527 = tpu.memref_squeeze %dma_wait3A_526 : memref<1x32x128xf32, #tpu.memory_space<vmem>> -> memref<32x128xf32, #tpu.memory_space<vmem>>
      %dma_wait3A_528 = arith.constant 0 : i32
      %dma_wait3A_529 = tpu.memref_slice %arg2[%dma_wait3A_528, %multiple_of3A_317] : memref<32x1000000xf32, #tpu.memory_space<hbm>> -> memref<32x128xf32, #tpu.memory_space<hbm>>
      %dma_wait3A_530 = arith.constant 0 : i32
      %dma_wait3A_531 = arith.constant 0 : i32
      %dma_wait3A_532 = tpu.memref_slice %arg16[%dma_wait3A_523, %dma_wait3A_530, %dma_wait3A_531] : memref<8x32x128xf32, #tpu.memory_space<vmem>> -> memref<1x32x128xf32, #tpu.memory_space<vmem>>
      %dma_wait3A_533 = tpu.memref_squeeze %dma_wait3A_532 : memref<1x32x128xf32, #tpu.memory_space<vmem>> -> memref<32x128xf32, #tpu.memory_space<vmem>>
      %dma_wait3A_534 = arith.constant 0 : i32
      %dma_wait3A_535 = tpu.memref_slice %arg2[%dma_wait3A_534, %multiple_of3A_317] : memref<32x1000000xf32, #tpu.memory_space<hbm>> -> memref<32x128xf32, #tpu.memory_space<hbm>>
      tpu.wait_dma2 semaphore(%arg18 : memref<!tpu.dma_semaphore, #tpu.memory_space<semaphore_mem>>) src(%dma_wait3A_535 : memref<32x128xf32, #tpu.memory_space<hbm>>) dst(%dma_wait3A_533 : memref<32x128xf32, #tpu.memory_space<vmem>>)
      %and3A_536 = arith.constant 3 : i32
      %and3A_537 = arith.andi %while3A_167, %and3A_536 : i32
      %ge3A = arith.constant 4 : i32
      %ge3A_538 = arith.cmpi sge, %while3A_167, %ge3A : i32
      %convert_element_type3A = arith.extui %ge3A_538 : i1 to i32
      %cond3A = arith.constant 0 : i32
      %cond3A_539 = arith.cmpi ne, %convert_element_type3A, %cond3A : i32
      scf.if %cond3A_539 {
        %dma_wait3A_730 = arith.constant 0 : i32
        %dma_wait3A_731 = arith.constant 0 : i32
        %dma_wait3A_732 = tpu.memref_slice %arg17[%and3A_537, %dma_wait3A_730, %dma_wait3A_731] : memref<4x16x128xf32, #tpu.memory_space<vmem>> -> memref<1x16x128xf32, #tpu.memory_space<vmem>>
        %dma_wait3A_733 = tpu.memref_squeeze %dma_wait3A_732 : memref<1x16x128xf32, #tpu.memory_space<vmem>> -> memref<16x128xf32, #tpu.memory_space<vmem>>
        %dma_wait3A_734 = arith.constant 0 : i32
        %dma_wait3A_735 = arith.constant 0 : i32
        %dma_wait3A_736 = tpu.memref_slice %arg7[%dma_wait3A_734, %dma_wait3A_735] : memref<4128x128xf32, #tpu.memory_space<hbm>> -> memref<4128x128xf32, #tpu.memory_space<hbm>>
        tpu.wait_indirect_dma semaphore(%arg19 : memref<!tpu.dma_semaphore, #tpu.memory_space<semaphore_mem>>) src(%dma_wait3A_736 : memref<4128x128xf32, #tpu.memory_space<hbm>>) dst(%dma_wait3A_733 : memref<16x128xf32, #tpu.memory_space<vmem>>)
      } else {
      }
      %broadcast_in_dim3A_540 = arith.constant 0 : i32
      %broadcast_in_dim3A_541 = vector.broadcast %broadcast_in_dim3A_540 : i32 to vector<16xi32>
      %and3A_542 = arith.constant 127 : i32
      %and3A_543 = arith.andi %reduce_max3A_182, %and3A_542 : i32
      %add3A_544 = vector.broadcast %and3A_543 : i32 to vector<16xi32>
      %add3A_545 = arith.addi %broadcast_in_dim3A_541, %add3A_544 : vector<16xi32>
      %broadcast_in_dim3A_546 = arith.constant 0 : i32
      %broadcast_in_dim3A_547 = vector.broadcast %broadcast_in_dim3A_546 : i32 to vector<16xi32>
      %gather3A = tpu.vector_load_idx %arg16[%broadcast_in_dim3A_547, %iota3A, %add3A_545] : memref<8x32x128xf32, #tpu.memory_space<vmem>>[vector<16xi32>, vector<16xi32>, vector<16xi32>], vector<16xf32>,
      %add3A_548 = arith.constant 16 : i32
      %add3A_549 = vector.broadcast %add3A_548 : i32 to vector<16xi32>
      %add3A_550 = arith.addi %iota3A, %add3A_549 : vector<16xi32>
      %gather3A_551 = tpu.vector_load_idx %arg16[%broadcast_in_dim3A_547, %add3A_550, %add3A_545] : memref<8x32x128xf32, #tpu.memory_space<vmem>>[vector<16xi32>, vector<16xi32>, vector<16xi32>], vector<16xf32>,
      %swap3A_552 = arith.constant 0 : i32
      %swap3A_553 = arith.index_cast %and3A_537 : i32 to index
      %swap3A_554 = arith.index_cast %swap3A_552 : i32 to index
      %swap3A_555 = arith.constant 0 : index
      %swap3A_556 = tpu.vector_load %arg17[%swap3A_553, %swap3A_554, %swap3A_555] {strides = array<i32>} : memref<4x16x128xf32, #tpu.memory_space<vmem>>, vector<16xf32>,
      tpu.vector_store %arg17[%swap3A_553, %swap3A_554, %swap3A_555], %gather3A {strides = array<i32>} : memref<4x16x128xf32, #tpu.memory_space<vmem>>, vector<16xf32>,
      %swap3A_557 = arith.constant 0 : i32
      %swap3A_558 = arith.index_cast %and3A_537 : i32 to index
      %swap3A_559 = arith.index_cast %swap3A_557 : i32 to index
      %swap3A_560 = arith.constant 16 : index
      %swap3A_561 = tpu.vector_load %arg17[%swap3A_558, %swap3A_559, %swap3A_560] {strides = array<i32>} : memref<4x16x128xf32, #tpu.memory_space<vmem>>, vector<16xf32>,
      tpu.vector_store %arg17[%swap3A_558, %swap3A_559, %swap3A_560], %gather3A_551 {strides = array<i32>} : memref<4x16x128xf32, #tpu.memory_space<vmem>>, vector<16xf32>,
      %broadcast_in_dim3A_562 = arith.constant 0 : i32
      %broadcast_in_dim3A_563 = vector.broadcast %broadcast_in_dim3A_562 : i32 to vector<16xi32>
      %and3A_564 = arith.constant 127 : i32
      %and3A_565 = arith.andi %reduce_max3A_198, %and3A_564 : i32
      %add3A_566 = vector.broadcast %and3A_565 : i32 to vector<16xi32>
      %add3A_567 = arith.addi %broadcast_in_dim3A_563, %add3A_566 : vector<16xi32>
      %broadcast_in_dim3A_568 = arith.constant 1 : i32
      %broadcast_in_dim3A_569 = vector.broadcast %broadcast_in_dim3A_568 : i32 to vector<16xi32>
      %gather3A_570 = tpu.vector_load_idx %arg16[%broadcast_in_dim3A_569, %iota3A, %add3A_567] : memref<8x32x128xf32, #tpu.memory_space<vmem>>[vector<16xi32>, vector<16xi32>, vector<16xi32>], vector<16xf32>,
      %add3A_571 = arith.constant 16 : i32
      %add3A_572 = vector.broadcast %add3A_571 : i32 to vector<16xi32>
      %add3A_573 = arith.addi %iota3A, %add3A_572 : vector<16xi32>
      %gather3A_574 = tpu.vector_load_idx %arg16[%broadcast_in_dim3A_569, %add3A_573, %add3A_567] : memref<8x32x128xf32, #tpu.memory_space<vmem>>[vector<16xi32>, vector<16xi32>, vector<16xi32>], vector<16xf32>,
      %swap3A_575 = arith.constant 1 : i32
      %swap3A_576 = arith.index_cast %and3A_537 : i32 to index
      %swap3A_577 = arith.index_cast %swap3A_575 : i32 to index
      %swap3A_578 = arith.constant 0 : index
      %swap3A_579 = tpu.vector_load %arg17[%swap3A_576, %swap3A_577, %swap3A_578] {strides = array<i32>} : memref<4x16x128xf32, #tpu.memory_space<vmem>>, vector<16xf32>,
      tpu.vector_store %arg17[%swap3A_576, %swap3A_577, %swap3A_578], %gather3A_570 {strides = array<i32>} : memref<4x16x128xf32, #tpu.memory_space<vmem>>, vector<16xf32>,
      %swap3A_580 = arith.constant 1 : i32
      %swap3A_581 = arith.index_cast %and3A_537 : i32 to index
      %swap3A_582 = arith.index_cast %swap3A_580 : i32 to index
      %swap3A_583 = arith.constant 16 : index
      %swap3A_584 = tpu.vector_load %arg17[%swap3A_581, %swap3A_582, %swap3A_583] {strides = array<i32>} : memref<4x16x128xf32, #tpu.memory_space<vmem>>, vector<16xf32>,
      tpu.vector_store %arg17[%swap3A_581, %swap3A_582, %swap3A_583], %gather3A_574 {strides = array<i32>} : memref<4x16x128xf32, #tpu.memory_space<vmem>>, vector<16xf32>,
      %broadcast_in_dim3A_585 = arith.constant 0 : i32
      %broadcast_in_dim3A_586 = vector.broadcast %broadcast_in_dim3A_585 : i32 to vector<16xi32>
      %and3A_587 = arith.constant 127 : i32
      %and3A_588 = arith.andi %reduce_max3A_217, %and3A_587 : i32
      %add3A_589 = vector.broadcast %and3A_588 : i32 to vector<16xi32>
      %add3A_590 = arith.addi %broadcast_in_dim3A_586, %add3A_589 : vector<16xi32>
      %broadcast_in_dim3A_591 = arith.constant 2 : i32
      %broadcast_in_dim3A_592 = vector.broadcast %broadcast_in_dim3A_591 : i32 to vector<16xi32>
      %gather3A_593 = tpu.vector_load_idx %arg16[%broadcast_in_dim3A_592, %iota3A, %add3A_590] : memref<8x32x128xf32, #tpu.memory_space<vmem>>[vector<16xi32>, vector<16xi32>, vector<16xi32>], vector<16xf32>,
      %add3A_594 = arith.constant 16 : i32
      %add3A_595 = vector.broadcast %add3A_594 : i32 to vector<16xi32>
      %add3A_596 = arith.addi %iota3A, %add3A_595 : vector<16xi32>
      %gather3A_597 = tpu.vector_load_idx %arg16[%broadcast_in_dim3A_592, %add3A_596, %add3A_590] : memref<8x32x128xf32, #tpu.memory_space<vmem>>[vector<16xi32>, vector<16xi32>, vector<16xi32>], vector<16xf32>,
      %swap3A_598 = arith.constant 2 : i32
      %swap3A_599 = arith.index_cast %and3A_537 : i32 to index
      %swap3A_600 = arith.index_cast %swap3A_598 : i32 to index
      %swap3A_601 = arith.constant 0 : index
      %swap3A_602 = tpu.vector_load %arg17[%swap3A_599, %swap3A_600, %swap3A_601] {strides = array<i32>} : memref<4x16x128xf32, #tpu.memory_space<vmem>>, vector<16xf32>,
      tpu.vector_store %arg17[%swap3A_599, %swap3A_600, %swap3A_601], %gather3A_593 {strides = array<i32>} : memref<4x16x128xf32, #tpu.memory_space<vmem>>, vector<16xf32>,
      %swap3A_603 = arith.constant 2 : i32
      %swap3A_604 = arith.index_cast %and3A_537 : i32 to index
      %swap3A_605 = arith.index_cast %swap3A_603 : i32 to index
      %swap3A_606 = arith.constant 16 : index
      %swap3A_607 = tpu.vector_load %arg17[%swap3A_604, %swap3A_605, %swap3A_606] {strides = array<i32>} : memref<4x16x128xf32, #tpu.memory_space<vmem>>, vector<16xf32>,
      tpu.vector_store %arg17[%swap3A_604, %swap3A_605, %swap3A_606], %gather3A_597 {strides = array<i32>} : memref<4x16x128xf32, #tpu.memory_space<vmem>>, vector<16xf32>,
      %broadcast_in_dim3A_608 = arith.constant 0 : i32
      %broadcast_in_dim3A_609 = vector.broadcast %broadcast_in_dim3A_608 : i32 to vector<16xi32>
      %and3A_610 = arith.constant 127 : i32
      %and3A_611 = arith.andi %reduce_max3A_236, %and3A_610 : i32
      %add3A_612 = vector.broadcast %and3A_611 : i32 to vector<16xi32>
      %add3A_613 = arith.addi %broadcast_in_dim3A_609, %add3A_612 : vector<16xi32>
      %broadcast_in_dim3A_614 = arith.constant 3 : i32
      %broadcast_in_dim3A_615 = vector.broadcast %broadcast_in_dim3A_614 : i32 to vector<16xi32>
      %gather3A_616 = tpu.vector_load_idx %arg16[%broadcast_in_dim3A_615, %iota3A, %add3A_613] : memref<8x32x128xf32, #tpu.memory_space<vmem>>[vector<16xi32>, vector<16xi32>, vector<16xi32>], vector<16xf32>,
      %add3A_617 = arith.constant 16 : i32
      %add3A_618 = vector.broadcast %add3A_617 : i32 to vector<16xi32>
      %add3A_619 = arith.addi %iota3A, %add3A_618 : vector<16xi32>
      %gather3A_620 = tpu.vector_load_idx %arg16[%broadcast_in_dim3A_615, %add3A_619, %add3A_613] : memref<8x32x128xf32, #tpu.memory_space<vmem>>[vector<16xi32>, vector<16xi32>, vector<16xi32>], vector<16xf32>,
      %swap3A_621 = arith.constant 3 : i32
      %swap3A_622 = arith.index_cast %and3A_537 : i32 to index
      %swap3A_623 = arith.index_cast %swap3A_621 : i32 to index
      %swap3A_624 = arith.constant 0 : index
      %swap3A_625 = tpu.vector_load %arg17[%swap3A_622, %swap3A_623, %swap3A_624] {strides = array<i32>} : memref<4x16x128xf32, #tpu.memory_space<vmem>>, vector<16xf32>,
      tpu.vector_store %arg17[%swap3A_622, %swap3A_623, %swap3A_624], %gather3A_616 {strides = array<i32>} : memref<4x16x128xf32, #tpu.memory_space<vmem>>, vector<16xf32>,
      %swap3A_626 = arith.constant 3 : i32
      %swap3A_627 = arith.index_cast %and3A_537 : i32 to index
      %swap3A_628 = arith.index_cast %swap3A_626 : i32 to index
      %swap3A_629 = arith.constant 16 : index
      %swap3A_630 = tpu.vector_load %arg17[%swap3A_627, %swap3A_628, %swap3A_629] {strides = array<i32>} : memref<4x16x128xf32, #tpu.memory_space<vmem>>, vector<16xf32>,
      tpu.vector_store %arg17[%swap3A_627, %swap3A_628, %swap3A_629], %gather3A_620 {strides = array<i32>} : memref<4x16x128xf32, #tpu.memory_space<vmem>>, vector<16xf32>,
      %broadcast_in_dim3A_631 = arith.constant 0 : i32
      %broadcast_in_dim3A_632 = vector.broadcast %broadcast_in_dim3A_631 : i32 to vector<16xi32>
      %and3A_633 = arith.constant 127 : i32
      %and3A_634 = arith.andi %reduce_max3A_255, %and3A_633 : i32
      %add3A_635 = vector.broadcast %and3A_634 : i32 to vector<16xi32>
      %add3A_636 = arith.addi %broadcast_in_dim3A_632, %add3A_635 : vector<16xi32>
      %broadcast_in_dim3A_637 = arith.constant 4 : i32
      %broadcast_in_dim3A_638 = vector.broadcast %broadcast_in_dim3A_637 : i32 to vector<16xi32>
      %gather3A_639 = tpu.vector_load_idx %arg16[%broadcast_in_dim3A_638, %iota3A, %add3A_636] : memref<8x32x128xf32, #tpu.memory_space<vmem>>[vector<16xi32>, vector<16xi32>, vector<16xi32>], vector<16xf32>,
      %add3A_640 = arith.constant 16 : i32
      %add3A_641 = vector.broadcast %add3A_640 : i32 to vector<16xi32>
      %add3A_642 = arith.addi %iota3A, %add3A_641 : vector<16xi32>
      %gather3A_643 = tpu.vector_load_idx %arg16[%broadcast_in_dim3A_638, %add3A_642, %add3A_636] : memref<8x32x128xf32, #tpu.memory_space<vmem>>[vector<16xi32>, vector<16xi32>, vector<16xi32>], vector<16xf32>,
      %swap3A_644 = arith.constant 4 : i32
      %swap3A_645 = arith.index_cast %and3A_537 : i32 to index
      %swap3A_646 = arith.index_cast %swap3A_644 : i32 to index
      %swap3A_647 = arith.constant 0 : index
      %swap3A_648 = tpu.vector_load %arg17[%swap3A_645, %swap3A_646, %swap3A_647] {strides = array<i32>} : memref<4x16x128xf32, #tpu.memory_space<vmem>>, vector<16xf32>,
      tpu.vector_store %arg17[%swap3A_645, %swap3A_646, %swap3A_647], %gather3A_639 {strides = array<i32>} : memref<4x16x128xf32, #tpu.memory_space<vmem>>, vector<16xf32>,
      %swap3A_649 = arith.constant 4 : i32
      %swap3A_650 = arith.index_cast %and3A_537 : i32 to index
      %swap3A_651 = arith.index_cast %swap3A_649 : i32 to index
      %swap3A_652 = arith.constant 16 : index
      %swap3A_653 = tpu.vector_load %arg17[%swap3A_650, %swap3A_651, %swap3A_652] {strides = array<i32>} : memref<4x16x128xf32, #tpu.memory_space<vmem>>, vector<16xf32>,
      tpu.vector_store %arg17[%swap3A_650, %swap3A_651, %swap3A_652], %gather3A_643 {strides = array<i32>} : memref<4x16x128xf32, #tpu.memory_space<vmem>>, vector<16xf32>,
      %broadcast_in_dim3A_654 = arith.constant 0 : i32
      %broadcast_in_dim3A_655 = vector.broadcast %broadcast_in_dim3A_654 : i32 to vector<16xi32>
      %and3A_656 = arith.constant 127 : i32
      %and3A_657 = arith.andi %reduce_max3A_274, %and3A_656 : i32
      %add3A_658 = vector.broadcast %and3A_657 : i32 to vector<16xi32>
      %add3A_659 = arith.addi %broadcast_in_dim3A_655, %add3A_658 : vector<16xi32>
      %broadcast_in_dim3A_660 = arith.constant 5 : i32
      %broadcast_in_dim3A_661 = vector.broadcast %broadcast_in_dim3A_660 : i32 to vector<16xi32>
      %gather3A_662 = tpu.vector_load_idx %arg16[%broadcast_in_dim3A_661, %iota3A, %add3A_659] : memref<8x32x128xf32, #tpu.memory_space<vmem>>[vector<16xi32>, vector<16xi32>, vector<16xi32>], vector<16xf32>,
      %add3A_663 = arith.constant 16 : i32
      %add3A_664 = vector.broadcast %add3A_663 : i32 to vector<16xi32>
      %add3A_665 = arith.addi %iota3A, %add3A_664 : vector<16xi32>
      %gather3A_666 = tpu.vector_load_idx %arg16[%broadcast_in_dim3A_661, %add3A_665, %add3A_659] : memref<8x32x128xf32, #tpu.memory_space<vmem>>[vector<16xi32>, vector<16xi32>, vector<16xi32>], vector<16xf32>,
      %swap3A_667 = arith.constant 5 : i32
      %swap3A_668 = arith.index_cast %and3A_537 : i32 to index
      %swap3A_669 = arith.index_cast %swap3A_667 : i32 to index
      %swap3A_670 = arith.constant 0 : index
      %swap3A_671 = tpu.vector_load %arg17[%swap3A_668, %swap3A_669, %swap3A_670] {strides = array<i32>} : memref<4x16x128xf32, #tpu.memory_space<vmem>>, vector<16xf32>,
      tpu.vector_store %arg17[%swap3A_668, %swap3A_669, %swap3A_670], %gather3A_662 {strides = array<i32>} : memref<4x16x128xf32, #tpu.memory_space<vmem>>, vector<16xf32>,
      %swap3A_672 = arith.constant 5 : i32
      %swap3A_673 = arith.index_cast %and3A_537 : i32 to index
      %swap3A_674 = arith.index_cast %swap3A_672 : i32 to index
      %swap3A_675 = arith.constant 16 : index
      %swap3A_676 = tpu.vector_load %arg17[%swap3A_673, %swap3A_674, %swap3A_675] {strides = array<i32>} : memref<4x16x128xf32, #tpu.memory_space<vmem>>, vector<16xf32>,
      tpu.vector_store %arg17[%swap3A_673, %swap3A_674, %swap3A_675], %gather3A_666 {strides = array<i32>} : memref<4x16x128xf32, #tpu.memory_space<vmem>>, vector<16xf32>,
      %broadcast_in_dim3A_677 = arith.constant 0 : i32
      %broadcast_in_dim3A_678 = vector.broadcast %broadcast_in_dim3A_677 : i32 to vector<16xi32>
      %and3A_679 = arith.constant 127 : i32
      %and3A_680 = arith.andi %reduce_max3A_293, %and3A_679 : i32
      %add3A_681 = vector.broadcast %and3A_680 : i32 to vector<16xi32>
      %add3A_682 = arith.addi %broadcast_in_dim3A_678, %add3A_681 : vector<16xi32>
      %broadcast_in_dim3A_683 = arith.constant 6 : i32
      %broadcast_in_dim3A_684 = vector.broadcast %broadcast_in_dim3A_683 : i32 to vector<16xi32>
      %gather3A_685 = tpu.vector_load_idx %arg16[%broadcast_in_dim3A_684, %iota3A, %add3A_682] : memref<8x32x128xf32, #tpu.memory_space<vmem>>[vector<16xi32>, vector<16xi32>, vector<16xi32>], vector<16xf32>,
      %add3A_686 = arith.constant 16 : i32
      %add3A_687 = vector.broadcast %add3A_686 : i32 to vector<16xi32>
      %add3A_688 = arith.addi %iota3A, %add3A_687 : vector<16xi32>
      %gather3A_689 = tpu.vector_load_idx %arg16[%broadcast_in_dim3A_684, %add3A_688, %add3A_682] : memref<8x32x128xf32, #tpu.memory_space<vmem>>[vector<16xi32>, vector<16xi32>, vector<16xi32>], vector<16xf32>,
      %swap3A_690 = arith.constant 6 : i32
      %swap3A_691 = arith.index_cast %and3A_537 : i32 to index
      %swap3A_692 = arith.index_cast %swap3A_690 : i32 to index
      %swap3A_693 = arith.constant 0 : index
      %swap3A_694 = tpu.vector_load %arg17[%swap3A_691, %swap3A_692, %swap3A_693] {strides = array<i32>} : memref<4x16x128xf32, #tpu.memory_space<vmem>>, vector<16xf32>,
      tpu.vector_store %arg17[%swap3A_691, %swap3A_692, %swap3A_693], %gather3A_685 {strides = array<i32>} : memref<4x16x128xf32, #tpu.memory_space<vmem>>, vector<16xf32>,
      %swap3A_695 = arith.constant 6 : i32
      %swap3A_696 = arith.index_cast %and3A_537 : i32 to index
      %swap3A_697 = arith.index_cast %swap3A_695 : i32 to index
      %swap3A_698 = arith.constant 16 : index
      %swap3A_699 = tpu.vector_load %arg17[%swap3A_696, %swap3A_697, %swap3A_698] {strides = array<i32>} : memref<4x16x128xf32, #tpu.memory_space<vmem>>, vector<16xf32>,
      tpu.vector_store %arg17[%swap3A_696, %swap3A_697, %swap3A_698], %gather3A_689 {strides = array<i32>} : memref<4x16x128xf32, #tpu.memory_space<vmem>>, vector<16xf32>,
      %broadcast_in_dim3A_700 = arith.constant 0 : i32
      %broadcast_in_dim3A_701 = vector.broadcast %broadcast_in_dim3A_700 : i32 to vector<16xi32>
      %and3A_702 = arith.constant 127 : i32
      %and3A_703 = arith.andi %reduce_max3A_312, %and3A_702 : i32
      %add3A_704 = vector.broadcast %and3A_703 : i32 to vector<16xi32>
      %add3A_705 = arith.addi %broadcast_in_dim3A_701, %add3A_704 : vector<16xi32>
      %broadcast_in_dim3A_706 = arith.constant 7 : i32
      %broadcast_in_dim3A_707 = vector.broadcast %broadcast_in_dim3A_706 : i32 to vector<16xi32>
      %gather3A_708 = tpu.vector_load_idx %arg16[%broadcast_in_dim3A_707, %iota3A, %add3A_705] : memref<8x32x128xf32, #tpu.memory_space<vmem>>[vector<16xi32>, vector<16xi32>, vector<16xi32>], vector<16xf32>,
      %add3A_709 = arith.constant 16 : i32
      %add3A_710 = vector.broadcast %add3A_709 : i32 to vector<16xi32>
      %add3A_711 = arith.addi %iota3A, %add3A_710 : vector<16xi32>
      %gather3A_712 = tpu.vector_load_idx %arg16[%broadcast_in_dim3A_707, %add3A_711, %add3A_705] : memref<8x32x128xf32, #tpu.memory_space<vmem>>[vector<16xi32>, vector<16xi32>, vector<16xi32>], vector<16xf32>,
      %swap3A_713 = arith.constant 7 : i32
      %swap3A_714 = arith.index_cast %and3A_537 : i32 to index
      %swap3A_715 = arith.index_cast %swap3A_713 : i32 to index
      %swap3A_716 = arith.constant 0 : index
      %swap3A_717 = tpu.vector_load %arg17[%swap3A_714, %swap3A_715, %swap3A_716] {strides = array<i32>} : memref<4x16x128xf32, #tpu.memory_space<vmem>>, vector<16xf32>,
      tpu.vector_store %arg17[%swap3A_714, %swap3A_715, %swap3A_716], %gather3A_708 {strides = array<i32>} : memref<4x16x128xf32, #tpu.memory_space<vmem>>, vector<16xf32>,
      %swap3A_718 = arith.constant 7 : i32
      %swap3A_719 = arith.index_cast %and3A_537 : i32 to index
      %swap3A_720 = arith.index_cast %swap3A_718 : i32 to index
      %swap3A_721 = arith.constant 16 : index
      %swap3A_722 = tpu.vector_load %arg17[%swap3A_719, %swap3A_720, %swap3A_721] {strides = array<i32>} : memref<4x16x128xf32, #tpu.memory_space<vmem>>, vector<16xf32>,
      tpu.vector_store %arg17[%swap3A_719, %swap3A_720, %swap3A_721], %gather3A_712 {strides = array<i32>} : memref<4x16x128xf32, #tpu.memory_space<vmem>>, vector<16xf32>,
      %dma_start3A_723 = arith.constant 0 : i32
      %dma_start3A_724 = arith.constant 0 : i32
      %dma_start3A_725 = tpu.memref_slice %arg17[%and3A_537, %dma_start3A_723, %dma_start3A_724] : memref<4x16x128xf32, #tpu.memory_space<vmem>> -> memref<1x16x128xf32, #tpu.memory_space<vmem>>
      %dma_start3A_726 = tpu.memref_squeeze %dma_start3A_725 : memref<1x16x128xf32, #tpu.memory_space<vmem>> -> memref<16x128xf32, #tpu.memory_space<vmem>>
      %dma_start3A_727 = arith.constant 0 : i32
      %dma_start3A_728 = arith.constant 0 : i32
      %dma_start3A_729 = tpu.memref_slice %arg7[%dma_start3A_727, %dma_start3A_728] : memref<4128x128xf32, #tpu.memory_space<hbm>> -> memref<4128x128xf32, #tpu.memory_space<hbm>>
      tpu.enqueue_indirect_dma source(%dma_start3A_726 : memref<16x128xf32, #tpu.memory_space<vmem>>) target(%dma_start3A_729 : memref<4128x128xf32, #tpu.memory_space<hbm>>) offsets(%select_n3A_431 : vector<16xi32>) semaphore(%arg19 : memref<!tpu.dma_semaphore, #tpu.memory_space<semaphore_mem>>)
    }
    %while3A_128 = arith.constant 1 : i32
    scf.for %while3A_167 = %while3A_126 to %while3A_122 step %while3A_128  : i32 {
      %mul3A_168 = arith.constant 8 : i32
      %mul3A_169 = arith.muli %while3A_167, %mul3A_168 : i32
      %get3A = arith.index_cast %mul3A_169 : i32 to index
      %get3A_170 = tpu.vector_load %arg14[%get3A] {strides = array<i32>} : memref<4112xi32, #tpu.memory_space<vmem>>, vector<16xi32>,
      %eq3A = arith.constant 0 : i32
      %eq3A_171 = vector.broadcast %eq3A : i32 to vector<16xi32>
      %eq3A_172 = arith.cmpi eq, %iota3A, %eq3A_171 : vector<16xi32>
      %jit3A_173 = arith.constant 0 : i32
      %broadcast_in_dim3A_174 = vector.broadcast %jit3A_173 : i32 to vector<16xi32>
      %select_n3A_175 = arith.select %eq3A_172, %get3A_170, %broadcast_in_dim3A_174 : vector<16xi1>, vector<16xi32>
      %reduce_max3A = arith.constant true
      %reduce_max3A_176 = vector.broadcast %reduce_max3A : i1 to vector<16xi1>
      %reduce_max3A_177 = arith.constant -2147483648 : i32
      %reduce_max3A_178 = vector.broadcast %reduce_max3A_177 : i32 to vector<16xi32>
      %reduce_max3A_179 = arith.xori %select_n3A_175, %reduce_max3A_178 : vector<16xi32>
      %reduce_max3A_180 = tpu.scan <max>, %reduce_max3A_179 masked %reduce_max3A_176 : vector<16xi32>, vector<16xi1> -> vector<16xi32>
      %reduce_max3A_181 = arith.xori %reduce_max3A_180, %reduce_max3A_178 : vector<16xi32>
      %reduce_max3A_182 = vector.extract %reduce_max3A_181[15] : i32 from vector<16xi32>
      %shift_right_logical3A = arith.constant 7 : i32
      %shift_right_logical3A_183 = arith.shrui %reduce_max3A_182, %shift_right_logical3A : i32
      %shift_left3A = arith.constant 7 : i32
      %shift_left3A_184 = arith.shli %shift_right_logical3A_183, %shift_left3A : i32
      %multiple_of3A = tpu.assume_multiple %shift_left3A_184, 128 : i32
      %eq3A_185 = arith.constant 1 : i32
      %eq3A_186 = vector.broadcast %eq3A_185 : i32 to vector<16xi32>
      %eq3A_187 = arith.cmpi eq, %iota3A, %eq3A_186 : vector<16xi32>
      %jit3A_188 = arith.constant 0 : i32
      %broadcast_in_dim3A_189 = vector.broadcast %jit3A_188 : i32 to vector<16xi32>
      %select_n3A_190 = arith.select %eq3A_187, %get3A_170, %broadcast_in_dim3A_189 : vector<16xi1>, vector<16xi32>
      %reduce_max3A_191 = arith.constant true
      %reduce_max3A_192 = vector.broadcast %reduce_max3A_191 : i1 to vector<16xi1>
      %reduce_max3A_193 = arith.constant -2147483648 : i32
      %reduce_max3A_194 = vector.broadcast %reduce_max3A_193 : i32 to vector<16xi32>
      %reduce_max3A_195 = arith.xori %select_n3A_190, %reduce_max3A_194 : vector<16xi32>
      %reduce_max3A_196 = tpu.scan <max>, %reduce_max3A_195 masked %reduce_max3A_192 : vector<16xi32>, vector<16xi1> -> vector<16xi32>
      %reduce_max3A_197 = arith.xori %reduce_max3A_196, %reduce_max3A_194 : vector<16xi32>
      %reduce_max3A_198 = vector.extract %reduce_max3A_197[15] : i32 from vector<16xi32>
      %shift_right_logical3A_199 = arith.constant 7 : i32
      %shift_right_logical3A_200 = arith.shrui %reduce_max3A_198, %shift_right_logical3A_199 : i32
      %shift_left3A_201 = arith.constant 7 : i32
      %shift_left3A_202 = arith.shli %shift_right_logical3A_200, %shift_left3A_201 : i32
      %multiple_of3A_203 = tpu.assume_multiple %shift_left3A_202, 128 : i32
      %eq3A_204 = arith.constant 2 : i32
      %eq3A_205 = vector.broadcast %eq3A_204 : i32 to vector<16xi32>
      %eq3A_206 = arith.cmpi eq, %iota3A, %eq3A_205 : vector<16xi32>
      %jit3A_207 = arith.constant 0 : i32
      %broadcast_in_dim3A_208 = vector.broadcast %jit3A_207 : i32 to vector<16xi32>
      %select_n3A_209 = arith.select %eq3A_206, %get3A_170, %broadcast_in_dim3A_208 : vector<16xi1>, vector<16xi32>
      %reduce_max3A_210 = arith.constant true
      %reduce_max3A_211 = vector.broadcast %reduce_max3A_210 : i1 to vector<16xi1>
      %reduce_max3A_212 = arith.constant -2147483648 : i32
      %reduce_max3A_213 = vector.broadcast %reduce_max3A_212 : i32 to vector<16xi32>
      %reduce_max3A_214 = arith.xori %select_n3A_209, %reduce_max3A_213 : vector<16xi32>
      %reduce_max3A_215 = tpu.scan <max>, %reduce_max3A_214 masked %reduce_max3A_211 : vector<16xi32>, vector<16xi1> -> vector<16xi32>
      %reduce_max3A_216 = arith.xori %reduce_max3A_215, %reduce_max3A_213 : vector<16xi32>
      %reduce_max3A_217 = vector.extract %reduce_max3A_216[15] : i32 from vector<16xi32>
      %shift_right_logical3A_218 = arith.constant 7 : i32
      %shift_right_logical3A_219 = arith.shrui %reduce_max3A_217, %shift_right_logical3A_218 : i32
      %shift_left3A_220 = arith.constant 7 : i32
      %shift_left3A_221 = arith.shli %shift_right_logical3A_219, %shift_left3A_220 : i32
      %multiple_of3A_222 = tpu.assume_multiple %shift_left3A_221, 128 : i32
      %eq3A_223 = arith.constant 3 : i32
      %eq3A_224 = vector.broadcast %eq3A_223 : i32 to vector<16xi32>
      %eq3A_225 = arith.cmpi eq, %iota3A, %eq3A_224 : vector<16xi32>
      %jit3A_226 = arith.constant 0 : i32
      %broadcast_in_dim3A_227 = vector.broadcast %jit3A_226 : i32 to vector<16xi32>
      %select_n3A_228 = arith.select %eq3A_225, %get3A_170, %broadcast_in_dim3A_227 : vector<16xi1>, vector<16xi32>
      %reduce_max3A_229 = arith.constant true
      %reduce_max3A_230 = vector.broadcast %reduce_max3A_229 : i1 to vector<16xi1>
      %reduce_max3A_231 = arith.constant -2147483648 : i32
      %reduce_max3A_232 = vector.broadcast %reduce_max3A_231 : i32 to vector<16xi32>
      %reduce_max3A_233 = arith.xori %select_n3A_228, %reduce_max3A_232 : vector<16xi32>
      %reduce_max3A_234 = tpu.scan <max>, %reduce_max3A_233 masked %reduce_max3A_230 : vector<16xi32>, vector<16xi1> -> vector<16xi32>
      %reduce_max3A_235 = arith.xori %reduce_max3A_234, %reduce_max3A_232 : vector<16xi32>
      %reduce_max3A_236 = vector.extract %reduce_max3A_235[15] : i32 from vector<16xi32>
      %shift_right_logical3A_237 = arith.constant 7 : i32
      %shift_right_logical3A_238 = arith.shrui %reduce_max3A_236, %shift_right_logical3A_237 : i32
      %shift_left3A_239 = arith.constant 7 : i32
      %shift_left3A_240 = arith.shli %shift_right_logical3A_238, %shift_left3A_239 : i32
      %multiple_of3A_241 = tpu.assume_multiple %shift_left3A_240, 128 : i32
      %eq3A_242 = arith.constant 4 : i32
      %eq3A_243 = vector.broadcast %eq3A_242 : i32 to vector<16xi32>
      %eq3A_244 = arith.cmpi eq, %iota3A, %eq3A_243 : vector<16xi32>
      %jit3A_245 = arith.constant 0 : i32
      %broadcast_in_dim3A_246 = vector.broadcast %jit3A_245 : i32 to vector<16xi32>
      %select_n3A_247 = arith.select %eq3A_244, %get3A_170, %broadcast_in_dim3A_246 : vector<16xi1>, vector<16xi32>
      %reduce_max3A_248 = arith.constant true
      %reduce_max3A_249 = vector.broadcast %reduce_max3A_248 : i1 to vector<16xi1>
      %reduce_max3A_250 = arith.constant -2147483648 : i32
      %reduce_max3A_251 = vector.broadcast %reduce_max3A_250 : i32 to vector<16xi32>
      %reduce_max3A_252 = arith.xori %select_n3A_247, %reduce_max3A_251 : vector<16xi32>
      %reduce_max3A_253 = tpu.scan <max>, %reduce_max3A_252 masked %reduce_max3A_249 : vector<16xi32>, vector<16xi1> -> vector<16xi32>
      %reduce_max3A_254 = arith.xori %reduce_max3A_253, %reduce_max3A_251 : vector<16xi32>
      %reduce_max3A_255 = vector.extract %reduce_max3A_254[15] : i32 from vector<16xi32>
      %shift_right_logical3A_256 = arith.constant 7 : i32
      %shift_right_logical3A_257 = arith.shrui %reduce_max3A_255, %shift_right_logical3A_256 : i32
      %shift_left3A_258 = arith.constant 7 : i32
      %shift_left3A_259 = arith.shli %shift_right_logical3A_257, %shift_left3A_258 : i32
      %multiple_of3A_260 = tpu.assume_multiple %shift_left3A_259, 128 : i32
      %eq3A_261 = arith.constant 5 : i32
      %eq3A_262 = vector.broadcast %eq3A_261 : i32 to vector<16xi32>
      %eq3A_263 = arith.cmpi eq, %iota3A, %eq3A_262 : vector<16xi32>
      %jit3A_264 = arith.constant 0 : i32
      %broadcast_in_dim3A_265 = vector.broadcast %jit3A_264 : i32 to vector<16xi32>
      %select_n3A_266 = arith.select %eq3A_263, %get3A_170, %broadcast_in_dim3A_265 : vector<16xi1>, vector<16xi32>
      %reduce_max3A_267 = arith.constant true
      %reduce_max3A_268 = vector.broadcast %reduce_max3A_267 : i1 to vector<16xi1>
      %reduce_max3A_269 = arith.constant -2147483648 : i32
      %reduce_max3A_270 = vector.broadcast %reduce_max3A_269 : i32 to vector<16xi32>
      %reduce_max3A_271 = arith.xori %select_n3A_266, %reduce_max3A_270 : vector<16xi32>
      %reduce_max3A_272 = tpu.scan <max>, %reduce_max3A_271 masked %reduce_max3A_268 : vector<16xi32>, vector<16xi1> -> vector<16xi32>
      %reduce_max3A_273 = arith.xori %reduce_max3A_272, %reduce_max3A_270 : vector<16xi32>
      %reduce_max3A_274 = vector.extract %reduce_max3A_273[15] : i32 from vector<16xi32>
      %shift_right_logical3A_275 = arith.constant 7 : i32
      %shift_right_logical3A_276 = arith.shrui %reduce_max3A_274, %shift_right_logical3A_275 : i32
      %shift_left3A_277 = arith.constant 7 : i32
      %shift_left3A_278 = arith.shli %shift_right_logical3A_276, %shift_left3A_277 : i32
      %multiple_of3A_279 = tpu.assume_multiple %shift_left3A_278, 128 : i32
      %eq3A_280 = arith.constant 6 : i32
      %eq3A_281 = vector.broadcast %eq3A_280 : i32 to vector<16xi32>
      %eq3A_282 = arith.cmpi eq, %iota3A, %eq3A_281 : vector<16xi32>
      %jit3A_283 = arith.constant 0 : i32
      %broadcast_in_dim3A_284 = vector.broadcast %jit3A_283 : i32 to vector<16xi32>
      %select_n3A_285 = arith.select %eq3A_282, %get3A_170, %broadcast_in_dim3A_284 : vector<16xi1>, vector<16xi32>
      %reduce_max3A_286 = arith.constant true
      %reduce_max3A_287 = vector.broadcast %reduce_max3A_286 : i1 to vector<16xi1>
      %reduce_max3A_288 = arith.constant -2147483648 : i32
      %reduce_max3A_289 = vector.broadcast %reduce_max3A_288 : i32 to vector<16xi32>
      %reduce_max3A_290 = arith.xori %select_n3A_285, %reduce_max3A_289 : vector<16xi32>
      %reduce_max3A_291 = tpu.scan <max>, %reduce_max3A_290 masked %reduce_max3A_287 : vector<16xi32>, vector<16xi1> -> vector<16xi32>
      %reduce_max3A_292 = arith.xori %reduce_max3A_291, %reduce_max3A_289 : vector<16xi32>
      %reduce_max3A_293 = vector.extract %reduce_max3A_292[15] : i32 from vector<16xi32>
      %shift_right_logical3A_294 = arith.constant 7 : i32
      %shift_right_logical3A_295 = arith.shrui %reduce_max3A_293, %shift_right_logical3A_294 : i32
      %shift_left3A_296 = arith.constant 7 : i32
      %shift_left3A_297 = arith.shli %shift_right_logical3A_295, %shift_left3A_296 : i32
      %multiple_of3A_298 = tpu.assume_multiple %shift_left3A_297, 128 : i32
      %eq3A_299 = arith.constant 7 : i32
      %eq3A_300 = vector.broadcast %eq3A_299 : i32 to vector<16xi32>
      %eq3A_301 = arith.cmpi eq, %iota3A, %eq3A_300 : vector<16xi32>
      %jit3A_302 = arith.constant 0 : i32
      %broadcast_in_dim3A_303 = vector.broadcast %jit3A_302 : i32 to vector<16xi32>
      %select_n3A_304 = arith.select %eq3A_301, %get3A_170, %broadcast_in_dim3A_303 : vector<16xi1>, vector<16xi32>
      %reduce_max3A_305 = arith.constant true
      %reduce_max3A_306 = vector.broadcast %reduce_max3A_305 : i1 to vector<16xi1>
      %reduce_max3A_307 = arith.constant -2147483648 : i32
      %reduce_max3A_308 = vector.broadcast %reduce_max3A_307 : i32 to vector<16xi32>
      %reduce_max3A_309 = arith.xori %select_n3A_304, %reduce_max3A_308 : vector<16xi32>
      %reduce_max3A_310 = tpu.scan <max>, %reduce_max3A_309 masked %reduce_max3A_306 : vector<16xi32>, vector<16xi1> -> vector<16xi32>
      %reduce_max3A_311 = arith.xori %reduce_max3A_310, %reduce_max3A_308 : vector<16xi32>
      %reduce_max3A_312 = vector.extract %reduce_max3A_311[15] : i32 from vector<16xi32>
      %shift_right_logical3A_313 = arith.constant 7 : i32
      %shift_right_logical3A_314 = arith.shrui %reduce_max3A_312, %shift_right_logical3A_313 : i32
      %shift_left3A_315 = arith.constant 7 : i32
      %shift_left3A_316 = arith.shli %shift_right_logical3A_314, %shift_left3A_315 : i32
      %multiple_of3A_317 = tpu.assume_multiple %shift_left3A_316, 128 : i32
      %dma_start3A_318 = arith.constant 0 : i32
      %dma_start3A_319 = arith.constant 0 : i32
      %dma_start3A_320 = arith.constant 0 : i32
      %dma_start3A_321 = tpu.memref_slice %arg16[%dma_start3A_318, %dma_start3A_319, %dma_start3A_320] : memref<8x32x128xf32, #tpu.memory_space<vmem>> -> memref<1x32x128xf32, #tpu.memory_space<vmem>>
      %dma_start3A_322 = tpu.memref_squeeze %dma_start3A_321 : memref<1x32x128xf32, #tpu.memory_space<vmem>> -> memref<32x128xf32, #tpu.memory_space<vmem>>
      %dma_start3A_323 = arith.constant 0 : i32
      %dma_start3A_324 = tpu.memref_slice %arg2[%dma_start3A_323, %multiple_of3A] : memref<32x1000000xf32, #tpu.memory_space<hbm>> -> memref<32x128xf32, #tpu.memory_space<hbm>>
      %dma_start3A_325 = arith.constant 0 : i32
      %dma_start3A_326 = arith.constant 0 : i32
      %dma_start3A_327 = tpu.memref_slice %arg16[%dma_start3A_318, %dma_start3A_325, %dma_start3A_326] : memref<8x32x128xf32, #tpu.memory_space<vmem>> -> memref<1x32x128xf32, #tpu.memory_space<vmem>>
      %dma_start3A_328 = tpu.memref_squeeze %dma_start3A_327 : memref<1x32x128xf32, #tpu.memory_space<vmem>> -> memref<32x128xf32, #tpu.memory_space<vmem>>
      %dma_start3A_329 = arith.constant 0 : i32
      %dma_start3A_330 = tpu.memref_slice %arg2[%dma_start3A_329, %multiple_of3A] : memref<32x1000000xf32, #tpu.memory_space<hbm>> -> memref<32x128xf32, #tpu.memory_space<hbm>>
      tpu.enqueue_dma source(%dma_start3A_330 : memref<32x128xf32, #tpu.memory_space<hbm>>) target(%dma_start3A_328 : memref<32x128xf32, #tpu.memory_space<vmem>>) target_semaphore(%arg18 : memref<!tpu.dma_semaphore, #tpu.memory_space<semaphore_mem>>)
      %dma_start3A_331 = arith.constant 1 : i32
      %dma_start3A_332 = arith.constant 0 : i32
      %dma_start3A_333 = arith.constant 0 : i32
      %dma_start3A_334 = tpu.memref_slice %arg16[%dma_start3A_331, %dma_start3A_332, %dma_start3A_333] : memref<8x32x128xf32, #tpu.memory_space<vmem>> -> memref<1x32x128xf32, #tpu.memory_space<vmem>>
      %dma_start3A_335 = tpu.memref_squeeze %dma_start3A_334 : memref<1x32x128xf32, #tpu.memory_space<vmem>> -> memref<32x128xf32, #tpu.memory_space<vmem>>
      %dma_start3A_336 = arith.constant 0 : i32
      %dma_start3A_337 = tpu.memref_slice %arg2[%dma_start3A_336, %multiple_of3A_203] : memref<32x1000000xf32, #tpu.memory_space<hbm>> -> memref<32x128xf32, #tpu.memory_space<hbm>>
      %dma_start3A_338 = arith.constant 0 : i32
      %dma_start3A_339 = arith.constant 0 : i32
      %dma_start3A_340 = tpu.memref_slice %arg16[%dma_start3A_331, %dma_start3A_338, %dma_start3A_339] : memref<8x32x128xf32, #tpu.memory_space<vmem>> -> memref<1x32x128xf32, #tpu.memory_space<vmem>>
      %dma_start3A_341 = tpu.memref_squeeze %dma_start3A_340 : memref<1x32x128xf32, #tpu.memory_space<vmem>> -> memref<32x128xf32, #tpu.memory_space<vmem>>
      %dma_start3A_342 = arith.constant 0 : i32
      %dma_start3A_343 = tpu.memref_slice %arg2[%dma_start3A_342, %multiple_of3A_203] : memref<32x1000000xf32, #tpu.memory_space<hbm>> -> memref<32x128xf32, #tpu.memory_space<hbm>>
      tpu.enqueue_dma source(%dma_start3A_343 : memref<32x128xf32, #tpu.memory_space<hbm>>) target(%dma_start3A_341 : memref<32x128xf32, #tpu.memory_space<vmem>>) target_semaphore(%arg18 : memref<!tpu.dma_semaphore, #tpu.memory_space<semaphore_mem>>)
      %dma_start3A_344 = arith.constant 2 : i32
      %dma_start3A_345 = arith.constant 0 : i32
      %dma_start3A_346 = arith.constant 0 : i32
      %dma_start3A_347 = tpu.memref_slice %arg16[%dma_start3A_344, %dma_start3A_345, %dma_start3A_346] : memref<8x32x128xf32, #tpu.memory_space<vmem>> -> memref<1x32x128xf32, #tpu.memory_space<vmem>>
      %dma_start3A_348 = tpu.memref_squeeze %dma_start3A_347 : memref<1x32x128xf32, #tpu.memory_space<vmem>> -> memref<32x128xf32, #tpu.memory_space<vmem>>
      %dma_start3A_349 = arith.constant 0 : i32
      %dma_start3A_350 = tpu.memref_slice %arg2[%dma_start3A_349, %multiple_of3A_222] : memref<32x1000000xf32, #tpu.memory_space<hbm>> -> memref<32x128xf32, #tpu.memory_space<hbm>>
      %dma_start3A_351 = arith.constant 0 : i32
      %dma_start3A_352 = arith.constant 0 : i32
      %dma_start3A_353 = tpu.memref_slice %arg16[%dma_start3A_344, %dma_start3A_351, %dma_start3A_352] : memref<8x32x128xf32, #tpu.memory_space<vmem>> -> memref<1x32x128xf32, #tpu.memory_space<vmem>>
      %dma_start3A_354 = tpu.memref_squeeze %dma_start3A_353 : memref<1x32x128xf32, #tpu.memory_space<vmem>> -> memref<32x128xf32, #tpu.memory_space<vmem>>
      %dma_start3A_355 = arith.constant 0 : i32
      %dma_start3A_356 = tpu.memref_slice %arg2[%dma_start3A_355, %multiple_of3A_222] : memref<32x1000000xf32, #tpu.memory_space<hbm>> -> memref<32x128xf32, #tpu.memory_space<hbm>>
      tpu.enqueue_dma source(%dma_start3A_356 : memref<32x128xf32, #tpu.memory_space<hbm>>) target(%dma_start3A_354 : memref<32x128xf32, #tpu.memory_space<vmem>>) target_semaphore(%arg18 : memref<!tpu.dma_semaphore, #tpu.memory_space<semaphore_mem>>)
      %dma_start3A_357 = arith.constant 3 : i32
      %dma_start3A_358 = arith.constant 0 : i32
      %dma_start3A_359 = arith.constant 0 : i32
      %dma_start3A_360 = tpu.memref_slice %arg16[%dma_start3A_357, %dma_start3A_358, %dma_start3A_359] : memref<8x32x128xf32, #tpu.memory_space<vmem>> -> memref<1x32x128xf32, #tpu.memory_space<vmem>>
      %dma_start3A_361 = tpu.memref_squeeze %dma_start3A_360 : memref<1x32x128xf32, #tpu.memory_space<vmem>> -> memref<32x128xf32, #tpu.memory_space<vmem>>
      %dma_start3A_362 = arith.constant 0 : i32
      %dma_start3A_363 = tpu.memref_slice %arg2[%dma_start3A_362, %multiple_of3A_241] : memref<32x1000000xf32, #tpu.memory_space<hbm>> -> memref<32x128xf32, #tpu.memory_space<hbm>>
      %dma_start3A_364 = arith.constant 0 : i32
      %dma_start3A_365 = arith.constant 0 : i32
      %dma_start3A_366 = tpu.memref_slice %arg16[%dma_start3A_357, %dma_start3A_364, %dma_start3A_365] : memref<8x32x128xf32, #tpu.memory_space<vmem>> -> memref<1x32x128xf32, #tpu.memory_space<vmem>>
      %dma_start3A_367 = tpu.memref_squeeze %dma_start3A_366 : memref<1x32x128xf32, #tpu.memory_space<vmem>> -> memref<32x128xf32, #tpu.memory_space<vmem>>
      %dma_start3A_368 = arith.constant 0 : i32
      %dma_start3A_369 = tpu.memref_slice %arg2[%dma_start3A_368, %multiple_of3A_241] : memref<32x1000000xf32, #tpu.memory_space<hbm>> -> memref<32x128xf32, #tpu.memory_space<hbm>>
      tpu.enqueue_dma source(%dma_start3A_369 : memref<32x128xf32, #tpu.memory_space<hbm>>) target(%dma_start3A_367 : memref<32x128xf32, #tpu.memory_space<vmem>>) target_semaphore(%arg18 : memref<!tpu.dma_semaphore, #tpu.memory_space<semaphore_mem>>)
      %dma_start3A_370 = arith.constant 4 : i32
      %dma_start3A_371 = arith.constant 0 : i32
      %dma_start3A_372 = arith.constant 0 : i32
      %dma_start3A_373 = tpu.memref_slice %arg16[%dma_start3A_370, %dma_start3A_371, %dma_start3A_372] : memref<8x32x128xf32, #tpu.memory_space<vmem>> -> memref<1x32x128xf32, #tpu.memory_space<vmem>>
      %dma_start3A_374 = tpu.memref_squeeze %dma_start3A_373 : memref<1x32x128xf32, #tpu.memory_space<vmem>> -> memref<32x128xf32, #tpu.memory_space<vmem>>
      %dma_start3A_375 = arith.constant 0 : i32
      %dma_start3A_376 = tpu.memref_slice %arg2[%dma_start3A_375, %multiple_of3A_260] : memref<32x1000000xf32, #tpu.memory_space<hbm>> -> memref<32x128xf32, #tpu.memory_space<hbm>>
      %dma_start3A_377 = arith.constant 0 : i32
      %dma_start3A_378 = arith.constant 0 : i32
      %dma_start3A_379 = tpu.memref_slice %arg16[%dma_start3A_370, %dma_start3A_377, %dma_start3A_378] : memref<8x32x128xf32, #tpu.memory_space<vmem>> -> memref<1x32x128xf32, #tpu.memory_space<vmem>>
      %dma_start3A_380 = tpu.memref_squeeze %dma_start3A_379 : memref<1x32x128xf32, #tpu.memory_space<vmem>> -> memref<32x128xf32, #tpu.memory_space<vmem>>
      %dma_start3A_381 = arith.constant 0 : i32
      %dma_start3A_382 = tpu.memref_slice %arg2[%dma_start3A_381, %multiple_of3A_260] : memref<32x1000000xf32, #tpu.memory_space<hbm>> -> memref<32x128xf32, #tpu.memory_space<hbm>>
      tpu.enqueue_dma source(%dma_start3A_382 : memref<32x128xf32, #tpu.memory_space<hbm>>) target(%dma_start3A_380 : memref<32x128xf32, #tpu.memory_space<vmem>>) target_semaphore(%arg18 : memref<!tpu.dma_semaphore, #tpu.memory_space<semaphore_mem>>)
      %dma_start3A_383 = arith.constant 5 : i32
      %dma_start3A_384 = arith.constant 0 : i32
      %dma_start3A_385 = arith.constant 0 : i32
      %dma_start3A_386 = tpu.memref_slice %arg16[%dma_start3A_383, %dma_start3A_384, %dma_start3A_385] : memref<8x32x128xf32, #tpu.memory_space<vmem>> -> memref<1x32x128xf32, #tpu.memory_space<vmem>>
      %dma_start3A_387 = tpu.memref_squeeze %dma_start3A_386 : memref<1x32x128xf32, #tpu.memory_space<vmem>> -> memref<32x128xf32, #tpu.memory_space<vmem>>
      %dma_start3A_388 = arith.constant 0 : i32
      %dma_start3A_389 = tpu.memref_slice %arg2[%dma_start3A_388, %multiple_of3A_279] : memref<32x1000000xf32, #tpu.memory_space<hbm>> -> memref<32x128xf32, #tpu.memory_space<hbm>>
      %dma_start3A_390 = arith.constant 0 : i32
      %dma_start3A_391 = arith.constant 0 : i32
      %dma_start3A_392 = tpu.memref_slice %arg16[%dma_start3A_383, %dma_start3A_390, %dma_start3A_391] : memref<8x32x128xf32, #tpu.memory_space<vmem>> -> memref<1x32x128xf32, #tpu.memory_space<vmem>>
      %dma_start3A_393 = tpu.memref_squeeze %dma_start3A_392 : memref<1x32x128xf32, #tpu.memory_space<vmem>> -> memref<32x128xf32, #tpu.memory_space<vmem>>
      %dma_start3A_394 = arith.constant 0 : i32
      %dma_start3A_395 = tpu.memref_slice %arg2[%dma_start3A_394, %multiple_of3A_279] : memref<32x1000000xf32, #tpu.memory_space<hbm>> -> memref<32x128xf32, #tpu.memory_space<hbm>>
      tpu.enqueue_dma source(%dma_start3A_395 : memref<32x128xf32, #tpu.memory_space<hbm>>) target(%dma_start3A_393 : memref<32x128xf32, #tpu.memory_space<vmem>>) target_semaphore(%arg18 : memref<!tpu.dma_semaphore, #tpu.memory_space<semaphore_mem>>)
      %dma_start3A_396 = arith.constant 6 : i32
      %dma_start3A_397 = arith.constant 0 : i32
      %dma_start3A_398 = arith.constant 0 : i32
      %dma_start3A_399 = tpu.memref_slice %arg16[%dma_start3A_396, %dma_start3A_397, %dma_start3A_398] : memref<8x32x128xf32, #tpu.memory_space<vmem>> -> memref<1x32x128xf32, #tpu.memory_space<vmem>>
      %dma_start3A_400 = tpu.memref_squeeze %dma_start3A_399 : memref<1x32x128xf32, #tpu.memory_space<vmem>> -> memref<32x128xf32, #tpu.memory_space<vmem>>
      %dma_start3A_401 = arith.constant 0 : i32
      %dma_start3A_402 = tpu.memref_slice %arg2[%dma_start3A_401, %multiple_of3A_298] : memref<32x1000000xf32, #tpu.memory_space<hbm>> -> memref<32x128xf32, #tpu.memory_space<hbm>>
      %dma_start3A_403 = arith.constant 0 : i32
      %dma_start3A_404 = arith.constant 0 : i32
      %dma_start3A_405 = tpu.memref_slice %arg16[%dma_start3A_396, %dma_start3A_403, %dma_start3A_404] : memref<8x32x128xf32, #tpu.memory_space<vmem>> -> memref<1x32x128xf32, #tpu.memory_space<vmem>>
      %dma_start3A_406 = tpu.memref_squeeze %dma_start3A_405 : memref<1x32x128xf32, #tpu.memory_space<vmem>> -> memref<32x128xf32, #tpu.memory_space<vmem>>
      %dma_start3A_407 = arith.constant 0 : i32
      %dma_start3A_408 = tpu.memref_slice %arg2[%dma_start3A_407, %multiple_of3A_298] : memref<32x1000000xf32, #tpu.memory_space<hbm>> -> memref<32x128xf32, #tpu.memory_space<hbm>>
      tpu.enqueue_dma source(%dma_start3A_408 : memref<32x128xf32, #tpu.memory_space<hbm>>) target(%dma_start3A_406 : memref<32x128xf32, #tpu.memory_space<vmem>>) target_semaphore(%arg18 : memref<!tpu.dma_semaphore, #tpu.memory_space<semaphore_mem>>)
      %dma_start3A_409 = arith.constant 7 : i32
      %dma_start3A_410 = arith.constant 0 : i32
      %dma_start3A_411 = arith.constant 0 : i32
      %dma_start3A_412 = tpu.memref_slice %arg16[%dma_start3A_409, %dma_start3A_410, %dma_start3A_411] : memref<8x32x128xf32, #tpu.memory_space<vmem>> -> memref<1x32x128xf32, #tpu.memory_space<vmem>>
      %dma_start3A_413 = tpu.memref_squeeze %dma_start3A_412 : memref<1x32x128xf32, #tpu.memory_space<vmem>> -> memref<32x128xf32, #tpu.memory_space<vmem>>
      %dma_start3A_414 = arith.constant 0 : i32
      %dma_start3A_415 = tpu.memref_slice %arg2[%dma_start3A_414, %multiple_of3A_317] : memref<32x1000000xf32, #tpu.memory_space<hbm>> -> memref<32x128xf32, #tpu.memory_space<hbm>>
      %dma_start3A_416 = arith.constant 0 : i32
      %dma_start3A_417 = arith.constant 0 : i32
      %dma_start3A_418 = tpu.memref_slice %arg16[%dma_start3A_409, %dma_start3A_416, %dma_start3A_417] : memref<8x32x128xf32, #tpu.memory_space<vmem>> -> memref<1x32x128xf32, #tpu.memory_space<vmem>>
      %dma_start3A_419 = tpu.memref_squeeze %dma_start3A_418 : memref<1x32x128xf32, #tpu.memory_space<vmem>> -> memref<32x128xf32, #tpu.memory_space<vmem>>
      %dma_start3A_420 = arith.constant 0 : i32
      %dma_start3A_421 = tpu.memref_slice %arg2[%dma_start3A_420, %multiple_of3A_317] : memref<32x1000000xf32, #tpu.memory_space<hbm>> -> memref<32x128xf32, #tpu.memory_space<hbm>>
      tpu.enqueue_dma source(%dma_start3A_421 : memref<32x128xf32, #tpu.memory_space<hbm>>) target(%dma_start3A_419 : memref<32x128xf32, #tpu.memory_space<vmem>>) target_semaphore(%arg18 : memref<!tpu.dma_semaphore, #tpu.memory_space<semaphore_mem>>)
      %mul3A_422 = arith.constant 8 : i32
      %mul3A_423 = arith.muli %while3A_167, %mul3A_422 : i32
      %get3A_424 = arith.index_cast %mul3A_423 : i32 to index
      %get3A_425 = tpu.vector_load %arg15[%get3A_424] {strides = array<i32>} : memref<4112xi32, #tpu.memory_space<vmem>>, vector<16xi32>,
      %lt3A = arith.constant 8 : i32
      %lt3A_426 = vector.broadcast %lt3A : i32 to vector<16xi32>
      %lt3A_427 = arith.cmpi slt, %iota3A, %lt3A_426 : vector<16xi32>
      %add3A_428 = arith.constant 4096 : i32
      %add3A_429 = vector.broadcast %add3A_428 : i32 to vector<16xi32>
      %add3A_430 = arith.addi %add3A_429, %iota3A : vector<16xi32>
      %select_n3A_431 = arith.select %lt3A_427, %get3A_425, %add3A_430 : vector<16xi1>, vector<16xi32>
      %dma_wait3A_432 = arith.constant 0 : i32
      %dma_wait3A_433 = arith.constant 0 : i32
      %dma_wait3A_434 = arith.constant 0 : i32
      %dma_wait3A_435 = tpu.memref_slice %arg16[%dma_wait3A_432, %dma_wait3A_433, %dma_wait3A_434] : memref<8x32x128xf32, #tpu.memory_space<vmem>> -> memref<1x32x128xf32, #tpu.memory_space<vmem>>
      %dma_wait3A_436 = tpu.memref_squeeze %dma_wait3A_435 : memref<1x32x128xf32, #tpu.memory_space<vmem>> -> memref<32x128xf32, #tpu.memory_space<vmem>>
      %dma_wait3A_437 = arith.constant 0 : i32
      %dma_wait3A_438 = tpu.memref_slice %arg2[%dma_wait3A_437, %multiple_of3A] : memref<32x1000000xf32, #tpu.memory_space<hbm>> -> memref<32x128xf32, #tpu.memory_space<hbm>>
      %dma_wait3A_439 = arith.constant 0 : i32
      %dma_wait3A_440 = arith.constant 0 : i32
      %dma_wait3A_441 = tpu.memref_slice %arg16[%dma_wait3A_432, %dma_wait3A_439, %dma_wait3A_440] : memref<8x32x128xf32, #tpu.memory_space<vmem>> -> memref<1x32x128xf32, #tpu.memory_space<vmem>>
      %dma_wait3A_442 = tpu.memref_squeeze %dma_wait3A_441 : memref<1x32x128xf32, #tpu.memory_space<vmem>> -> memref<32x128xf32, #tpu.memory_space<vmem>>
      %dma_wait3A_443 = arith.constant 0 : i32
      %dma_wait3A_444 = tpu.memref_slice %arg2[%dma_wait3A_443, %multiple_of3A] : memref<32x1000000xf32, #tpu.memory_space<hbm>> -> memref<32x128xf32, #tpu.memory_space<hbm>>
      tpu.wait_dma2 semaphore(%arg18 : memref<!tpu.dma_semaphore, #tpu.memory_space<semaphore_mem>>) src(%dma_wait3A_444 : memref<32x128xf32, #tpu.memory_space<hbm>>) dst(%dma_wait3A_442 : memref<32x128xf32, #tpu.memory_space<vmem>>)
      %dma_wait3A_445 = arith.constant 1 : i32
      %dma_wait3A_446 = arith.constant 0 : i32
      %dma_wait3A_447 = arith.constant 0 : i32
      %dma_wait3A_448 = tpu.memref_slice %arg16[%dma_wait3A_445, %dma_wait3A_446, %dma_wait3A_447] : memref<8x32x128xf32, #tpu.memory_space<vmem>> -> memref<1x32x128xf32, #tpu.memory_space<vmem>>
      %dma_wait3A_449 = tpu.memref_squeeze %dma_wait3A_448 : memref<1x32x128xf32, #tpu.memory_space<vmem>> -> memref<32x128xf32, #tpu.memory_space<vmem>>
      %dma_wait3A_450 = arith.constant 0 : i32
      %dma_wait3A_451 = tpu.memref_slice %arg2[%dma_wait3A_450, %multiple_of3A_203] : memref<32x1000000xf32, #tpu.memory_space<hbm>> -> memref<32x128xf32, #tpu.memory_space<hbm>>
      %dma_wait3A_452 = arith.constant 0 : i32
      %dma_wait3A_453 = arith.constant 0 : i32
      %dma_wait3A_454 = tpu.memref_slice %arg16[%dma_wait3A_445, %dma_wait3A_452, %dma_wait3A_453] : memref<8x32x128xf32, #tpu.memory_space<vmem>> -> memref<1x32x128xf32, #tpu.memory_space<vmem>>
      %dma_wait3A_455 = tpu.memref_squeeze %dma_wait3A_454 : memref<1x32x128xf32, #tpu.memory_space<vmem>> -> memref<32x128xf32, #tpu.memory_space<vmem>>
      %dma_wait3A_456 = arith.constant 0 : i32
      %dma_wait3A_457 = tpu.memref_slice %arg2[%dma_wait3A_456, %multiple_of3A_203] : memref<32x1000000xf32, #tpu.memory_space<hbm>> -> memref<32x128xf32, #tpu.memory_space<hbm>>
      tpu.wait_dma2 semaphore(%arg18 : memref<!tpu.dma_semaphore, #tpu.memory_space<semaphore_mem>>) src(%dma_wait3A_457 : memref<32x128xf32, #tpu.memory_space<hbm>>) dst(%dma_wait3A_455 : memref<32x128xf32, #tpu.memory_space<vmem>>)
      %dma_wait3A_458 = arith.constant 2 : i32
      %dma_wait3A_459 = arith.constant 0 : i32
      %dma_wait3A_460 = arith.constant 0 : i32
      %dma_wait3A_461 = tpu.memref_slice %arg16[%dma_wait3A_458, %dma_wait3A_459, %dma_wait3A_460] : memref<8x32x128xf32, #tpu.memory_space<vmem>> -> memref<1x32x128xf32, #tpu.memory_space<vmem>>
      %dma_wait3A_462 = tpu.memref_squeeze %dma_wait3A_461 : memref<1x32x128xf32, #tpu.memory_space<vmem>> -> memref<32x128xf32, #tpu.memory_space<vmem>>
      %dma_wait3A_463 = arith.constant 0 : i32
      %dma_wait3A_464 = tpu.memref_slice %arg2[%dma_wait3A_463, %multiple_of3A_222] : memref<32x1000000xf32, #tpu.memory_space<hbm>> -> memref<32x128xf32, #tpu.memory_space<hbm>>
      %dma_wait3A_465 = arith.constant 0 : i32
      %dma_wait3A_466 = arith.constant 0 : i32
      %dma_wait3A_467 = tpu.memref_slice %arg16[%dma_wait3A_458, %dma_wait3A_465, %dma_wait3A_466] : memref<8x32x128xf32, #tpu.memory_space<vmem>> -> memref<1x32x128xf32, #tpu.memory_space<vmem>>
      %dma_wait3A_468 = tpu.memref_squeeze %dma_wait3A_467 : memref<1x32x128xf32, #tpu.memory_space<vmem>> -> memref<32x128xf32, #tpu.memory_space<vmem>>
      %dma_wait3A_469 = arith.constant 0 : i32
      %dma_wait3A_470 = tpu.memref_slice %arg2[%dma_wait3A_469, %multiple_of3A_222] : memref<32x1000000xf32, #tpu.memory_space<hbm>> -> memref<32x128xf32, #tpu.memory_space<hbm>>
      tpu.wait_dma2 semaphore(%arg18 : memref<!tpu.dma_semaphore, #tpu.memory_space<semaphore_mem>>) src(%dma_wait3A_470 : memref<32x128xf32, #tpu.memory_space<hbm>>) dst(%dma_wait3A_468 : memref<32x128xf32, #tpu.memory_space<vmem>>)
      %dma_wait3A_471 = arith.constant 3 : i32
      %dma_wait3A_472 = arith.constant 0 : i32
      %dma_wait3A_473 = arith.constant 0 : i32
      %dma_wait3A_474 = tpu.memref_slice %arg16[%dma_wait3A_471, %dma_wait3A_472, %dma_wait3A_473] : memref<8x32x128xf32, #tpu.memory_space<vmem>> -> memref<1x32x128xf32, #tpu.memory_space<vmem>>
      %dma_wait3A_475 = tpu.memref_squeeze %dma_wait3A_474 : memref<1x32x128xf32, #tpu.memory_space<vmem>> -> memref<32x128xf32, #tpu.memory_space<vmem>>
      %dma_wait3A_476 = arith.constant 0 : i32
      %dma_wait3A_477 = tpu.memref_slice %arg2[%dma_wait3A_476, %multiple_of3A_241] : memref<32x1000000xf32, #tpu.memory_space<hbm>> -> memref<32x128xf32, #tpu.memory_space<hbm>>
      %dma_wait3A_478 = arith.constant 0 : i32
      %dma_wait3A_479 = arith.constant 0 : i32
      %dma_wait3A_480 = tpu.memref_slice %arg16[%dma_wait3A_471, %dma_wait3A_478, %dma_wait3A_479] : memref<8x32x128xf32, #tpu.memory_space<vmem>> -> memref<1x32x128xf32, #tpu.memory_space<vmem>>
      %dma_wait3A_481 = tpu.memref_squeeze %dma_wait3A_480 : memref<1x32x128xf32, #tpu.memory_space<vmem>> -> memref<32x128xf32, #tpu.memory_space<vmem>>
      %dma_wait3A_482 = arith.constant 0 : i32
      %dma_wait3A_483 = tpu.memref_slice %arg2[%dma_wait3A_482, %multiple_of3A_241] : memref<32x1000000xf32, #tpu.memory_space<hbm>> -> memref<32x128xf32, #tpu.memory_space<hbm>>
      tpu.wait_dma2 semaphore(%arg18 : memref<!tpu.dma_semaphore, #tpu.memory_space<semaphore_mem>>) src(%dma_wait3A_483 : memref<32x128xf32, #tpu.memory_space<hbm>>) dst(%dma_wait3A_481 : memref<32x128xf32, #tpu.memory_space<vmem>>)
      %dma_wait3A_484 = arith.constant 4 : i32
      %dma_wait3A_485 = arith.constant 0 : i32
      %dma_wait3A_486 = arith.constant 0 : i32
      %dma_wait3A_487 = tpu.memref_slice %arg16[%dma_wait3A_484, %dma_wait3A_485, %dma_wait3A_486] : memref<8x32x128xf32, #tpu.memory_space<vmem>> -> memref<1x32x128xf32, #tpu.memory_space<vmem>>
      %dma_wait3A_488 = tpu.memref_squeeze %dma_wait3A_487 : memref<1x32x128xf32, #tpu.memory_space<vmem>> -> memref<32x128xf32, #tpu.memory_space<vmem>>
      %dma_wait3A_489 = arith.constant 0 : i32
      %dma_wait3A_490 = tpu.memref_slice %arg2[%dma_wait3A_489, %multiple_of3A_260] : memref<32x1000000xf32, #tpu.memory_space<hbm>> -> memref<32x128xf32, #tpu.memory_space<hbm>>
      %dma_wait3A_491 = arith.constant 0 : i32
      %dma_wait3A_492 = arith.constant 0 : i32
      %dma_wait3A_493 = tpu.memref_slice %arg16[%dma_wait3A_484, %dma_wait3A_491, %dma_wait3A_492] : memref<8x32x128xf32, #tpu.memory_space<vmem>> -> memref<1x32x128xf32, #tpu.memory_space<vmem>>
      %dma_wait3A_494 = tpu.memref_squeeze %dma_wait3A_493 : memref<1x32x128xf32, #tpu.memory_space<vmem>> -> memref<32x128xf32, #tpu.memory_space<vmem>>
      %dma_wait3A_495 = arith.constant 0 : i32
      %dma_wait3A_496 = tpu.memref_slice %arg2[%dma_wait3A_495, %multiple_of3A_260] : memref<32x1000000xf32, #tpu.memory_space<hbm>> -> memref<32x128xf32, #tpu.memory_space<hbm>>
      tpu.wait_dma2 semaphore(%arg18 : memref<!tpu.dma_semaphore, #tpu.memory_space<semaphore_mem>>) src(%dma_wait3A_496 : memref<32x128xf32, #tpu.memory_space<hbm>>) dst(%dma_wait3A_494 : memref<32x128xf32, #tpu.memory_space<vmem>>)
      %dma_wait3A_497 = arith.constant 5 : i32
      %dma_wait3A_498 = arith.constant 0 : i32
      %dma_wait3A_499 = arith.constant 0 : i32
      %dma_wait3A_500 = tpu.memref_slice %arg16[%dma_wait3A_497, %dma_wait3A_498, %dma_wait3A_499] : memref<8x32x128xf32, #tpu.memory_space<vmem>> -> memref<1x32x128xf32, #tpu.memory_space<vmem>>
      %dma_wait3A_501 = tpu.memref_squeeze %dma_wait3A_500 : memref<1x32x128xf32, #tpu.memory_space<vmem>> -> memref<32x128xf32, #tpu.memory_space<vmem>>
      %dma_wait3A_502 = arith.constant 0 : i32
      %dma_wait3A_503 = tpu.memref_slice %arg2[%dma_wait3A_502, %multiple_of3A_279] : memref<32x1000000xf32, #tpu.memory_space<hbm>> -> memref<32x128xf32, #tpu.memory_space<hbm>>
      %dma_wait3A_504 = arith.constant 0 : i32
      %dma_wait3A_505 = arith.constant 0 : i32
      %dma_wait3A_506 = tpu.memref_slice %arg16[%dma_wait3A_497, %dma_wait3A_504, %dma_wait3A_505] : memref<8x32x128xf32, #tpu.memory_space<vmem>> -> memref<1x32x128xf32, #tpu.memory_space<vmem>>
      %dma_wait3A_507 = tpu.memref_squeeze %dma_wait3A_506 : memref<1x32x128xf32, #tpu.memory_space<vmem>> -> memref<32x128xf32, #tpu.memory_space<vmem>>
      %dma_wait3A_508 = arith.constant 0 : i32
      %dma_wait3A_509 = tpu.memref_slice %arg2[%dma_wait3A_508, %multiple_of3A_279] : memref<32x1000000xf32, #tpu.memory_space<hbm>> -> memref<32x128xf32, #tpu.memory_space<hbm>>
      tpu.wait_dma2 semaphore(%arg18 : memref<!tpu.dma_semaphore, #tpu.memory_space<semaphore_mem>>) src(%dma_wait3A_509 : memref<32x128xf32, #tpu.memory_space<hbm>>) dst(%dma_wait3A_507 : memref<32x128xf32, #tpu.memory_space<vmem>>)
      %dma_wait3A_510 = arith.constant 6 : i32
      %dma_wait3A_511 = arith.constant 0 : i32
      %dma_wait3A_512 = arith.constant 0 : i32
      %dma_wait3A_513 = tpu.memref_slice %arg16[%dma_wait3A_510, %dma_wait3A_511, %dma_wait3A_512] : memref<8x32x128xf32, #tpu.memory_space<vmem>> -> memref<1x32x128xf32, #tpu.memory_space<vmem>>
      %dma_wait3A_514 = tpu.memref_squeeze %dma_wait3A_513 : memref<1x32x128xf32, #tpu.memory_space<vmem>> -> memref<32x128xf32, #tpu.memory_space<vmem>>
      %dma_wait3A_515 = arith.constant 0 : i32
      %dma_wait3A_516 = tpu.memref_slice %arg2[%dma_wait3A_515, %multiple_of3A_298] : memref<32x1000000xf32, #tpu.memory_space<hbm>> -> memref<32x128xf32, #tpu.memory_space<hbm>>
      %dma_wait3A_517 = arith.constant 0 : i32
      %dma_wait3A_518 = arith.constant 0 : i32
      %dma_wait3A_519 = tpu.memref_slice %arg16[%dma_wait3A_510, %dma_wait3A_517, %dma_wait3A_518] : memref<8x32x128xf32, #tpu.memory_space<vmem>> -> memref<1x32x128xf32, #tpu.memory_space<vmem>>
      %dma_wait3A_520 = tpu.memref_squeeze %dma_wait3A_519 : memref<1x32x128xf32, #tpu.memory_space<vmem>> -> memref<32x128xf32, #tpu.memory_space<vmem>>
      %dma_wait3A_521 = arith.constant 0 : i32
      %dma_wait3A_522 = tpu.memref_slice %arg2[%dma_wait3A_521, %multiple_of3A_298] : memref<32x1000000xf32, #tpu.memory_space<hbm>> -> memref<32x128xf32, #tpu.memory_space<hbm>>
      tpu.wait_dma2 semaphore(%arg18 : memref<!tpu.dma_semaphore, #tpu.memory_space<semaphore_mem>>) src(%dma_wait3A_522 : memref<32x128xf32, #tpu.memory_space<hbm>>) dst(%dma_wait3A_520 : memref<32x128xf32, #tpu.memory_space<vmem>>)
      %dma_wait3A_523 = arith.constant 7 : i32
      %dma_wait3A_524 = arith.constant 0 : i32
      %dma_wait3A_525 = arith.constant 0 : i32
      %dma_wait3A_526 = tpu.memref_slice %arg16[%dma_wait3A_523, %dma_wait3A_524, %dma_wait3A_525] : memref<8x32x128xf32, #tpu.memory_space<vmem>> -> memref<1x32x128xf32, #tpu.memory_space<vmem>>
      %dma_wait3A_527 = tpu.memref_squeeze %dma_wait3A_526 : memref<1x32x128xf32, #tpu.memory_space<vmem>> -> memref<32x128xf32, #tpu.memory_space<vmem>>
      %dma_wait3A_528 = arith.constant 0 : i32
      %dma_wait3A_529 = tpu.memref_slice %arg2[%dma_wait3A_528, %multiple_of3A_317] : memref<32x1000000xf32, #tpu.memory_space<hbm>> -> memref<32x128xf32, #tpu.memory_space<hbm>>
      %dma_wait3A_530 = arith.constant 0 : i32
      %dma_wait3A_531 = arith.constant 0 : i32
      %dma_wait3A_532 = tpu.memref_slice %arg16[%dma_wait3A_523, %dma_wait3A_530, %dma_wait3A_531] : memref<8x32x128xf32, #tpu.memory_space<vmem>> -> memref<1x32x128xf32, #tpu.memory_space<vmem>>
      %dma_wait3A_533 = tpu.memref_squeeze %dma_wait3A_532 : memref<1x32x128xf32, #tpu.memory_space<vmem>> -> memref<32x128xf32, #tpu.memory_space<vmem>>
      %dma_wait3A_534 = arith.constant 0 : i32
      %dma_wait3A_535 = tpu.memref_slice %arg2[%dma_wait3A_534, %multiple_of3A_317] : memref<32x1000000xf32, #tpu.memory_space<hbm>> -> memref<32x128xf32, #tpu.memory_space<hbm>>
      tpu.wait_dma2 semaphore(%arg18 : memref<!tpu.dma_semaphore, #tpu.memory_space<semaphore_mem>>) src(%dma_wait3A_535 : memref<32x128xf32, #tpu.memory_space<hbm>>) dst(%dma_wait3A_533 : memref<32x128xf32, #tpu.memory_space<vmem>>)
      %and3A_536 = arith.constant 3 : i32
      %and3A_537 = arith.andi %while3A_167, %and3A_536 : i32
      %ge3A = arith.constant 4 : i32
      %ge3A_538 = arith.cmpi sge, %while3A_167, %ge3A : i32
      %convert_element_type3A = arith.extui %ge3A_538 : i1 to i32
      %cond3A = arith.constant 0 : i32
      %cond3A_539 = arith.cmpi ne, %convert_element_type3A, %cond3A : i32
      scf.if %cond3A_539 {
        %dma_wait3A_730 = arith.constant 0 : i32
        %dma_wait3A_731 = arith.constant 0 : i32
        %dma_wait3A_732 = tpu.memref_slice %arg17[%and3A_537, %dma_wait3A_730, %dma_wait3A_731] : memref<4x16x128xf32, #tpu.memory_space<vmem>> -> memref<1x16x128xf32, #tpu.memory_space<vmem>>
        %dma_wait3A_733 = tpu.memref_squeeze %dma_wait3A_732 : memref<1x16x128xf32, #tpu.memory_space<vmem>> -> memref<16x128xf32, #tpu.memory_space<vmem>>
        %dma_wait3A_734 = arith.constant 0 : i32
        %dma_wait3A_735 = arith.constant 0 : i32
        %dma_wait3A_736 = tpu.memref_slice %arg7[%dma_wait3A_734, %dma_wait3A_735] : memref<4128x128xf32, #tpu.memory_space<hbm>> -> memref<4128x128xf32, #tpu.memory_space<hbm>>
        tpu.wait_indirect_dma semaphore(%arg19 : memref<!tpu.dma_semaphore, #tpu.memory_space<semaphore_mem>>) src(%dma_wait3A_736 : memref<4128x128xf32, #tpu.memory_space<hbm>>) dst(%dma_wait3A_733 : memref<16x128xf32, #tpu.memory_space<vmem>>)
      } else {
      }
      %broadcast_in_dim3A_540 = arith.constant 0 : i32
      %broadcast_in_dim3A_541 = vector.broadcast %broadcast_in_dim3A_540 : i32 to vector<16xi32>
      %and3A_542 = arith.constant 127 : i32
      %and3A_543 = arith.andi %reduce_max3A_182, %and3A_542 : i32
      %add3A_544 = vector.broadcast %and3A_543 : i32 to vector<16xi32>
      %add3A_545 = arith.addi %broadcast_in_dim3A_541, %add3A_544 : vector<16xi32>
      %broadcast_in_dim3A_546 = arith.constant 0 : i32
      %broadcast_in_dim3A_547 = vector.broadcast %broadcast_in_dim3A_546 : i32 to vector<16xi32>
      %gather3A = tpu.vector_load_idx %arg16[%broadcast_in_dim3A_547, %iota3A, %add3A_545] : memref<8x32x128xf32, #tpu.memory_space<vmem>>[vector<16xi32>, vector<16xi32>, vector<16xi32>], vector<16xf32>,
      %add3A_548 = arith.constant 16 : i32
      %add3A_549 = vector.broadcast %add3A_548 : i32 to vector<16xi32>
      %add3A_550 = arith.addi %iota3A, %add3A_549 : vector<16xi32>
      %gather3A_551 = tpu.vector_load_idx %arg16[%broadcast_in_dim3A_547, %add3A_550, %add3A_545] : memref<8x32x128xf32, #tpu.memory_space<vmem>>[vector<16xi32>, vector<16xi32>, vector<16xi32>], vector<16xf32>,
      %swap3A_552 = arith.constant 0 : i32
      %swap3A_553 = arith.index_cast %and3A_537 : i32 to index
      %swap3A_554 = arith.index_cast %swap3A_552 : i32 to index
      %swap3A_555 = arith.constant 0 : index
      %swap3A_556 = tpu.vector_load %arg17[%swap3A_553, %swap3A_554, %swap3A_555] {strides = array<i32>} : memref<4x16x128xf32, #tpu.memory_space<vmem>>, vector<16xf32>,
      tpu.vector_store %arg17[%swap3A_553, %swap3A_554, %swap3A_555], %gather3A {strides = array<i32>} : memref<4x16x128xf32, #tpu.memory_space<vmem>>, vector<16xf32>,
      %swap3A_557 = arith.constant 0 : i32
      %swap3A_558 = arith.index_cast %and3A_537 : i32 to index
      %swap3A_559 = arith.index_cast %swap3A_557 : i32 to index
      %swap3A_560 = arith.constant 16 : index
      %swap3A_561 = tpu.vector_load %arg17[%swap3A_558, %swap3A_559, %swap3A_560] {strides = array<i32>} : memref<4x16x128xf32, #tpu.memory_space<vmem>>, vector<16xf32>,
      tpu.vector_store %arg17[%swap3A_558, %swap3A_559, %swap3A_560], %gather3A_551 {strides = array<i32>} : memref<4x16x128xf32, #tpu.memory_space<vmem>>, vector<16xf32>,
      %broadcast_in_dim3A_562 = arith.constant 0 : i32
      %broadcast_in_dim3A_563 = vector.broadcast %broadcast_in_dim3A_562 : i32 to vector<16xi32>
      %and3A_564 = arith.constant 127 : i32
      %and3A_565 = arith.andi %reduce_max3A_198, %and3A_564 : i32
      %add3A_566 = vector.broadcast %and3A_565 : i32 to vector<16xi32>
      %add3A_567 = arith.addi %broadcast_in_dim3A_563, %add3A_566 : vector<16xi32>
      %broadcast_in_dim3A_568 = arith.constant 1 : i32
      %broadcast_in_dim3A_569 = vector.broadcast %broadcast_in_dim3A_568 : i32 to vector<16xi32>
      %gather3A_570 = tpu.vector_load_idx %arg16[%broadcast_in_dim3A_569, %iota3A, %add3A_567] : memref<8x32x128xf32, #tpu.memory_space<vmem>>[vector<16xi32>, vector<16xi32>, vector<16xi32>], vector<16xf32>,
      %add3A_571 = arith.constant 16 : i32
      %add3A_572 = vector.broadcast %add3A_571 : i32 to vector<16xi32>
      %add3A_573 = arith.addi %iota3A, %add3A_572 : vector<16xi32>
      %gather3A_574 = tpu.vector_load_idx %arg16[%broadcast_in_dim3A_569, %add3A_573, %add3A_567] : memref<8x32x128xf32, #tpu.memory_space<vmem>>[vector<16xi32>, vector<16xi32>, vector<16xi32>], vector<16xf32>,
      %swap3A_575 = arith.constant 1 : i32
      %swap3A_576 = arith.index_cast %and3A_537 : i32 to index
      %swap3A_577 = arith.index_cast %swap3A_575 : i32 to index
      %swap3A_578 = arith.constant 0 : index
      %swap3A_579 = tpu.vector_load %arg17[%swap3A_576, %swap3A_577, %swap3A_578] {strides = array<i32>} : memref<4x16x128xf32, #tpu.memory_space<vmem>>, vector<16xf32>,
      tpu.vector_store %arg17[%swap3A_576, %swap3A_577, %swap3A_578], %gather3A_570 {strides = array<i32>} : memref<4x16x128xf32, #tpu.memory_space<vmem>>, vector<16xf32>,
      %swap3A_580 = arith.constant 1 : i32
      %swap3A_581 = arith.index_cast %and3A_537 : i32 to index
      %swap3A_582 = arith.index_cast %swap3A_580 : i32 to index
      %swap3A_583 = arith.constant 16 : index
      %swap3A_584 = tpu.vector_load %arg17[%swap3A_581, %swap3A_582, %swap3A_583] {strides = array<i32>} : memref<4x16x128xf32, #tpu.memory_space<vmem>>, vector<16xf32>,
      tpu.vector_store %arg17[%swap3A_581, %swap3A_582, %swap3A_583], %gather3A_574 {strides = array<i32>} : memref<4x16x128xf32, #tpu.memory_space<vmem>>, vector<16xf32>,
      %broadcast_in_dim3A_585 = arith.constant 0 : i32
      %broadcast_in_dim3A_586 = vector.broadcast %broadcast_in_dim3A_585 : i32 to vector<16xi32>
      %and3A_587 = arith.constant 127 : i32
      %and3A_588 = arith.andi %reduce_max3A_217, %and3A_587 : i32
      %add3A_589 = vector.broadcast %and3A_588 : i32 to vector<16xi32>
      %add3A_590 = arith.addi %broadcast_in_dim3A_586, %add3A_589 : vector<16xi32>
      %broadcast_in_dim3A_591 = arith.constant 2 : i32
      %broadcast_in_dim3A_592 = vector.broadcast %broadcast_in_dim3A_591 : i32 to vector<16xi32>
      %gather3A_593 = tpu.vector_load_idx %arg16[%broadcast_in_dim3A_592, %iota3A, %add3A_590] : memref<8x32x128xf32, #tpu.memory_space<vmem>>[vector<16xi32>, vector<16xi32>, vector<16xi32>], vector<16xf32>,
      %add3A_594 = arith.constant 16 : i32
      %add3A_595 = vector.broadcast %add3A_594 : i32 to vector<16xi32>
      %add3A_596 = arith.addi %iota3A, %add3A_595 : vector<16xi32>
      %gather3A_597 = tpu.vector_load_idx %arg16[%broadcast_in_dim3A_592, %add3A_596, %add3A_590] : memref<8x32x128xf32, #tpu.memory_space<vmem>>[vector<16xi32>, vector<16xi32>, vector<16xi32>], vector<16xf32>,
      %swap3A_598 = arith.constant 2 : i32
      %swap3A_599 = arith.index_cast %and3A_537 : i32 to index
      %swap3A_600 = arith.index_cast %swap3A_598 : i32 to index
      %swap3A_601 = arith.constant 0 : index
      %swap3A_602 = tpu.vector_load %arg17[%swap3A_599, %swap3A_600, %swap3A_601] {strides = array<i32>} : memref<4x16x128xf32, #tpu.memory_space<vmem>>, vector<16xf32>,
      tpu.vector_store %arg17[%swap3A_599, %swap3A_600, %swap3A_601], %gather3A_593 {strides = array<i32>} : memref<4x16x128xf32, #tpu.memory_space<vmem>>, vector<16xf32>,
      %swap3A_603 = arith.constant 2 : i32
      %swap3A_604 = arith.index_cast %and3A_537 : i32 to index
      %swap3A_605 = arith.index_cast %swap3A_603 : i32 to index
      %swap3A_606 = arith.constant 16 : index
      %swap3A_607 = tpu.vector_load %arg17[%swap3A_604, %swap3A_605, %swap3A_606] {strides = array<i32>} : memref<4x16x128xf32, #tpu.memory_space<vmem>>, vector<16xf32>,
      tpu.vector_store %arg17[%swap3A_604, %swap3A_605, %swap3A_606], %gather3A_597 {strides = array<i32>} : memref<4x16x128xf32, #tpu.memory_space<vmem>>, vector<16xf32>,
      %broadcast_in_dim3A_608 = arith.constant 0 : i32
      %broadcast_in_dim3A_609 = vector.broadcast %broadcast_in_dim3A_608 : i32 to vector<16xi32>
      %and3A_610 = arith.constant 127 : i32
      %and3A_611 = arith.andi %reduce_max3A_236, %and3A_610 : i32
      %add3A_612 = vector.broadcast %and3A_611 : i32 to vector<16xi32>
      %add3A_613 = arith.addi %broadcast_in_dim3A_609, %add3A_612 : vector<16xi32>
      %broadcast_in_dim3A_614 = arith.constant 3 : i32
      %broadcast_in_dim3A_615 = vector.broadcast %broadcast_in_dim3A_614 : i32 to vector<16xi32>
      %gather3A_616 = tpu.vector_load_idx %arg16[%broadcast_in_dim3A_615, %iota3A, %add3A_613] : memref<8x32x128xf32, #tpu.memory_space<vmem>>[vector<16xi32>, vector<16xi32>, vector<16xi32>], vector<16xf32>,
      %add3A_617 = arith.constant 16 : i32
      %add3A_618 = vector.broadcast %add3A_617 : i32 to vector<16xi32>
      %add3A_619 = arith.addi %iota3A, %add3A_618 : vector<16xi32>
      %gather3A_620 = tpu.vector_load_idx %arg16[%broadcast_in_dim3A_615, %add3A_619, %add3A_613] : memref<8x32x128xf32, #tpu.memory_space<vmem>>[vector<16xi32>, vector<16xi32>, vector<16xi32>], vector<16xf32>,
      %swap3A_621 = arith.constant 3 : i32
      %swap3A_622 = arith.index_cast %and3A_537 : i32 to index
      %swap3A_623 = arith.index_cast %swap3A_621 : i32 to index
      %swap3A_624 = arith.constant 0 : index
      %swap3A_625 = tpu.vector_load %arg17[%swap3A_622, %swap3A_623, %swap3A_624] {strides = array<i32>} : memref<4x16x128xf32, #tpu.memory_space<vmem>>, vector<16xf32>,
      tpu.vector_store %arg17[%swap3A_622, %swap3A_623, %swap3A_624], %gather3A_616 {strides = array<i32>} : memref<4x16x128xf32, #tpu.memory_space<vmem>>, vector<16xf32>,
      %swap3A_626 = arith.constant 3 : i32
      %swap3A_627 = arith.index_cast %and3A_537 : i32 to index
      %swap3A_628 = arith.index_cast %swap3A_626 : i32 to index
      %swap3A_629 = arith.constant 16 : index
      %swap3A_630 = tpu.vector_load %arg17[%swap3A_627, %swap3A_628, %swap3A_629] {strides = array<i32>} : memref<4x16x128xf32, #tpu.memory_space<vmem>>, vector<16xf32>,
      tpu.vector_store %arg17[%swap3A_627, %swap3A_628, %swap3A_629], %gather3A_620 {strides = array<i32>} : memref<4x16x128xf32, #tpu.memory_space<vmem>>, vector<16xf32>,
      %broadcast_in_dim3A_631 = arith.constant 0 : i32
      %broadcast_in_dim3A_632 = vector.broadcast %broadcast_in_dim3A_631 : i32 to vector<16xi32>
      %and3A_633 = arith.constant 127 : i32
      %and3A_634 = arith.andi %reduce_max3A_255, %and3A_633 : i32
      %add3A_635 = vector.broadcast %and3A_634 : i32 to vector<16xi32>
      %add3A_636 = arith.addi %broadcast_in_dim3A_632, %add3A_635 : vector<16xi32>
      %broadcast_in_dim3A_637 = arith.constant 4 : i32
      %broadcast_in_dim3A_638 = vector.broadcast %broadcast_in_dim3A_637 : i32 to vector<16xi32>
      %gather3A_639 = tpu.vector_load_idx %arg16[%broadcast_in_dim3A_638, %iota3A, %add3A_636] : memref<8x32x128xf32, #tpu.memory_space<vmem>>[vector<16xi32>, vector<16xi32>, vector<16xi32>], vector<16xf32>,
      %add3A_640 = arith.constant 16 : i32
      %add3A_641 = vector.broadcast %add3A_640 : i32 to vector<16xi32>
      %add3A_642 = arith.addi %iota3A, %add3A_641 : vector<16xi32>
      %gather3A_643 = tpu.vector_load_idx %arg16[%broadcast_in_dim3A_638, %add3A_642, %add3A_636] : memref<8x32x128xf32, #tpu.memory_space<vmem>>[vector<16xi32>, vector<16xi32>, vector<16xi32>], vector<16xf32>,
      %swap3A_644 = arith.constant 4 : i32
      %swap3A_645 = arith.index_cast %and3A_537 : i32 to index
      %swap3A_646 = arith.index_cast %swap3A_644 : i32 to index
      %swap3A_647 = arith.constant 0 : index
      %swap3A_648 = tpu.vector_load %arg17[%swap3A_645, %swap3A_646, %swap3A_647] {strides = array<i32>} : memref<4x16x128xf32, #tpu.memory_space<vmem>>, vector<16xf32>,
      tpu.vector_store %arg17[%swap3A_645, %swap3A_646, %swap3A_647], %gather3A_639 {strides = array<i32>} : memref<4x16x128xf32, #tpu.memory_space<vmem>>, vector<16xf32>,
      %swap3A_649 = arith.constant 4 : i32
      %swap3A_650 = arith.index_cast %and3A_537 : i32 to index
      %swap3A_651 = arith.index_cast %swap3A_649 : i32 to index
      %swap3A_652 = arith.constant 16 : index
      %swap3A_653 = tpu.vector_load %arg17[%swap3A_650, %swap3A_651, %swap3A_652] {strides = array<i32>} : memref<4x16x128xf32, #tpu.memory_space<vmem>>, vector<16xf32>,
      tpu.vector_store %arg17[%swap3A_650, %swap3A_651, %swap3A_652], %gather3A_643 {strides = array<i32>} : memref<4x16x128xf32, #tpu.memory_space<vmem>>, vector<16xf32>,
      %broadcast_in_dim3A_654 = arith.constant 0 : i32
      %broadcast_in_dim3A_655 = vector.broadcast %broadcast_in_dim3A_654 : i32 to vector<16xi32>
      %and3A_656 = arith.constant 127 : i32
      %and3A_657 = arith.andi %reduce_max3A_274, %and3A_656 : i32
      %add3A_658 = vector.broadcast %and3A_657 : i32 to vector<16xi32>
      %add3A_659 = arith.addi %broadcast_in_dim3A_655, %add3A_658 : vector<16xi32>
      %broadcast_in_dim3A_660 = arith.constant 5 : i32
      %broadcast_in_dim3A_661 = vector.broadcast %broadcast_in_dim3A_660 : i32 to vector<16xi32>
      %gather3A_662 = tpu.vector_load_idx %arg16[%broadcast_in_dim3A_661, %iota3A, %add3A_659] : memref<8x32x128xf32, #tpu.memory_space<vmem>>[vector<16xi32>, vector<16xi32>, vector<16xi32>], vector<16xf32>,
      %add3A_663 = arith.constant 16 : i32
      %add3A_664 = vector.broadcast %add3A_663 : i32 to vector<16xi32>
      %add3A_665 = arith.addi %iota3A, %add3A_664 : vector<16xi32>
      %gather3A_666 = tpu.vector_load_idx %arg16[%broadcast_in_dim3A_661, %add3A_665, %add3A_659] : memref<8x32x128xf32, #tpu.memory_space<vmem>>[vector<16xi32>, vector<16xi32>, vector<16xi32>], vector<16xf32>,
      %swap3A_667 = arith.constant 5 : i32
      %swap3A_668 = arith.index_cast %and3A_537 : i32 to index
      %swap3A_669 = arith.index_cast %swap3A_667 : i32 to index
      %swap3A_670 = arith.constant 0 : index
      %swap3A_671 = tpu.vector_load %arg17[%swap3A_668, %swap3A_669, %swap3A_670] {strides = array<i32>} : memref<4x16x128xf32, #tpu.memory_space<vmem>>, vector<16xf32>,
      tpu.vector_store %arg17[%swap3A_668, %swap3A_669, %swap3A_670], %gather3A_662 {strides = array<i32>} : memref<4x16x128xf32, #tpu.memory_space<vmem>>, vector<16xf32>,
      %swap3A_672 = arith.constant 5 : i32
      %swap3A_673 = arith.index_cast %and3A_537 : i32 to index
      %swap3A_674 = arith.index_cast %swap3A_672 : i32 to index
      %swap3A_675 = arith.constant 16 : index
      %swap3A_676 = tpu.vector_load %arg17[%swap3A_673, %swap3A_674, %swap3A_675] {strides = array<i32>} : memref<4x16x128xf32, #tpu.memory_space<vmem>>, vector<16xf32>,
      tpu.vector_store %arg17[%swap3A_673, %swap3A_674, %swap3A_675], %gather3A_666 {strides = array<i32>} : memref<4x16x128xf32, #tpu.memory_space<vmem>>, vector<16xf32>,
      %broadcast_in_dim3A_677 = arith.constant 0 : i32
      %broadcast_in_dim3A_678 = vector.broadcast %broadcast_in_dim3A_677 : i32 to vector<16xi32>
      %and3A_679 = arith.constant 127 : i32
      %and3A_680 = arith.andi %reduce_max3A_293, %and3A_679 : i32
      %add3A_681 = vector.broadcast %and3A_680 : i32 to vector<16xi32>
      %add3A_682 = arith.addi %broadcast_in_dim3A_678, %add3A_681 : vector<16xi32>
      %broadcast_in_dim3A_683 = arith.constant 6 : i32
      %broadcast_in_dim3A_684 = vector.broadcast %broadcast_in_dim3A_683 : i32 to vector<16xi32>
      %gather3A_685 = tpu.vector_load_idx %arg16[%broadcast_in_dim3A_684, %iota3A, %add3A_682] : memref<8x32x128xf32, #tpu.memory_space<vmem>>[vector<16xi32>, vector<16xi32>, vector<16xi32>], vector<16xf32>,
      %add3A_686 = arith.constant 16 : i32
      %add3A_687 = vector.broadcast %add3A_686 : i32 to vector<16xi32>
      %add3A_688 = arith.addi %iota3A, %add3A_687 : vector<16xi32>
      %gather3A_689 = tpu.vector_load_idx %arg16[%broadcast_in_dim3A_684, %add3A_688, %add3A_682] : memref<8x32x128xf32, #tpu.memory_space<vmem>>[vector<16xi32>, vector<16xi32>, vector<16xi32>], vector<16xf32>,
      %swap3A_690 = arith.constant 6 : i32
      %swap3A_691 = arith.index_cast %and3A_537 : i32 to index
      %swap3A_692 = arith.index_cast %swap3A_690 : i32 to index
      %swap3A_693 = arith.constant 0 : index
      %swap3A_694 = tpu.vector_load %arg17[%swap3A_691, %swap3A_692, %swap3A_693] {strides = array<i32>} : memref<4x16x128xf32, #tpu.memory_space<vmem>>, vector<16xf32>,
      tpu.vector_store %arg17[%swap3A_691, %swap3A_692, %swap3A_693], %gather3A_685 {strides = array<i32>} : memref<4x16x128xf32, #tpu.memory_space<vmem>>, vector<16xf32>,
      %swap3A_695 = arith.constant 6 : i32
      %swap3A_696 = arith.index_cast %and3A_537 : i32 to index
      %swap3A_697 = arith.index_cast %swap3A_695 : i32 to index
      %swap3A_698 = arith.constant 16 : index
      %swap3A_699 = tpu.vector_load %arg17[%swap3A_696, %swap3A_697, %swap3A_698] {strides = array<i32>} : memref<4x16x128xf32, #tpu.memory_space<vmem>>, vector<16xf32>,
      tpu.vector_store %arg17[%swap3A_696, %swap3A_697, %swap3A_698], %gather3A_689 {strides = array<i32>} : memref<4x16x128xf32, #tpu.memory_space<vmem>>, vector<16xf32>,
      %broadcast_in_dim3A_700 = arith.constant 0 : i32
      %broadcast_in_dim3A_701 = vector.broadcast %broadcast_in_dim3A_700 : i32 to vector<16xi32>
      %and3A_702 = arith.constant 127 : i32
      %and3A_703 = arith.andi %reduce_max3A_312, %and3A_702 : i32
      %add3A_704 = vector.broadcast %and3A_703 : i32 to vector<16xi32>
      %add3A_705 = arith.addi %broadcast_in_dim3A_701, %add3A_704 : vector<16xi32>
      %broadcast_in_dim3A_706 = arith.constant 7 : i32
      %broadcast_in_dim3A_707 = vector.broadcast %broadcast_in_dim3A_706 : i32 to vector<16xi32>
      %gather3A_708 = tpu.vector_load_idx %arg16[%broadcast_in_dim3A_707, %iota3A, %add3A_705] : memref<8x32x128xf32, #tpu.memory_space<vmem>>[vector<16xi32>, vector<16xi32>, vector<16xi32>], vector<16xf32>,
      %add3A_709 = arith.constant 16 : i32
      %add3A_710 = vector.broadcast %add3A_709 : i32 to vector<16xi32>
      %add3A_711 = arith.addi %iota3A, %add3A_710 : vector<16xi32>
      %gather3A_712 = tpu.vector_load_idx %arg16[%broadcast_in_dim3A_707, %add3A_711, %add3A_705] : memref<8x32x128xf32, #tpu.memory_space<vmem>>[vector<16xi32>, vector<16xi32>, vector<16xi32>], vector<16xf32>,
      %swap3A_713 = arith.constant 7 : i32
      %swap3A_714 = arith.index_cast %and3A_537 : i32 to index
      %swap3A_715 = arith.index_cast %swap3A_713 : i32 to index
      %swap3A_716 = arith.constant 0 : index
      %swap3A_717 = tpu.vector_load %arg17[%swap3A_714, %swap3A_715, %swap3A_716] {strides = array<i32>} : memref<4x16x128xf32, #tpu.memory_space<vmem>>, vector<16xf32>,
      tpu.vector_store %arg17[%swap3A_714, %swap3A_715, %swap3A_716], %gather3A_708 {strides = array<i32>} : memref<4x16x128xf32, #tpu.memory_space<vmem>>, vector<16xf32>,
      %swap3A_718 = arith.constant 7 : i32
      %swap3A_719 = arith.index_cast %and3A_537 : i32 to index
      %swap3A_720 = arith.index_cast %swap3A_718 : i32 to index
      %swap3A_721 = arith.constant 16 : index
      %swap3A_722 = tpu.vector_load %arg17[%swap3A_719, %swap3A_720, %swap3A_721] {strides = array<i32>} : memref<4x16x128xf32, #tpu.memory_space<vmem>>, vector<16xf32>,
      tpu.vector_store %arg17[%swap3A_719, %swap3A_720, %swap3A_721], %gather3A_712 {strides = array<i32>} : memref<4x16x128xf32, #tpu.memory_space<vmem>>, vector<16xf32>,
      %dma_start3A_723 = arith.constant 0 : i32
      %dma_start3A_724 = arith.constant 0 : i32
      %dma_start3A_725 = tpu.memref_slice %arg17[%and3A_537, %dma_start3A_723, %dma_start3A_724] : memref<4x16x128xf32, #tpu.memory_space<vmem>> -> memref<1x16x128xf32, #tpu.memory_space<vmem>>
      %dma_start3A_726 = tpu.memref_squeeze %dma_start3A_725 : memref<1x16x128xf32, #tpu.memory_space<vmem>> -> memref<16x128xf32, #tpu.memory_space<vmem>>
      %dma_start3A_727 = arith.constant 0 : i32
      %dma_start3A_728 = arith.constant 0 : i32
      %dma_start3A_729 = tpu.memref_slice %arg7[%dma_start3A_727, %dma_start3A_728] : memref<4128x128xf32, #tpu.memory_space<hbm>> -> memref<4128x128xf32, #tpu.memory_space<hbm>>
      tpu.enqueue_indirect_dma source(%dma_start3A_726 : memref<16x128xf32, #tpu.memory_space<vmem>>) target(%dma_start3A_729 : memref<4128x128xf32, #tpu.memory_space<hbm>>) offsets(%select_n3A_431 : vector<16xi32>) semaphore(%arg19 : memref<!tpu.dma_semaphore, #tpu.memory_space<semaphore_mem>>)
    }
    %min3A_129 = arith.constant 4 : i32
    %min3A_130 = arith.minsi %select_n3A_118, %min3A_129 : i32
    %while3A_131 = arith.constant 0 : i32
    %while3A_132 = arith.constant 0 : i32
    %while3A_133 = arith.subi %min3A_130, %while3A_132 : i32
    %while3A_134 = arith.addi %while3A_132, %while3A_133 : i32
    %while3A_135 = arith.constant 1 : i32
    %while3A_136 = arith.divsi %while3A_133, %while3A_135 : i32
    %while3A_137 = arith.muli %while3A_136, %while3A_135 : i32
    %while3A_138 = arith.addi %while3A_132, %while3A_137 : i32
    %while3A_139 = arith.constant 1 : i32
    scf.for %while3A_167 = %while3A_132 to %while3A_138 step %while3A_139  : i32 {
      %dma_wait3A_168 = arith.constant 0 : i32
      %dma_wait3A_169 = arith.constant 0 : i32
      %dma_wait3A_170 = arith.constant 0 : i32
      %dma_wait3A_171 = tpu.memref_slice %arg17[%dma_wait3A_168, %dma_wait3A_169, %dma_wait3A_170] : memref<4x16x128xf32, #tpu.memory_space<vmem>> -> memref<1x16x128xf32, #tpu.memory_space<vmem>>
      %dma_wait3A_172 = tpu.memref_squeeze %dma_wait3A_171 : memref<1x16x128xf32, #tpu.memory_space<vmem>> -> memref<16x128xf32, #tpu.memory_space<vmem>>
      %dma_wait3A_173 = arith.constant 0 : i32
      %dma_wait3A_174 = arith.constant 0 : i32
      %dma_wait3A_175 = tpu.memref_slice %arg7[%dma_wait3A_173, %dma_wait3A_174] : memref<4128x128xf32, #tpu.memory_space<hbm>> -> memref<4128x128xf32, #tpu.memory_space<hbm>>
      tpu.wait_indirect_dma semaphore(%arg19 : memref<!tpu.dma_semaphore, #tpu.memory_space<semaphore_mem>>) src(%dma_wait3A_175 : memref<4128x128xf32, #tpu.memory_space<hbm>>) dst(%dma_wait3A_172 : memref<16x128xf32, #tpu.memory_space<vmem>>)
    }
    %while3A_140 = arith.constant 1 : i32
    scf.for %while3A_167 = %while3A_138 to %while3A_134 step %while3A_140  : i32 {
      %dma_wait3A_168 = arith.constant 0 : i32
      %dma_wait3A_169 = arith.constant 0 : i32
      %dma_wait3A_170 = arith.constant 0 : i32
      %dma_wait3A_171 = tpu.memref_slice %arg17[%dma_wait3A_168, %dma_wait3A_169, %dma_wait3A_170] : memref<4x16x128xf32, #tpu.memory_space<vmem>> -> memref<1x16x128xf32, #tpu.memory_space<vmem>>
      %dma_wait3A_172 = tpu.memref_squeeze %dma_wait3A_171 : memref<1x16x128xf32, #tpu.memory_space<vmem>> -> memref<16x128xf32, #tpu.memory_space<vmem>>
      %dma_wait3A_173 = arith.constant 0 : i32
      %dma_wait3A_174 = arith.constant 0 : i32
      %dma_wait3A_175 = tpu.memref_slice %arg7[%dma_wait3A_173, %dma_wait3A_174] : memref<4128x128xf32, #tpu.memory_space<hbm>> -> memref<4128x128xf32, #tpu.memory_space<hbm>>
      tpu.wait_indirect_dma semaphore(%arg19 : memref<!tpu.dma_semaphore, #tpu.memory_space<semaphore_mem>>) src(%dma_wait3A_175 : memref<4128x128xf32, #tpu.memory_space<hbm>>) dst(%dma_wait3A_172 : memref<16x128xf32, #tpu.memory_space<vmem>>)
    }
    %dma_start3A = arith.constant 0 : i32
    %dma_start3A_141 = arith.constant 0 : i32
    %dma_start3A_142 = arith.constant 0 : i32
    %dma_start3A_143 = tpu.memref_slice %arg16[%dma_start3A, %dma_start3A_141, %dma_start3A_142] : memref<8x32x128xf32, #tpu.memory_space<vmem>> -> memref<1x32x128xf32, #tpu.memory_space<vmem>>
    %dma_start3A_144 = tpu.memref_squeeze %dma_start3A_143 : memref<1x32x128xf32, #tpu.memory_space<vmem>> -> memref<32x128xf32, #tpu.memory_space<vmem>>
    %dma_start3A_145 = arith.constant 0 : i32
    %dma_start3A_146 = arith.constant 0 : i32
    %dma_start3A_147 = tpu.memref_slice %arg16[%dma_start3A, %dma_start3A_145, %dma_start3A_146] : memref<8x32x128xf32, #tpu.memory_space<vmem>> -> memref<1x32x128xf32, #tpu.memory_space<vmem>>
    %dma_start3A_148 = tpu.memref_squeeze %dma_start3A_147 : memref<1x32x128xf32, #tpu.memory_space<vmem>> -> memref<32x128xf32, #tpu.memory_space<vmem>>
    tpu.enqueue_dma source(%arg6 : memref<32x128xf32, #tpu.memory_space<hbm>>) target(%dma_start3A_148 : memref<32x128xf32, #tpu.memory_space<vmem>>) target_semaphore(%arg18 : memref<!tpu.dma_semaphore, #tpu.memory_space<semaphore_mem>>)
    %dma_wait3A = arith.constant 0 : i32
    %dma_wait3A_149 = arith.constant 0 : i32
    %dma_wait3A_150 = arith.constant 0 : i32
    %dma_wait3A_151 = tpu.memref_slice %arg16[%dma_wait3A, %dma_wait3A_149, %dma_wait3A_150] : memref<8x32x128xf32, #tpu.memory_space<vmem>> -> memref<1x32x128xf32, #tpu.memory_space<vmem>>
    %dma_wait3A_152 = tpu.memref_squeeze %dma_wait3A_151 : memref<1x32x128xf32, #tpu.memory_space<vmem>> -> memref<32x128xf32, #tpu.memory_space<vmem>>
    %dma_wait3A_153 = arith.constant 0 : i32
    %dma_wait3A_154 = arith.constant 0 : i32
    %dma_wait3A_155 = tpu.memref_slice %arg16[%dma_wait3A, %dma_wait3A_153, %dma_wait3A_154] : memref<8x32x128xf32, #tpu.memory_space<vmem>> -> memref<1x32x128xf32, #tpu.memory_space<vmem>>
    %dma_wait3A_156 = tpu.memref_squeeze %dma_wait3A_155 : memref<1x32x128xf32, #tpu.memory_space<vmem>> -> memref<32x128xf32, #tpu.memory_space<vmem>>
    tpu.wait_dma2 semaphore(%arg18 : memref<!tpu.dma_semaphore, #tpu.memory_space<semaphore_mem>>) src(%arg6 : memref<32x128xf32, #tpu.memory_space<hbm>>) dst(%dma_wait3A_156 : memref<32x128xf32, #tpu.memory_space<vmem>>)
    %while3A_157 = arith.constant 0 : i32
    %while3A_158 = arith.constant 0 : i32
    %while3A_159 = arith.subi %scan3A_46#2, %while3A_158 : i32
    %while3A_160 = arith.addi %while3A_158, %while3A_159 : i32
    %while3A_161 = arith.constant 1 : i32
    %while3A_162 = arith.divsi %while3A_159, %while3A_161 : i32
    %while3A_163 = arith.muli %while3A_162, %while3A_161 : i32
    %while3A_164 = arith.addi %while3A_158, %while3A_163 : i32
    %while3A_165 = arith.constant 1 : i32
    scf.for %while3A_167 = %while3A_158 to %while3A_164 step %while3A_165  : i32 {
      %sub3A_168 = arith.constant 4095 : i32
      %sub3A_169 = arith.subi %sub3A_168, %while3A_167 : i32
      %shift_right_logical3A = arith.constant 4 : i32
      %shift_right_logical3A_170 = arith.shrui %sub3A_169, %shift_right_logical3A : i32
      %and3A_171 = arith.constant 15 : i32
      %and3A_172 = arith.andi %sub3A_169, %and3A_171 : i32
      %mul3A_173 = arith.constant 16 : i32
      %mul3A_174 = arith.muli %shift_right_logical3A_170, %mul3A_173 : i32
      %get3A = arith.index_cast %mul3A_174 : i32 to index
      %get3A_175 = tpu.vector_load %arg14[%get3A] {strides = array<i32>} : memref<4112xi32, #tpu.memory_space<vmem>>, vector<16xi32>,
      %mul3A_176 = arith.constant 16 : i32
      %mul3A_177 = arith.muli %shift_right_logical3A_170, %mul3A_176 : i32
      %get3A_178 = arith.index_cast %mul3A_177 : i32 to index
      %get3A_179 = tpu.vector_load %arg15[%get3A_178] {strides = array<i32>} : memref<4112xi32, #tpu.memory_space<vmem>>, vector<16xi32>,
      %broadcast_in_dim3A_180 = vector.broadcast %and3A_172 : i32 to vector<16xi32>
      %lt3A = arith.constant 0 : i32
      %lt3A_181 = vector.broadcast %lt3A : i32 to vector<16xi32>
      %lt3A_182 = arith.cmpi slt, %broadcast_in_dim3A_180, %lt3A_181 : vector<16xi32>
      %add3A_183 = arith.constant 16 : i32
      %add3A_184 = vector.broadcast %add3A_183 : i32 to vector<16xi32>
      %add3A_185 = arith.addi %broadcast_in_dim3A_180, %add3A_184 : vector<16xi32>
      %select_n3A_186 = arith.select %lt3A_182, %add3A_185, %broadcast_in_dim3A_180 : vector<16xi1>, vector<16xi32>
      %broadcast_in_dim3A_187 = vector.shape_cast %select_n3A_186 : vector<16xi32> to vector<16x1xi32>
      %gather3A = vector.shape_cast %broadcast_in_dim3A_187 : vector<16x1xi32> to vector<16xi32>
      %gather3A_188 = tpu.dynamic_gather %get3A_175[%gather3A] in [0] : vector<16xi32>, vector<16xi32> -> vector<16xi32>
      %broadcast_in_dim3A_189 = vector.broadcast %and3A_172 : i32 to vector<16xi32>
      %lt3A_190 = arith.constant 0 : i32
      %lt3A_191 = vector.broadcast %lt3A_190 : i32 to vector<16xi32>
      %lt3A_192 = arith.cmpi slt, %broadcast_in_dim3A_189, %lt3A_191 : vector<16xi32>
      %add3A_193 = arith.constant 16 : i32
      %add3A_194 = vector.broadcast %add3A_193 : i32 to vector<16xi32>
      %add3A_195 = arith.addi %broadcast_in_dim3A_189, %add3A_194 : vector<16xi32>
      %select_n3A_196 = arith.select %lt3A_192, %add3A_195, %broadcast_in_dim3A_189 : vector<16xi1>, vector<16xi32>
      %broadcast_in_dim3A_197 = vector.shape_cast %select_n3A_196 : vector<16xi32> to vector<16x1xi32>
      %gather3A_198 = vector.shape_cast %broadcast_in_dim3A_197 : vector<16x1xi32> to vector<16xi32>
      %gather3A_199 = tpu.dynamic_gather %get3A_179[%gather3A_198] in [0] : vector<16xi32>, vector<16xi32> -> vector<16xi32>
      %sub3A_200 = arith.constant 999872 : i32
      %sub3A_201 = vector.broadcast %sub3A_200 : i32 to vector<16xi32>
      %sub3A_202 = arith.subi %gather3A_188, %sub3A_201 : vector<16xi32>
      %broadcast_in_dim3A_203 = arith.constant 0 : i32
      %broadcast_in_dim3A_204 = vector.broadcast %broadcast_in_dim3A_203 : i32 to vector<16xi32>
      %gather3A_205 = tpu.vector_load_idx %arg16[%broadcast_in_dim3A_204, %iota3A, %sub3A_202] : memref<8x32x128xf32, #tpu.memory_space<vmem>>[vector<16xi32>, vector<16xi32>, vector<16xi32>], vector<16xf32>,
      %add3A_206 = arith.constant 16 : i32
      %add3A_207 = vector.broadcast %add3A_206 : i32 to vector<16xi32>
      %add3A_208 = arith.addi %iota3A, %add3A_207 : vector<16xi32>
      %gather3A_209 = tpu.vector_load_idx %arg16[%broadcast_in_dim3A_204, %add3A_208, %sub3A_202] : memref<8x32x128xf32, #tpu.memory_space<vmem>>[vector<16xi32>, vector<16xi32>, vector<16xi32>], vector<16xf32>,
      %swap3A_210 = arith.constant 0 : i32
      %swap3A_211 = arith.constant 0 : i32
      %swap3A_212 = arith.index_cast %swap3A_210 : i32 to index
      %swap3A_213 = arith.index_cast %swap3A_211 : i32 to index
      %swap3A_214 = arith.constant 0 : index
      %swap3A_215 = tpu.vector_load %arg17[%swap3A_212, %swap3A_213, %swap3A_214] {strides = array<i32>} : memref<4x16x128xf32, #tpu.memory_space<vmem>>, vector<16xf32>,
      tpu.vector_store %arg17[%swap3A_212, %swap3A_213, %swap3A_214], %gather3A_205 {strides = array<i32>} : memref<4x16x128xf32, #tpu.memory_space<vmem>>, vector<16xf32>,
      %swap3A_216 = arith.constant 0 : i32
      %swap3A_217 = arith.constant 0 : i32
      %swap3A_218 = arith.index_cast %swap3A_216 : i32 to index
      %swap3A_219 = arith.index_cast %swap3A_217 : i32 to index
      %swap3A_220 = arith.constant 16 : index
      %swap3A_221 = tpu.vector_load %arg17[%swap3A_218, %swap3A_219, %swap3A_220] {strides = array<i32>} : memref<4x16x128xf32, #tpu.memory_space<vmem>>, vector<16xf32>,
      tpu.vector_store %arg17[%swap3A_218, %swap3A_219, %swap3A_220], %gather3A_209 {strides = array<i32>} : memref<4x16x128xf32, #tpu.memory_space<vmem>>, vector<16xf32>,
      %eq3A = arith.constant 0 : i32
      %eq3A_222 = vector.broadcast %eq3A : i32 to vector<16xi32>
      %eq3A_223 = arith.cmpi eq, %iota3A, %eq3A_222 : vector<16xi32>
      %add3A_224 = arith.constant 4096 : i32
      %add3A_225 = vector.broadcast %add3A_224 : i32 to vector<16xi32>
      %add3A_226 = arith.addi %add3A_225, %iota3A : vector<16xi32>
      %select_n3A_227 = arith.select %eq3A_223, %gather3A_199, %add3A_226 : vector<16xi1>, vector<16xi32>
      %dma_start3A_228 = arith.constant 0 : i32
      %dma_start3A_229 = arith.constant 0 : i32
      %dma_start3A_230 = arith.constant 0 : i32
      %dma_start3A_231 = tpu.memref_slice %arg17[%dma_start3A_228, %dma_start3A_229, %dma_start3A_230] : memref<4x16x128xf32, #tpu.memory_space<vmem>> -> memref<1x16x128xf32, #tpu.memory_space<vmem>>
      %dma_start3A_232 = tpu.memref_squeeze %dma_start3A_231 : memref<1x16x128xf32, #tpu.memory_space<vmem>> -> memref<16x128xf32, #tpu.memory_space<vmem>>
      %dma_start3A_233 = arith.constant 0 : i32
      %dma_start3A_234 = arith.constant 0 : i32
      %dma_start3A_235 = tpu.memref_slice %arg7[%dma_start3A_233, %dma_start3A_234] : memref<4128x128xf32, #tpu.memory_space<hbm>> -> memref<4128x128xf32, #tpu.memory_space<hbm>>
      tpu.enqueue_indirect_dma source(%dma_start3A_232 : memref<16x128xf32, #tpu.memory_space<vmem>>) target(%dma_start3A_235 : memref<4128x128xf32, #tpu.memory_space<hbm>>) offsets(%select_n3A_227 : vector<16xi32>) semaphore(%arg19 : memref<!tpu.dma_semaphore, #tpu.memory_space<semaphore_mem>>)
      %dma_wait3A_236 = arith.constant 0 : i32
      %dma_wait3A_237 = arith.constant 0 : i32
      %dma_wait3A_238 = arith.constant 0 : i32
      %dma_wait3A_239 = tpu.memref_slice %arg17[%dma_wait3A_236, %dma_wait3A_237, %dma_wait3A_238] : memref<4x16x128xf32, #tpu.memory_space<vmem>> -> memref<1x16x128xf32, #tpu.memory_space<vmem>>
      %dma_wait3A_240 = tpu.memref_squeeze %dma_wait3A_239 : memref<1x16x128xf32, #tpu.memory_space<vmem>> -> memref<16x128xf32, #tpu.memory_space<vmem>>
      %dma_wait3A_241 = arith.constant 0 : i32
      %dma_wait3A_242 = arith.constant 0 : i32
      %dma_wait3A_243 = tpu.memref_slice %arg7[%dma_wait3A_241, %dma_wait3A_242] : memref<4128x128xf32, #tpu.memory_space<hbm>> -> memref<4128x128xf32, #tpu.memory_space<hbm>>
      tpu.wait_indirect_dma semaphore(%arg19 : memref<!tpu.dma_semaphore, #tpu.memory_space<semaphore_mem>>) src(%dma_wait3A_240 : memref<16x128xf32, #tpu.memory_space<vmem>>) dst(%dma_wait3A_243 : memref<4128x128xf32, #tpu.memory_space<hbm>>)
    }
    %while3A_166 = arith.constant 1 : i32
    scf.for %while3A_167 = %while3A_164 to %while3A_160 step %while3A_166  : i32 {
      %sub3A_168 = arith.constant 4095 : i32
      %sub3A_169 = arith.subi %sub3A_168, %while3A_167 : i32
      %shift_right_logical3A = arith.constant 4 : i32
      %shift_right_logical3A_170 = arith.shrui %sub3A_169, %shift_right_logical3A : i32
      %and3A_171 = arith.constant 15 : i32
      %and3A_172 = arith.andi %sub3A_169, %and3A_171 : i32
      %mul3A_173 = arith.constant 16 : i32
      %mul3A_174 = arith.muli %shift_right_logical3A_170, %mul3A_173 : i32
      %get3A = arith.index_cast %mul3A_174 : i32 to index
      %get3A_175 = tpu.vector_load %arg14[%get3A] {strides = array<i32>} : memref<4112xi32, #tpu.memory_space<vmem>>, vector<16xi32>,
      %mul3A_176 = arith.constant 16 : i32
      %mul3A_177 = arith.muli %shift_right_logical3A_170, %mul3A_176 : i32
      %get3A_178 = arith.index_cast %mul3A_177 : i32 to index
      %get3A_179 = tpu.vector_load %arg15[%get3A_178] {strides = array<i32>} : memref<4112xi32, #tpu.memory_space<vmem>>, vector<16xi32>,
      %broadcast_in_dim3A_180 = vector.broadcast %and3A_172 : i32 to vector<16xi32>
      %lt3A = arith.constant 0 : i32
      %lt3A_181 = vector.broadcast %lt3A : i32 to vector<16xi32>
      %lt3A_182 = arith.cmpi slt, %broadcast_in_dim3A_180, %lt3A_181 : vector<16xi32>
      %add3A_183 = arith.constant 16 : i32
      %add3A_184 = vector.broadcast %add3A_183 : i32 to vector<16xi32>
      %add3A_185 = arith.addi %broadcast_in_dim3A_180, %add3A_184 : vector<16xi32>
      %select_n3A_186 = arith.select %lt3A_182, %add3A_185, %broadcast_in_dim3A_180 : vector<16xi1>, vector<16xi32>
      %broadcast_in_dim3A_187 = vector.shape_cast %select_n3A_186 : vector<16xi32> to vector<16x1xi32>
      %gather3A = vector.shape_cast %broadcast_in_dim3A_187 : vector<16x1xi32> to vector<16xi32>
      %gather3A_188 = tpu.dynamic_gather %get3A_175[%gather3A] in [0] : vector<16xi32>, vector<16xi32> -> vector<16xi32>
      %broadcast_in_dim3A_189 = vector.broadcast %and3A_172 : i32 to vector<16xi32>
      %lt3A_190 = arith.constant 0 : i32
      %lt3A_191 = vector.broadcast %lt3A_190 : i32 to vector<16xi32>
      %lt3A_192 = arith.cmpi slt, %broadcast_in_dim3A_189, %lt3A_191 : vector<16xi32>
      %add3A_193 = arith.constant 16 : i32
      %add3A_194 = vector.broadcast %add3A_193 : i32 to vector<16xi32>
      %add3A_195 = arith.addi %broadcast_in_dim3A_189, %add3A_194 : vector<16xi32>
      %select_n3A_196 = arith.select %lt3A_192, %add3A_195, %broadcast_in_dim3A_189 : vector<16xi1>, vector<16xi32>
      %broadcast_in_dim3A_197 = vector.shape_cast %select_n3A_196 : vector<16xi32> to vector<16x1xi32>
      %gather3A_198 = vector.shape_cast %broadcast_in_dim3A_197 : vector<16x1xi32> to vector<16xi32>
      %gather3A_199 = tpu.dynamic_gather %get3A_179[%gather3A_198] in [0] : vector<16xi32>, vector<16xi32> -> vector<16xi32>
      %sub3A_200 = arith.constant 999872 : i32
      %sub3A_201 = vector.broadcast %sub3A_200 : i32 to vector<16xi32>
      %sub3A_202 = arith.subi %gather3A_188, %sub3A_201 : vector<16xi32>
      %broadcast_in_dim3A_203 = arith.constant 0 : i32
      %broadcast_in_dim3A_204 = vector.broadcast %broadcast_in_dim3A_203 : i32 to vector<16xi32>
      %gather3A_205 = tpu.vector_load_idx %arg16[%broadcast_in_dim3A_204, %iota3A, %sub3A_202] : memref<8x32x128xf32, #tpu.memory_space<vmem>>[vector<16xi32>, vector<16xi32>, vector<16xi32>], vector<16xf32>,
      %add3A_206 = arith.constant 16 : i32
      %add3A_207 = vector.broadcast %add3A_206 : i32 to vector<16xi32>
      %add3A_208 = arith.addi %iota3A, %add3A_207 : vector<16xi32>
      %gather3A_209 = tpu.vector_load_idx %arg16[%broadcast_in_dim3A_204, %add3A_208, %sub3A_202] : memref<8x32x128xf32, #tpu.memory_space<vmem>>[vector<16xi32>, vector<16xi32>, vector<16xi32>], vector<16xf32>,
      %swap3A_210 = arith.constant 0 : i32
      %swap3A_211 = arith.constant 0 : i32
      %swap3A_212 = arith.index_cast %swap3A_210 : i32 to index
      %swap3A_213 = arith.index_cast %swap3A_211 : i32 to index
      %swap3A_214 = arith.constant 0 : index
      %swap3A_215 = tpu.vector_load %arg17[%swap3A_212, %swap3A_213, %swap3A_214] {strides = array<i32>} : memref<4x16x128xf32, #tpu.memory_space<vmem>>, vector<16xf32>,
      tpu.vector_store %arg17[%swap3A_212, %swap3A_213, %swap3A_214], %gather3A_205 {strides = array<i32>} : memref<4x16x128xf32, #tpu.memory_space<vmem>>, vector<16xf32>,
      %swap3A_216 = arith.constant 0 : i32
      %swap3A_217 = arith.constant 0 : i32
      %swap3A_218 = arith.index_cast %swap3A_216 : i32 to index
      %swap3A_219 = arith.index_cast %swap3A_217 : i32 to index
      %swap3A_220 = arith.constant 16 : index
      %swap3A_221 = tpu.vector_load %arg17[%swap3A_218, %swap3A_219, %swap3A_220] {strides = array<i32>} : memref<4x16x128xf32, #tpu.memory_space<vmem>>, vector<16xf32>,
      tpu.vector_store %arg17[%swap3A_218, %swap3A_219, %swap3A_220], %gather3A_209 {strides = array<i32>} : memref<4x16x128xf32, #tpu.memory_space<vmem>>, vector<16xf32>,
      %eq3A = arith.constant 0 : i32
      %eq3A_222 = vector.broadcast %eq3A : i32 to vector<16xi32>
      %eq3A_223 = arith.cmpi eq, %iota3A, %eq3A_222 : vector<16xi32>
      %add3A_224 = arith.constant 4096 : i32
      %add3A_225 = vector.broadcast %add3A_224 : i32 to vector<16xi32>
      %add3A_226 = arith.addi %add3A_225, %iota3A : vector<16xi32>
      %select_n3A_227 = arith.select %eq3A_223, %gather3A_199, %add3A_226 : vector<16xi1>, vector<16xi32>
      %dma_start3A_228 = arith.constant 0 : i32
      %dma_start3A_229 = arith.constant 0 : i32
      %dma_start3A_230 = arith.constant 0 : i32
      %dma_start3A_231 = tpu.memref_slice %arg17[%dma_start3A_228, %dma_start3A_229, %dma_start3A_230] : memref<4x16x128xf32, #tpu.memory_space<vmem>> -> memref<1x16x128xf32, #tpu.memory_space<vmem>>
      %dma_start3A_232 = tpu.memref_squeeze %dma_start3A_231 : memref<1x16x128xf32, #tpu.memory_space<vmem>> -> memref<16x128xf32, #tpu.memory_space<vmem>>
      %dma_start3A_233 = arith.constant 0 : i32
      %dma_start3A_234 = arith.constant 0 : i32
      %dma_start3A_235 = tpu.memref_slice %arg7[%dma_start3A_233, %dma_start3A_234] : memref<4128x128xf32, #tpu.memory_space<hbm>> -> memref<4128x128xf32, #tpu.memory_space<hbm>>
      tpu.enqueue_indirect_dma source(%dma_start3A_232 : memref<16x128xf32, #tpu.memory_space<vmem>>) target(%dma_start3A_235 : memref<4128x128xf32, #tpu.memory_space<hbm>>) offsets(%select_n3A_227 : vector<16xi32>) semaphore(%arg19 : memref<!tpu.dma_semaphore, #tpu.memory_space<semaphore_mem>>)
      %dma_wait3A_236 = arith.constant 0 : i32
      %dma_wait3A_237 = arith.constant 0 : i32
      %dma_wait3A_238 = arith.constant 0 : i32
      %dma_wait3A_239 = tpu.memref_slice %arg17[%dma_wait3A_236, %dma_wait3A_237, %dma_wait3A_238] : memref<4x16x128xf32, #tpu.memory_space<vmem>> -> memref<1x16x128xf32, #tpu.memory_space<vmem>>
      %dma_wait3A_240 = tpu.memref_squeeze %dma_wait3A_239 : memref<1x16x128xf32, #tpu.memory_space<vmem>> -> memref<16x128xf32, #tpu.memory_space<vmem>>
      %dma_wait3A_241 = arith.constant 0 : i32
      %dma_wait3A_242 = arith.constant 0 : i32
      %dma_wait3A_243 = tpu.memref_slice %arg7[%dma_wait3A_241, %dma_wait3A_242] : memref<4128x128xf32, #tpu.memory_space<hbm>> -> memref<4128x128xf32, #tpu.memory_space<hbm>>
      tpu.wait_indirect_dma semaphore(%arg19 : memref<!tpu.dma_semaphore, #tpu.memory_space<semaphore_mem>>) src(%dma_wait3A_240 : memref<16x128xf32, #tpu.memory_space<vmem>>) dst(%dma_wait3A_243 : memref<4128x128xf32, #tpu.memory_space<hbm>>)
    }
    return
  }
}

</mosaic_0001>

<sc_bundles>
// kernel: kernel.3.cloned.1.call-start
scs
__scs_entry_jumppad:
0x0: {  	(pc) =	sbr.rel $0x88, $3  }
0x1: {  	(tag) =	ssettag $0x0;
	lr =	simm.s32 $0x1  }
0x2: {  	[smem:$0x3F9D] =	sst lr;
	_ =	strace $0xD0000000  }
0x3: {  	_ = 	snop  }
0x4: {  	_ = 	snop  }
0x5: {  	_ = 	snop  }
0x6: {  	_ = 	snop  }
0x7: {  	_ = 	snop  }
__scs_overlays_trampoline_lowered:
0x8: {  	[smem:$0x3FAC] =	sst s0  }
0x9: {  	[smem:$0x3FAD] =	sst s1  }
0xa: {  	[smem:$0x3FAE] =	sst s2  }
0xb: {  	[smem:$0x3FAF] =	sst s3  }
0xc: {  	[smem:$0x3FB0] =	sst s4  }
0xd: {  	[smem:$0x3FB1] =	sst s5  }
0xe: {  	[smem:$0x3FB2] =	sst s6  }
0xf: {  	[smem:$0x3FB3] =	sst s7  }
0x10: {  	[smem:$0x3FB4] =	sst s8  }
0x11: {  	[smem:$0x3FB5] =	sst s9;
	s0 =	simm.s32 @!p0 $0x0  }
0x12: {  	s1 =	sld [smem:$0x3F9B];
	s0 =	simm.s32 @p0 $0x1  }
0x13: {  	[smem:$0x3FB6] =	sst s0;
	s0 =	simm.s32 @!p1 $0x0  }
0x14: {  	s2 =	sld [smem:$0x3F9A];
	s0 =	simm.s32 @p1 $0x1  }
0x15: {  	[smem:$0x3FB7] =	sst s0;
	s0 =	simm.s32 @!p2 $0x0  }
0x16: {  	s3 =	sld [smem:$0x3FDB];
	s0 =	simm.s32 @p2 $0x1  }
0x17: {  	s4 =	simm.s32 $0x1BF5;
	[smem:$0x3FB9] =	sst s0  }
0x18: {  	s0 =	sld [smem:$0x3F9C];
	_ =	swait.ge [sflag:s4], $0x0  }
0x19: {  	s7 =	sld [smem:$0x3F9D]  }
0x1a: {  	s8 =	sadd.s32 $0xFFFFE003, lr  }
0x1b: {  	s9 =	sadd.s32 $0xFFFFFEF7, lr;
	s5 =	simm.s32 $0xFFFFFFFF;
	p2 =	slt.u32 s8, $0xFFFFF086  }
0x1c: {  	p1 =	slt.u32 s9, $0xF7A;
	s5 =	simm.s32 @!p2 $0x0  }
0x1d: {  	s5 =	simm.s32 @p1 $0x1;
	p0 =	seq.s32 s7, s2  }
0x1e: {  	s7 =	smul.u32 @!p0 $0xF7A, s2;
	p2 =	seq.s32 @!p0 s5, $0x0  }
0x1f: {  	s9 =	smul.u32 $0xF7A, s1;
	s8 =	simm.s32 @!p0 $0x1BF5;
	p2 =	por !p2, p0  }
0x20: {  	[sflag:s8] =	ssyncset.s32 @!p0 $0xFFFFF086;
	s6 =	sadd.s32 @!p0 s3, s7;
	s7 =	simm.s32 @!p0 $0x108  }
0x21: {  	s3 =	sadd.s32 s3, s9;
	s6 =	sadd.s32 @!p0 $0x88, s6;
	s7 =	simm.s32 @p2 $0x1082  }
0x22: {  	[simem:s7], [sflag:s8] =	dma.local @!p0 [hbm:s6], $0xF7A  }
0x23: {  	s9 =	sor.u32 $0xD0000000, s2;
	s6 =	simm.s32 $0x108;
	_ =	swait.ge @!p0 [sflag:s8], $0x0  }
0x24: {  	s3 =	sadd.s32 $0x88, s3;
	s6 =	simm.s32 @!p1 $0x1082;
	[sflag:s4] =	ssyncset.s32 $0xFFFFF086  }
0x25: {  	[simem:s6], [sflag:s4] =	dma.local [hbm:s3], $0xF7A  }
0x26: {  	[smem:$0x3F9D] =	sst s1;
	(tag) =	ssettag s2;
	_ =	strace s9  }
0x27: {  	s1 =	sld [smem:$0x3FAD]  }
0x28: {  	s2 =	sld [smem:$0x3FAE]  }
0x29: {  	s4 =	sld [smem:$0x3FB0]  }
0x2a: {  	p0 =	seq.s32 s5, $0x0;
	s5 =	sld [smem:$0x3FB1]  }
0x2b: {  	s6 =	sld [smem:$0x3FB2]  }
0x2c: {  	s7 =	sld [smem:$0x3FB3]  }
0x2d: {  	s3 =	simm.s32 $0x108;
	s8 =	sld [smem:$0x3FB4]  }
0x2e: {  	s3 =	simm.s32 @!p0 $0x1082;
	s9 =	sld [smem:$0x3FB5]  }
0x2f: {  	lr =	sadd.s32 s0, s3;
	s0 =	sld [smem:$0x3FAC]  }
0x30: {  	s3 =	sld [smem:$0x3FAF]  }
0x31: {  	[smem:$0x3FB8] =	sst s10  }
0x32: {  	s10 =	sld [smem:$0x3FB6];
	_ =	sdelay $0x3  }
0x33: {  	p0 =	seq.s32 s10, $0x1;
	s10 =	sld [smem:$0x3FB8];
	_ =	sdelay $0x3  }
0x34: {  	[smem:$0x3FB8] =	sst s10  }
0x35: {  	s10 =	sld [smem:$0x3FB7];
	_ =	sdelay $0x3  }
0x36: {  	p1 =	seq.s32 s10, $0x1;
	s10 =	sld [smem:$0x3FB8];
	_ =	sdelay $0x3  }
0x37: {  	[smem:$0x3FB8] =	sst s10  }
0x38: {  	s10 =	sld [smem:$0x3FB9]  }
0x39: {  	_ = 	snop;
	(pc) =	sbr.ind lr, $3  }
0x3a: {  	_ = 	snop  }
0x3b: {  	_ = 	snop  }
0x3c: {  	p2 =	seq.s32 s10, $0x1;
	s10 =	sld [smem:$0x3FB8]  }
0x3d: {  	_ =	shalt  }
0x3e: {  	_ =	shalt  }
0x3f: {  	_ =	shalt  }
0x40: {  	_ =	shalt  }
0x41: {  	_ =	shalt  }
0x42: {  	_ =	shalt  }
0x43: {  	_ =	shalt  }
0x44: {  	_ =	shalt  }
0x45: {  	_ =	shalt  }
0x46: {  	_ =	shalt  }
0x47: {  	_ =	shalt  }
0x48: {  	_ =	shalt  }
0x49: {  	_ =	shalt  }
0x4a: {  	_ =	shalt  }
0x4b: {  	_ =	shalt  }
0x4c: {  	_ =	shalt  }
0x4d: {  	_ =	shalt  }
0x4e: {  	_ =	shalt  }
0x4f: {  	_ =	shalt  }
0x50: {  	_ =	shalt  }
0x51: {  	_ =	shalt  }
0x52: {  	_ =	shalt  }
0x53: {  	_ =	shalt  }
0x54: {  	_ =	shalt  }
0x55: {  	_ =	shalt  }
0x56: {  	_ =	shalt  }
0x57: {  	_ =	shalt  }
0x58: {  	_ =	shalt  }
0x59: {  	_ =	shalt  }
0x5a: {  	_ =	shalt  }
0x5b: {  	_ =	shalt  }
0x5c: {  	_ =	shalt  }
0x5d: {  	_ =	shalt  }
0x5e: {  	_ =	shalt  }
0x5f: {  	_ =	shalt  }
0x60: {  	_ =	shalt  }
0x61: {  	_ =	shalt  }
0x62: {  	_ =	shalt  }
0x63: {  	_ =	shalt  }
0x64: {  	_ =	shalt  }
0x65: {  	_ =	shalt  }
0x66: {  	_ =	shalt  }
0x67: {  	_ =	shalt  }
0x68: {  	_ =	shalt  }
0x69: {  	_ =	shalt  }
0x6a: {  	_ =	shalt  }
0x6b: {  	_ =	shalt  }
0x6c: {  	_ =	shalt  }
0x6d: {  	_ =	shalt  }
0x6e: {  	_ =	shalt  }
0x6f: {  	_ =	shalt  }
0x70: {  	_ =	shalt  }
0x71: {  	_ =	shalt  }
0x72: {  	_ =	shalt  }
0x73: {  	_ =	shalt  }
0x74: {  	_ =	shalt  }
0x75: {  	_ =	shalt  }
0x76: {  	_ =	shalt  }
0x77: {  	_ =	shalt  }
0x78: {  	_ =	shalt  }
0x79: {  	_ =	shalt  }
0x7a: {  	_ =	shalt  }
0x7b: {  	_ =	shalt  }
0x7c: {  	_ =	shalt  }
0x7d: {  	_ =	shalt  }
0x7e: {  	_ =	shalt  }
0x7f: {  	_ =	shalt  }
0x80: {  	_ =	shalt  }
0x81: {  	_ =	shalt  }
0x82: {  	_ =	shalt  }
0x83: {  	_ =	shalt  }
0x84: {  	_ =	shalt  }
0x85: {  	_ =	shalt  }
0x86: {  	_ =	shalt  }
0x87: {  	_ =	shalt  }
.Lfunc_end0:
.L_simem_size_0:
called_computation_lowered:
.L_overlay_start_0:
0x88: {  	s2 =	sld [smem:$0x3FD9]  }
0x89: {  	s3 =	sld [smem:$0x3FFE];
	_ =	sdelay $0x1  }
0x8a: {  	s1 =	srdreg.scid  }
0x8b: {  	s0 =	sand.u32 $0x1, s1  }
0x8c: {  	s17 =	sshll.u32 s0, $0xA;
	s2 =	sadd.s32 s3, s2  }
0x8d: {  	s2 =	sadd.s32 s2, s17  }
0x8e: {  	[smem:$0x3FC4] =	sst s2  }
0x8f: {  	_ = 	snop  }
0x90: {  	s2 =	sld [smem:$0x3FC9]  }
0x91: {  	s18 =	sld [smem:$0x3FC8]  }
0x92: {  	s4 =	sld [smem:$0x3FC7]  }
0x93: {  	s5 =	sld [smem:$0x3FC6]  }
0x94: {  	s6 =	sld [smem:$0x3FD0];
	(tm) =	ssettm $0x1  }
0x95: {  	s7 =	sld [smem:$0x3FFB];
	_ =	sdelay $0x3  }
0x96: {  	_ =	strace s7  }
0x97: {  	s7 =	sld [smem:$0x3FFC];
	_ =	sdelay $0x3  }
0x98: {  	_ =	strace s7  }
0x99: {  	s7 =	sld [smem:$0x3FFD];
	_ =	sdelay $0x3  }
0x9a: {  	_ =	strace s7  }
0x9b: {  	_ =	strace $0x8FFFFFFF  }
0x9c: {  	s19 =	sld [smem:$0x3FDB];
	_ =	sdelay $0x1  }
0x9d: {  	s8 =	simm.s32 $_scs_section_size  }
0x9e: {  	s9 =	simm.s32 $_size__tile_overlayer_lowered;
	s10 =	simm.s32 $_tile_overlayer_lowered  }
0x9f: {  	s22 =	simm.s32 $0x1BFF;
	s21 =	sshll.u32 s10, $0x1;
	s7 =	sadd.s32 s8, s19  }
0xa0: {  	s11 =	simm.s32 $0x0;
	s20 =	sshll.u32 s9, $0x1;
	s9 =	sadd.s32 s21, s7  }
0xa1: {  	[timem:s11], [sflag:s22] =	dma.local [hbm:s9], s20  }
0xa2: {  	_ =	swait.ge [sflag:s22], s20  }
0xa3: {  	s8 =	ssub.s32 $0x0, s20;
	[sflag:s22] =	ssyncset.done $0x0  }
0xa4: {  	[sflag:s22] =	ssyncadd.s32 s8;
	_ =	sdelay $0x1  }
0xa5: {  	s23 =	simm.s32 $0x1B8B  }
0xa6: {  	_ =	swait.ge [sflag:s23], $0x1  }
0xa7: {  	[sflag:s23] =	ssyncset.done $0x0  }
0xa8: {  	s25 =	simm.s32 $0x1B8E;
	s24 =	sld [smem:$0x3FFE];
	[sflag:s23] =	ssyncadd.s32 $0xFFFFFFFF  }
0xa9: {  	s26 =	simm.s32 $execute0_lowered;
	[smem:$0x3FD2] =	sst s25  }
0xaa: {  	s9 =	sshll.u32 s26, $0x1;
	_ =	strace $0x80000046;
	[dreg:$0x1] =	wrdreg $0xFFFFFFFF  }
0xab: {  	s28 =	simm.s32 $_size_execute0_lowered;
	s7 =	sadd.s32 s7, s9;
	[dreg:$0x0] =	wrdreg $0x0  }
0xac: {  	s9 =	sshll.u32 s28, $0x1;
	[dreg:$0x2] =	wrdreg s7  }
0xad: {  	[dreg:$0x3] =	wrdreg s9  }
0xae: {  	[dreg:$0x4] =	wrdreg $0xC0  }
0xaf: {  	_ =	task [dreg:s11], $0x5FFFF  }
0xb0: {  	[dreg:$0x1] =	wrdreg $0xFFFFFFFF  }
0xb1: {  	[dreg:$0x0] =	wrdreg $0x60  }
0xb2: {  	[dreg:$0x2] =	wrdreg s2  }
0xb3: {  	[dreg:$0x3] =	wrdreg s18  }
0xb4: {  	[dreg:$0x4] =	wrdreg s4  }
0xb5: {  	[dreg:$0x5] =	wrdreg s5  }
0xb6: {  	[dreg:$0x6] =	wrdreg s6  }
0xb7: {  	[dreg:$0x7] =	wrdreg s24  }
0xb8: {  	[dreg:$0x8] =	wrdreg $0x9  }
0xb9: {  	_ =	task.clear_ibuf [dreg:s11], $0x9FFFF;
	_ =	strace $0x90000046  }
0xba: {  	s29 =	simm.s32 $0x9;
	_ =	strace $0x80000048  }
0xbb: {  	_ =	swait.ge [sflag:s29], $0x1  }
0xbc: {  	[sflag:s29] =	ssyncadd.s32 $0xFFFFFFFF  }
0xbd: {  	_ =	strace $0x90000048  }
0xbe: {  	_ =	sfence  }
0xbf: {  	s30 =	sld [smem:$0x0];
	_ =	sdelay $0x2  }
0xc0: {  	s31 =	sshll.u32 s1, $0xD;
	s1 =	sshrl.u32 s1, $0x2  }
0xc1: {  	s3 =	sand.u32 $0x4000, s31;
	s1 =	sadd.s32 s1, s30  }
0xc2: {  	s0 =	sor.u32 s3, s0;
	s1 =	sshll.u32 s1, $0x11  }
0xc3: {  	s0 =	sor.u32 s1, s0  }
0xc4: {  	s0 =	sadd.s32 $0x8F2B, s0  }
0xc5: {  	[sflag:s0] =	ssyncadd.remote.s32 $0x1  }
0xc6: {  	_ =	sfence.sel $0xFFFF  }
0xc7: {  	[dreg:$0x0] =	wrdreg $0xFFFFFFFF;
	(pc) =	sbr.abs _section_cstart, $3  }
0xc8: {  	[dreg:$0x1] =	wrdreg $0xFFFFFFFF  }
0xc9: {  	_ =	task.clear_ibuf [dreg:s11], $0x2FFFF;
	_ =	strace $0x9FFFFFFF  }
0xca: {  	(tm) =	ssettm $0x7FFFFFFF  }
0xcb: {  	_ =	shalt  }
tec
execute0_lowered:
.L_overlay_start_1:
0x0: {  	(tag) =	ssettag $0x1  }
0x1: {  	v2 =	vlaneseq.u32;
	v3 =	vimm.s32 $0xFFFFFFFF;
	v4 =	vimm.s32 $0x0  }
0x2: {  	vm0 =	vmmov $0x1;
	vm1 =	vcmask $0x308;
	vm2 =	vcmask $0x70C  }
0x3: {  	vm3 =	vcmask $0xB10;
	v6 =	vimm.s32 $0x100F;
	vm5 =	vcmask $0x704  }
0x4: {  	vm4 =	vcmask $0xF14;
	vm6 =	vcmask $0xB08;
	vm7 =	vcmask $0xF0C  }
0x5: {  	vm8 =	vcmask $0x2320;
	vm9 =	vcmask $0x2724;
	v7 =	vsel vm5, $0x1001, v6  }
0x6: {  	s0 =	srdreg.scid;
	s1 =	stileid.u32;
	vm10 =	vcmask $0x3734;
	v5 =	vor.u32 $0x1000, v2;
	v7 =	vsel vm6, $0x1002, v7  }
0x7: {  	s0 =	sand.u32 $0x1, s0;
	s1 =	sshll.u32 s1, $0x1;
	vm5 =	vcmask $0x1318;
	v7 =	vsel vm7, $0x1003, v7;
	vm7 =	vcmask $0x1310  }
0x8: {  	v6 =	vsel vm8, $0x1008, v6;
	s1 =	sor.u32 s0, s1;
	v7 =	vsel vm7, $0x1004, v7;
	vm7 =	vcmask $0x1714  }
0x9: {  	vm6 =	vcmask $0x171C;
	s1 =	smul.u32 $0x7A12, s1;
	v7 =	vsel vm7, $0x1005, v7;
	vm7 =	vcmask $0x1B18  }
0xa: {  	v6 =	vsel vm9, $0x1009, v6;
	v7 =	vsel vm7, $0x1006, v7;
	vm7 =	vcmask $0x1F1C  }
0xb: {  	v0 =	vmov s1;
	v7 =	vsel vm7, $0x1007, v7;
	vm7 =	vcmask $0x2B28  }
0xc: {  	v6 =	vsel vm7, $0x100A, v6;
	v7 =	vsel vm8, $0x1008, v7;
	vm8 =	vcmask $0x2F2C  }
0xd: {  	s2 =	sadd.s32 $0x7A12, s1;
	v6 =	vsel vm8, $0x100B, v6;
	v7 =	vsel vm9, $0x1009, v7;
	vm9 =	vcmask $0x3330  }
0xe: {  	s3 =	rddreg [dreg:$0x2];
	v1 =	vmov s2;
	v6 =	vsel vm9, $0x100C, v6;
	v7 =	vsel vm7, $0x100A, v7  }
0xf: {  	s31 =	rddreg [dreg:$0x5];
	s7 =	simm.s32 $0x0;
	s12 =	simm.s32 $0x5000;
	vm7 =	vcmask $0x1B20;
	v7 =	vsel vm8, $0x100B, v7;
	v8 =	vsel vm10, $0x100D, v6  }
0x10: {  	s13 =	simm.s32 $0x1;
	s14 =	simm.s32 $0x400;
	s15 =	simm.s32 $0x20000;
	v6 =	vmul.u32 $0x80, v2;
	v9 =	vsel vm9, $0x100C, v7;
	vm9 =	vcmask $0x3B38  }
0x11: {  	s16 =	simm.s32 $0x14D00;
	s21 =	simm.s32 $0x15D00;
	s22 =	simm.s32 $0x16D00;
	vm8 =	vmmov $0xff;
	v7 =	vsel vm9, $0x100E, v8;
	v8 =	vsel vm10, $0x100D, v9  }
0x12: {  	s18 =	simm.s32 $0x17D00;
	s23 =	simm.s32 $0x18D00;
	s20 =	simm.s32 $0x19D00;
	v9 =	vor.u32 $0x800, v6;
	v10 =	vor.u32 $0x1000, v6;
	v11 =	vor.u32 $0x1800, v6  }
.Ltmp0:
0x13: {  	s30 =	simm.s32 $0x1AD00;
	s0 =	ssub.s32 $0x2, s0;
	v12 =	vor.u32 $0x2000, v6;
	v13 =	vor.u32 $0x2800, v6;
	v14 =	vor.u32 $0x3000, v6;
	(pc) =	sbr.rel .LBB2_1-.Ltmp0, $4  }
0x14: {  	s19 =	simm.s32 $0x1BD00;
	s24 =	simm.s32 $0x2;
	s4 =	sshrl.u32 s0, $0x1;
	v15 =	vor.u32 $0x3800, v6;
	v16 =	vor.u32 $0x4000, v6;
	v17 =	vor.u32 $0x4800, v6  }
0x15: {  	s25 =	simm.s32 $0x7A1400;
	[smem:$0x7FF] =	sst s7;
	s0 =	ssub.s32 s0, s4;
	v18 =	vor.u32 $0x5000, v6;
	v19 =	vor.u32 $0x5800, v6;
	v20 =	vor.u32 $0x6000, v6  }
0x16: {  	s8 =	sadd.s32 $0x400, s31;
	s1 =	rddreg [dreg:$0x0];
	s0 =	smax.u32 s0, $0x1;
	v21 =	vor.u32 $0x6800, v6;
	v22 =	vor.u32 $0x7000, v6;
	v23 =	vor.u32 $0x7800, v6  }
0x17: {  	_ =	strace $0x80000047;
	[dreg:$0x7] =	wrdreg s0;
	s2 =	simm.s32 $0x0;
	v24 =	vadd.s32 $0xFFF0BE40, v6;
	v8 =	vsel vm9, $0x100E, v8;
	vm9 =	vmmov $0xffff  }
.LBB2_29:
0x18: {  	s0 =	sand.u32 $0xFFFFFFF0, s4;
	[sflag:s24] =	ssyncadd.s32 @p0 $0xFFFFF800  }
0x19: {  	v25 =	vld [tilespmem:s0+$0x12C00];
	_ =	sdelay $0x2  }
0x1a: {  	s2 =	sand.u32 $0xF, s4  }
0x1b: {  	v26 =	vmov s2  }
0x1c: {  	v25 =	vperm.xlane v25, v26;
	_ =	sdelay $0x1  }
0x1d: {  	v28 =	vld [tilespmem:s0+$0x13C80];
	v27 =	vadd.s32 $0xFFF0BE40, v25;
	v25 =	vadd.s32 v24, v25  }
0x1e: {  	v27 =	vadd.s32 v9, v27;
	_ =	sdelay $0x3  }
0x1f: {  	v26 =	vperm.xlane v28, v26;
	v25 =	vld.idx.msk [tilespmem:v25+s16+$0x0], $0xffff  }
0x20: {  	v27 =	vld.idx.msk [tilespmem:v27+s16+$0x0], $0xffff  }
0x21: {  	v26 =	vsel vm0, v26, v8;
	_ =	sdelay $0x2  }
0x22: {  	[tilespmem:$0x1CD00] =	vst v25  }
0x23: {  	[tilespmem:$0x1CD10] =	vst v27  }
0x24: {  	[hbm4b:s8+s7] =	stream.indirect_vreg.scatter [tilespmem:s9], [sflag:$0x2], $0x80, v26, vm9, $0xb8;
	[tilespmem:$0x1ED00] =	vst v63  }
0x25: {  	_ =	swait.ge [sflag:s24], $0x800  }
0x26: {  	[sflag:s24] =	ssyncset.done $0x0  }
0x27: {  	s2 =	rddreg [dreg:$0x8];
	[sflag:s24] =	ssyncadd.s32 $0xFFFFF800  }
.LBB2_30:
0x28: {  	s2 =	sadd.s32 $0x1, s2;
	s0 =	rddreg [dreg:$0x7]  }
0x29: {  	p0 =	sne.s32 s2, s0  }
.Ltmp1:
0x2a: {  	_ = 	snop;
	(pc) =	sbr.rel @!p0 .LBB2_31-.Ltmp1, $1  }
0x2b: {  	_ =	sdelay $0x3  }
.LBB2_1:
0x2c: {  	[dreg:$0x8] =	wrdreg s2  }
0x2d: {  	s0 =	rddreg [dreg:$0x1];
	s29 =	simm.s32 $0x3  }
0x2e: {  	[tilespmem:s7], [sflag:$0x3] =	stream.linear.gather [hbm4b:s0+s7], $0x4000, $0x38;
	[tilespmem:$0x1ED00] =	vst v63  }
0x2f: {  	_ =	swait.ge [sflag:s29], $0x4000  }
0x30: {  	[sflag:s29] =	ssyncset.done $0x0  }
0x31: {  	[sflag:s29] =	ssyncadd.s32 $0xFFFFC000  }
0x32: {  	s4 =	simm.s32 $0x4000;
	s31 =	rddreg [dreg:$0x3]  }
0x33: {  	[tilespmem:s4], [sflag:$0x3] =	stream.linear.gather [hbm4b:s31+s7], $0x1000, $0x38;
	[tilespmem:$0x1ED00] =	vst v63  }
0x34: {  	_ =	swait.ge [sflag:s29], $0x1000  }
0x35: {  	[sflag:s29] =	ssyncset.done $0x0  }
0x36: {  	s2 =	simm.s32 $0x200;
	s0 =	simm.s32 $0x0;
	[sflag:s29] =	ssyncadd.s32 $0xFFFFF000  }
.LBB2_2:
0x37: {  	p0 =	sne.s32 s2, $0x1E600;
	[tilespmem:s0+$0x5070] =	vst v3  }
0x38: {  	[tilespmem:s0+$0x5000] =	vst v3  }
0x39: {  	[tilespmem:s0+$0x5010] =	vst v3  }
.Ltmp2:
0x3a: {  	[tilespmem:s0+$0x5020] =	vst v3;
	(pc) =	sbr.rel @p0 .LBB2_2-.Ltmp2, $4  }
0x3b: {  	[tilespmem:s0+$0x5030] =	vst v3  }
0x3c: {  	[tilespmem:s0+$0x5040] =	vst v3  }
0x3d: {  	[tilespmem:s0+$0x5050] =	vst v3  }
0x3e: {  	[tilespmem:s0+$0x5060] =	vst v3;
	s0 =	sshra.s32 s2, $0x2;
	s2 =	sadd.s32 $0x200, s2  }
0x3f: {  	[tilespmem:s0+$0x5070] =	vst v3  }
0x40: {  	[tilespmem:s0+$0x5000] =	vst v3  }
0x41: {  	[tilespmem:s0+$0x5010] =	vst v3  }
0x42: {  	[tilespmem:s0+$0x5020] =	vst v3  }
0x43: {  	[tilespmem:s0+$0x5030] =	vst v3  }
0x44: {  	[tilespmem:s0+$0x5040] =	vst v3  }
0x45: {  	[tilespmem:s0+$0x5050] =	vst v3  }
0x46: {  	[tilespmem:s0+$0x5060] =	vst v3  }
0x47: {  	[tilespmem:$0xCA00] =	vst v3  }
0x48: {  	s2 =	simm.s32 $0x0;
	s0 =	simm.s32 $0x0;
	[tilespmem:$0xCA10] =	vst v3  }
.LBB2_4:
0x49: {  	p0 =	seq.s32 s0, $0x4000  }
.Ltmp3:
0x4a: {  	s4 =	sshra.s32 s0, $0x2;
	(pc) =	sbr.rel @!p0 .LBB2_4-.Ltmp3, $4  }
0x4b: {  	[tilespmem:s4+$0x10B00] =	vst v4  }
0x4c: {  	[tilespmem:s4+$0x11B80] =	vst v5  }
0x4d: {  	[tilespmem:s4+$0x12C00] =	vst v4  }
0x4e: {  	s0 =	sadd.s32 $0x40, s0;
	[tilespmem:s4+$0x13C80] =	vst v5  }
0x4f: {  	s0 =	simm.s32 $0x20  }
0x50: {  	v25 =	vld [tilespmem:s0+$0xFFFFFFE0];
	_ =	sdelay $0x4  }
0x51: {  	vm10 =	vge.s32 v25, v0;
	vm11 =	vlt.s32 v25, v1  }
0x52: {  	v25 =	vsub.s32 v25, v0;
	vm10 =	vmand vm10, vm11  }
0x53: {  	v25 =	vnsel vm10, $0x0, v25;
	_ =	sdelay $0x3  }
0x54: {  	v26 =	vor.u32 s2, v2  }
0x55: {  	[tilespmem:v25+s12+$0x0] =	vst.idx.msk vm10, v26  }
0x56: {  	v27 =	vld.idx.msk [tilespmem:v25+s12+$0x0], $0xffff;
	_ =	sdelay $0x4  }
0x57: {  	v25 =	vshll.u32 v25, $0xE;
	vm11 =	vlt.s32 v27, v26  }
0x58: {  	v25 =	vadd.s32 v26, v25;
	vm10 =	vmand vm10, vm11  }
0x59: {  	[tilespmem:s2+$0xCA80] =	vst.msk vm10, v25  }
0x5a: {  	v25 =	vld [tilespmem:s0+$0xFFFFFFF0]  }
0x5b: {  	v26 =	vmpcnt.ones.xlane vm10;
	_ =	sdelay $0x1  }
0x5c: {  	(v2sf) =	vpush v26, $0x0;
	_ =	sdelay $0x1  }
0x5d: {  	vm10 =	vge.s32 v25, v0;
	vm11 =	vlt.s32 v25, v1  }
0x5e: {  	v25 =	vsub.s32 v25, v0;
	vm10 =	vmand vm10, vm11  }
0x5f: {  	v25 =	vnsel vm10, $0x0, v25;
	_ =	sdelay $0x2  }
0x60: {  	s17 =	simm.s32 $0x10  }
0x61: {  	v26 =	vor.u32 s17, v2  }
0x62: {  	[tilespmem:v25+s12+$0x0] =	vst.idx.msk vm10, v26  }
0x63: {  	v27 =	vld.idx.msk [tilespmem:v25+s12+$0x0], $0xffff;
	_ =	sdelay $0x4  }
0x64: {  	v25 =	vshll.u32 v25, $0xE;
	s26 =	spop (v2sf);
	vm11 =	vlt.s32 v27, v26  }
0x65: {  	v25 =	vadd.s32 v26, v25;
	s2 =	sadd.s32 $0x0, s26;
	vm10 =	vmand vm10, vm11  }
0x66: {  	[tilespmem:s2+$0xCA80] =	vst.msk vm10, v25  }
0x67: {  	v25 =	vld [tilespmem:s0+$0x0]  }
0x68: {  	v26 =	vmpcnt.ones.xlane vm10;
	_ =	sdelay $0x1  }
0x69: {  	(v2sf) =	vpush v26, $0x0;
	_ =	sdelay $0x1  }
0x6a: {  	vm10 =	vge.s32 v25, v0;
	vm11 =	vlt.s32 v25, v1  }
0x6b: {  	v25 =	vsub.s32 v25, v0;
	vm10 =	vmand vm10, vm11  }
0x6c: {  	v25 =	vnsel vm10, $0x0, v25;
	_ =	sdelay $0x2  }
0x6d: {  	s4 =	simm.s32 $0x20  }
0x6e: {  	v26 =	vor.u32 s4, v2  }
0x6f: {  	[tilespmem:v25+s12+$0x0] =	vst.idx.msk vm10, v26  }
0x70: {  	v27 =	vld.idx.msk [tilespmem:v25+s12+$0x0], $0xffff;
	_ =	sdelay $0x4  }
0x71: {  	v25 =	vshll.u32 v25, $0xE;
	s28 =	spop (v2sf);
	vm11 =	vlt.s32 v27, v26  }
0x72: {  	v25 =	vadd.s32 v26, v25;
	s2 =	sadd.s32 s2, s28;
	vm10 =	vmand vm10, vm11  }
0x73: {  	[tilespmem:s2+$0xCA80] =	vst.msk vm10, v25  }
0x74: {  	v25 =	vld [tilespmem:s0+$0x10];
	_ =	sdelay $0x1  }
0x75: {  	v26 =	vmpcnt.ones.xlane vm10;
	_ =	sdelay $0x1  }
0x76: {  	(v2sf) =	vpush v26, $0x0  }
0x77: {  	vm10 =	vge.s32 v25, v0;
	vm11 =	vlt.s32 v25, v1  }
0x78: {  	v25 =	vsub.s32 v25, v0;
	vm10 =	vmand vm10, vm11  }
0x79: {  	v25 =	vnsel vm10, $0x0, v25;
	_ =	sdelay $0x2  }
0x7a: {  	s29 =	simm.s32 $0x30  }
0x7b: {  	v26 =	vor.u32 s29, v2  }
0x7c: {  	[tilespmem:v25+s12+$0x0] =	vst.idx.msk vm10, v26  }
0x7d: {  	v27 =	vld.idx.msk [tilespmem:v25+s12+$0x0], $0xffff;
	_ =	sdelay $0x4  }
0x7e: {  	vm11 =	vlt.s32 v27, v26  }
0x7f: {  	v25 =	vshll.u32 v25, $0xE;
	s31 =	spop (v2sf);
	vm10 =	vmand vm10, vm11  }
0x80: {  	v25 =	vadd.s32 v26, v25;
	s5 =	sadd.s32 s2, s31;
	v27 =	vmpcnt.ones.xlane vm10  }
0x81: {  	s0 =	simm.s32 $0x60;
	[tilespmem:s5+$0xCA80] =	vst.msk vm10, v25  }
0x82: {  	v25 =	vld [tilespmem:s0+$0xFFFFFFE0];
	(v2sf) =	vpush v27, $0x0;
	_ =	sdelay $0x4  }
0x83: {  	vm10 =	vge.s32 v25, v0;
	vm11 =	vlt.s32 v25, v1  }
0x84: {  	v25 =	vsub.s32 v25, v0;
	vm10 =	vmand vm10, vm11  }
0x85: {  	v27 =	vnsel vm10, $0x0, v25;
	_ =	sdelay $0x2  }
0x86: {  	s2 =	simm.s32 $0x40  }
0x87: {  	v26 =	vor.u32 s2, v2  }
0x88: {  	[tilespmem:v27+s12+$0x0] =	vst.idx.msk vm10, v26  }
0x89: {  	v25 =	vshll.u32 v27, $0xE;
	v27 =	vld.idx.msk [tilespmem:v27+s12+$0x0], $0xffff;
	_ =	sdelay $0x1  }
0x8a: {  	s4 =	simm.s32 $0x4;
	s6 =	spop (v2sf)  }
.LBB2_6:
0x8b: {  	s4 =	sadd.s32 $0x4, s4;
	s5 =	sadd.s32 s5, s6  }
0x8c: {  	p0 =	slt.u32 s4, $0x3FC  }
0x8d: {  	vm11 =	vlt.s32 v27, v26  }
0x8e: {  	v25 =	vadd.s32 v26, v25;
	vm10 =	vmand vm10, vm11  }
0x8f: {  	[tilespmem:s5+$0xCA80] =	vst.msk vm10, v25;
	v25 =	vmpcnt.ones.xlane vm10  }
0x90: {  	v26 =	vld [tilespmem:s0+$0xFFFFFFF0]  }
0x91: {  	(v2sf) =	vpush v25, $0x0;
	_ =	sdelay $0x3  }
0x92: {  	vm10 =	vge.s32 v26, v0;
	vm11 =	vlt.s32 v26, v1  }
0x93: {  	v25 =	vsub.s32 v26, v0;
	vm10 =	vmand vm10, vm11  }
0x94: {  	v25 =	vnsel vm10, $0x0, v25  }
0x95: {  	v26 =	vshll.u32 v25, $0xE;
	_ =	sdelay $0x1  }
0x96: {  	s6 =	sadd.s32 $0x10, s2  }
0x97: {  	v27 =	vor.u32 s6, v2  }
0x98: {  	[tilespmem:v25+s12+$0x0] =	vst.idx.msk vm10, v27  }
0x99: {  	v25 =	vld.idx.msk [tilespmem:v25+s12+$0x0], $0xffff;
	_ =	sdelay $0x2  }
0x9a: {  	s6 =	spop (v2sf);
	_ =	sdelay $0x2  }
0x9b: {  	vm11 =	vlt.s32 v25, v27  }
0x9c: {  	s5 =	sadd.s32 s5, s6;
	v25 =	vadd.s32 v27, v26;
	vm10 =	vmand vm10, vm11  }
0x9d: {  	[tilespmem:s5+$0xCA80] =	vst.msk vm10, v25;
	v25 =	vmpcnt.ones.xlane vm10  }
0x9e: {  	v26 =	vld [tilespmem:s0+$0x0]  }
0x9f: {  	(v2sf) =	vpush v25, $0x0;
	_ =	sdelay $0x3  }
0xa0: {  	vm10 =	vge.s32 v26, v0;
	vm11 =	vlt.s32 v26, v1  }
0xa1: {  	v25 =	vsub.s32 v26, v0;
	vm10 =	vmand vm10, vm11  }
0xa2: {  	v25 =	vnsel vm10, $0x0, v25  }
0xa3: {  	v26 =	vshll.u32 v25, $0xE;
	_ =	sdelay $0x1  }
0xa4: {  	s6 =	sadd.s32 $0x20, s2  }
0xa5: {  	v27 =	vor.u32 s6, v2  }
0xa6: {  	[tilespmem:v25+s12+$0x0] =	vst.idx.msk vm10, v27  }
0xa7: {  	v25 =	vld.idx.msk [tilespmem:v25+s12+$0x0], $0xffff;
	_ =	sdelay $0x2  }
0xa8: {  	s6 =	spop (v2sf)  }
0xa9: {  	s5 =	sadd.s32 s5, s6;
	_ =	sdelay $0x1  }
0xaa: {  	vm11 =	vlt.s32 v25, v27  }
0xab: {  	v25 =	vadd.s32 v27, v26;
	vm10 =	vmand vm10, vm11  }
0xac: {  	[tilespmem:s5+$0xCA80] =	vst.msk vm10, v25;
	v25 =	vmpcnt.ones.xlane vm10  }
0xad: {  	v26 =	vld [tilespmem:s0+$0x10]  }
0xae: {  	(v2sf) =	vpush v25, $0x0;
	_ =	sdelay $0x3  }
0xaf: {  	vm10 =	vge.s32 v26, v0;
	vm11 =	vlt.s32 v26, v1  }
0xb0: {  	v25 =	vsub.s32 v26, v0;
	vm10 =	vmand vm10, vm11  }
0xb1: {  	v25 =	vnsel vm10, $0x0, v25  }
0xb2: {  	v26 =	vshll.u32 v25, $0xE;
	_ =	sdelay $0x1  }
0xb3: {  	s6 =	sadd.s32 $0x30, s2  }
0xb4: {  	v27 =	vor.u32 s6, v2  }
0xb5: {  	[tilespmem:v25+s12+$0x0] =	vst.idx.msk vm10, v27  }
0xb6: {  	v25 =	vld.idx.msk [tilespmem:v25+s12+$0x0], $0xffff;
	_ =	sdelay $0x2  }
0xb7: {  	s6 =	spop (v2sf);
	_ =	sdelay $0x2  }
0xb8: {  	vm11 =	vlt.s32 v25, v27  }
0xb9: {  	s5 =	sadd.s32 s5, s6;
	v25 =	vadd.s32 v27, v26;
	vm10 =	vmand vm10, vm11  }
0xba: {  	s0 =	sadd.s32 $0x40, s0;
	[tilespmem:s5+$0xCA80] =	vst.msk vm10, v25;
	v25 =	vmpcnt.ones.xlane vm10  }
0xbb: {  	v26 =	vld [tilespmem:s0+$0xFFFFFFE0]  }
0xbc: {  	(v2sf) =	vpush v25, $0x0;
	_ =	sdelay $0x3  }
0xbd: {  	vm10 =	vge.s32 v26, v0;
	vm11 =	vlt.s32 v26, v1  }
0xbe: {  	v25 =	vsub.s32 v26, v0;
	vm10 =	vmand vm10, vm11  }
0xbf: {  	v27 =	vnsel vm10, $0x0, v25  }
0xc0: {  	v25 =	vshll.u32 v27, $0xE;
	_ =	sdelay $0x1  }
0xc1: {  	s2 =	sadd.s32 $0x40, s2  }
0xc2: {  	v26 =	vor.u32 s2, v2  }
.Ltmp4:
0xc3: {  	[tilespmem:v27+s12+$0x0] =	vst.idx.msk vm10, v26;
	(pc) =	sbr.rel @p0 .LBB2_6-.Ltmp4, $2  }
0xc4: {  	v27 =	vld.idx.msk [tilespmem:v27+s12+$0x0], $0xffff;
	_ =	sdelay $0x2  }
0xc5: {  	s6 =	spop (v2sf)  }
0xc6: {  	_ = 	snop  }
0xc7: {  	vm11 =	vlt.s32 v27, v26  }
0xc8: {  	s4 =	sadd.s32 s5, s6;
	v25 =	vadd.s32 v26, v25;
	vm10 =	vmand vm10, vm11  }
0xc9: {  	[tilespmem:s4+$0xCA80] =	vst.msk vm10, v25  }
0xca: {  	v25 =	vld [tilespmem:s0+$0xFFFFFFF0]  }
0xcb: {  	v26 =	vmpcnt.ones.xlane vm10;
	_ =	sdelay $0x1  }
0xcc: {  	(v2sf) =	vpush v26, $0x0;
	_ =	sdelay $0x1  }
0xcd: {  	vm10 =	vge.s32 v25, v0;
	vm11 =	vlt.s32 v25, v1  }
0xce: {  	v25 =	vsub.s32 v25, v0;
	vm10 =	vmand vm10, vm11  }
0xcf: {  	v25 =	vnsel vm10, $0x0, v25;
	_ =	sdelay $0x2  }
0xd0: {  	s10 =	sadd.s32 $0x10, s2  }
0xd1: {  	v26 =	vor.u32 s10, v2  }
0xd2: {  	[tilespmem:v25+s12+$0x0] =	vst.idx.msk vm10, v26  }
0xd3: {  	v27 =	vld.idx.msk [tilespmem:v25+s12+$0x0], $0xffff;
	_ =	sdelay $0x4  }
0xd4: {  	v25 =	vshll.u32 v25, $0xE;
	s11 =	spop (v2sf);
	vm11 =	vlt.s32 v27, v26  }
0xd5: {  	v25 =	vadd.s32 v26, v25;
	s4 =	sadd.s32 s4, s11;
	vm10 =	vmand vm10, vm11  }
0xd6: {  	[tilespmem:s4+$0xCA80] =	vst.msk vm10, v25  }
0xd7: {  	v25 =	vld [tilespmem:s0+$0x0]  }
0xd8: {  	v26 =	vmpcnt.ones.xlane vm10;
	_ =	sdelay $0x1  }
0xd9: {  	(v2sf) =	vpush v26, $0x0;
	_ =	sdelay $0x1  }
0xda: {  	vm10 =	vge.s32 v25, v0;
	vm11 =	vlt.s32 v25, v1  }
0xdb: {  	v25 =	vsub.s32 v25, v0;
	vm10 =	vmand vm10, vm11  }
0xdc: {  	v25 =	vnsel vm10, $0x0, v25;
	_ =	sdelay $0x2  }
0xdd: {  	s17 =	sadd.s32 $0x20, s2  }
0xde: {  	v26 =	vor.u32 s17, v2  }
0xdf: {  	[tilespmem:v25+s12+$0x0] =	vst.idx.msk vm10, v26  }
0xe0: {  	v27 =	vld.idx.msk [tilespmem:v25+s12+$0x0], $0xffff;
	_ =	sdelay $0x4  }
0xe1: {  	v25 =	vshll.u32 v25, $0xE;
	s26 =	spop (v2sf);
	vm11 =	vlt.s32 v27, v26  }
0xe2: {  	v25 =	vadd.s32 v26, v25;
	s4 =	sadd.s32 s4, s26;
	vm10 =	vmand vm10, vm11  }
0xe3: {  	[tilespmem:s4+$0xCA80] =	vst.msk vm10, v25  }
0xe4: {  	v25 =	vld [tilespmem:s0+$0x10];
	_ =	sdelay $0x4  }
0xe5: {  	vm11 =	vge.s32 v25, v0;
	vm12 =	vlt.s32 v25, v1  }
0xe6: {  	v25 =	vsub.s32 v25, v0;
	vm11 =	vmand vm11, vm12  }
0xe7: {  	v25 =	vnsel vm11, $0x0, v25;
	_ =	sdelay $0x2  }
0xe8: {  	s28 =	sadd.s32 $0x30, s2  }
0xe9: {  	v26 =	vor.u32 s28, v2  }
0xea: {  	[tilespmem:v25+s12+$0x0] =	vst.idx.msk vm11, v26  }
0xeb: {  	v27 =	vld.idx.msk [tilespmem:v25+s12+$0x0], $0xffff;
	_ =	sdelay $0x4  }
0xec: {  	vm12 =	vlt.s32 v27, v26  }
0xed: {  	v27 =	vmpcnt.ones.xlane vm10;
	vm10 =	vmand vm11, vm12  }
0xee: {  	v28 =	vmpcnt.ones.xlane vm10  }
0xef: {  	(v2sf) =	vpush v27, $0x0  }
0xf0: {  	(v2sf) =	vpush v28, $0x0;
	_ =	sdelay $0xd  }
0xf1: {  	v25 =	vshll.u32 v25, $0xE;
	s29 =	spop (v2sf)  }
0xf2: {  	v25 =	vadd.s32 v26, v25;
	s0 =	sadd.s32 s4, s29;
	s31 =	spop (v2sf)  }
0xf3: {  	[tilespmem:s0+$0xCA80] =	vst.msk vm10, v25;
	s0 =	sadd.s32 s0, s31  }
0xf4: {  	p0 =	sgt.s32 s0, $0x0  }
.Ltmp5:
0xf5: {  	_ = 	snop;
	(pc) =	sbr.rel @!p0 .LBB2_11-.Ltmp5, $2  }
0xf6: {  	_ =	sdelay $0x2  }
0xf7: {  	s9 =	simm.s32 $0x0  }
0xf8: {  	s2 =	sand.u32 $0x7FFFFFF0, s9  }
0xf9: {  	v26 =	vld [tilespmem:s2+$0xCA80];
	_ =	sdelay $0x4  }
0xfa: {  	v25 =	vshrl.u32 v26, $0xE;
	_ =	sdelay $0x3  }
0xfb: {  	s31 =	sand.u32 $0xF, s9  }
0xfc: {  	v28 =	vmov s31;
	v27 =	vld.idx.msk [tilespmem:v25+s12+$0x0], $0xffff  }
0xfd: {  	p0 =	sgt.s32 s0, $0x1;
	vm10 =	veq.s32 v28, v2  }
.Ltmp6:
0xfe: {  	_ = 	snop;
	(pc) =	sbr.rel @!p0 .LBB2_10-.Ltmp6, $4  }
0xff: {  	_ = 	snop  }
0x100: {  	v26 =	vand.u32 $0x3FFF, v26  }
0x101: {  	vm11 =	vgt.s32 v27, v26  }
0x102: {  	s2 =	simm.s32 $0x1;
	v26 =	vsel vm11, v27, v26  }
.LBB2_9:
0x103: {  	s4 =	sand.u32 $0x7FFFFFF0, s2;
	[tilespmem:v25+s12+$0x0] =	vst.idx.msk vm10, v26;
	s5 =	smov.u32 s2;
	s2 =	sadd.s32 $0x1, s2  }
0x104: {  	v26 =	vld [tilespmem:s4+$0xCA80];
	p0 =	slt.s32 s2, s0;
	_ =	sdelay $0x4  }
0x105: {  	v25 =	vshrl.u32 v26, $0xE;
	_ =	sdelay $0x4  }
0x106: {  	s4 =	sand.u32 $0xF, s5;
	v27 =	vld.idx.msk [tilespmem:v25+s12+$0x0], $0xffff  }
0x107: {  	v28 =	vmov s4  }
0x108: {  	vm10 =	veq.s32 v28, v2  }
.Ltmp7:
0x109: {  	(pc) =	sbr.rel @p0 .LBB2_9-.Ltmp7, $4  }
0x10a: {  	_ = 	snop  }
0x10b: {  	v26 =	vand.u32 $0x3FFF, v26  }
0x10c: {  	vm11 =	vgt.s32 v27, v26  }
0x10d: {  	v26 =	vsel vm11, v27, v26  }
.LBB2_10:
0x10e: {  	_ =	sdelay $0x4  }
0x10f: {  	[tilespmem:v25+s12+$0x0] =	vst.idx.msk vm10, v26  }
.LBB2_11:
0x110: {  	s2 =	simm.s32 $0xFFFFFFFE;
	s4 =	simm.s32 $0x4010  }
0x111: {  	s5 =	simm.s32 $0x10;
	s11 =	simm.s32 $0x0;
	s6 =	simm.s32 $0x0  }
.LBB2_12:
0x112: {  	v25 =	vld [tilespmem:s4+$0xFFFFFFF0];
	_ =	sdelay $0x4  }
0x113: {  	vm10 =	vge.s32 v25, v0;
	vm11 =	vlt.s32 v25, v1  }
0x114: {  	v26 =	vsub.s32 v25, v0;
	vm10 =	vmand vm10, vm11  }
0x115: {  	v26 =	vnsel vm10, $0x0, v26;
	_ =	sdelay $0x4  }
0x116: {  	v26 =	vld.idx.msk [tilespmem:v26+s12+$0x0], $0xffff;
	_ =	sdelay $0x4  }
0x117: {  	vm11 =	vlt.s32 v26, $0x0  }
0x118: {  	vm12 =	vgt.s32 v25, $0xF41FF;
	vm11 =	vmand vm10, vm11  }
0x119: {  	vm12 =	vmand vm12, vm11  }
0x11a: {  	v27 =	vmpcnt.ones.xlane vm12;
	_ =	sdelay $0x1  }
0x11b: {  	(v2sf) =	vpush v27, $0x0;
	_ =	sdelay $0xe  }
0x11c: {  	s17 =	spop (v2sf)  }
0x11d: {  	p0 =	slt.s32 s17, $0x1  }
0x11e: {  	v27 =	vimm.s32 @!p0 $0x0  }
0x11f: {  	v27 =	vsel @!p0 vm12, $0x1, v27  }
0x120: {  	(xrf0) =	vadd.scan.msk.s32 @!p0 $0xffff, v27;
	_ =	sdelay $0x2  }
0x121: {  	v27 =	vmov @!p0 s9  }
0x122: {  	v27 =	vsub.s32 @!p0 $0x1000, v27  }
0x123: {  	v27 =	vbroadcast @!p0 v27, $0x0  }
0x124: {  	v28, _, _ =	vpop @!p0 (xrf0)  }
0x125: {  	vm13 =	vgt.s32 v26, $0xFFFFFFFF;
	v27 =	vsub.s32 @!p0 v27, v28  }
0x126: {  	s0 =	sadd.s32 $0xFFFFFFF0, s5;
	vm10 =	vmand vm10, vm13;
	v27 =	vnsel @!p0 vm12, $0x0, v27  }
0x127: {  	vm13 =	vlt.s32 v25, $0xF4200;
	[tilespmem:s6+$0x10B00] =	vst.msk vm10, v26;
	v26 =	vor.u32 s0, v2  }
0x128: {  	vm11 =	vmand vm13, vm11;
	[tilespmem:s6+$0x11B80] =	vst.msk vm10, v26  }
0x129: {  	[tilespmem:s11+$0x12C00] =	vst.msk vm11, v25  }
0x12a: {  	[tilespmem:s11+$0x13C80] =	vst.msk vm11, v26;
	s0 =	simm.s32 @!p0 $0x12C00  }
0x12b: {  	[tilespmem:v27+s0+$0x0] =	vst.idx.msk @!p0 vm12, v25;
	s0 =	simm.s32 @!p0 $0x13C80  }
0x12c: {  	[tilespmem:v27+s0+$0x0] =	vst.idx.msk @!p0 vm12, v26  }
0x12d: {  	v25 =	vld [tilespmem:s4+$0x0];
	_ =	sdelay $0x4  }
0x12e: {  	vm12 =	vge.s32 v25, v0;
	vm13 =	vlt.s32 v25, v1  }
0x12f: {  	v26 =	vsub.s32 v25, v0;
	vm12 =	vmand vm12, vm13  }
0x130: {  	v26 =	vnsel vm12, $0x0, v26;
	_ =	sdelay $0x4  }
0x131: {  	v26 =	vld.idx.msk [tilespmem:v26+s12+$0x0], $0xffff;
	_ =	sdelay $0x4  }
0x132: {  	vm13 =	vlt.s32 v26, $0x0  }
0x133: {  	v27 =	vmpcnt.ones.xlane vm10;
	vm10 =	vgt.s32 v25, $0xF41FF;
	vm13 =	vmand vm12, vm13  }
0x134: {  	v62 =	vmpcnt.ones.xlane vm11;
	vm10 =	vmand vm10, vm13  }
0x135: {  	(v2sf) =	vpush v27, $0x0;
	v27 =	vmpcnt.ones.xlane vm10  }
0x136: {  	(v2sf) =	vpush v62, $0x0  }
0x137: {  	(v2sf) =	vpush v27, $0x0;
	_ =	sdelay $0xb  }
0x138: {  	vm11 =	vgt.s32 v26, $0xFFFFFFFF  }
0x139: {  	s29 =	spop (v2sf);
	vm11 =	vmand vm12, vm11;
	vm12 =	vlt.s32 v25, $0xF4200  }
0x13a: {  	s31 =	spop (v2sf);
	vm12 =	vmand vm12, vm13;
	v27 =	vmpcnt.ones.xlane vm11  }
0x13b: {  	v63 =	vmpcnt.ones.xlane vm12;
	s28 =	spop (v2sf)  }
0x13c: {  	(v2sf) =	vpush v27, $0x0;
	p0 =	slt.s32 s28, $0x1  }
0x13d: {  	(v2sf) =	vpush v63, $0x0;
	v27 =	vimm.s32 @!p0 $0x0  }
0x13e: {  	v27 =	vsel @!p0 vm10, $0x1, v27  }
0x13f: {  	(xrf0) =	vadd.scan.msk.s32 @!p0 $0xffff, v27  }
0x140: {  	s26 =	smov.u32 s9  }
0x141: {  	s10 =	sadd.s32 s26, s17  }
0x142: {  	v27 =	vmov @!p0 s10  }
0x143: {  	v27 =	vsub.s32 @!p0 $0x1000, v27  }
0x144: {  	v27 =	vbroadcast @!p0 v27, $0x0  }
0x145: {  	v28, _, _ =	vpop @!p0 (xrf0)  }
0x146: {  	v27 =	vsub.s32 @!p0 v27, v28  }
0x147: {  	s2 =	sadd.s32 $0x2, s2;
	s0 =	sadd.s32 s6, s29;
	v27 =	vnsel @!p0 vm10, $0x0, v27  }
0x148: {  	p1 =	slt.u32 s2, $0xFE;
	[tilespmem:s0+$0x10B00] =	vst.msk vm11, v26;
	v28 =	vor.u32 s5, v2  }
.Ltmp8:
0x149: {  	s9 =	sadd.s32 s11, s31;
	[tilespmem:s0+$0x11B80] =	vst.msk vm11, v28;
	(pc) =	sbr.rel @p1 .LBB2_12-.Ltmp8, $4  }
0x14a: {  	[tilespmem:s9+$0x12C00] =	vst.msk vm12, v25  }
0x14b: {  	s4 =	sadd.s32 $0x20, s4;
	s29 =	spop (v2sf);
	s11 =	simm.s32 @!p0 $0x12C00;
	[tilespmem:s9+$0x13C80] =	vst.msk vm12, v28  }
0x14c: {  	s6 =	sadd.s32 s0, s29;
	s31 =	spop (v2sf);
	s0 =	simm.s32 @!p0 $0x13C80;
	[tilespmem:v27+s11+$0x0] =	vst.idx.msk @!p0 vm10, v25  }
0x14d: {  	s5 =	sadd.s32 $0x20, s5;
	s11 =	sadd.s32 s9, s31;
	s9 =	sadd.s32 s10, s28;
	[tilespmem:v27+s0+$0x0] =	vst.idx.msk @!p0 vm10, v28  }
0x14e: {  	s0 =	sadd.s32 $0x7, s6  }
0x14f: {  	s2 =	sand.u32 $0x7, s0  }
0x150: {  	s4 =	sshra.s32 s0, $0x1F;
	p0 =	slt.s32 s0, $0x1;
	p1 =	sne.s32 s2, $0x0  }
0x151: {  	s31 =	sshrl.u32 s4, $0x1D;
	p0 =	por !p0, !p1  }
0x152: {  	s2 =	simm.s32 $0x1;
	s0 =	sadd.s32 s31, s0;
	p0 =	por !p0, !p0  }
0x153: {  	s0 =	sshra.s32 s0, $0x3;
	s2 =	simm.s32 @!p0 $0x0  }
0x154: {  	s2 =	ssub.s32 s0, s2  }
0x155: {  	p0 =	slt.s32 s2, $0x1  }
.Ltmp9:
0x156: {  	_ = 	snop;
	(pc) =	sbr.rel @p0 .LBB2_19-.Ltmp9, $4  }
0x157: {  	[dreg:$0x9] =	wrdreg s17  }
0x158: {  	[dreg:$0xa] =	wrdreg s26  }
0x159: {  	[dreg:$0xb] =	wrdreg s9  }
0x15a: {  	[dreg:$0xc] =	wrdreg s28  }
0x15b: {  	s4 =	simm.s32 $0x10B00  }
0x15c: {  	v25 =	vld [tilespmem:s4+$0x0];
	_ =	sdelay $0x4  }
0x15d: {  	v26 =	vnsel vm0, $0x0, v25  }
0x15e: {  	v27 =	vsel vm1, $0x0, v25;
	v26 =	vxor.u32 $0x80000000, v26  }
0x15f: {  	v28 =	vsel vm2, $0x0, v25;
	v27 =	vxor.u32 $0x80000000, v27;
	(xrf0) =	vmax.scan.msk.u32 $0xffff, v26  }
0x160: {  	v26 =	vxor.u32 $0x80000000, v28;
	(xrf0) =	vmax.scan.msk.u32 $0xffff, v27;
	v27 =	vsel vm3, $0x0, v25  }
0x161: {  	(xrf0) =	vmax.scan.msk.u32 $0xffff, v26;
	v26 =	vxor.u32 $0x80000000, v27;
	v27 =	vsel vm4, $0x0, v25  }
0x162: {  	(xrf0) =	vmax.scan.msk.u32 $0xffff, v26;
	v26 =	vxor.u32 $0x80000000, v27;
	_ =	sdelay $0x2  }
0x163: {  	v27 =	vsel vm5, $0x0, v25;
	(xrf0) =	vmax.scan.msk.u32 $0xffff, v26;
	v26, _, _ =	vpop (xrf0)  }
0x164: {  	v27 =	vxor.u32 $0x80000000, v27;
	(v2sf) =	vpush v26, $0xF;
	v26, _, _ =	vpop (xrf0)  }
0x165: {  	v28 =	vsel vm6, $0x0, v25;
	(xrf0) =	vmax.scan.msk.u32 $0xffff, v27;
	(v2sf) =	vpush v26, $0xF;
	v26, _, _ =	vpop (xrf0)  }
0x166: {  	v27 =	vxor.u32 $0x80000000, v28;
	(v2sf) =	vpush v26, $0xF  }
0x167: {  	v25 =	vsel vm7, $0x0, v25;
	(xrf0) =	vmax.scan.msk.u32 $0xffff, v27;
	v26, _, _ =	vpop (xrf0)  }
0x168: {  	v25 =	vxor.u32 $0x80000000, v25;
	(v2sf) =	vpush v26, $0xF  }
0x169: {  	v26, _, _ =	vpop (xrf0)  }
0x16a: {  	(v2sf) =	vpush v26, $0xF  }
0x16b: {  	(xrf0) =	vmax.scan.msk.u32 $0xffff, v25;
	v25, _, _ =	vpop (xrf0)  }
0x16c: {  	(v2sf) =	vpush v25, $0xF  }
0x16d: {  	v25, _, _ =	vpop (xrf0)  }
0x16e: {  	(v2sf) =	vpush v25, $0xF;
	_ =	sdelay $0x2  }
0x16f: {  	v25, _, _ =	vpop (xrf0)  }
0x170: {  	(v2sf) =	vpush v25, $0xF  }
0x171: {  	s26 =	spop (v2sf)  }
0x172: {  	[dreg:$0xd] =	wrdreg s11;
	s0 =	sand.u32 $0xFFFFF80, s26;
	s5 =	spop (v2sf)  }
0x173: {  	s0 =	sadd.s32 s3, s0;
	s6 =	sand.u32 $0xFFFFF80, s5;
	s17 =	spop (v2sf)  }
0x174: {  	[tilespmem:s16], [sflag:$0x1] =	stream.strided.gather [hbm4b:s0+s14], $0x1000, s15, s14, $0x38;
	[tilespmem:$0x1ED00] =	vst v63  }
0x175: {  	s9 =	sadd.s32 s3, s6;
	s10 =	sand.u32 $0xFFFFF80, s17;
	s11 =	spop (v2sf)  }
0x176: {  	[tilespmem:s21], [sflag:$0x1] =	stream.strided.gather [hbm4b:s9+s14], $0x1000, s15, s14, $0x38;
	[tilespmem:$0x1ED00] =	vst v63  }
0x177: {  	s29 =	sadd.s32 s3, s10;
	s31 =	sand.u32 $0xFFFFF80, s11;
	s10 =	spop (v2sf)  }
0x178: {  	[tilespmem:s22], [sflag:$0x1] =	stream.strided.gather [hbm4b:s29+s14], $0x1000, s15, s14, $0x38;
	[tilespmem:$0x1ED00] =	vst v63  }
0x179: {  	s6 =	sadd.s32 s3, s31;
	s9 =	spop (v2sf);
	s29 =	sand.u32 $0xFFFFF80, s10  }
0x17a: {  	[tilespmem:s18], [sflag:$0x1] =	stream.strided.gather [hbm4b:s6+s14], $0x1000, s15, s14, $0x38;
	[tilespmem:$0x1ED00] =	vst v63  }
0x17b: {  	s28 =	sand.u32 $0xFFFFF80, s9;
	s31 =	sadd.s32 s3, s29;
	s6 =	spop (v2sf)  }
0x17c: {  	[tilespmem:s23], [sflag:$0x1] =	stream.strided.gather [hbm4b:s31+s14], $0x1000, s15, s14, $0x38;
	[tilespmem:$0x1ED00] =	vst v63  }
0x17d: {  	s23 =	sadd.s32 s3, s28;
	s28 =	sand.u32 $0xFFFFF80, s6  }
0x17e: {  	[tilespmem:s20], [sflag:$0x1] =	stream.strided.gather [hbm4b:s23+s14], $0x1000, s15, s14, $0x38;
	[tilespmem:$0x1ED00] =	vst v63  }
0x17f: {  	s29 =	spop (v2sf);
	s28 =	sadd.s32 s3, s28  }
0x180: {  	[tilespmem:s30], [sflag:$0x1] =	stream.strided.gather [hbm4b:s28+s14], $0x1000, s15, s14, $0x38;
	[tilespmem:$0x1ED00] =	vst v63  }
0x181: {  	s28 =	sand.u32 $0xFFFFF80, s29  }
0x182: {  	s28 =	sadd.s32 s3, s28  }
0x183: {  	[tilespmem:s19], [sflag:$0x1] =	stream.strided.gather [hbm4b:s28+s14], $0x1000, s15, s14, $0x38;
	[tilespmem:$0x1ED00] =	vst v63  }
0x184: {  	s28 =	simm.s32 $0x11B80  }
0x185: {  	v25 =	vld [tilespmem:s28+$0x0];
	_ =	swait.ge [sflag:s13], $0x1000  }
0x186: {  	[sflag:s13] =	ssyncset.done $0x0  }
0x187: {  	[sflag:s13] =	ssyncadd.s32 $0xFFFFF000  }
0x188: {  	_ =	swait.ge [sflag:s13], $0x1000  }
0x189: {  	[sflag:s13] =	ssyncset.done $0x0  }
0x18a: {  	[sflag:s13] =	ssyncadd.s32 $0xFFFFF000  }
0x18b: {  	_ =	swait.ge [sflag:s13], $0x1000  }
0x18c: {  	[sflag:s13] =	ssyncset.done $0x0  }
0x18d: {  	[sflag:s13] =	ssyncadd.s32 $0xFFFFF000  }
0x18e: {  	_ =	swait.ge [sflag:s13], $0x1000  }
0x18f: {  	[sflag:s13] =	ssyncset.done $0x0  }
0x190: {  	[sflag:s13] =	ssyncadd.s32 $0xFFFFF000  }
0x191: {  	_ =	swait.ge [sflag:s13], $0x1000  }
0x192: {  	[sflag:s13] =	ssyncset.done $0x0  }
0x193: {  	[sflag:s13] =	ssyncadd.s32 $0xFFFFF000  }
0x194: {  	_ =	swait.ge [sflag:s13], $0x1000  }
0x195: {  	[sflag:s13] =	ssyncset.done $0x0  }
0x196: {  	[sflag:s13] =	ssyncadd.s32 $0xFFFFF000  }
0x197: {  	_ =	swait.ge [sflag:s13], $0x1000  }
0x198: {  	[sflag:s13] =	ssyncset.done $0x0  }
0x199: {  	[sflag:s13] =	ssyncadd.s32 $0xFFFFF000  }
0x19a: {  	s26 =	sand.u32 $0x7F, s26;
	_ =	swait.ge [sflag:s13], $0x1000  }
0x19b: {  	p0 =	por $0x1, $0x1;
	v26 =	vor.u32 s26, v6;
	[sflag:s13] =	ssyncset.done $0x0  }
0x19c: {  	v27 =	vor.u32 s26, v9;
	s26 =	simm.s32 @!p0 $0x2;
	[sflag:s13] =	ssyncadd.s32 $0xFFFFF000  }
0x19d: {  	_ =	swait.ge @!p0 [sflag:s26], $0x800  }
0x19e: {  	[sflag:s26] =	ssyncset.done @!p0 $0x0  }
0x19f: {  	[sflag:s26] =	ssyncadd.s32 @!p0 $0xFFFFF800  }
0x1a0: {  	v26 =	vld.idx.msk [tilespmem:v26+s16+$0x0], $0xffff  }
0x1a1: {  	s31 =	sand.u32 $0x7F, s5;
	v27 =	vld.idx.msk [tilespmem:v27+s16+$0x0], $0xffff  }
0x1a2: {  	v28 =	vor.u32 s31, v10  }
0x1a3: {  	s5 =	simm.s32 $0x0;
	v29 =	vor.u32 s31, v11  }
0x1a4: {  	s28 =	sand.u32 $0x1800, s5  }
0x1a5: {  	[tilespmem:s28+$0x1CD00] =	vst v26  }
0x1a6: {  	[tilespmem:s28+$0x1CD10] =	vst v27  }
0x1a7: {  	v26 =	vld.idx.msk [tilespmem:v28+s16+$0x0], $0xffff  }
0x1a8: {  	s17 =	sand.u32 $0x7F, s17;
	v27 =	vld.idx.msk [tilespmem:v29+s16+$0x0], $0xffff  }
0x1a9: {  	v28 =	vor.u32 s17, v12  }
0x1aa: {  	v29 =	vor.u32 s17, v13;
	_ =	sdelay $0x1  }
0x1ab: {  	[tilespmem:s28+$0x1CD80] =	vst v26  }
0x1ac: {  	[tilespmem:s28+$0x1CD90] =	vst v27  }
0x1ad: {  	v26 =	vld.idx.msk [tilespmem:v28+s16+$0x0], $0xffff  }
0x1ae: {  	s11 =	sand.u32 $0x7F, s11;
	v27 =	vld.idx.msk [tilespmem:v29+s16+$0x0], $0xffff  }
0x1af: {  	v28 =	vor.u32 s11, v14  }
0x1b0: {  	v29 =	vor.u32 s11, v15;
	_ =	sdelay $0x1  }
0x1b1: {  	[tilespmem:s28+$0x1CE00] =	vst v26  }
0x1b2: {  	[tilespmem:s28+$0x1CE10] =	vst v27  }
0x1b3: {  	v26 =	vld.idx.msk [tilespmem:v28+s16+$0x0], $0xffff  }
0x1b4: {  	s10 =	sand.u32 $0x7F, s10;
	v27 =	vld.idx.msk [tilespmem:v29+s16+$0x0], $0xffff  }
0x1b5: {  	v28 =	vor.u32 s10, v16  }
0x1b6: {  	v29 =	vor.u32 s10, v17;
	_ =	sdelay $0x1  }
0x1b7: {  	[tilespmem:s28+$0x1CE80] =	vst v26  }
0x1b8: {  	[tilespmem:s28+$0x1CE90] =	vst v27  }
0x1b9: {  	v26 =	vld.idx.msk [tilespmem:v28+s16+$0x0], $0xffff  }
0x1ba: {  	s9 =	sand.u32 $0x7F, s9;
	v27 =	vld.idx.msk [tilespmem:v29+s16+$0x0], $0xffff  }
0x1bb: {  	v28 =	vor.u32 s9, v18  }
0x1bc: {  	v29 =	vor.u32 s9, v19;
	_ =	sdelay $0x1  }
0x1bd: {  	[tilespmem:s28+$0x1CF00] =	vst v26  }
0x1be: {  	[tilespmem:s28+$0x1CF10] =	vst v27  }
0x1bf: {  	v26 =	vld.idx.msk [tilespmem:v28+s16+$0x0], $0xffff  }
0x1c0: {  	s6 =	sand.u32 $0x7F, s6;
	v27 =	vld.idx.msk [tilespmem:v29+s16+$0x0], $0xffff  }
0x1c1: {  	v28 =	vor.u32 s6, v20;
	_ =	sdelay $0x1  }
0x1c2: {  	v29 =	vor.u32 s6, v21  }
0x1c3: {  	[tilespmem:s28+$0x1CF80] =	vst v26  }
0x1c4: {  	[tilespmem:s28+$0x1CF90] =	vst v27  }
0x1c5: {  	v26 =	vld.idx.msk [tilespmem:v28+s16+$0x0], $0xffff;
	_ =	sdelay $0x1  }
0x1c6: {  	p0 =	sne.s32 s2, $0x1;
	v28 =	vld.idx.msk [tilespmem:v29+s16+$0x0], $0xffff  }
.Ltmp10:
0x1c7: {  	s0 =	sand.u32 $0x7F, s29;
	(pc) =	sbr.rel @!p0 .LBB2_16-.Ltmp10, $4  }
0x1c8: {  	v27 =	vor.u32 s0, v22  }
0x1c9: {  	[tilespmem:s28+$0x1D000] =	vst v26;
	v26 =	vor.u32 s0, v23  }
0x1ca: {  	s23 =	simm.s32 $0x18D00  }
0x1cb: {  	v25 =	vsel vm8, v25, v7;
	s11 =	simm.s32 $0x1;
	s9 =	simm.s32 $0x11B88;
	s0 =	sadd.s32 $0x1CD00, s28;
	[tilespmem:s28+$0x1D010] =	vst v28  }
.LBB2_15:
0x1cc: {  	s5 =	sadd.s32 $0x800, s5  }
0x1cd: {  	v27 =	vld.idx.msk [tilespmem:v27+s16+$0x0], $0xffff;
	s4 =	sadd.s32 $0x8, s4;
	s10 =	smov.u32 s11;
	s11 =	sadd.s32 $0x1, s11  }
0x1ce: {  	p0 =	sne.s32 s2, s11;
	v26 =	vld.idx.msk [tilespmem:v26+s16+$0x0], $0xffff;
	_ =	sdelay $0x4  }
0x1cf: {  	[tilespmem:s28+$0x1D080] =	vst v27  }
0x1d0: {  	[tilespmem:s28+$0x1D090] =	vst v26  }
0x1d1: {  	[hbm4b:s8+s7] =	stream.indirect_vreg.scatter [tilespmem:s0], [sflag:$0x2], $0x80, v25, vm9, $0xb8;
	[tilespmem:$0x1ED00] =	vst v63  }
0x1d2: {  	v25 =	vld [tilespmem:s4+$0x0];
	_ =	sdelay $0x4  }
0x1d3: {  	v26 =	vnsel vm0, $0x0, v25;
	v27 =	vsel vm1, $0x0, v25;
	v28 =	vsel vm2, $0x0, v25  }
0x1d4: {  	v26 =	vxor.u32 $0x80000000, v26;
	v27 =	vxor.u32 $0x80000000, v27;
	v28 =	vxor.u32 $0x80000000, v28  }
0x1d5: {  	v29 =	vsel vm3, $0x0, v25;
	v30 =	vsel vm4, $0x0, v25;
	v31 =	vsel vm5, $0x0, v25;
	(xrf0) =	vmax.scan.msk.u32 $0xffff, v26  }
0x1d6: {  	v26 =	vxor.u32 $0x80000000, v29;
	v29 =	vxor.u32 $0x80000000, v30;
	v30 =	vxor.u32 $0x80000000, v31;
	(xrf0) =	vmax.scan.msk.u32 $0xffff, v27  }
0x1d7: {  	v27 =	vsel vm6, $0x0, v25;
	v25 =	vsel vm7, $0x0, v25;
	(xrf0) =	vmax.scan.msk.u32 $0xffff, v28  }
0x1d8: {  	v27 =	vxor.u32 $0x80000000, v27;
	v25 =	vxor.u32 $0x80000000, v25;
	(xrf0) =	vmax.scan.msk.u32 $0xffff, v26  }
0x1d9: {  	(xrf0) =	vmax.scan.msk.u32 $0xffff, v29  }
0x1da: {  	(xrf0) =	vmax.scan.msk.u32 $0xffff, v30  }
0x1db: {  	v26, _, _ =	vpop (xrf0);
	(xrf0) =	vmax.scan.msk.u32 $0xffff, v27  }
0x1dc: {  	(v2sf) =	vpush v26, $0xF;
	v26, _, _ =	vpop (xrf0);
	(xrf0) =	vmax.scan.msk.u32 $0xffff, v25  }
0x1dd: {  	(v2sf) =	vpush v26, $0xF;
	v25, _, _ =	vpop (xrf0)  }
0x1de: {  	(v2sf) =	vpush v25, $0xF;
	v25, _, _ =	vpop (xrf0)  }
0x1df: {  	v26, _, _ =	vpop (xrf0)  }
0x1e0: {  	(v2sf) =	vpush v25, $0xF;
	v25, _, _ =	vpop (xrf0)  }
0x1e1: {  	v27, _, _ =	vpop (xrf0)  }
0x1e2: {  	(v2sf) =	vpush v26, $0xF;
	v26, _, _ =	vpop (xrf0);
	_ =	sdelay $0x1  }
0x1e3: {  	(v2sf) =	vpush v25, $0xF;
	_ =	sdelay $0x1  }
0x1e4: {  	(v2sf) =	vpush v27, $0xF;
	_ =	sdelay $0x1  }
0x1e5: {  	(v2sf) =	vpush v26, $0xF;
	_ =	sdelay $0x2  }
0x1e6: {  	s0 =	spop (v2sf)  }
0x1e7: {  	s6 =	sand.u32 $0xFFFFF80, s0;
	s28 =	sand.u32 $0x7F, s0;
	s0 =	spop (v2sf)  }
0x1e8: {  	s6 =	sadd.s32 s3, s6;
	s17 =	sand.u32 $0xFFFFF80, s0;
	s26 =	spop (v2sf)  }
0x1e9: {  	[tilespmem:s16], [sflag:$0x1] =	stream.strided.gather [hbm4b:s6+s14], $0x1000, s15, s14, $0x38;
	[tilespmem:$0x1ED00] =	vst v63  }
0x1ea: {  	s6 =	sadd.s32 s3, s17;
	s17 =	sand.u32 $0xFFFFF80, s26;
	s29 =	spop (v2sf)  }
0x1eb: {  	[tilespmem:s21], [sflag:$0x1] =	stream.strided.gather [hbm4b:s6+s14], $0x1000, s15, s14, $0x38;
	[tilespmem:$0x1ED00] =	vst v63  }
0x1ec: {  	s6 =	sadd.s32 s3, s17;
	s17 =	sand.u32 $0xFFFFF80, s29;
	s30 =	spop (v2sf)  }
0x1ed: {  	[tilespmem:s22], [sflag:$0x1] =	stream.strided.gather [hbm4b:s6+s14], $0x1000, s15, s14, $0x38;
	[tilespmem:$0x1ED00] =	vst v63  }
0x1ee: {  	s6 =	sadd.s32 s3, s17;
	s17 =	sand.u32 $0xFFFFF80, s30;
	s31 =	spop (v2sf)  }
0x1ef: {  	[tilespmem:s18], [sflag:$0x1] =	stream.strided.gather [hbm4b:s6+s14], $0x1000, s15, s14, $0x38;
	[tilespmem:$0x1ED00] =	vst v63  }
0x1f0: {  	s6 =	sadd.s32 s3, s17;
	s17 =	sand.u32 $0xFFFFF80, s31;
	s18 =	spop (v2sf)  }
0x1f1: {  	[tilespmem:s23], [sflag:$0x1] =	stream.strided.gather [hbm4b:s6+s14], $0x1000, s15, s14, $0x38;
	[tilespmem:$0x1ED00] =	vst v63  }
0x1f2: {  	s6 =	sadd.s32 s3, s17;
	s17 =	sand.u32 $0xFFFFF80, s18;
	s19 =	spop (v2sf)  }
0x1f3: {  	[tilespmem:s20], [sflag:$0x1] =	stream.strided.gather [hbm4b:s6+s14], $0x1000, s15, s14, $0x38;
	[tilespmem:$0x1ED00] =	vst v63  }
0x1f4: {  	s6 =	sadd.s32 s3, s17  }
0x1f5: {  	s20 =	sand.u32 $0xFFFFF80, s19;
	s17 =	sand.u32 $0x7F, s0;
	s0 =	simm.s32 $0x1AD00  }
0x1f6: {  	[tilespmem:s0], [sflag:$0x1] =	stream.strided.gather [hbm4b:s6+s14], $0x1000, s15, s14, $0x38;
	[tilespmem:$0x1ED00] =	vst v63  }
0x1f7: {  	s6 =	sadd.s32 s3, s20;
	s20 =	simm.s32 $0x19D00  }
0x1f8: {  	s0 =	sand.u32 $0x7F, s26;
	s26 =	sand.u32 $0x7F, s29;
	s29 =	simm.s32 $0x1BD00  }
0x1f9: {  	[tilespmem:s29], [sflag:$0x1] =	stream.strided.gather [hbm4b:s6+s14], $0x1000, s15, s14, $0x38;
	[tilespmem:$0x1ED00] =	vst v63  }
0x1fa: {  	s6 =	sand.u32 $0x7F, s30  }
0x1fb: {  	s30 =	sand.u32 $0x7F, s31;
	s29 =	sand.u32 $0x7F, s18;
	s18 =	simm.s32 $0x17D00;
	v25 =	vld [tilespmem:s9+$0x0]  }
0x1fc: {  	s31 =	sand.u32 $0x7F, s19;
	_ =	swait.ge [sflag:s13], $0x1000  }
0x1fd: {  	[sflag:s13] =	ssyncset.done $0x0  }
0x1fe: {  	[sflag:s13] =	ssyncadd.s32 $0xFFFFF000  }
0x1ff: {  	_ =	swait.ge [sflag:s13], $0x1000  }
0x200: {  	[sflag:s13] =	ssyncset.done $0x0  }
0x201: {  	[sflag:s13] =	ssyncadd.s32 $0xFFFFF000  }
0x202: {  	_ =	swait.ge [sflag:s13], $0x1000  }
0x203: {  	[sflag:s13] =	ssyncset.done $0x0  }
0x204: {  	[sflag:s13] =	ssyncadd.s32 $0xFFFFF000  }
0x205: {  	_ =	swait.ge [sflag:s13], $0x1000  }
0x206: {  	[sflag:s13] =	ssyncset.done $0x0  }
0x207: {  	[sflag:s13] =	ssyncadd.s32 $0xFFFFF000  }
0x208: {  	_ =	swait.ge [sflag:s13], $0x1000  }
0x209: {  	[sflag:s13] =	ssyncset.done $0x0  }
0x20a: {  	[sflag:s13] =	ssyncadd.s32 $0xFFFFF000  }
0x20b: {  	_ =	swait.ge [sflag:s13], $0x1000  }
0x20c: {  	[sflag:s13] =	ssyncset.done $0x0  }
0x20d: {  	[sflag:s13] =	ssyncadd.s32 $0xFFFFF000  }
0x20e: {  	_ =	swait.ge [sflag:s13], $0x1000  }
0x20f: {  	[sflag:s13] =	ssyncset.done $0x0  }
0x210: {  	[sflag:s13] =	ssyncadd.s32 $0xFFFFF000  }
0x211: {  	_ =	swait.ge [sflag:s13], $0x1000  }
0x212: {  	p1 =	slt.u32 s10, $0x4;
	v26 =	vor.u32 s28, v6;
	v27 =	vor.u32 s28, v9;
	[sflag:s13] =	ssyncset.done $0x0  }
0x213: {  	s10 =	simm.s32 @!p1 $0x2;
	[sflag:s13] =	ssyncadd.s32 $0xFFFFF000  }
0x214: {  	_ =	swait.ge @!p1 [sflag:s10], $0x800  }
0x215: {  	[sflag:s10] =	ssyncset.done @!p1 $0x0  }
0x216: {  	[sflag:s10] =	ssyncadd.s32 @!p1 $0xFFFFF800  }
0x217: {  	v26 =	vld.idx.msk [tilespmem:v26+s16+$0x0], $0xffff  }
0x218: {  	v27 =	vld.idx.msk [tilespmem:v27+s16+$0x0], $0xffff;
	_ =	sdelay $0x1  }
0x219: {  	v28 =	vor.u32 s17, v10;
	v29 =	vor.u32 s17, v11;
	_ =	sdelay $0x1  }
0x21a: {  	s28 =	sand.u32 $0x1800, s5  }
0x21b: {  	[tilespmem:s28+$0x1CD00] =	vst v26  }
0x21c: {  	[tilespmem:s28+$0x1CD10] =	vst v27  }
0x21d: {  	v26 =	vld.idx.msk [tilespmem:v28+s16+$0x0], $0xffff  }
0x21e: {  	v27 =	vld.idx.msk [tilespmem:v29+s16+$0x0], $0xffff;
	_ =	sdelay $0x1  }
0x21f: {  	v28 =	vor.u32 s0, v12;
	v29 =	vor.u32 s0, v13;
	_ =	sdelay $0x2  }
0x220: {  	[tilespmem:s28+$0x1CD80] =	vst v26  }
0x221: {  	[tilespmem:s28+$0x1CD90] =	vst v27  }
0x222: {  	v26 =	vld.idx.msk [tilespmem:v28+s16+$0x0], $0xffff  }
0x223: {  	v27 =	vld.idx.msk [tilespmem:v29+s16+$0x0], $0xffff;
	_ =	sdelay $0x1  }
0x224: {  	v28 =	vor.u32 s26, v14;
	v29 =	vor.u32 s26, v15;
	_ =	sdelay $0x2  }
0x225: {  	[tilespmem:s28+$0x1CE00] =	vst v26  }
0x226: {  	[tilespmem:s28+$0x1CE10] =	vst v27  }
0x227: {  	v26 =	vld.idx.msk [tilespmem:v28+s16+$0x0], $0xffff  }
0x228: {  	v27 =	vld.idx.msk [tilespmem:v29+s16+$0x0], $0xffff;
	_ =	sdelay $0x1  }
0x229: {  	v28 =	vor.u32 s6, v16;
	v29 =	vor.u32 s6, v17;
	_ =	sdelay $0x2  }
0x22a: {  	[tilespmem:s28+$0x1CE80] =	vst v26  }
0x22b: {  	[tilespmem:s28+$0x1CE90] =	vst v27  }
0x22c: {  	v26 =	vld.idx.msk [tilespmem:v28+s16+$0x0], $0xffff  }
0x22d: {  	v27 =	vld.idx.msk [tilespmem:v29+s16+$0x0], $0xffff;
	_ =	sdelay $0x1  }
0x22e: {  	v28 =	vor.u32 s30, v18;
	v29 =	vor.u32 s30, v19;
	_ =	sdelay $0x2  }
0x22f: {  	[tilespmem:s28+$0x1CF00] =	vst v26  }
0x230: {  	[tilespmem:s28+$0x1CF10] =	vst v27  }
0x231: {  	v26 =	vld.idx.msk [tilespmem:v28+s16+$0x0], $0xffff  }
0x232: {  	v27 =	vld.idx.msk [tilespmem:v29+s16+$0x0], $0xffff;
	_ =	sdelay $0x1  }
0x233: {  	v28 =	vor.u32 s29, v20;
	v29 =	vor.u32 s29, v21;
	_ =	sdelay $0x2  }
0x234: {  	[tilespmem:s28+$0x1CF80] =	vst v26  }
0x235: {  	[tilespmem:s28+$0x1CF90] =	vst v27  }
0x236: {  	v28 =	vld.idx.msk [tilespmem:v28+s16+$0x0], $0xffff  }
0x237: {  	v29 =	vld.idx.msk [tilespmem:v29+s16+$0x0], $0xffff;
	_ =	sdelay $0x1  }
.Ltmp11:
0x238: {  	v25 =	vsel vm8, v25, v7;
	v26 =	vor.u32 s31, v23;
	v27 =	vor.u32 s31, v22;
	(pc) =	sbr.rel @p0 .LBB2_15-.Ltmp11, $3  }
0x239: {  	_ =	sdelay $0x1  }
0x23a: {  	[tilespmem:s28+$0x1D000] =	vst v28  }
0x23b: {  	s9 =	sadd.s32 $0x8, s9;
	s0 =	sadd.s32 $0x1CD00, s28;
	[tilespmem:s28+$0x1D010] =	vst v29  }
.LBB2_16:
0x23c: {  	_ =	sdelay $0x3  }
0x23d: {  	v27 =	vld.idx.msk [tilespmem:v27+s16+$0x0], $0xffff  }
0x23e: {  	v26 =	vld.idx.msk [tilespmem:v26+s16+$0x0], $0xffff;
	_ =	sdelay $0x1  }
0x23f: {  	s31 =	smin.u32 s2, $0x4  }
0x240: {  	p0 =	sne.s32 s31, $0x1  }
.Ltmp12:
0x241: {  	[tilespmem:s28+$0x1D080] =	vst v27;
	(pc) =	sbr.rel @!p0 .LBB2_18-.Ltmp12, $4  }
0x242: {  	[tilespmem:s28+$0x1D090] =	vst v26  }
0x243: {  	[hbm4b:s8+s7] =	stream.indirect_vreg.scatter [tilespmem:s0], [sflag:$0x2], $0x80, v25, vm9, $0xb8;
	[tilespmem:$0x1ED00] =	vst v63  }
0x244: {  	_ =	swait.ge [sflag:s24], $0x800  }
0x245: {  	s0 =	sadd.s32 $0xFFFFFFFF, s31;
	[sflag:s24] =	ssyncset.done $0x0  }
.LBB2_17:
0x246: {  	p0 =	sne.s32 s0, $0x1;
	s0 =	sadd.s32 $0xFFFFFFFF, s0;
	[sflag:s24] =	ssyncadd.s32 $0xFFFFF800  }
.Ltmp13:
0x247: {  	(pc) =	sbr.rel @p0 .LBB2_17-.Ltmp13, $3  }
0x248: {  	_ =	sdelay $0x1  }
0x249: {  	_ =	swait.ge [sflag:s24], $0x800  }
0x24a: {  	[sflag:s24] =	ssyncset.done $0x0  }
.LBB2_18:
0x24b: {  	s17 =	rddreg [dreg:$0x9]  }
0x24c: {  	s26 =	rddreg [dreg:$0xa]  }
0x24d: {  	s9 =	rddreg [dreg:$0xb]  }
0x24e: {  	[sflag:s24] =	ssyncadd.s32 $0xFFFFF800;
	s30 =	simm.s32 $0x1AD00;
	s28 =	rddreg [dreg:$0xc]  }
0x24f: {  	s19 =	simm.s32 $0x1BD00;
	s23 =	simm.s32 $0x18D00;
	s11 =	rddreg [dreg:$0xd]  }
.LBB2_19:
0x250: {  	s0 =	sadd.s32 $0x7, s11  }
0x251: {  	s2 =	sand.u32 $0x7, s0  }
0x252: {  	s4 =	sshra.s32 s0, $0x1F;
	p0 =	slt.s32 s0, $0x1;
	p1 =	sne.s32 s2, $0x0  }
0x253: {  	s31 =	sshrl.u32 s4, $0x1D;
	p0 =	por !p0, !p1  }
0x254: {  	s2 =	simm.s32 $0x1;
	s0 =	sadd.s32 s31, s0;
	p0 =	por !p0, !p0  }
0x255: {  	s0 =	sshra.s32 s0, $0x3;
	s2 =	simm.s32 @!p0 $0x0  }
0x256: {  	s0 =	ssub.s32 s0, s2  }
0x257: {  	p0 =	slt.s32 s0, $0x1  }
.Ltmp14:
0x258: {  	_ = 	snop;
	(pc) =	sbr.rel @p0 .LBB2_25-.Ltmp14, $1  }
0x259: {  	_ =	sdelay $0x3  }
0x25a: {  	s2 =	simm.s32 $0x12C00  }
0x25b: {  	v25 =	vld [tilespmem:s2+$0x0];
	_ =	sdelay $0x4  }
0x25c: {  	v26 =	vnsel vm0, $0x0, v25  }
0x25d: {  	v27 =	vsel vm1, $0x0, v25;
	v26 =	vxor.u32 $0x80000000, v26  }
0x25e: {  	v28 =	vsel vm2, $0x0, v25;
	v27 =	vxor.u32 $0x80000000, v27;
	(xrf0) =	vmax.scan.msk.u32 $0xffff, v26  }
0x25f: {  	v26 =	vxor.u32 $0x80000000, v28;
	(xrf0) =	vmax.scan.msk.u32 $0xffff, v27;
	v27 =	vsel vm3, $0x0, v25  }
0x260: {  	(xrf0) =	vmax.scan.msk.u32 $0xffff, v26;
	v26 =	vxor.u32 $0x80000000, v27;
	v27 =	vsel vm4, $0x0, v25  }
0x261: {  	(xrf0) =	vmax.scan.msk.u32 $0xffff, v26;
	v26 =	vxor.u32 $0x80000000, v27;
	_ =	sdelay $0x1  }
0x262: {  	v27 =	vsel vm5, $0x0, v25;
	(xrf0) =	vmax.scan.msk.u32 $0xffff, v26  }
0x263: {  	v27 =	vxor.u32 $0x80000000, v27;
	v26, _, _ =	vpop (xrf0)  }
0x264: {  	(xrf0) =	vmax.scan.msk.u32 $0xffff, v27;
	(v2sf) =	vpush v26, $0xF;
	v26, _, _ =	vpop (xrf0)  }
0x265: {  	(v2sf) =	vpush v26, $0xF;
	v26, _, _ =	vpop (xrf0)  }
0x266: {  	v28 =	vsel vm6, $0x0, v25;
	v25 =	vsel vm7, $0x0, v25;
	(v2sf) =	vpush v26, $0xF  }
0x267: {  	v25 =	vxor.u32 $0x80000000, v25;
	v27 =	vxor.u32 $0x80000000, v28;
	v26, _, _ =	vpop (xrf0)  }
0x268: {  	(xrf0) =	vmax.scan.msk.u32 $0xffff, v27;
	(v2sf) =	vpush v26, $0xF;
	v26, _, _ =	vpop (xrf0)  }
0x269: {  	(v2sf) =	vpush v26, $0xF  }
0x26a: {  	(xrf0) =	vmax.scan.msk.u32 $0xffff, v25;
	v25, _, _ =	vpop (xrf0)  }
0x26b: {  	(v2sf) =	vpush v25, $0xF;
	_ =	sdelay $0x2  }
0x26c: {  	v25, _, _ =	vpop (xrf0)  }
0x26d: {  	(v2sf) =	vpush v25, $0xF  }
0x26e: {  	v25, _, _ =	vpop (xrf0)  }
0x26f: {  	(v2sf) =	vpush v25, $0xF;
	_ =	sdelay $0x1  }
0x270: {  	s11 =	spop (v2sf)  }
0x271: {  	s5 =	sand.u32 $0xFFFFF80, s11;
	s4 =	spop (v2sf)  }
0x272: {  	s5 =	sadd.s32 s1, s5;
	s26 =	spop (v2sf)  }
0x273: {  	[tilespmem:s16], [sflag:$0x1] =	stream.strided.gather [hbm4b:s5+s14], $0x1000, s25, s14, $0x38;
	[tilespmem:$0x1ED00] =	vst v63  }
0x274: {  	s6 =	sand.u32 $0xFFFFF80, s4;
	s17 =	spop (v2sf)  }
0x275: {  	s23 =	sadd.s32 s1, s6;
	s28 =	sand.u32 $0xFFFFF80, s26;
	s10 =	spop (v2sf)  }
0x276: {  	[tilespmem:s21], [sflag:$0x1] =	stream.strided.gather [hbm4b:s23+s14], $0x1000, s25, s14, $0x38;
	[tilespmem:$0x1ED00] =	vst v63  }
0x277: {  	s29 =	sadd.s32 s1, s28;
	s31 =	sand.u32 $0xFFFFF80, s17;
	s9 =	spop (v2sf)  }
0x278: {  	[tilespmem:s22], [sflag:$0x1] =	stream.strided.gather [hbm4b:s29+s14], $0x1000, s25, s14, $0x38;
	[tilespmem:$0x1ED00] =	vst v63  }
0x279: {  	s6 =	sadd.s32 s1, s31;
	s7 =	sand.u32 $0xFFFFF80, s10;
	s23 =	sand.u32 $0xFFFFF80, s9  }
0x27a: {  	[tilespmem:s18], [sflag:$0x1] =	stream.strided.gather [hbm4b:s6+s14], $0x1000, s25, s14, $0x38;
	[tilespmem:$0x1ED00] =	vst v63  }
0x27b: {  	s18 =	sadd.s32 s1, s7;
	s7 =	simm.s32 $0x18D00;
	s6 =	spop (v2sf)  }
0x27c: {  	[tilespmem:s7], [sflag:$0x1] =	stream.strided.gather [hbm4b:s18+s14], $0x1000, s25, s14, $0x38;
	[tilespmem:$0x1ED00] =	vst v63  }
0x27d: {  	s28 =	sadd.s32 s1, s23;
	s29 =	sand.u32 $0xFFFFF80, s6;
	s31 =	spop (v2sf)  }
0x27e: {  	[tilespmem:s20], [sflag:$0x1] =	stream.strided.gather [hbm4b:s28+s14], $0x1000, s25, s14, $0x38;
	[tilespmem:$0x1ED00] =	vst v63  }
0x27f: {  	s18 =	sadd.s32 s1, s29;
	s20 =	sand.u32 $0xFFFFF80, s31  }
0x280: {  	[tilespmem:s30], [sflag:$0x1] =	stream.strided.gather [hbm4b:s18+s14], $0x1000, s25, s14, $0x38;
	[tilespmem:$0x1ED00] =	vst v63  }
0x281: {  	s23 =	simm.s32 $0x13C80;
	s18 =	sadd.s32 s1, s20  }
0x282: {  	[tilespmem:s19], [sflag:$0x1] =	stream.strided.gather [hbm4b:s18+s14], $0x1000, s25, s14, $0x38;
	[tilespmem:$0x1ED00] =	vst v63  }
0x283: {  	v25 =	vld [tilespmem:s23+$0x0];
	_ =	swait.ge [sflag:s13], $0x1000  }
0x284: {  	[sflag:s13] =	ssyncset.done $0x0  }
0x285: {  	[sflag:s13] =	ssyncadd.s32 $0xFFFFF000  }
0x286: {  	_ =	swait.ge [sflag:s13], $0x1000  }
0x287: {  	[sflag:s13] =	ssyncset.done $0x0  }
0x288: {  	[sflag:s13] =	ssyncadd.s32 $0xFFFFF000  }
0x289: {  	_ =	swait.ge [sflag:s13], $0x1000  }
0x28a: {  	[sflag:s13] =	ssyncset.done $0x0  }
0x28b: {  	[sflag:s13] =	ssyncadd.s32 $0xFFFFF000  }
0x28c: {  	_ =	swait.ge [sflag:s13], $0x1000  }
0x28d: {  	[sflag:s13] =	ssyncset.done $0x0  }
0x28e: {  	[sflag:s13] =	ssyncadd.s32 $0xFFFFF000  }
0x28f: {  	_ =	swait.ge [sflag:s13], $0x1000  }
0x290: {  	[sflag:s13] =	ssyncset.done $0x0  }
0x291: {  	[sflag:s13] =	ssyncadd.s32 $0xFFFFF000  }
0x292: {  	_ =	swait.ge [sflag:s13], $0x1000  }
0x293: {  	[sflag:s13] =	ssyncset.done $0x0  }
0x294: {  	[sflag:s13] =	ssyncadd.s32 $0xFFFFF000  }
0x295: {  	_ =	swait.ge [sflag:s13], $0x1000  }
0x296: {  	[sflag:s13] =	ssyncset.done $0x0  }
0x297: {  	[sflag:s13] =	ssyncadd.s32 $0xFFFFF000  }
0x298: {  	s11 =	sand.u32 $0x7F, s11;
	_ =	swait.ge [sflag:s13], $0x1000  }
0x299: {  	p0 =	por $0x1, $0x1;
	v26 =	vor.u32 s11, v6;
	[sflag:s13] =	ssyncset.done $0x0  }
0x29a: {  	v27 =	vor.u32 s11, v9;
	s11 =	simm.s32 @!p0 $0x2;
	[sflag:s13] =	ssyncadd.s32 $0xFFFFF000  }
0x29b: {  	_ =	swait.ge @!p0 [sflag:s11], $0x800  }
0x29c: {  	[sflag:s11] =	ssyncset.done @!p0 $0x0  }
0x29d: {  	[sflag:s11] =	ssyncadd.s32 @!p0 $0xFFFFF800  }
0x29e: {  	v26 =	vld.idx.msk [tilespmem:v26+s16+$0x0], $0xffff  }
0x29f: {  	s28 =	sand.u32 $0x7F, s4;
	v27 =	vld.idx.msk [tilespmem:v27+s16+$0x0], $0xffff  }
0x2a0: {  	v28 =	vor.u32 s28, v10  }
0x2a1: {  	s4 =	simm.s32 $0x0;
	v29 =	vor.u32 s28, v11  }
0x2a2: {  	s11 =	sand.u32 $0x1800, s4  }
0x2a3: {  	[tilespmem:s11+$0x1CD00] =	vst v26  }
0x2a4: {  	[tilespmem:s11+$0x1CD10] =	vst v27  }
0x2a5: {  	v26 =	vld.idx.msk [tilespmem:v28+s16+$0x0], $0xffff  }
0x2a6: {  	s29 =	sand.u32 $0x7F, s26;
	v27 =	vld.idx.msk [tilespmem:v29+s16+$0x0], $0xffff  }
0x2a7: {  	v28 =	vor.u32 s29, v12  }
0x2a8: {  	v29 =	vor.u32 s29, v13;
	_ =	sdelay $0x1  }
0x2a9: {  	[tilespmem:s11+$0x1CD80] =	vst v26  }
0x2aa: {  	[tilespmem:s11+$0x1CD90] =	vst v27  }
0x2ab: {  	v26 =	vld.idx.msk [tilespmem:v28+s16+$0x0], $0xffff  }
0x2ac: {  	s17 =	sand.u32 $0x7F, s17;
	v27 =	vld.idx.msk [tilespmem:v29+s16+$0x0], $0xffff  }
0x2ad: {  	v28 =	vor.u32 s17, v14  }
0x2ae: {  	v29 =	vor.u32 s17, v15;
	_ =	sdelay $0x1  }
0x2af: {  	[tilespmem:s11+$0x1CE00] =	vst v26  }
0x2b0: {  	[tilespmem:s11+$0x1CE10] =	vst v27  }
0x2b1: {  	v26 =	vld.idx.msk [tilespmem:v28+s16+$0x0], $0xffff  }
0x2b2: {  	s10 =	sand.u32 $0x7F, s10;
	v27 =	vld.idx.msk [tilespmem:v29+s16+$0x0], $0xffff  }
0x2b3: {  	v28 =	vor.u32 s10, v16  }
0x2b4: {  	v29 =	vor.u32 s10, v17;
	_ =	sdelay $0x1  }
0x2b5: {  	[tilespmem:s11+$0x1CE80] =	vst v26  }
0x2b6: {  	[tilespmem:s11+$0x1CE90] =	vst v27  }
0x2b7: {  	v26 =	vld.idx.msk [tilespmem:v28+s16+$0x0], $0xffff  }
0x2b8: {  	s9 =	sand.u32 $0x7F, s9;
	v27 =	vld.idx.msk [tilespmem:v29+s16+$0x0], $0xffff  }
0x2b9: {  	v28 =	vor.u32 s9, v18  }
0x2ba: {  	v29 =	vor.u32 s9, v19;
	_ =	sdelay $0x1  }
0x2bb: {  	[tilespmem:s11+$0x1CF00] =	vst v26  }
0x2bc: {  	[tilespmem:s11+$0x1CF10] =	vst v27  }
0x2bd: {  	v26 =	vld.idx.msk [tilespmem:v28+s16+$0x0], $0xffff  }
0x2be: {  	s6 =	sand.u32 $0x7F, s6;
	v27 =	vld.idx.msk [tilespmem:v29+s16+$0x0], $0xffff  }
0x2bf: {  	v28 =	vor.u32 s6, v20;
	_ =	sdelay $0x1  }
0x2c0: {  	v29 =	vor.u32 s6, v21  }
0x2c1: {  	[tilespmem:s11+$0x1CF80] =	vst v26  }
0x2c2: {  	[tilespmem:s11+$0x1CF90] =	vst v27  }
0x2c3: {  	v26 =	vld.idx.msk [tilespmem:v28+s16+$0x0], $0xffff;
	_ =	sdelay $0x1  }
0x2c4: {  	p0 =	sne.s32 s0, $0x1;
	v28 =	vld.idx.msk [tilespmem:v29+s16+$0x0], $0xffff  }
.Ltmp15:
0x2c5: {  	s31 =	sand.u32 $0x7F, s31;
	(pc) =	sbr.rel @!p0 .LBB2_22-.Ltmp15, $4  }
0x2c6: {  	v27 =	vor.u32 s31, v22  }
0x2c7: {  	[tilespmem:s11+$0x1D000] =	vst v26;
	v26 =	vor.u32 s31, v23  }
0x2c8: {  	s5 =	simm.s32 $0x1  }
0x2c9: {  	s23 =	simm.s32 $0x19D00;
	v25 =	vsel vm8, v25, v7;
	s9 =	simm.s32 $0x13C88;
	s6 =	sadd.s32 $0x1CD00, s11;
	[tilespmem:s11+$0x1D010] =	vst v28  }
.LBB2_21:
0x2ca: {  	s4 =	sadd.s32 $0x800, s4  }
0x2cb: {  	v27 =	vld.idx.msk [tilespmem:v27+s16+$0x0], $0xffff;
	s2 =	sadd.s32 $0x8, s2;
	s10 =	smov.u32 s5;
	s5 =	sadd.s32 $0x1, s5  }
0x2cc: {  	p0 =	sne.s32 s0, s5;
	v26 =	vld.idx.msk [tilespmem:v26+s16+$0x0], $0xffff;
	_ =	sdelay $0x4  }
0x2cd: {  	[tilespmem:s11+$0x1D080] =	vst v27  }
0x2ce: {  	[tilespmem:s11+$0x1D090] =	vst v26;
	s11 =	simm.s32 $0x0  }
0x2cf: {  	[hbm4b:s8+s11] =	stream.indirect_vreg.scatter [tilespmem:s6], [sflag:$0x2], $0x80, v25, vm9, $0xb8;
	[tilespmem:$0x1ED00] =	vst v63  }
0x2d0: {  	v25 =	vld [tilespmem:s2+$0x0];
	_ =	sdelay $0x4  }
0x2d1: {  	v26 =	vnsel vm0, $0x0, v25;
	v27 =	vsel vm1, $0x0, v25;
	v28 =	vsel vm2, $0x0, v25  }
0x2d2: {  	v26 =	vxor.u32 $0x80000000, v26;
	v27 =	vxor.u32 $0x80000000, v27;
	v28 =	vxor.u32 $0x80000000, v28  }
0x2d3: {  	v29 =	vsel vm3, $0x0, v25;
	v30 =	vsel vm4, $0x0, v25;
	v31 =	vsel vm5, $0x0, v25;
	(xrf0) =	vmax.scan.msk.u32 $0xffff, v26  }
0x2d4: {  	v26 =	vxor.u32 $0x80000000, v29;
	v29 =	vxor.u32 $0x80000000, v30;
	v30 =	vxor.u32 $0x80000000, v31;
	(xrf0) =	vmax.scan.msk.u32 $0xffff, v27  }
0x2d5: {  	v27 =	vsel vm6, $0x0, v25;
	v25 =	vsel vm7, $0x0, v25;
	(xrf0) =	vmax.scan.msk.u32 $0xffff, v28  }
0x2d6: {  	v27 =	vxor.u32 $0x80000000, v27;
	v25 =	vxor.u32 $0x80000000, v25;
	(xrf0) =	vmax.scan.msk.u32 $0xffff, v26  }
0x2d7: {  	(xrf0) =	vmax.scan.msk.u32 $0xffff, v29  }
0x2d8: {  	(xrf0) =	vmax.scan.msk.u32 $0xffff, v30  }
0x2d9: {  	v26, _, _ =	vpop (xrf0);
	(xrf0) =	vmax.scan.msk.u32 $0xffff, v27  }
0x2da: {  	(v2sf) =	vpush v26, $0xF;
	v26, _, _ =	vpop (xrf0);
	(xrf0) =	vmax.scan.msk.u32 $0xffff, v25  }
0x2db: {  	(v2sf) =	vpush v26, $0xF;
	v25, _, _ =	vpop (xrf0)  }
0x2dc: {  	(v2sf) =	vpush v25, $0xF;
	v25, _, _ =	vpop (xrf0)  }
0x2dd: {  	v26, _, _ =	vpop (xrf0)  }
0x2de: {  	(v2sf) =	vpush v25, $0xF;
	v25, _, _ =	vpop (xrf0)  }
0x2df: {  	v27, _, _ =	vpop (xrf0)  }
0x2e0: {  	(v2sf) =	vpush v26, $0xF;
	v26, _, _ =	vpop (xrf0);
	_ =	sdelay $0x1  }
0x2e1: {  	(v2sf) =	vpush v25, $0xF;
	_ =	sdelay $0x1  }
0x2e2: {  	(v2sf) =	vpush v27, $0xF;
	_ =	sdelay $0x1  }
0x2e3: {  	(v2sf) =	vpush v26, $0xF;
	_ =	sdelay $0x2  }
0x2e4: {  	s6 =	spop (v2sf)  }
0x2e5: {  	s17 =	sand.u32 $0xFFFFF80, s6;
	s11 =	sand.u32 $0x7F, s6;
	s6 =	spop (v2sf)  }
0x2e6: {  	s17 =	sadd.s32 s1, s17;
	s18 =	sand.u32 $0xFFFFF80, s6;
	s19 =	spop (v2sf)  }
0x2e7: {  	[tilespmem:s16], [sflag:$0x1] =	stream.strided.gather [hbm4b:s17+s14], $0x1000, s25, s14, $0x38;
	[tilespmem:$0x1ED00] =	vst v63  }
0x2e8: {  	s17 =	sadd.s32 s1, s18;
	s18 =	sand.u32 $0xFFFFF80, s19;
	s20 =	spop (v2sf)  }
0x2e9: {  	[tilespmem:s21], [sflag:$0x1] =	stream.strided.gather [hbm4b:s17+s14], $0x1000, s25, s14, $0x38;
	[tilespmem:$0x1ED00] =	vst v63  }
0x2ea: {  	s31 =	sand.u32 $0x7F, s19;
	s19 =	simm.s32 $0x1BD00;
	s17 =	sadd.s32 s1, s18  }
0x2eb: {  	s18 =	sand.u32 $0xFFFFF80, s20;
	s21 =	simm.s32 $0x17D00;
	s28 =	spop (v2sf)  }
0x2ec: {  	[tilespmem:s22], [sflag:$0x1] =	stream.strided.gather [hbm4b:s17+s14], $0x1000, s25, s14, $0x38;
	[tilespmem:$0x1ED00] =	vst v63  }
0x2ed: {  	s17 =	sadd.s32 s1, s18;
	s18 =	sand.u32 $0xFFFFF80, s28;
	s29 =	spop (v2sf)  }
0x2ee: {  	[tilespmem:s21], [sflag:$0x1] =	stream.strided.gather [hbm4b:s17+s14], $0x1000, s25, s14, $0x38;
	[tilespmem:$0x1ED00] =	vst v63  }
0x2ef: {  	s17 =	sadd.s32 s1, s18;
	s18 =	sand.u32 $0xFFFFF80, s29;
	s21 =	spop (v2sf)  }
0x2f0: {  	[tilespmem:s7], [sflag:$0x1] =	stream.strided.gather [hbm4b:s17+s14], $0x1000, s25, s14, $0x38;
	[tilespmem:$0x1ED00] =	vst v63  }
0x2f1: {  	s17 =	sadd.s32 s1, s18;
	s18 =	sand.u32 $0xFFFFF80, s21;
	s22 =	spop (v2sf)  }
0x2f2: {  	[tilespmem:s23], [sflag:$0x1] =	stream.strided.gather [hbm4b:s17+s14], $0x1000, s25, s14, $0x38;
	[tilespmem:$0x1ED00] =	vst v63  }
0x2f3: {  	s18 =	sadd.s32 s1, s18;
	s26 =	sand.u32 $0xFFFFF80, s22;
	s17 =	sand.u32 $0x7F, s6  }
0x2f4: {  	[tilespmem:s30], [sflag:$0x1] =	stream.strided.gather [hbm4b:s18+s14], $0x1000, s25, s14, $0x38;
	[tilespmem:$0x1ED00] =	vst v63  }
0x2f5: {  	s6 =	sadd.s32 s1, s26;
	s26 =	sand.u32 $0x7F, s20;
	s30 =	sand.u32 $0x7F, s29  }
0x2f6: {  	[tilespmem:s19], [sflag:$0x1] =	stream.strided.gather [hbm4b:s6+s14], $0x1000, s25, s14, $0x38;
	[tilespmem:$0x1ED00] =	vst v63  }
0x2f7: {  	s29 =	sand.u32 $0x7F, s21;
	s21 =	simm.s32 $0x15D00;
	s6 =	sand.u32 $0x7F, s28;
	v25 =	vld [tilespmem:s9+$0x0]  }
0x2f8: {  	s28 =	sand.u32 $0x7F, s22;
	s22 =	simm.s32 $0x16D00;
	_ =	swait.ge [sflag:s13], $0x1000  }
0x2f9: {  	[sflag:s13] =	ssyncset.done $0x0  }
0x2fa: {  	[sflag:s13] =	ssyncadd.s32 $0xFFFFF000  }
0x2fb: {  	_ =	swait.ge [sflag:s13], $0x1000  }
0x2fc: {  	[sflag:s13] =	ssyncset.done $0x0  }
0x2fd: {  	[sflag:s13] =	ssyncadd.s32 $0xFFFFF000  }
0x2fe: {  	_ =	swait.ge [sflag:s13], $0x1000  }
0x2ff: {  	[sflag:s13] =	ssyncset.done $0x0  }
0x300: {  	[sflag:s13] =	ssyncadd.s32 $0xFFFFF000  }
0x301: {  	_ =	swait.ge [sflag:s13], $0x1000  }
0x302: {  	[sflag:s13] =	ssyncset.done $0x0  }
0x303: {  	[sflag:s13] =	ssyncadd.s32 $0xFFFFF000  }
0x304: {  	_ =	swait.ge [sflag:s13], $0x1000  }
0x305: {  	[sflag:s13] =	ssyncset.done $0x0  }
0x306: {  	[sflag:s13] =	ssyncadd.s32 $0xFFFFF000  }
0x307: {  	_ =	swait.ge [sflag:s13], $0x1000  }
0x308: {  	[sflag:s13] =	ssyncset.done $0x0  }
0x309: {  	[sflag:s13] =	ssyncadd.s32 $0xFFFFF000  }
0x30a: {  	_ =	swait.ge [sflag:s13], $0x1000  }
0x30b: {  	[sflag:s13] =	ssyncset.done $0x0  }
0x30c: {  	[sflag:s13] =	ssyncadd.s32 $0xFFFFF000  }
0x30d: {  	_ =	swait.ge [sflag:s13], $0x1000  }
0x30e: {  	p1 =	slt.u32 s10, $0x4;
	v26 =	vor.u32 s11, v6;
	v27 =	vor.u32 s11, v9;
	[sflag:s13] =	ssyncset.done $0x0  }
0x30f: {  	s10 =	simm.s32 @!p1 $0x2;
	[sflag:s13] =	ssyncadd.s32 $0xFFFFF000  }
0x310: {  	_ =	swait.ge @!p1 [sflag:s10], $0x800  }
0x311: {  	[sflag:s10] =	ssyncset.done @!p1 $0x0  }
0x312: {  	[sflag:s10] =	ssyncadd.s32 @!p1 $0xFFFFF800  }
0x313: {  	v26 =	vld.idx.msk [tilespmem:v26+s16+$0x0], $0xffff  }
0x314: {  	v27 =	vld.idx.msk [tilespmem:v27+s16+$0x0], $0xffff;
	_ =	sdelay $0x1  }
0x315: {  	v28 =	vor.u32 s17, v10;
	v29 =	vor.u32 s17, v11;
	_ =	sdelay $0x1  }
0x316: {  	s11 =	sand.u32 $0x1800, s4  }
0x317: {  	[tilespmem:s11+$0x1CD00] =	vst v26  }
0x318: {  	[tilespmem:s11+$0x1CD10] =	vst v27  }
0x319: {  	v26 =	vld.idx.msk [tilespmem:v28+s16+$0x0], $0xffff  }
0x31a: {  	v27 =	vld.idx.msk [tilespmem:v29+s16+$0x0], $0xffff;
	_ =	sdelay $0x1  }
0x31b: {  	v28 =	vor.u32 s31, v12;
	v29 =	vor.u32 s31, v13;
	_ =	sdelay $0x2  }
0x31c: {  	[tilespmem:s11+$0x1CD80] =	vst v26  }
0x31d: {  	[tilespmem:s11+$0x1CD90] =	vst v27  }
0x31e: {  	v26 =	vld.idx.msk [tilespmem:v28+s16+$0x0], $0xffff  }
0x31f: {  	v27 =	vld.idx.msk [tilespmem:v29+s16+$0x0], $0xffff;
	_ =	sdelay $0x1  }
0x320: {  	v28 =	vor.u32 s26, v14;
	v29 =	vor.u32 s26, v15;
	_ =	sdelay $0x2  }
0x321: {  	[tilespmem:s11+$0x1CE00] =	vst v26  }
0x322: {  	[tilespmem:s11+$0x1CE10] =	vst v27  }
0x323: {  	v26 =	vld.idx.msk [tilespmem:v28+s16+$0x0], $0xffff  }
0x324: {  	v27 =	vld.idx.msk [tilespmem:v29+s16+$0x0], $0xffff;
	_ =	sdelay $0x1  }
0x325: {  	v28 =	vor.u32 s6, v16;
	v29 =	vor.u32 s6, v17;
	_ =	sdelay $0x2  }
0x326: {  	[tilespmem:s11+$0x1CE80] =	vst v26  }
0x327: {  	[tilespmem:s11+$0x1CE90] =	vst v27  }
0x328: {  	v26 =	vld.idx.msk [tilespmem:v28+s16+$0x0], $0xffff  }
0x329: {  	v27 =	vld.idx.msk [tilespmem:v29+s16+$0x0], $0xffff;
	_ =	sdelay $0x1  }
0x32a: {  	v28 =	vor.u32 s30, v18;
	v29 =	vor.u32 s30, v19;
	s30 =	simm.s32 $0x1AD00;
	_ =	sdelay $0x2  }
0x32b: {  	[tilespmem:s11+$0x1CF00] =	vst v26  }
0x32c: {  	[tilespmem:s11+$0x1CF10] =	vst v27  }
0x32d: {  	v26 =	vld.idx.msk [tilespmem:v28+s16+$0x0], $0xffff  }
0x32e: {  	v27 =	vld.idx.msk [tilespmem:v29+s16+$0x0], $0xffff;
	_ =	sdelay $0x1  }
0x32f: {  	v28 =	vor.u32 s29, v20;
	v29 =	vor.u32 s29, v21;
	_ =	sdelay $0x2  }
0x330: {  	[tilespmem:s11+$0x1CF80] =	vst v26  }
0x331: {  	[tilespmem:s11+$0x1CF90] =	vst v27  }
0x332: {  	v28 =	vld.idx.msk [tilespmem:v28+s16+$0x0], $0xffff  }
0x333: {  	v29 =	vld.idx.msk [tilespmem:v29+s16+$0x0], $0xffff;
	_ =	sdelay $0x1  }
.Ltmp16:
0x334: {  	v25 =	vsel vm8, v25, v7;
	v26 =	vor.u32 s28, v23;
	v27 =	vor.u32 s28, v22;
	(pc) =	sbr.rel @p0 .LBB2_21-.Ltmp16, $3  }
0x335: {  	_ =	sdelay $0x1  }
0x336: {  	[tilespmem:s11+$0x1D000] =	vst v28  }
0x337: {  	s9 =	sadd.s32 $0x8, s9;
	s6 =	sadd.s32 $0x1CD00, s11;
	[tilespmem:s11+$0x1D010] =	vst v29  }
.LBB2_22:
0x338: {  	_ =	sdelay $0x3  }
0x339: {  	v27 =	vld.idx.msk [tilespmem:v27+s16+$0x0], $0xffff  }
0x33a: {  	v26 =	vld.idx.msk [tilespmem:v26+s16+$0x0], $0xffff;
	_ =	sdelay $0x1  }
0x33b: {  	s0 =	smin.u32 s0, $0x4  }
0x33c: {  	p0 =	sne.s32 s0, $0x1  }
.Ltmp17:
0x33d: {  	[tilespmem:s11+$0x1D080] =	vst v27;
	(pc) =	sbr.rel @!p0 .LBB2_24-.Ltmp17, $4  }
0x33e: {  	s2 =	simm.s32 $0x0;
	[tilespmem:s11+$0x1D090] =	vst v26  }
0x33f: {  	[hbm4b:s8+s2] =	stream.indirect_vreg.scatter [tilespmem:s6], [sflag:$0x2], $0x80, v25, vm9, $0xb8;
	[tilespmem:$0x1ED00] =	vst v63  }
0x340: {  	_ =	swait.ge [sflag:s24], $0x800  }
0x341: {  	s7 =	simm.s32 $0x0;
	s0 =	sadd.s32 $0xFFFFFFFF, s0;
	[sflag:s24] =	ssyncset.done $0x0  }
.LBB2_23:
0x342: {  	p0 =	sne.s32 s0, $0x1;
	s0 =	sadd.s32 $0xFFFFFFFF, s0;
	[sflag:s24] =	ssyncadd.s32 $0xFFFFF800  }
.Ltmp18:
0x343: {  	(pc) =	sbr.rel @p0 .LBB2_23-.Ltmp18, $3  }
0x344: {  	_ =	sdelay $0x1  }
0x345: {  	_ =	swait.ge [sflag:s24], $0x800  }
0x346: {  	[sflag:s24] =	ssyncset.done $0x0  }
.LBB2_24:
0x347: {  	s17 =	rddreg [dreg:$0x9]  }
0x348: {  	s26 =	rddreg [dreg:$0xa]  }
0x349: {  	[sflag:s24] =	ssyncadd.s32 $0xFFFFF800;
	s18 =	simm.s32 $0x17D00;
	s9 =	rddreg [dreg:$0xb]  }
0x34a: {  	s23 =	simm.s32 $0x18D00;
	s20 =	simm.s32 $0x19D00;
	s28 =	rddreg [dreg:$0xc]  }
.LBB2_25:
0x34b: {  	p0 =	slt.s32 s9, $0x1  }
.Ltmp19:
0x34c: {  	s0 =	rddreg [dreg:$0x4];
	(pc) =	sbr.rel @p0 .LBB2_30-.Ltmp19, $4  }
0x34d: {  	[tilespmem:s16], [sflag:$0x1] =	stream.linear.gather [hbm4b:s0+s7], $0x1000, $0x38;
	[tilespmem:$0x1ED00] =	vst v63  }
0x34e: {  	_ =	swait.ge [sflag:s13], $0x1000  }
0x34f: {  	[sflag:s13] =	ssyncset.done $0x0  }
0x350: {  	s9 =	simm.s32 $0x1CD00;
	s2 =	rddreg [dreg:$0x8];
	[sflag:s13] =	ssyncadd.s32 $0xFFFFF000  }
0x351: {  	s0 =	sadd.s32 s17, s28  }
0x352: {  	s0 =	sadd.s32 s26, s0  }
0x353: {  	s0 =	ssub.s32 $0x0, s0  }
0x354: {  	p1 =	sne.s32 s0, $0xFFFFFFFF  }
.Ltmp20:
0x355: {  	_ = 	snop;
	(pc) =	sbr.rel @!p1 .LBB2_29-.Ltmp20, $2  }
0x356: {  	_ =	sdelay $0x2  }
0x357: {  	s4 =	simm.s32 $0xFFF;
	p0 =	por $0x0, $0x0  }
0x358: {  	s2 =	sand.u32 $0xFFFFFFF0, s4  }
0x359: {  	v25 =	vld [tilespmem:s2+$0x12C00];
	_ =	sdelay $0x2  }
0x35a: {  	s31 =	sand.u32 $0xF, s4  }
0x35b: {  	v26 =	vmov s31  }
0x35c: {  	v25 =	vperm.xlane v25, v26;
	_ =	sdelay $0x1  }
0x35d: {  	v28 =	vld [tilespmem:s2+$0x13C80];
	v27 =	vadd.s32 $0xFFF0BE40, v25;
	v25 =	vadd.s32 v24, v25  }
0x35e: {  	v27 =	vadd.s32 v9, v27;
	_ =	sdelay $0x3  }
0x35f: {  	v26 =	vperm.xlane v28, v26;
	v25 =	vld.idx.msk [tilespmem:v25+s16+$0x0], $0xffff  }
0x360: {  	v27 =	vld.idx.msk [tilespmem:v27+s16+$0x0], $0xffff  }
0x361: {  	v26 =	vsel vm0, v26, v8;
	_ =	sdelay $0x1  }
0x362: {  	p1 =	sne.s32 s0, $0xFFFFFFFE  }
.Ltmp21:
0x363: {  	[tilespmem:$0x1CD00] =	vst v25;
	(pc) =	sbr.rel @!p1 .LBB2_29-.Ltmp21, $4  }
0x364: {  	[tilespmem:$0x1CD10] =	vst v27  }
0x365: {  	[hbm4b:s8+s7] =	stream.indirect_vreg.scatter [tilespmem:s9], [sflag:$0x2], $0x80, v26, vm9, $0xb8;
	[tilespmem:$0x1ED00] =	vst v63  }
0x366: {  	s4 =	simm.s32 $0xFFE;
	_ =	swait.ge [sflag:s24], $0x800  }
0x367: {  	p0 =	por $0x1, $0x1;
	s2 =	simm.s32 $0xFFFFFFFE;
	[sflag:s24] =	ssyncset.done $0x0  }
.LBB2_28:
0x368: {  	s5 =	sand.u32 $0xFFFFFFF0, s4  }
0x369: {  	[sflag:s24] =	ssyncadd.s32 $0xFFFFF800;
	s6 =	smov.u32 s2;
	s2 =	sadd.s32 $0xFFFFFFFF, s2  }
0x36a: {  	p1 =	sne.s32 s0, s2;
	v25 =	vld [tilespmem:s5+$0x12C00];
	_ =	sdelay $0x2  }
0x36b: {  	s4 =	sand.u32 $0xF, s4  }
0x36c: {  	v26 =	vmov s4  }
0x36d: {  	v25 =	vperm.xlane v25, v26;
	_ =	sdelay $0x1  }
0x36e: {  	v27 =	vadd.s32 $0xFFF0BE40, v25;
	v25 =	vadd.s32 v24, v25  }
0x36f: {  	v28 =	vld [tilespmem:s5+$0x13C80];
	v27 =	vadd.s32 v9, v27;
	_ =	sdelay $0x3  }
0x370: {  	v25 =	vld.idx.msk [tilespmem:v25+s16+$0x0], $0xffff  }
0x371: {  	v26 =	vperm.xlane v28, v26;
	v27 =	vld.idx.msk [tilespmem:v27+s16+$0x0], $0xffff;
	_ =	sdelay $0x1  }
0x372: {  	v26 =	vsel vm0, v26, v8;
	_ =	sdelay $0x2  }
.Ltmp22:
0x373: {  	[tilespmem:$0x1CD00] =	vst v25;
	(pc) =	sbr.rel @p1 .LBB2_28-.Ltmp22, $4  }
0x374: {  	[tilespmem:$0x1CD10] =	vst v27  }
0x375: {  	[hbm4b:s8+s7] =	stream.indirect_vreg.scatter [tilespmem:s9], [sflag:$0x2], $0x80, v26, vm9, $0xb8;
	[tilespmem:$0x1ED00] =	vst v63  }
0x376: {  	_ =	swait.ge [sflag:s24], $0x800  }
0x377: {  	s4 =	sadd.s32 $0xFFF, s6;
	[sflag:s24] =	ssyncset.done $0x0  }
.Ltmp23:
0x378: {  	_ = 	snop;
	(pc) =	sbr.rel .LBB2_29-.Ltmp23, $1  }
0x379: {  	_ =	sdelay $0x3  }
.LBB2_31:
0x37a: {  	_ =	sfence.sel $0x180000  }
0x37b: {  	[bflag:$0x0] =	sbarrier.arrive $0xFFFF  }
0x37c: {  	_ =	strace $0x90000047  }
0x37d: {  	s0 =	stileid.u32;
	[bflag:$0x2] =	sbarrier.arrive $0xFFFF  }
0x37e: {  	p0 =	sne.s32 s0, $0x0;
	s0 =	rddreg [dreg:$0x6]  }
0x37f: {  	s0 =	sadd.s32 @!p0 $0x100000, s0  }
0x380: {  	[sflag:s0] =	ssyncadd.tile.s32 @!p0 $0x1;
	_ =	shalt  }
.Lfunc_end2:
_tile_overlayer_lowered:
.L_overlay_start_2:
0x381: {  	(tag) =	ssettag $0x2  }
0x382: {  	s0 =	rddreg [dreg:$0x0];
	s2 =	stileid.u32  }
0x383: {  	s1 =	rddreg [dreg:$0x1];
	p0 =	sne.s32 s2, $0x0  }
0x384: {  	s3 =	rddreg [dreg:$0x2];
	[bflag:$0x3] =	sbarrier.arrive $0xFFFF;
	s2 =	simm.s32 @!p0 $0x1C03  }
0x385: {  	[timem:s3], [sflag:s2] =	dma.local @!p0 [hbm:s0], s1  }
0x386: {  	s0 =	simm.s32 @!p0 $0x3  }
0x387: {  	_ =	swait.ge @!p0 [sflag:s0], s1  }
0x388: {  	s1 =	ssub.s32 @!p0 $0x0, s1;
	[sflag:s0] =	ssyncset.done @!p0 $0x0  }
0x389: {  	[sflag:s0] =	ssyncadd.s32 @!p0 s1  }
0x38a: {  	[bflag:$0x3] =	sbarrier.arrive $0xFFFF  }
0x38b: {  	_ =	shalt  }

</sc_bundles>
